<compile_context>
chip_gen: v7x
topology: tpu7x:2x2x1
jax: 0.10.2.dev20260603
libtpu: 0.0.44.dev20260713+nightly
codegen_flags: <defaults>
</compile_context>

<pallas_src>
import functools

import jax
import jax.numpy as jnp
from jax import lax
from jax.experimental import pallas as pl
from jax.experimental.pallas import tpu as pltpu
from jax.experimental.pallas import tpu_sc as plsc

B = 16384
H = 50
D = 64
C = 20
LANES = 16
NC, NS = 2, 16
NW = NC * NS
BAGS_PER_W = B // NW
GPB = 2
IDXS = GPB * H
STEPS = BAGS_PER_W // GPB
NBUF = 8
INV_H = 1.0 / H


def _sc_embedding_bag(text2, emb_weight):
    mesh = plsc.VectorSubcoreMesh(core_axis_name="c", subcore_axis_name="s")

    @functools.partial(
        pl.kernel,
        out_type=jax.ShapeDtypeStruct((B, D), jnp.float32),
        mesh=mesh,
        scratch_types=[
            pltpu.VMEM((STEPS, IDXS), jnp.int32),
            pltpu.VMEM((NBUF, IDXS, D), jnp.float32),
            pltpu.VMEM((BAGS_PER_W, D), jnp.float32),
        ] + [pltpu.SemaphoreType.DMA] * NBUF,
        compiler_params=pltpu.CompilerParams(use_tc_tiling_on_sc=False),
    )
    def k(text_hbm, emb_hbm, out_hbm, idx_v, rows_v, pooled_v,
          *sems):
        wid = lax.axis_index("c") * NS + lax.axis_index("s")

        pltpu.sync_copy(text_hbm.at[wid], idx_v)

        def start(g, b):
            pltpu.async_copy(emb_hbm.at[idx_v.at[g]], rows_v.at[b], sems[b])

        def compute(g, b):
            pltpu.make_async_copy(
                emb_hbm.at[idx_v.at[g]], rows_v.at[b], sems[b]).wait()
            for bag in range(GPB):
                def jbody(j, accs):
                    r = bag * H + j
                    return tuple(
                        accs[c] + rows_v[b, r, pl.ds(c * LANES, LANES)]
                        for c in range(D // LANES))
                accs = lax.fori_loop(
                    0, H, jbody,
                    tuple(jnp.zeros((LANES,), jnp.float32)
                          for _ in range(D // LANES)),
                    unroll=2)
                row = g * GPB + bag
                for c in range(D // LANES):
                    pooled_v[row, pl.ds(c * LANES, LANES)] = accs[c] * INV_H

        for b in range(NBUF):
            start(b, b)

        def obody(i, carry):
            g0 = i * NBUF
            for b in range(NBUF):
                compute(g0 + b, b)
                start(g0 + b + NBUF, b)
            return carry

        lax.fori_loop(0, STEPS // NBUF - 1, obody, 0)

        for b in range(NBUF):
            compute(STEPS - NBUF + b, b)

        pltpu.sync_copy(pooled_v, out_hbm.at[pl.ds(wid * BAGS_PER_W,
                                                   BAGS_PER_W), :])

    return k(text2, emb_weight)


def _tc_linear(pooled, fc_w, fc_b2):
    BM = 2048

    def mm(x_ref, w_ref, b_ref, o_ref):
        o_ref[...] = lax.dot_general(
            x_ref[...], w_ref[...], (((1,), (1,)), ((), ())),
            preferred_element_type=jnp.float32) + b_ref[...]

    return pl.pallas_call(
        mm,
        grid=(B // BM,),
        in_specs=[
            pl.BlockSpec((BM, D), lambda i: (i, 0)),
            pl.BlockSpec((C, D), lambda i: (0, 0)),
            pl.BlockSpec((1, C), lambda i: (0, 0)),
        ],
        out_specs=pl.BlockSpec((BM, C), lambda i: (i, 0)),
        out_shape=jax.ShapeDtypeStruct((B, C), jnp.float32),
    )(pooled, fc_w, fc_b2)


@jax.jit
def kernel(text, emb_weight, fc_w, fc_b):
    text2 = text.astype(jnp.int32).reshape(NW, STEPS, IDXS)
    pooled = _sc_embedding_bag(text2, emb_weight)
    return _tc_linear(pooled, fc_w, fc_b.reshape(1, C))

# --- scband reference (transcript-rebuilt; emitter-appended) ---
"""Pipeline reference for scband-text-classification-model-3384434229444 (READ-ONLY COPY).

The authoritative reference and input builder live on the scoring server;
editing this copy changes nothing except your own understanding.
"""

import jax, jax.numpy as jnp
import numpy as np

VOCAB = 1000000
EMBED_DIM = 64
NUM_CLASS = 20
BATCH = 16384
HIST = 50

def setup_inputs(seed: int = 0) -> dict:
    key = jax.random.key(seed)
    k1, k2, k3, k4 = jax.random.split(key, 4)
    text = jax.random.randint(k1, (BATCH, HIST), 0, VOCAB, dtype=jnp.int64 if jax.config.jax_enable_x64 else jnp.int32)
    emb_weight = jax.random.normal(k2, (VOCAB, EMBED_DIM), dtype=jnp.float32)
    fc_w = jax.random.normal(k3, (NUM_CLASS, EMBED_DIM), dtype=jnp.float32) * (1.0 / np.sqrt(EMBED_DIM))
    fc_b = jax.random.normal(k4, (NUM_CLASS,), dtype=jnp.float32) * 0.01
    return {"text": text, "emb_weight": emb_weight, "fc_w": fc_w, "fc_b": fc_b}

def reference(text, emb_weight, fc_w, fc_b):
    # nn.EmbeddingBag default mode='mean' with 2D input: each row is a bag
    gathered = jnp.take(emb_weight, text, axis=0)          # [B, L, D]
    embedded = jnp.mean(gathered, axis=1)                   # [B, D]
    out = embedded @ fc_w.T + fc_b                          # [B, num_class]
    return out

if __name__ == "__main__":
    import jax
    _d = setup_inputs()
    print(jax.jit(kernel)(*tuple(_d.values())))

</pallas_src>

<mosaic_0001>
#map = affine_map<(d0, d1) -> (0, 0, 0)>
#map1 = affine_map<(d0, d1) -> (0, 0)>
module attributes {stable_mosaic.version = 14 : i64} {
  func.func @k(%arg0: i32, %arg1: i32, %arg2: memref<32x256x100xi32, #tpu.memory_space<hbm>>, %arg3: memref<1000000x64xf32, #tpu.memory_space<hbm>>, %arg4: memref<16384x64xf32, #tpu.memory_space<hbm>>, %arg5: memref<256x100xi32, #tpu.memory_space<vmem>>, %arg6: memref<8x100x64xf32, #tpu.memory_space<vmem>>, %arg7: memref<512x64xf32, #tpu.memory_space<vmem>>, %arg8: memref<!tpu.dma_semaphore, #tpu.memory_space<semaphore_mem>>, %arg9: memref<!tpu.dma_semaphore, #tpu.memory_space<semaphore_mem>>, %arg10: memref<!tpu.dma_semaphore, #tpu.memory_space<semaphore_mem>>, %arg11: memref<!tpu.dma_semaphore, #tpu.memory_space<semaphore_mem>>, %arg12: memref<!tpu.dma_semaphore, #tpu.memory_space<semaphore_mem>>, %arg13: memref<!tpu.dma_semaphore, #tpu.memory_space<semaphore_mem>>, %arg14: memref<!tpu.dma_semaphore, #tpu.memory_space<semaphore_mem>>, %arg15: memref<!tpu.dma_semaphore, #tpu.memory_space<semaphore_mem>>) attributes {dimension_semantics = [#tpu.dimension_semantics<core_parallel>, #tpu.dimension_semantics<subcore_parallel>], iteration_bounds = array<i64: 2, 16>, scalar_prefetch = 0 : i64, scratch_operands = 11 : i64, tpu.core_type = #tpu.core_type<sc_vector_subcore>, window_params = [{transform_indices = #map}, {transform_indices = #map1}, {transform_indices = #map1}]} {
    %mul3A = arith.constant 16 : i32
    %mul3A_0 = arith.muli %arg0, %mul3A : i32
    %add3A = arith.addi %mul3A_0, %arg1 : i32
    "tpu.region"() ({
      %run_scoped3A = tpu.sem_alloc : memref<!tpu.dma_semaphore, #tpu.memory_space<semaphore_mem>>
      %dma_start3A_996 = arith.constant 0 : i32
      %dma_start3A_997 = arith.constant 0 : i32
      %dma_start3A_998 = tpu.memref_slice %arg2[%add3A, %dma_start3A_996, %dma_start3A_997] : memref<32x256x100xi32, #tpu.memory_space<hbm>> -> memref<1x256x100xi32, #tpu.memory_space<hbm>>
      %dma_start3A_999 = tpu.memref_squeeze %dma_start3A_998 : memref<1x256x100xi32, #tpu.memory_space<hbm>> -> memref<256x100xi32, #tpu.memory_space<hbm>>
      %dma_start3A_1000 = arith.constant 0 : i32
      %dma_start3A_1001 = arith.constant 0 : i32
      %dma_start3A_1002 = tpu.memref_slice %arg2[%add3A, %dma_start3A_1000, %dma_start3A_1001] : memref<32x256x100xi32, #tpu.memory_space<hbm>> -> memref<1x256x100xi32, #tpu.memory_space<hbm>>
      %dma_start3A_1003 = tpu.memref_squeeze %dma_start3A_1002 : memref<1x256x100xi32, #tpu.memory_space<hbm>> -> memref<256x100xi32, #tpu.memory_space<hbm>>
      tpu.enqueue_dma source(%dma_start3A_1003 : memref<256x100xi32, #tpu.memory_space<hbm>>) target(%arg5 : memref<256x100xi32, #tpu.memory_space<vmem>>) target_semaphore(%run_scoped3A : memref<!tpu.dma_semaphore, #tpu.memory_space<semaphore_mem>>)
      %dma_wait3A_1004 = arith.constant 0 : i32
      %dma_wait3A_1005 = arith.constant 0 : i32
      %dma_wait3A_1006 = tpu.memref_slice %arg2[%add3A, %dma_wait3A_1004, %dma_wait3A_1005] : memref<32x256x100xi32, #tpu.memory_space<hbm>> -> memref<1x256x100xi32, #tpu.memory_space<hbm>>
      %dma_wait3A_1007 = tpu.memref_squeeze %dma_wait3A_1006 : memref<1x256x100xi32, #tpu.memory_space<hbm>> -> memref<256x100xi32, #tpu.memory_space<hbm>>
      %dma_wait3A_1008 = arith.constant 0 : i32
      %dma_wait3A_1009 = arith.constant 0 : i32
      %dma_wait3A_1010 = tpu.memref_slice %arg2[%add3A, %dma_wait3A_1008, %dma_wait3A_1009] : memref<32x256x100xi32, #tpu.memory_space<hbm>> -> memref<1x256x100xi32, #tpu.memory_space<hbm>>
      %dma_wait3A_1011 = tpu.memref_squeeze %dma_wait3A_1010 : memref<1x256x100xi32, #tpu.memory_space<hbm>> -> memref<256x100xi32, #tpu.memory_space<hbm>>
      tpu.wait_dma2 semaphore(%run_scoped3A : memref<!tpu.dma_semaphore, #tpu.memory_space<semaphore_mem>>) src(%dma_wait3A_1011 : memref<256x100xi32, #tpu.memory_space<hbm>>) dst(%arg5 : memref<256x100xi32, #tpu.memory_space<vmem>>)
      tpu.yield
    }) : () -> ()
    %dma_start3A = arith.constant 0 : i32
    %dma_start3A_1 = arith.constant 0 : i32
    %dma_start3A_2 = arith.constant 0 : i32
    %dma_start3A_3 = arith.constant 0 : i32
    %dma_start3A_4 = tpu.memref_slice %arg6[%dma_start3A_1, %dma_start3A_2, %dma_start3A_3] : memref<8x100x64xf32, #tpu.memory_space<vmem>> -> memref<1x100x64xf32, #tpu.memory_space<vmem>>
    %dma_start3A_5 = tpu.memref_squeeze %dma_start3A_4 : memref<1x100x64xf32, #tpu.memory_space<vmem>> -> memref<100x64xf32, #tpu.memory_space<vmem>>
    %dma_start3A_6 = arith.constant 0 : i32
    %dma_start3A_7 = tpu.memref_slice %arg5[%dma_start3A, %dma_start3A_6] : memref<256x100xi32, #tpu.memory_space<vmem>> -> memref<1x100xi32, #tpu.memory_space<vmem>>
    %dma_start3A_8 = tpu.memref_squeeze %dma_start3A_7 : memref<1x100xi32, #tpu.memory_space<vmem>> -> memref<100xi32, #tpu.memory_space<vmem>>
    %dma_start3A_9 = arith.constant 0 : i32
    %dma_start3A_10 = arith.constant 0 : i32
    %dma_start3A_11 = tpu.memref_slice %arg3[%dma_start3A_9, %dma_start3A_10] : memref<1000000x64xf32, #tpu.memory_space<hbm>> -> memref<1000000x64xf32, #tpu.memory_space<hbm>>
    tpu.enqueue_indirect_dma source(%dma_start3A_11 : memref<1000000x64xf32, #tpu.memory_space<hbm>>) target(%dma_start3A_5 : memref<100x64xf32, #tpu.memory_space<vmem>>) offsets(%dma_start3A_8 : memref<100xi32, #tpu.memory_space<vmem>>) semaphore(%arg8 : memref<!tpu.dma_semaphore, #tpu.memory_space<semaphore_mem>>)
    %dma_start3A_12 = arith.constant 1 : i32
    %dma_start3A_13 = arith.constant 1 : i32
    %dma_start3A_14 = arith.constant 0 : i32
    %dma_start3A_15 = arith.constant 0 : i32
    %dma_start3A_16 = tpu.memref_slice %arg6[%dma_start3A_13, %dma_start3A_14, %dma_start3A_15] : memref<8x100x64xf32, #tpu.memory_space<vmem>> -> memref<1x100x64xf32, #tpu.memory_space<vmem>>
    %dma_start3A_17 = tpu.memref_squeeze %dma_start3A_16 : memref<1x100x64xf32, #tpu.memory_space<vmem>> -> memref<100x64xf32, #tpu.memory_space<vmem>>
    %dma_start3A_18 = arith.constant 0 : i32
    %dma_start3A_19 = tpu.memref_slice %arg5[%dma_start3A_12, %dma_start3A_18] : memref<256x100xi32, #tpu.memory_space<vmem>> -> memref<1x100xi32, #tpu.memory_space<vmem>>
    %dma_start3A_20 = tpu.memref_squeeze %dma_start3A_19 : memref<1x100xi32, #tpu.memory_space<vmem>> -> memref<100xi32, #tpu.memory_space<vmem>>
    %dma_start3A_21 = arith.constant 0 : i32
    %dma_start3A_22 = arith.constant 0 : i32
    %dma_start3A_23 = tpu.memref_slice %arg3[%dma_start3A_21, %dma_start3A_22] : memref<1000000x64xf32, #tpu.memory_space<hbm>> -> memref<1000000x64xf32, #tpu.memory_space<hbm>>
    tpu.enqueue_indirect_dma source(%dma_start3A_23 : memref<1000000x64xf32, #tpu.memory_space<hbm>>) target(%dma_start3A_17 : memref<100x64xf32, #tpu.memory_space<vmem>>) offsets(%dma_start3A_20 : memref<100xi32, #tpu.memory_space<vmem>>) semaphore(%arg9 : memref<!tpu.dma_semaphore, #tpu.memory_space<semaphore_mem>>)
    %dma_start3A_24 = arith.constant 2 : i32
    %dma_start3A_25 = arith.constant 2 : i32
    %dma_start3A_26 = arith.constant 0 : i32
    %dma_start3A_27 = arith.constant 0 : i32
    %dma_start3A_28 = tpu.memref_slice %arg6[%dma_start3A_25, %dma_start3A_26, %dma_start3A_27] : memref<8x100x64xf32, #tpu.memory_space<vmem>> -> memref<1x100x64xf32, #tpu.memory_space<vmem>>
    %dma_start3A_29 = tpu.memref_squeeze %dma_start3A_28 : memref<1x100x64xf32, #tpu.memory_space<vmem>> -> memref<100x64xf32, #tpu.memory_space<vmem>>
    %dma_start3A_30 = arith.constant 0 : i32
    %dma_start3A_31 = tpu.memref_slice %arg5[%dma_start3A_24, %dma_start3A_30] : memref<256x100xi32, #tpu.memory_space<vmem>> -> memref<1x100xi32, #tpu.memory_space<vmem>>
    %dma_start3A_32 = tpu.memref_squeeze %dma_start3A_31 : memref<1x100xi32, #tpu.memory_space<vmem>> -> memref<100xi32, #tpu.memory_space<vmem>>
    %dma_start3A_33 = arith.constant 0 : i32
    %dma_start3A_34 = arith.constant 0 : i32
    %dma_start3A_35 = tpu.memref_slice %arg3[%dma_start3A_33, %dma_start3A_34] : memref<1000000x64xf32, #tpu.memory_space<hbm>> -> memref<1000000x64xf32, #tpu.memory_space<hbm>>
    tpu.enqueue_indirect_dma source(%dma_start3A_35 : memref<1000000x64xf32, #tpu.memory_space<hbm>>) target(%dma_start3A_29 : memref<100x64xf32, #tpu.memory_space<vmem>>) offsets(%dma_start3A_32 : memref<100xi32, #tpu.memory_space<vmem>>) semaphore(%arg10 : memref<!tpu.dma_semaphore, #tpu.memory_space<semaphore_mem>>)
    %dma_start3A_36 = arith.constant 3 : i32
    %dma_start3A_37 = arith.constant 3 : i32
    %dma_start3A_38 = arith.constant 0 : i32
    %dma_start3A_39 = arith.constant 0 : i32
    %dma_start3A_40 = tpu.memref_slice %arg6[%dma_start3A_37, %dma_start3A_38, %dma_start3A_39] : memref<8x100x64xf32, #tpu.memory_space<vmem>> -> memref<1x100x64xf32, #tpu.memory_space<vmem>>
    %dma_start3A_41 = tpu.memref_squeeze %dma_start3A_40 : memref<1x100x64xf32, #tpu.memory_space<vmem>> -> memref<100x64xf32, #tpu.memory_space<vmem>>
    %dma_start3A_42 = arith.constant 0 : i32
    %dma_start3A_43 = tpu.memref_slice %arg5[%dma_start3A_36, %dma_start3A_42] : memref<256x100xi32, #tpu.memory_space<vmem>> -> memref<1x100xi32, #tpu.memory_space<vmem>>
    %dma_start3A_44 = tpu.memref_squeeze %dma_start3A_43 : memref<1x100xi32, #tpu.memory_space<vmem>> -> memref<100xi32, #tpu.memory_space<vmem>>
    %dma_start3A_45 = arith.constant 0 : i32
    %dma_start3A_46 = arith.constant 0 : i32
    %dma_start3A_47 = tpu.memref_slice %arg3[%dma_start3A_45, %dma_start3A_46] : memref<1000000x64xf32, #tpu.memory_space<hbm>> -> memref<1000000x64xf32, #tpu.memory_space<hbm>>
    tpu.enqueue_indirect_dma source(%dma_start3A_47 : memref<1000000x64xf32, #tpu.memory_space<hbm>>) target(%dma_start3A_41 : memref<100x64xf32, #tpu.memory_space<vmem>>) offsets(%dma_start3A_44 : memref<100xi32, #tpu.memory_space<vmem>>) semaphore(%arg11 : memref<!tpu.dma_semaphore, #tpu.memory_space<semaphore_mem>>)
    %dma_start3A_48 = arith.constant 4 : i32
    %dma_start3A_49 = arith.constant 4 : i32
    %dma_start3A_50 = arith.constant 0 : i32
    %dma_start3A_51 = arith.constant 0 : i32
    %dma_start3A_52 = tpu.memref_slice %arg6[%dma_start3A_49, %dma_start3A_50, %dma_start3A_51] : memref<8x100x64xf32, #tpu.memory_space<vmem>> -> memref<1x100x64xf32, #tpu.memory_space<vmem>>
    %dma_start3A_53 = tpu.memref_squeeze %dma_start3A_52 : memref<1x100x64xf32, #tpu.memory_space<vmem>> -> memref<100x64xf32, #tpu.memory_space<vmem>>
    %dma_start3A_54 = arith.constant 0 : i32
    %dma_start3A_55 = tpu.memref_slice %arg5[%dma_start3A_48, %dma_start3A_54] : memref<256x100xi32, #tpu.memory_space<vmem>> -> memref<1x100xi32, #tpu.memory_space<vmem>>
    %dma_start3A_56 = tpu.memref_squeeze %dma_start3A_55 : memref<1x100xi32, #tpu.memory_space<vmem>> -> memref<100xi32, #tpu.memory_space<vmem>>
    %dma_start3A_57 = arith.constant 0 : i32
    %dma_start3A_58 = arith.constant 0 : i32
    %dma_start3A_59 = tpu.memref_slice %arg3[%dma_start3A_57, %dma_start3A_58] : memref<1000000x64xf32, #tpu.memory_space<hbm>> -> memref<1000000x64xf32, #tpu.memory_space<hbm>>
    tpu.enqueue_indirect_dma source(%dma_start3A_59 : memref<1000000x64xf32, #tpu.memory_space<hbm>>) target(%dma_start3A_53 : memref<100x64xf32, #tpu.memory_space<vmem>>) offsets(%dma_start3A_56 : memref<100xi32, #tpu.memory_space<vmem>>) semaphore(%arg12 : memref<!tpu.dma_semaphore, #tpu.memory_space<semaphore_mem>>)
    %dma_start3A_60 = arith.constant 5 : i32
    %dma_start3A_61 = arith.constant 5 : i32
    %dma_start3A_62 = arith.constant 0 : i32
    %dma_start3A_63 = arith.constant 0 : i32
    %dma_start3A_64 = tpu.memref_slice %arg6[%dma_start3A_61, %dma_start3A_62, %dma_start3A_63] : memref<8x100x64xf32, #tpu.memory_space<vmem>> -> memref<1x100x64xf32, #tpu.memory_space<vmem>>
    %dma_start3A_65 = tpu.memref_squeeze %dma_start3A_64 : memref<1x100x64xf32, #tpu.memory_space<vmem>> -> memref<100x64xf32, #tpu.memory_space<vmem>>
    %dma_start3A_66 = arith.constant 0 : i32
    %dma_start3A_67 = tpu.memref_slice %arg5[%dma_start3A_60, %dma_start3A_66] : memref<256x100xi32, #tpu.memory_space<vmem>> -> memref<1x100xi32, #tpu.memory_space<vmem>>
    %dma_start3A_68 = tpu.memref_squeeze %dma_start3A_67 : memref<1x100xi32, #tpu.memory_space<vmem>> -> memref<100xi32, #tpu.memory_space<vmem>>
    %dma_start3A_69 = arith.constant 0 : i32
    %dma_start3A_70 = arith.constant 0 : i32
    %dma_start3A_71 = tpu.memref_slice %arg3[%dma_start3A_69, %dma_start3A_70] : memref<1000000x64xf32, #tpu.memory_space<hbm>> -> memref<1000000x64xf32, #tpu.memory_space<hbm>>
    tpu.enqueue_indirect_dma source(%dma_start3A_71 : memref<1000000x64xf32, #tpu.memory_space<hbm>>) target(%dma_start3A_65 : memref<100x64xf32, #tpu.memory_space<vmem>>) offsets(%dma_start3A_68 : memref<100xi32, #tpu.memory_space<vmem>>) semaphore(%arg13 : memref<!tpu.dma_semaphore, #tpu.memory_space<semaphore_mem>>)
    %dma_start3A_72 = arith.constant 6 : i32
    %dma_start3A_73 = arith.constant 6 : i32
    %dma_start3A_74 = arith.constant 0 : i32
    %dma_start3A_75 = arith.constant 0 : i32
    %dma_start3A_76 = tpu.memref_slice %arg6[%dma_start3A_73, %dma_start3A_74, %dma_start3A_75] : memref<8x100x64xf32, #tpu.memory_space<vmem>> -> memref<1x100x64xf32, #tpu.memory_space<vmem>>
    %dma_start3A_77 = tpu.memref_squeeze %dma_start3A_76 : memref<1x100x64xf32, #tpu.memory_space<vmem>> -> memref<100x64xf32, #tpu.memory_space<vmem>>
    %dma_start3A_78 = arith.constant 0 : i32
    %dma_start3A_79 = tpu.memref_slice %arg5[%dma_start3A_72, %dma_start3A_78] : memref<256x100xi32, #tpu.memory_space<vmem>> -> memref<1x100xi32, #tpu.memory_space<vmem>>
    %dma_start3A_80 = tpu.memref_squeeze %dma_start3A_79 : memref<1x100xi32, #tpu.memory_space<vmem>> -> memref<100xi32, #tpu.memory_space<vmem>>
    %dma_start3A_81 = arith.constant 0 : i32
    %dma_start3A_82 = arith.constant 0 : i32
    %dma_start3A_83 = tpu.memref_slice %arg3[%dma_start3A_81, %dma_start3A_82] : memref<1000000x64xf32, #tpu.memory_space<hbm>> -> memref<1000000x64xf32, #tpu.memory_space<hbm>>
    tpu.enqueue_indirect_dma source(%dma_start3A_83 : memref<1000000x64xf32, #tpu.memory_space<hbm>>) target(%dma_start3A_77 : memref<100x64xf32, #tpu.memory_space<vmem>>) offsets(%dma_start3A_80 : memref<100xi32, #tpu.memory_space<vmem>>) semaphore(%arg14 : memref<!tpu.dma_semaphore, #tpu.memory_space<semaphore_mem>>)
    %dma_start3A_84 = arith.constant 7 : i32
    %dma_start3A_85 = arith.constant 7 : i32
    %dma_start3A_86 = arith.constant 0 : i32
    %dma_start3A_87 = arith.constant 0 : i32
    %dma_start3A_88 = tpu.memref_slice %arg6[%dma_start3A_85, %dma_start3A_86, %dma_start3A_87] : memref<8x100x64xf32, #tpu.memory_space<vmem>> -> memref<1x100x64xf32, #tpu.memory_space<vmem>>
    %dma_start3A_89 = tpu.memref_squeeze %dma_start3A_88 : memref<1x100x64xf32, #tpu.memory_space<vmem>> -> memref<100x64xf32, #tpu.memory_space<vmem>>
    %dma_start3A_90 = arith.constant 0 : i32
    %dma_start3A_91 = tpu.memref_slice %arg5[%dma_start3A_84, %dma_start3A_90] : memref<256x100xi32, #tpu.memory_space<vmem>> -> memref<1x100xi32, #tpu.memory_space<vmem>>
    %dma_start3A_92 = tpu.memref_squeeze %dma_start3A_91 : memref<1x100xi32, #tpu.memory_space<vmem>> -> memref<100xi32, #tpu.memory_space<vmem>>
    %dma_start3A_93 = arith.constant 0 : i32
    %dma_start3A_94 = arith.constant 0 : i32
    %dma_start3A_95 = tpu.memref_slice %arg3[%dma_start3A_93, %dma_start3A_94] : memref<1000000x64xf32, #tpu.memory_space<hbm>> -> memref<1000000x64xf32, #tpu.memory_space<hbm>>
    tpu.enqueue_indirect_dma source(%dma_start3A_95 : memref<1000000x64xf32, #tpu.memory_space<hbm>>) target(%dma_start3A_89 : memref<100x64xf32, #tpu.memory_space<vmem>>) offsets(%dma_start3A_92 : memref<100xi32, #tpu.memory_space<vmem>>) semaphore(%arg15 : memref<!tpu.dma_semaphore, #tpu.memory_space<semaphore_mem>>)
    %scan3A = arith.constant 0 : i32
    %scan3A_96 = arith.constant 0 : i32
    %scan3A_97 = arith.constant 31 : i32
    %scan3A_98 = arith.addi %scan3A_96, %scan3A_97 : i32
    %scan3A_99 = arith.constant 1 : i32
    scf.for %scan3A_996 = %scan3A_96 to %scan3A_98 step %scan3A_99  : i32 {
      %mul3A_997 = arith.constant 8 : i32
      %mul3A_998 = arith.muli %scan3A_996, %mul3A_997 : i32
      %add3A_999 = arith.constant 0 : i32
      %add3A_1000 = arith.addi %mul3A_998, %add3A_999 : i32
      %dma_wait3A_1001 = arith.constant 0 : i32
      %dma_wait3A_1002 = arith.constant 0 : i32
      %dma_wait3A_1003 = arith.constant 0 : i32
      %dma_wait3A_1004 = tpu.memref_slice %arg6[%dma_wait3A_1001, %dma_wait3A_1002, %dma_wait3A_1003] : memref<8x100x64xf32, #tpu.memory_space<vmem>> -> memref<1x100x64xf32, #tpu.memory_space<vmem>>
      %dma_wait3A_1005 = tpu.memref_squeeze %dma_wait3A_1004 : memref<1x100x64xf32, #tpu.memory_space<vmem>> -> memref<100x64xf32, #tpu.memory_space<vmem>>
      %dma_wait3A_1006 = arith.constant 0 : i32
      %dma_wait3A_1007 = tpu.memref_slice %arg5[%add3A_1000, %dma_wait3A_1006] : memref<256x100xi32, #tpu.memory_space<vmem>> -> memref<1x100xi32, #tpu.memory_space<vmem>>
      %dma_wait3A_1008 = tpu.memref_squeeze %dma_wait3A_1007 : memref<1x100xi32, #tpu.memory_space<vmem>> -> memref<100xi32, #tpu.memory_space<vmem>>
      %dma_wait3A_1009 = arith.constant 0 : i32
      %dma_wait3A_1010 = arith.constant 0 : i32
      %dma_wait3A_1011 = tpu.memref_slice %arg3[%dma_wait3A_1009, %dma_wait3A_1010] : memref<1000000x64xf32, #tpu.memory_space<hbm>> -> memref<1000000x64xf32, #tpu.memory_space<hbm>>
      tpu.wait_indirect_dma semaphore(%arg8 : memref<!tpu.dma_semaphore, #tpu.memory_space<semaphore_mem>>) src(%dma_wait3A_1011 : memref<1000000x64xf32, #tpu.memory_space<hbm>>) dst(%dma_wait3A_1005 : memref<100x64xf32, #tpu.memory_space<vmem>>)
      %broadcast_in_dim3A_1012 = arith.constant 0.000000e+00 : f32
      %broadcast_in_dim3A_1013 = vector.broadcast %broadcast_in_dim3A_1012 : f32 to vector<16xf32>
      %broadcast_in_dim3A_1014 = arith.constant 0.000000e+00 : f32
      %broadcast_in_dim3A_1015 = vector.broadcast %broadcast_in_dim3A_1014 : f32 to vector<16xf32>
      %broadcast_in_dim3A_1016 = arith.constant 0.000000e+00 : f32
      %broadcast_in_dim3A_1017 = vector.broadcast %broadcast_in_dim3A_1016 : f32 to vector<16xf32>
      %broadcast_in_dim3A_1018 = arith.constant 0.000000e+00 : f32
      %broadcast_in_dim3A_1019 = vector.broadcast %broadcast_in_dim3A_1018 : f32 to vector<16xf32>
      %scan3A_1020 = arith.constant 0 : i32
      %scan3A_1021 = arith.constant 50 : i32
      %scan3A_1022 = arith.addi %scan3A_1020, %scan3A_1021 : i32
      %scan3A_1023 = arith.constant 2 : i32
      %scan3A_1024:4 = scf.for %scan3A_2023 = %scan3A_1020 to %scan3A_1022 step %scan3A_1023 iter_args(%scan3A_2024 = %broadcast_in_dim3A_1013, %scan3A_2025 = %broadcast_in_dim3A_1015, %scan3A_2026 = %broadcast_in_dim3A_1017, %scan3A_2027 = %broadcast_in_dim3A_1019) -> (vector<16xf32>, vector<16xf32>, vector<16xf32>, vector<16xf32>)  : i32 {
        %add3A_2028 = arith.constant 0 : i32
        %add3A_2029 = arith.addi %add3A_2028, %scan3A_2023 : i32
        %get3A = arith.constant 0 : i32
        %get3A_2030 = arith.index_cast %get3A : i32 to index
        %get3A_2031 = arith.index_cast %add3A_2029 : i32 to index
        %get3A_2032 = arith.constant 0 : index
        %get3A_2033 = tpu.vector_load %arg6[%get3A_2030, %get3A_2031, %get3A_2032] {strides = array<i32>} : memref<8x100x64xf32, #tpu.memory_space<vmem>>, vector<1x1x16xf32>,
        %get3A_2034 = vector.shape_cast %get3A_2033 : vector<1x1x16xf32> to vector<16xf32>
        %add3A_2035 = arith.addf %scan3A_2024, %get3A_2034 : vector<16xf32>
        %get3A_2036 = arith.constant 0 : i32
        %get3A_2037 = arith.index_cast %get3A_2036 : i32 to index
        %get3A_2038 = arith.index_cast %add3A_2029 : i32 to index
        %get3A_2039 = arith.constant 16 : index
        %get3A_2040 = tpu.vector_load %arg6[%get3A_2037, %get3A_2038, %get3A_2039] {strides = array<i32>} : memref<8x100x64xf32, #tpu.memory_space<vmem>>, vector<1x1x16xf32>,
        %get3A_2041 = vector.shape_cast %get3A_2040 : vector<1x1x16xf32> to vector<16xf32>
        %add3A_2042 = arith.addf %scan3A_2025, %get3A_2041 : vector<16xf32>
        %get3A_2043 = arith.constant 0 : i32
        %get3A_2044 = arith.index_cast %get3A_2043 : i32 to index
        %get3A_2045 = arith.index_cast %add3A_2029 : i32 to index
        %get3A_2046 = arith.constant 32 : index
        %get3A_2047 = tpu.vector_load %arg6[%get3A_2044, %get3A_2045, %get3A_2046] {strides = array<i32>} : memref<8x100x64xf32, #tpu.memory_space<vmem>>, vector<1x1x16xf32>,
        %get3A_2048 = vector.shape_cast %get3A_2047 : vector<1x1x16xf32> to vector<16xf32>
        %add3A_2049 = arith.addf %scan3A_2026, %get3A_2048 : vector<16xf32>
        %get3A_2050 = arith.constant 0 : i32
        %get3A_2051 = arith.index_cast %get3A_2050 : i32 to index
        %get3A_2052 = arith.index_cast %add3A_2029 : i32 to index
        %get3A_2053 = arith.constant 48 : index
        %get3A_2054 = tpu.vector_load %arg6[%get3A_2051, %get3A_2052, %get3A_2053] {strides = array<i32>} : memref<8x100x64xf32, #tpu.memory_space<vmem>>, vector<1x1x16xf32>,
        %get3A_2055 = vector.shape_cast %get3A_2054 : vector<1x1x16xf32> to vector<16xf32>
        %add3A_2056 = arith.addf %scan3A_2027, %get3A_2055 : vector<16xf32>
        %scan3A_2057 = arith.constant 1 : i32
        %scan3A_2058 = arith.addi %scan3A_2023, %scan3A_2057 : i32
        %add3A_2059 = arith.constant 0 : i32
        %add3A_2060 = arith.addi %add3A_2059, %scan3A_2058 : i32
        %get3A_2061 = arith.constant 0 : i32
        %get3A_2062 = arith.index_cast %get3A_2061 : i32 to index
        %get3A_2063 = arith.index_cast %add3A_2060 : i32 to index
        %get3A_2064 = arith.constant 0 : index
        %get3A_2065 = tpu.vector_load %arg6[%get3A_2062, %get3A_2063, %get3A_2064] {strides = array<i32>} : memref<8x100x64xf32, #tpu.memory_space<vmem>>, vector<1x1x16xf32>,
        %get3A_2066 = vector.shape_cast %get3A_2065 : vector<1x1x16xf32> to vector<16xf32>
        %add3A_2067 = arith.addf %add3A_2035, %get3A_2066 : vector<16xf32>
        %get3A_2068 = arith.constant 0 : i32
        %get3A_2069 = arith.index_cast %get3A_2068 : i32 to index
        %get3A_2070 = arith.index_cast %add3A_2060 : i32 to index
        %get3A_2071 = arith.constant 16 : index
        %get3A_2072 = tpu.vector_load %arg6[%get3A_2069, %get3A_2070, %get3A_2071] {strides = array<i32>} : memref<8x100x64xf32, #tpu.memory_space<vmem>>, vector<1x1x16xf32>,
        %get3A_2073 = vector.shape_cast %get3A_2072 : vector<1x1x16xf32> to vector<16xf32>
        %add3A_2074 = arith.addf %add3A_2042, %get3A_2073 : vector<16xf32>
        %get3A_2075 = arith.constant 0 : i32
        %get3A_2076 = arith.index_cast %get3A_2075 : i32 to index
        %get3A_2077 = arith.index_cast %add3A_2060 : i32 to index
        %get3A_2078 = arith.constant 32 : index
        %get3A_2079 = tpu.vector_load %arg6[%get3A_2076, %get3A_2077, %get3A_2078] {strides = array<i32>} : memref<8x100x64xf32, #tpu.memory_space<vmem>>, vector<1x1x16xf32>,
        %get3A_2080 = vector.shape_cast %get3A_2079 : vector<1x1x16xf32> to vector<16xf32>
        %add3A_2081 = arith.addf %add3A_2049, %get3A_2080 : vector<16xf32>
        %get3A_2082 = arith.constant 0 : i32
        %get3A_2083 = arith.index_cast %get3A_2082 : i32 to index
        %get3A_2084 = arith.index_cast %add3A_2060 : i32 to index
        %get3A_2085 = arith.constant 48 : index
        %get3A_2086 = tpu.vector_load %arg6[%get3A_2083, %get3A_2084, %get3A_2085] {strides = array<i32>} : memref<8x100x64xf32, #tpu.memory_space<vmem>>, vector<1x1x16xf32>,
        %get3A_2087 = vector.shape_cast %get3A_2086 : vector<1x1x16xf32> to vector<16xf32>
        %add3A_2088 = arith.addf %add3A_2056, %get3A_2087 : vector<16xf32>
        scf.yield %add3A_2067, %add3A_2074, %add3A_2081, %add3A_2088 : vector<16xf32>, vector<16xf32>, vector<16xf32>, vector<16xf32>
      }
      %scan3A_1025 = arith.constant 50 : i32
      %mul3A_1026 = arith.constant 2 : i32
      %mul3A_1027 = arith.muli %add3A_1000, %mul3A_1026 : i32
      %add3A_1028 = arith.constant 0 : i32
      %add3A_1029 = arith.addi %mul3A_1027, %add3A_1028 : i32
      %mul3A_1030 = arith.constant 2.000000e-02 : f32
      %mul3A_1031 = vector.broadcast %mul3A_1030 : f32 to vector<16xf32>
      %mul3A_1032 = arith.mulf %scan3A_1024#0, %mul3A_1031 : vector<16xf32>
      %swap3A_1033 = arith.index_cast %add3A_1029 : i32 to index
      %swap3A_1034 = arith.constant 0 : index
      %swap3A_1035 = tpu.vector_load %arg7[%swap3A_1033, %swap3A_1034] {strides = array<i32>} : memref<512x64xf32, #tpu.memory_space<vmem>>, vector<1x16xf32>,
      %swap3A_1036 = vector.shape_cast %swap3A_1035 : vector<1x16xf32> to vector<16xf32>
      %swap3A_1037 = vector.shape_cast %mul3A_1032 : vector<16xf32> to vector<1x16xf32>
      tpu.vector_store %arg7[%swap3A_1033, %swap3A_1034], %swap3A_1037 {strides = array<i32>} : memref<512x64xf32, #tpu.memory_space<vmem>>, vector<1x16xf32>,
      %mul3A_1038 = arith.constant 2.000000e-02 : f32
      %mul3A_1039 = vector.broadcast %mul3A_1038 : f32 to vector<16xf32>
      %mul3A_1040 = arith.mulf %scan3A_1024#1, %mul3A_1039 : vector<16xf32>
      %swap3A_1041 = arith.index_cast %add3A_1029 : i32 to index
      %swap3A_1042 = arith.constant 16 : index
      %swap3A_1043 = tpu.vector_load %arg7[%swap3A_1041, %swap3A_1042] {strides = array<i32>} : memref<512x64xf32, #tpu.memory_space<vmem>>, vector<1x16xf32>,
      %swap3A_1044 = vector.shape_cast %swap3A_1043 : vector<1x16xf32> to vector<16xf32>
      %swap3A_1045 = vector.shape_cast %mul3A_1040 : vector<16xf32> to vector<1x16xf32>
      tpu.vector_store %arg7[%swap3A_1041, %swap3A_1042], %swap3A_1045 {strides = array<i32>} : memref<512x64xf32, #tpu.memory_space<vmem>>, vector<1x16xf32>,
      %mul3A_1046 = arith.constant 2.000000e-02 : f32
      %mul3A_1047 = vector.broadcast %mul3A_1046 : f32 to vector<16xf32>
      %mul3A_1048 = arith.mulf %scan3A_1024#2, %mul3A_1047 : vector<16xf32>
      %swap3A_1049 = arith.index_cast %add3A_1029 : i32 to index
      %swap3A_1050 = arith.constant 32 : index
      %swap3A_1051 = tpu.vector_load %arg7[%swap3A_1049, %swap3A_1050] {strides = array<i32>} : memref<512x64xf32, #tpu.memory_space<vmem>>, vector<1x16xf32>,
      %swap3A_1052 = vector.shape_cast %swap3A_1051 : vector<1x16xf32> to vector<16xf32>
      %swap3A_1053 = vector.shape_cast %mul3A_1048 : vector<16xf32> to vector<1x16xf32>
      tpu.vector_store %arg7[%swap3A_1049, %swap3A_1050], %swap3A_1053 {strides = array<i32>} : memref<512x64xf32, #tpu.memory_space<vmem>>, vector<1x16xf32>,
      %mul3A_1054 = arith.constant 2.000000e-02 : f32
      %mul3A_1055 = vector.broadcast %mul3A_1054 : f32 to vector<16xf32>
      %mul3A_1056 = arith.mulf %scan3A_1024#3, %mul3A_1055 : vector<16xf32>
      %swap3A_1057 = arith.index_cast %add3A_1029 : i32 to index
      %swap3A_1058 = arith.constant 48 : index
      %swap3A_1059 = tpu.vector_load %arg7[%swap3A_1057, %swap3A_1058] {strides = array<i32>} : memref<512x64xf32, #tpu.memory_space<vmem>>, vector<1x16xf32>,
      %swap3A_1060 = vector.shape_cast %swap3A_1059 : vector<1x16xf32> to vector<16xf32>
      %swap3A_1061 = vector.shape_cast %mul3A_1056 : vector<16xf32> to vector<1x16xf32>
      tpu.vector_store %arg7[%swap3A_1057, %swap3A_1058], %swap3A_1061 {strides = array<i32>} : memref<512x64xf32, #tpu.memory_space<vmem>>, vector<1x16xf32>,
      %broadcast_in_dim3A_1062 = arith.constant 0.000000e+00 : f32
      %broadcast_in_dim3A_1063 = vector.broadcast %broadcast_in_dim3A_1062 : f32 to vector<16xf32>
      %broadcast_in_dim3A_1064 = arith.constant 0.000000e+00 : f32
      %broadcast_in_dim3A_1065 = vector.broadcast %broadcast_in_dim3A_1064 : f32 to vector<16xf32>
      %broadcast_in_dim3A_1066 = arith.constant 0.000000e+00 : f32
      %broadcast_in_dim3A_1067 = vector.broadcast %broadcast_in_dim3A_1066 : f32 to vector<16xf32>
      %broadcast_in_dim3A_1068 = arith.constant 0.000000e+00 : f32
      %broadcast_in_dim3A_1069 = vector.broadcast %broadcast_in_dim3A_1068 : f32 to vector<16xf32>
      %scan3A_1070 = arith.constant 0 : i32
      %scan3A_1071 = arith.constant 50 : i32
      %scan3A_1072 = arith.addi %scan3A_1070, %scan3A_1071 : i32
      %scan3A_1073 = arith.constant 2 : i32
      %scan3A_1074:4 = scf.for %scan3A_2023 = %scan3A_1070 to %scan3A_1072 step %scan3A_1073 iter_args(%scan3A_2024 = %broadcast_in_dim3A_1063, %scan3A_2025 = %broadcast_in_dim3A_1065, %scan3A_2026 = %broadcast_in_dim3A_1067, %scan3A_2027 = %broadcast_in_dim3A_1069) -> (vector<16xf32>, vector<16xf32>, vector<16xf32>, vector<16xf32>)  : i32 {
        %add3A_2028 = arith.constant 50 : i32
        %add3A_2029 = arith.addi %add3A_2028, %scan3A_2023 : i32
        %get3A = arith.constant 0 : i32
        %get3A_2030 = arith.index_cast %get3A : i32 to index
        %get3A_2031 = arith.index_cast %add3A_2029 : i32 to index
        %get3A_2032 = arith.constant 0 : index
        %get3A_2033 = tpu.vector_load %arg6[%get3A_2030, %get3A_2031, %get3A_2032] {strides = array<i32>} : memref<8x100x64xf32, #tpu.memory_space<vmem>>, vector<1x1x16xf32>,
        %get3A_2034 = vector.shape_cast %get3A_2033 : vector<1x1x16xf32> to vector<16xf32>
        %add3A_2035 = arith.addf %scan3A_2024, %get3A_2034 : vector<16xf32>
        %get3A_2036 = arith.constant 0 : i32
        %get3A_2037 = arith.index_cast %get3A_2036 : i32 to index
        %get3A_2038 = arith.index_cast %add3A_2029 : i32 to index
        %get3A_2039 = arith.constant 16 : index
        %get3A_2040 = tpu.vector_load %arg6[%get3A_2037, %get3A_2038, %get3A_2039] {strides = array<i32>} : memref<8x100x64xf32, #tpu.memory_space<vmem>>, vector<1x1x16xf32>,
        %get3A_2041 = vector.shape_cast %get3A_2040 : vector<1x1x16xf32> to vector<16xf32>
        %add3A_2042 = arith.addf %scan3A_2025, %get3A_2041 : vector<16xf32>
        %get3A_2043 = arith.constant 0 : i32
        %get3A_2044 = arith.index_cast %get3A_2043 : i32 to index
        %get3A_2045 = arith.index_cast %add3A_2029 : i32 to index
        %get3A_2046 = arith.constant 32 : index
        %get3A_2047 = tpu.vector_load %arg6[%get3A_2044, %get3A_2045, %get3A_2046] {strides = array<i32>} : memref<8x100x64xf32, #tpu.memory_space<vmem>>, vector<1x1x16xf32>,
        %get3A_2048 = vector.shape_cast %get3A_2047 : vector<1x1x16xf32> to vector<16xf32>
        %add3A_2049 = arith.addf %scan3A_2026, %get3A_2048 : vector<16xf32>
        %get3A_2050 = arith.constant 0 : i32
        %get3A_2051 = arith.index_cast %get3A_2050 : i32 to index
        %get3A_2052 = arith.index_cast %add3A_2029 : i32 to index
        %get3A_2053 = arith.constant 48 : index
        %get3A_2054 = tpu.vector_load %arg6[%get3A_2051, %get3A_2052, %get3A_2053] {strides = array<i32>} : memref<8x100x64xf32, #tpu.memory_space<vmem>>, vector<1x1x16xf32>,
        %get3A_2055 = vector.shape_cast %get3A_2054 : vector<1x1x16xf32> to vector<16xf32>
        %add3A_2056 = arith.addf %scan3A_2027, %get3A_2055 : vector<16xf32>
        %scan3A_2057 = arith.constant 1 : i32
        %scan3A_2058 = arith.addi %scan3A_2023, %scan3A_2057 : i32
        %add3A_2059 = arith.constant 50 : i32
        %add3A_2060 = arith.addi %add3A_2059, %scan3A_2058 : i32
        %get3A_2061 = arith.constant 0 : i32
        %get3A_2062 = arith.index_cast %get3A_2061 : i32 to index
        %get3A_2063 = arith.index_cast %add3A_2060 : i32 to index
        %get3A_2064 = arith.constant 0 : index
        %get3A_2065 = tpu.vector_load %arg6[%get3A_2062, %get3A_2063, %get3A_2064] {strides = array<i32>} : memref<8x100x64xf32, #tpu.memory_space<vmem>>, vector<1x1x16xf32>,
        %get3A_2066 = vector.shape_cast %get3A_2065 : vector<1x1x16xf32> to vector<16xf32>
        %add3A_2067 = arith.addf %add3A_2035, %get3A_2066 : vector<16xf32>
        %get3A_2068 = arith.constant 0 : i32
        %get3A_2069 = arith.index_cast %get3A_2068 : i32 to index
        %get3A_2070 = arith.index_cast %add3A_2060 : i32 to index
        %get3A_2071 = arith.constant 16 : index
        %get3A_2072 = tpu.vector_load %arg6[%get3A_2069, %get3A_2070, %get3A_2071] {strides = array<i32>} : memref<8x100x64xf32, #tpu.memory_space<vmem>>, vector<1x1x16xf32>,
        %get3A_2073 = vector.shape_cast %get3A_2072 : vector<1x1x16xf32> to vector<16xf32>
        %add3A_2074 = arith.addf %add3A_2042, %get3A_2073 : vector<16xf32>
        %get3A_2075 = arith.constant 0 : i32
        %get3A_2076 = arith.index_cast %get3A_2075 : i32 to index
        %get3A_2077 = arith.index_cast %add3A_2060 : i32 to index
        %get3A_2078 = arith.constant 32 : index
        %get3A_2079 = tpu.vector_load %arg6[%get3A_2076, %get3A_2077, %get3A_2078] {strides = array<i32>} : memref<8x100x64xf32, #tpu.memory_space<vmem>>, vector<1x1x16xf32>,
        %get3A_2080 = vector.shape_cast %get3A_2079 : vector<1x1x16xf32> to vector<16xf32>
        %add3A_2081 = arith.addf %add3A_2049, %get3A_2080 : vector<16xf32>
        %get3A_2082 = arith.constant 0 : i32
        %get3A_2083 = arith.index_cast %get3A_2082 : i32 to index
        %get3A_2084 = arith.index_cast %add3A_2060 : i32 to index
        %get3A_2085 = arith.constant 48 : index
        %get3A_2086 = tpu.vector_load %arg6[%get3A_2083, %get3A_2084, %get3A_2085] {strides = array<i32>} : memref<8x100x64xf32, #tpu.memory_space<vmem>>, vector<1x1x16xf32>,
        %get3A_2087 = vector.shape_cast %get3A_2086 : vector<1x1x16xf32> to vector<16xf32>
        %add3A_2088 = arith.addf %add3A_2056, %get3A_2087 : vector<16xf32>
        scf.yield %add3A_2067, %add3A_2074, %add3A_2081, %add3A_2088 : vector<16xf32>, vector<16xf32>, vector<16xf32>, vector<16xf32>
      }
      %scan3A_1075 = arith.constant 50 : i32
      %mul3A_1076 = arith.constant 2 : i32
      %mul3A_1077 = arith.muli %add3A_1000, %mul3A_1076 : i32
      %add3A_1078 = arith.constant 1 : i32
      %add3A_1079 = arith.addi %mul3A_1077, %add3A_1078 : i32
      %mul3A_1080 = arith.constant 2.000000e-02 : f32
      %mul3A_1081 = vector.broadcast %mul3A_1080 : f32 to vector<16xf32>
      %mul3A_1082 = arith.mulf %scan3A_1074#0, %mul3A_1081 : vector<16xf32>
      %swap3A_1083 = arith.index_cast %add3A_1079 : i32 to index
      %swap3A_1084 = arith.constant 0 : index
      %swap3A_1085 = tpu.vector_load %arg7[%swap3A_1083, %swap3A_1084] {strides = array<i32>} : memref<512x64xf32, #tpu.memory_space<vmem>>, vector<1x16xf32>,
      %swap3A_1086 = vector.shape_cast %swap3A_1085 : vector<1x16xf32> to vector<16xf32>
      %swap3A_1087 = vector.shape_cast %mul3A_1082 : vector<16xf32> to vector<1x16xf32>
      tpu.vector_store %arg7[%swap3A_1083, %swap3A_1084], %swap3A_1087 {strides = array<i32>} : memref<512x64xf32, #tpu.memory_space<vmem>>, vector<1x16xf32>,
      %mul3A_1088 = arith.constant 2.000000e-02 : f32
      %mul3A_1089 = vector.broadcast %mul3A_1088 : f32 to vector<16xf32>
      %mul3A_1090 = arith.mulf %scan3A_1074#1, %mul3A_1089 : vector<16xf32>
      %swap3A_1091 = arith.index_cast %add3A_1079 : i32 to index
      %swap3A_1092 = arith.constant 16 : index
      %swap3A_1093 = tpu.vector_load %arg7[%swap3A_1091, %swap3A_1092] {strides = array<i32>} : memref<512x64xf32, #tpu.memory_space<vmem>>, vector<1x16xf32>,
      %swap3A_1094 = vector.shape_cast %swap3A_1093 : vector<1x16xf32> to vector<16xf32>
      %swap3A_1095 = vector.shape_cast %mul3A_1090 : vector<16xf32> to vector<1x16xf32>
      tpu.vector_store %arg7[%swap3A_1091, %swap3A_1092], %swap3A_1095 {strides = array<i32>} : memref<512x64xf32, #tpu.memory_space<vmem>>, vector<1x16xf32>,
      %mul3A_1096 = arith.constant 2.000000e-02 : f32
      %mul3A_1097 = vector.broadcast %mul3A_1096 : f32 to vector<16xf32>
      %mul3A_1098 = arith.mulf %scan3A_1074#2, %mul3A_1097 : vector<16xf32>
      %swap3A_1099 = arith.index_cast %add3A_1079 : i32 to index
      %swap3A_1100 = arith.constant 32 : index
      %swap3A_1101 = tpu.vector_load %arg7[%swap3A_1099, %swap3A_1100] {strides = array<i32>} : memref<512x64xf32, #tpu.memory_space<vmem>>, vector<1x16xf32>,
      %swap3A_1102 = vector.shape_cast %swap3A_1101 : vector<1x16xf32> to vector<16xf32>
      %swap3A_1103 = vector.shape_cast %mul3A_1098 : vector<16xf32> to vector<1x16xf32>
      tpu.vector_store %arg7[%swap3A_1099, %swap3A_1100], %swap3A_1103 {strides = array<i32>} : memref<512x64xf32, #tpu.memory_space<vmem>>, vector<1x16xf32>,
      %mul3A_1104 = arith.constant 2.000000e-02 : f32
      %mul3A_1105 = vector.broadcast %mul3A_1104 : f32 to vector<16xf32>
      %mul3A_1106 = arith.mulf %scan3A_1074#3, %mul3A_1105 : vector<16xf32>
      %swap3A_1107 = arith.index_cast %add3A_1079 : i32 to index
      %swap3A_1108 = arith.constant 48 : index
      %swap3A_1109 = tpu.vector_load %arg7[%swap3A_1107, %swap3A_1108] {strides = array<i32>} : memref<512x64xf32, #tpu.memory_space<vmem>>, vector<1x16xf32>,
      %swap3A_1110 = vector.shape_cast %swap3A_1109 : vector<1x16xf32> to vector<16xf32>
      %swap3A_1111 = vector.shape_cast %mul3A_1106 : vector<16xf32> to vector<1x16xf32>
      tpu.vector_store %arg7[%swap3A_1107, %swap3A_1108], %swap3A_1111 {strides = array<i32>} : memref<512x64xf32, #tpu.memory_space<vmem>>, vector<1x16xf32>,
      %add3A_1112 = arith.constant 0 : i32
      %add3A_1113 = arith.addi %mul3A_998, %add3A_1112 : i32
      %add3A_1114 = arith.constant 8 : i32
      %add3A_1115 = arith.addi %add3A_1113, %add3A_1114 : i32
      %dma_start3A_1116 = arith.constant 0 : i32
      %dma_start3A_1117 = arith.constant 0 : i32
      %dma_start3A_1118 = arith.constant 0 : i32
      %dma_start3A_1119 = tpu.memref_slice %arg6[%dma_start3A_1116, %dma_start3A_1117, %dma_start3A_1118] : memref<8x100x64xf32, #tpu.memory_space<vmem>> -> memref<1x100x64xf32, #tpu.memory_space<vmem>>
      %dma_start3A_1120 = tpu.memref_squeeze %dma_start3A_1119 : memref<1x100x64xf32, #tpu.memory_space<vmem>> -> memref<100x64xf32, #tpu.memory_space<vmem>>
      %dma_start3A_1121 = arith.constant 0 : i32
      %dma_start3A_1122 = tpu.memref_slice %arg5[%add3A_1115, %dma_start3A_1121] : memref<256x100xi32, #tpu.memory_space<vmem>> -> memref<1x100xi32, #tpu.memory_space<vmem>>
      %dma_start3A_1123 = tpu.memref_squeeze %dma_start3A_1122 : memref<1x100xi32, #tpu.memory_space<vmem>> -> memref<100xi32, #tpu.memory_space<vmem>>
      %dma_start3A_1124 = arith.constant 0 : i32
      %dma_start3A_1125 = arith.constant 0 : i32
      %dma_start3A_1126 = tpu.memref_slice %arg3[%dma_start3A_1124, %dma_start3A_1125] : memref<1000000x64xf32, #tpu.memory_space<hbm>> -> memref<1000000x64xf32, #tpu.memory_space<hbm>>
      tpu.enqueue_indirect_dma source(%dma_start3A_1126 : memref<1000000x64xf32, #tpu.memory_space<hbm>>) target(%dma_start3A_1120 : memref<100x64xf32, #tpu.memory_space<vmem>>) offsets(%dma_start3A_1123 : memref<100xi32, #tpu.memory_space<vmem>>) semaphore(%arg8 : memref<!tpu.dma_semaphore, #tpu.memory_space<semaphore_mem>>)
      %add3A_1127 = arith.constant 1 : i32
      %add3A_1128 = arith.addi %mul3A_998, %add3A_1127 : i32
      %dma_wait3A_1129 = arith.constant 1 : i32
      %dma_wait3A_1130 = arith.constant 0 : i32
      %dma_wait3A_1131 = arith.constant 0 : i32
      %dma_wait3A_1132 = tpu.memref_slice %arg6[%dma_wait3A_1129, %dma_wait3A_1130, %dma_wait3A_1131] : memref<8x100x64xf32, #tpu.memory_space<vmem>> -> memref<1x100x64xf32, #tpu.memory_space<vmem>>
      %dma_wait3A_1133 = tpu.memref_squeeze %dma_wait3A_1132 : memref<1x100x64xf32, #tpu.memory_space<vmem>> -> memref<100x64xf32, #tpu.memory_space<vmem>>
      %dma_wait3A_1134 = arith.constant 0 : i32
      %dma_wait3A_1135 = tpu.memref_slice %arg5[%add3A_1128, %dma_wait3A_1134] : memref<256x100xi32, #tpu.memory_space<vmem>> -> memref<1x100xi32, #tpu.memory_space<vmem>>
      %dma_wait3A_1136 = tpu.memref_squeeze %dma_wait3A_1135 : memref<1x100xi32, #tpu.memory_space<vmem>> -> memref<100xi32, #tpu.memory_space<vmem>>
      %dma_wait3A_1137 = arith.constant 0 : i32
      %dma_wait3A_1138 = arith.constant 0 : i32
      %dma_wait3A_1139 = tpu.memref_slice %arg3[%dma_wait3A_1137, %dma_wait3A_1138] : memref<1000000x64xf32, #tpu.memory_space<hbm>> -> memref<1000000x64xf32, #tpu.memory_space<hbm>>
      tpu.wait_indirect_dma semaphore(%arg9 : memref<!tpu.dma_semaphore, #tpu.memory_space<semaphore_mem>>) src(%dma_wait3A_1139 : memref<1000000x64xf32, #tpu.memory_space<hbm>>) dst(%dma_wait3A_1133 : memref<100x64xf32, #tpu.memory_space<vmem>>)
      %broadcast_in_dim3A_1140 = arith.constant 0.000000e+00 : f32
      %broadcast_in_dim3A_1141 = vector.broadcast %broadcast_in_dim3A_1140 : f32 to vector<16xf32>
      %broadcast_in_dim3A_1142 = arith.constant 0.000000e+00 : f32
      %broadcast_in_dim3A_1143 = vector.broadcast %broadcast_in_dim3A_1142 : f32 to vector<16xf32>
      %broadcast_in_dim3A_1144 = arith.constant 0.000000e+00 : f32
      %broadcast_in_dim3A_1145 = vector.broadcast %broadcast_in_dim3A_1144 : f32 to vector<16xf32>
      %broadcast_in_dim3A_1146 = arith.constant 0.000000e+00 : f32
      %broadcast_in_dim3A_1147 = vector.broadcast %broadcast_in_dim3A_1146 : f32 to vector<16xf32>
      %scan3A_1148 = arith.constant 0 : i32
      %scan3A_1149 = arith.constant 50 : i32
      %scan3A_1150 = arith.addi %scan3A_1148, %scan3A_1149 : i32
      %scan3A_1151 = arith.constant 2 : i32
      %scan3A_1152:4 = scf.for %scan3A_2023 = %scan3A_1148 to %scan3A_1150 step %scan3A_1151 iter_args(%scan3A_2024 = %broadcast_in_dim3A_1141, %scan3A_2025 = %broadcast_in_dim3A_1143, %scan3A_2026 = %broadcast_in_dim3A_1145, %scan3A_2027 = %broadcast_in_dim3A_1147) -> (vector<16xf32>, vector<16xf32>, vector<16xf32>, vector<16xf32>)  : i32 {
        %add3A_2028 = arith.constant 0 : i32
        %add3A_2029 = arith.addi %add3A_2028, %scan3A_2023 : i32
        %get3A = arith.constant 1 : i32
        %get3A_2030 = arith.index_cast %get3A : i32 to index
        %get3A_2031 = arith.index_cast %add3A_2029 : i32 to index
        %get3A_2032 = arith.constant 0 : index
        %get3A_2033 = tpu.vector_load %arg6[%get3A_2030, %get3A_2031, %get3A_2032] {strides = array<i32>} : memref<8x100x64xf32, #tpu.memory_space<vmem>>, vector<1x1x16xf32>,
        %get3A_2034 = vector.shape_cast %get3A_2033 : vector<1x1x16xf32> to vector<16xf32>
        %add3A_2035 = arith.addf %scan3A_2024, %get3A_2034 : vector<16xf32>
        %get3A_2036 = arith.constant 1 : i32
        %get3A_2037 = arith.index_cast %get3A_2036 : i32 to index
        %get3A_2038 = arith.index_cast %add3A_2029 : i32 to index
        %get3A_2039 = arith.constant 16 : index
        %get3A_2040 = tpu.vector_load %arg6[%get3A_2037, %get3A_2038, %get3A_2039] {strides = array<i32>} : memref<8x100x64xf32, #tpu.memory_space<vmem>>, vector<1x1x16xf32>,
        %get3A_2041 = vector.shape_cast %get3A_2040 : vector<1x1x16xf32> to vector<16xf32>
        %add3A_2042 = arith.addf %scan3A_2025, %get3A_2041 : vector<16xf32>
        %get3A_2043 = arith.constant 1 : i32
        %get3A_2044 = arith.index_cast %get3A_2043 : i32 to index
        %get3A_2045 = arith.index_cast %add3A_2029 : i32 to index
        %get3A_2046 = arith.constant 32 : index
        %get3A_2047 = tpu.vector_load %arg6[%get3A_2044, %get3A_2045, %get3A_2046] {strides = array<i32>} : memref<8x100x64xf32, #tpu.memory_space<vmem>>, vector<1x1x16xf32>,
        %get3A_2048 = vector.shape_cast %get3A_2047 : vector<1x1x16xf32> to vector<16xf32>
        %add3A_2049 = arith.addf %scan3A_2026, %get3A_2048 : vector<16xf32>
        %get3A_2050 = arith.constant 1 : i32
        %get3A_2051 = arith.index_cast %get3A_2050 : i32 to index
        %get3A_2052 = arith.index_cast %add3A_2029 : i32 to index
        %get3A_2053 = arith.constant 48 : index
        %get3A_2054 = tpu.vector_load %arg6[%get3A_2051, %get3A_2052, %get3A_2053] {strides = array<i32>} : memref<8x100x64xf32, #tpu.memory_space<vmem>>, vector<1x1x16xf32>,
        %get3A_2055 = vector.shape_cast %get3A_2054 : vector<1x1x16xf32> to vector<16xf32>
        %add3A_2056 = arith.addf %scan3A_2027, %get3A_2055 : vector<16xf32>
        %scan3A_2057 = arith.constant 1 : i32
        %scan3A_2058 = arith.addi %scan3A_2023, %scan3A_2057 : i32
        %add3A_2059 = arith.constant 0 : i32
        %add3A_2060 = arith.addi %add3A_2059, %scan3A_2058 : i32
        %get3A_2061 = arith.constant 1 : i32
        %get3A_2062 = arith.index_cast %get3A_2061 : i32 to index
        %get3A_2063 = arith.index_cast %add3A_2060 : i32 to index
        %get3A_2064 = arith.constant 0 : index
        %get3A_2065 = tpu.vector_load %arg6[%get3A_2062, %get3A_2063, %get3A_2064] {strides = array<i32>} : memref<8x100x64xf32, #tpu.memory_space<vmem>>, vector<1x1x16xf32>,
        %get3A_2066 = vector.shape_cast %get3A_2065 : vector<1x1x16xf32> to vector<16xf32>
        %add3A_2067 = arith.addf %add3A_2035, %get3A_2066 : vector<16xf32>
        %get3A_2068 = arith.constant 1 : i32
        %get3A_2069 = arith.index_cast %get3A_2068 : i32 to index
        %get3A_2070 = arith.index_cast %add3A_2060 : i32 to index
        %get3A_2071 = arith.constant 16 : index
        %get3A_2072 = tpu.vector_load %arg6[%get3A_2069, %get3A_2070, %get3A_2071] {strides = array<i32>} : memref<8x100x64xf32, #tpu.memory_space<vmem>>, vector<1x1x16xf32>,
        %get3A_2073 = vector.shape_cast %get3A_2072 : vector<1x1x16xf32> to vector<16xf32>
        %add3A_2074 = arith.addf %add3A_2042, %get3A_2073 : vector<16xf32>
        %get3A_2075 = arith.constant 1 : i32
        %get3A_2076 = arith.index_cast %get3A_2075 : i32 to index
        %get3A_2077 = arith.index_cast %add3A_2060 : i32 to index
        %get3A_2078 = arith.constant 32 : index
        %get3A_2079 = tpu.vector_load %arg6[%get3A_2076, %get3A_2077, %get3A_2078] {strides = array<i32>} : memref<8x100x64xf32, #tpu.memory_space<vmem>>, vector<1x1x16xf32>,
        %get3A_2080 = vector.shape_cast %get3A_2079 : vector<1x1x16xf32> to vector<16xf32>
        %add3A_2081 = arith.addf %add3A_2049, %get3A_2080 : vector<16xf32>
        %get3A_2082 = arith.constant 1 : i32
        %get3A_2083 = arith.index_cast %get3A_2082 : i32 to index
        %get3A_2084 = arith.index_cast %add3A_2060 : i32 to index
        %get3A_2085 = arith.constant 48 : index
        %get3A_2086 = tpu.vector_load %arg6[%get3A_2083, %get3A_2084, %get3A_2085] {strides = array<i32>} : memref<8x100x64xf32, #tpu.memory_space<vmem>>, vector<1x1x16xf32>,
        %get3A_2087 = vector.shape_cast %get3A_2086 : vector<1x1x16xf32> to vector<16xf32>
        %add3A_2088 = arith.addf %add3A_2056, %get3A_2087 : vector<16xf32>
        scf.yield %add3A_2067, %add3A_2074, %add3A_2081, %add3A_2088 : vector<16xf32>, vector<16xf32>, vector<16xf32>, vector<16xf32>
      }
      %scan3A_1153 = arith.constant 50 : i32
      %mul3A_1154 = arith.constant 2 : i32
      %mul3A_1155 = arith.muli %add3A_1128, %mul3A_1154 : i32
      %add3A_1156 = arith.constant 0 : i32
      %add3A_1157 = arith.addi %mul3A_1155, %add3A_1156 : i32
      %mul3A_1158 = arith.constant 2.000000e-02 : f32
      %mul3A_1159 = vector.broadcast %mul3A_1158 : f32 to vector<16xf32>
      %mul3A_1160 = arith.mulf %scan3A_1152#0, %mul3A_1159 : vector<16xf32>
      %swap3A_1161 = arith.index_cast %add3A_1157 : i32 to index
      %swap3A_1162 = arith.constant 0 : index
      %swap3A_1163 = tpu.vector_load %arg7[%swap3A_1161, %swap3A_1162] {strides = array<i32>} : memref<512x64xf32, #tpu.memory_space<vmem>>, vector<1x16xf32>,
      %swap3A_1164 = vector.shape_cast %swap3A_1163 : vector<1x16xf32> to vector<16xf32>
      %swap3A_1165 = vector.shape_cast %mul3A_1160 : vector<16xf32> to vector<1x16xf32>
      tpu.vector_store %arg7[%swap3A_1161, %swap3A_1162], %swap3A_1165 {strides = array<i32>} : memref<512x64xf32, #tpu.memory_space<vmem>>, vector<1x16xf32>,
      %mul3A_1166 = arith.constant 2.000000e-02 : f32
      %mul3A_1167 = vector.broadcast %mul3A_1166 : f32 to vector<16xf32>
      %mul3A_1168 = arith.mulf %scan3A_1152#1, %mul3A_1167 : vector<16xf32>
      %swap3A_1169 = arith.index_cast %add3A_1157 : i32 to index
      %swap3A_1170 = arith.constant 16 : index
      %swap3A_1171 = tpu.vector_load %arg7[%swap3A_1169, %swap3A_1170] {strides = array<i32>} : memref<512x64xf32, #tpu.memory_space<vmem>>, vector<1x16xf32>,
      %swap3A_1172 = vector.shape_cast %swap3A_1171 : vector<1x16xf32> to vector<16xf32>
      %swap3A_1173 = vector.shape_cast %mul3A_1168 : vector<16xf32> to vector<1x16xf32>
      tpu.vector_store %arg7[%swap3A_1169, %swap3A_1170], %swap3A_1173 {strides = array<i32>} : memref<512x64xf32, #tpu.memory_space<vmem>>, vector<1x16xf32>,
      %mul3A_1174 = arith.constant 2.000000e-02 : f32
      %mul3A_1175 = vector.broadcast %mul3A_1174 : f32 to vector<16xf32>
      %mul3A_1176 = arith.mulf %scan3A_1152#2, %mul3A_1175 : vector<16xf32>
      %swap3A_1177 = arith.index_cast %add3A_1157 : i32 to index
      %swap3A_1178 = arith.constant 32 : index
      %swap3A_1179 = tpu.vector_load %arg7[%swap3A_1177, %swap3A_1178] {strides = array<i32>} : memref<512x64xf32, #tpu.memory_space<vmem>>, vector<1x16xf32>,
      %swap3A_1180 = vector.shape_cast %swap3A_1179 : vector<1x16xf32> to vector<16xf32>
      %swap3A_1181 = vector.shape_cast %mul3A_1176 : vector<16xf32> to vector<1x16xf32>
      tpu.vector_store %arg7[%swap3A_1177, %swap3A_1178], %swap3A_1181 {strides = array<i32>} : memref<512x64xf32, #tpu.memory_space<vmem>>, vector<1x16xf32>,
      %mul3A_1182 = arith.constant 2.000000e-02 : f32
      %mul3A_1183 = vector.broadcast %mul3A_1182 : f32 to vector<16xf32>
      %mul3A_1184 = arith.mulf %scan3A_1152#3, %mul3A_1183 : vector<16xf32>
      %swap3A_1185 = arith.index_cast %add3A_1157 : i32 to index
      %swap3A_1186 = arith.constant 48 : index
      %swap3A_1187 = tpu.vector_load %arg7[%swap3A_1185, %swap3A_1186] {strides = array<i32>} : memref<512x64xf32, #tpu.memory_space<vmem>>, vector<1x16xf32>,
      %swap3A_1188 = vector.shape_cast %swap3A_1187 : vector<1x16xf32> to vector<16xf32>
      %swap3A_1189 = vector.shape_cast %mul3A_1184 : vector<16xf32> to vector<1x16xf32>
      tpu.vector_store %arg7[%swap3A_1185, %swap3A_1186], %swap3A_1189 {strides = array<i32>} : memref<512x64xf32, #tpu.memory_space<vmem>>, vector<1x16xf32>,
      %broadcast_in_dim3A_1190 = arith.constant 0.000000e+00 : f32
      %broadcast_in_dim3A_1191 = vector.broadcast %broadcast_in_dim3A_1190 : f32 to vector<16xf32>
      %broadcast_in_dim3A_1192 = arith.constant 0.000000e+00 : f32
      %broadcast_in_dim3A_1193 = vector.broadcast %broadcast_in_dim3A_1192 : f32 to vector<16xf32>
      %broadcast_in_dim3A_1194 = arith.constant 0.000000e+00 : f32
      %broadcast_in_dim3A_1195 = vector.broadcast %broadcast_in_dim3A_1194 : f32 to vector<16xf32>
      %broadcast_in_dim3A_1196 = arith.constant 0.000000e+00 : f32
      %broadcast_in_dim3A_1197 = vector.broadcast %broadcast_in_dim3A_1196 : f32 to vector<16xf32>
      %scan3A_1198 = arith.constant 0 : i32
      %scan3A_1199 = arith.constant 50 : i32
      %scan3A_1200 = arith.addi %scan3A_1198, %scan3A_1199 : i32
      %scan3A_1201 = arith.constant 2 : i32
      %scan3A_1202:4 = scf.for %scan3A_2023 = %scan3A_1198 to %scan3A_1200 step %scan3A_1201 iter_args(%scan3A_2024 = %broadcast_in_dim3A_1191, %scan3A_2025 = %broadcast_in_dim3A_1193, %scan3A_2026 = %broadcast_in_dim3A_1195, %scan3A_2027 = %broadcast_in_dim3A_1197) -> (vector<16xf32>, vector<16xf32>, vector<16xf32>, vector<16xf32>)  : i32 {
        %add3A_2028 = arith.constant 50 : i32
        %add3A_2029 = arith.addi %add3A_2028, %scan3A_2023 : i32
        %get3A = arith.constant 1 : i32
        %get3A_2030 = arith.index_cast %get3A : i32 to index
        %get3A_2031 = arith.index_cast %add3A_2029 : i32 to index
        %get3A_2032 = arith.constant 0 : index
        %get3A_2033 = tpu.vector_load %arg6[%get3A_2030, %get3A_2031, %get3A_2032] {strides = array<i32>} : memref<8x100x64xf32, #tpu.memory_space<vmem>>, vector<1x1x16xf32>,
        %get3A_2034 = vector.shape_cast %get3A_2033 : vector<1x1x16xf32> to vector<16xf32>
        %add3A_2035 = arith.addf %scan3A_2024, %get3A_2034 : vector<16xf32>
        %get3A_2036 = arith.constant 1 : i32
        %get3A_2037 = arith.index_cast %get3A_2036 : i32 to index
        %get3A_2038 = arith.index_cast %add3A_2029 : i32 to index
        %get3A_2039 = arith.constant 16 : index
        %get3A_2040 = tpu.vector_load %arg6[%get3A_2037, %get3A_2038, %get3A_2039] {strides = array<i32>} : memref<8x100x64xf32, #tpu.memory_space<vmem>>, vector<1x1x16xf32>,
        %get3A_2041 = vector.shape_cast %get3A_2040 : vector<1x1x16xf32> to vector<16xf32>
        %add3A_2042 = arith.addf %scan3A_2025, %get3A_2041 : vector<16xf32>
        %get3A_2043 = arith.constant 1 : i32
        %get3A_2044 = arith.index_cast %get3A_2043 : i32 to index
        %get3A_2045 = arith.index_cast %add3A_2029 : i32 to index
        %get3A_2046 = arith.constant 32 : index
        %get3A_2047 = tpu.vector_load %arg6[%get3A_2044, %get3A_2045, %get3A_2046] {strides = array<i32>} : memref<8x100x64xf32, #tpu.memory_space<vmem>>, vector<1x1x16xf32>,
        %get3A_2048 = vector.shape_cast %get3A_2047 : vector<1x1x16xf32> to vector<16xf32>
        %add3A_2049 = arith.addf %scan3A_2026, %get3A_2048 : vector<16xf32>
        %get3A_2050 = arith.constant 1 : i32
        %get3A_2051 = arith.index_cast %get3A_2050 : i32 to index
        %get3A_2052 = arith.index_cast %add3A_2029 : i32 to index
        %get3A_2053 = arith.constant 48 : index
        %get3A_2054 = tpu.vector_load %arg6[%get3A_2051, %get3A_2052, %get3A_2053] {strides = array<i32>} : memref<8x100x64xf32, #tpu.memory_space<vmem>>, vector<1x1x16xf32>,
        %get3A_2055 = vector.shape_cast %get3A_2054 : vector<1x1x16xf32> to vector<16xf32>
        %add3A_2056 = arith.addf %scan3A_2027, %get3A_2055 : vector<16xf32>
        %scan3A_2057 = arith.constant 1 : i32
        %scan3A_2058 = arith.addi %scan3A_2023, %scan3A_2057 : i32
        %add3A_2059 = arith.constant 50 : i32
        %add3A_2060 = arith.addi %add3A_2059, %scan3A_2058 : i32
        %get3A_2061 = arith.constant 1 : i32
        %get3A_2062 = arith.index_cast %get3A_2061 : i32 to index
        %get3A_2063 = arith.index_cast %add3A_2060 : i32 to index
        %get3A_2064 = arith.constant 0 : index
        %get3A_2065 = tpu.vector_load %arg6[%get3A_2062, %get3A_2063, %get3A_2064] {strides = array<i32>} : memref<8x100x64xf32, #tpu.memory_space<vmem>>, vector<1x1x16xf32>,
        %get3A_2066 = vector.shape_cast %get3A_2065 : vector<1x1x16xf32> to vector<16xf32>
        %add3A_2067 = arith.addf %add3A_2035, %get3A_2066 : vector<16xf32>
        %get3A_2068 = arith.constant 1 : i32
        %get3A_2069 = arith.index_cast %get3A_2068 : i32 to index
        %get3A_2070 = arith.index_cast %add3A_2060 : i32 to index
        %get3A_2071 = arith.constant 16 : index
        %get3A_2072 = tpu.vector_load %arg6[%get3A_2069, %get3A_2070, %get3A_2071] {strides = array<i32>} : memref<8x100x64xf32, #tpu.memory_space<vmem>>, vector<1x1x16xf32>,
        %get3A_2073 = vector.shape_cast %get3A_2072 : vector<1x1x16xf32> to vector<16xf32>
        %add3A_2074 = arith.addf %add3A_2042, %get3A_2073 : vector<16xf32>
        %get3A_2075 = arith.constant 1 : i32
        %get3A_2076 = arith.index_cast %get3A_2075 : i32 to index
        %get3A_2077 = arith.index_cast %add3A_2060 : i32 to index
        %get3A_2078 = arith.constant 32 : index
        %get3A_2079 = tpu.vector_load %arg6[%get3A_2076, %get3A_2077, %get3A_2078] {strides = array<i32>} : memref<8x100x64xf32, #tpu.memory_space<vmem>>, vector<1x1x16xf32>,
        %get3A_2080 = vector.shape_cast %get3A_2079 : vector<1x1x16xf32> to vector<16xf32>
        %add3A_2081 = arith.addf %add3A_2049, %get3A_2080 : vector<16xf32>
        %get3A_2082 = arith.constant 1 : i32
        %get3A_2083 = arith.index_cast %get3A_2082 : i32 to index
        %get3A_2084 = arith.index_cast %add3A_2060 : i32 to index
        %get3A_2085 = arith.constant 48 : index
        %get3A_2086 = tpu.vector_load %arg6[%get3A_2083, %get3A_2084, %get3A_2085] {strides = array<i32>} : memref<8x100x64xf32, #tpu.memory_space<vmem>>, vector<1x1x16xf32>,
        %get3A_2087 = vector.shape_cast %get3A_2086 : vector<1x1x16xf32> to vector<16xf32>
        %add3A_2088 = arith.addf %add3A_2056, %get3A_2087 : vector<16xf32>
        scf.yield %add3A_2067, %add3A_2074, %add3A_2081, %add3A_2088 : vector<16xf32>, vector<16xf32>, vector<16xf32>, vector<16xf32>
      }
      %scan3A_1203 = arith.constant 50 : i32
      %mul3A_1204 = arith.constant 2 : i32
      %mul3A_1205 = arith.muli %add3A_1128, %mul3A_1204 : i32
      %add3A_1206 = arith.constant 1 : i32
      %add3A_1207 = arith.addi %mul3A_1205, %add3A_1206 : i32
      %mul3A_1208 = arith.constant 2.000000e-02 : f32
      %mul3A_1209 = vector.broadcast %mul3A_1208 : f32 to vector<16xf32>
      %mul3A_1210 = arith.mulf %scan3A_1202#0, %mul3A_1209 : vector<16xf32>
      %swap3A_1211 = arith.index_cast %add3A_1207 : i32 to index
      %swap3A_1212 = arith.constant 0 : index
      %swap3A_1213 = tpu.vector_load %arg7[%swap3A_1211, %swap3A_1212] {strides = array<i32>} : memref<512x64xf32, #tpu.memory_space<vmem>>, vector<1x16xf32>,
      %swap3A_1214 = vector.shape_cast %swap3A_1213 : vector<1x16xf32> to vector<16xf32>
      %swap3A_1215 = vector.shape_cast %mul3A_1210 : vector<16xf32> to vector<1x16xf32>
      tpu.vector_store %arg7[%swap3A_1211, %swap3A_1212], %swap3A_1215 {strides = array<i32>} : memref<512x64xf32, #tpu.memory_space<vmem>>, vector<1x16xf32>,
      %mul3A_1216 = arith.constant 2.000000e-02 : f32
      %mul3A_1217 = vector.broadcast %mul3A_1216 : f32 to vector<16xf32>
      %mul3A_1218 = arith.mulf %scan3A_1202#1, %mul3A_1217 : vector<16xf32>
      %swap3A_1219 = arith.index_cast %add3A_1207 : i32 to index
      %swap3A_1220 = arith.constant 16 : index
      %swap3A_1221 = tpu.vector_load %arg7[%swap3A_1219, %swap3A_1220] {strides = array<i32>} : memref<512x64xf32, #tpu.memory_space<vmem>>, vector<1x16xf32>,
      %swap3A_1222 = vector.shape_cast %swap3A_1221 : vector<1x16xf32> to vector<16xf32>
      %swap3A_1223 = vector.shape_cast %mul3A_1218 : vector<16xf32> to vector<1x16xf32>
      tpu.vector_store %arg7[%swap3A_1219, %swap3A_1220], %swap3A_1223 {strides = array<i32>} : memref<512x64xf32, #tpu.memory_space<vmem>>, vector<1x16xf32>,
      %mul3A_1224 = arith.constant 2.000000e-02 : f32
      %mul3A_1225 = vector.broadcast %mul3A_1224 : f32 to vector<16xf32>
      %mul3A_1226 = arith.mulf %scan3A_1202#2, %mul3A_1225 : vector<16xf32>
      %swap3A_1227 = arith.index_cast %add3A_1207 : i32 to index
      %swap3A_1228 = arith.constant 32 : index
      %swap3A_1229 = tpu.vector_load %arg7[%swap3A_1227, %swap3A_1228] {strides = array<i32>} : memref<512x64xf32, #tpu.memory_space<vmem>>, vector<1x16xf32>,
      %swap3A_1230 = vector.shape_cast %swap3A_1229 : vector<1x16xf32> to vector<16xf32>
      %swap3A_1231 = vector.shape_cast %mul3A_1226 : vector<16xf32> to vector<1x16xf32>
      tpu.vector_store %arg7[%swap3A_1227, %swap3A_1228], %swap3A_1231 {strides = array<i32>} : memref<512x64xf32, #tpu.memory_space<vmem>>, vector<1x16xf32>,
      %mul3A_1232 = arith.constant 2.000000e-02 : f32
      %mul3A_1233 = vector.broadcast %mul3A_1232 : f32 to vector<16xf32>
      %mul3A_1234 = arith.mulf %scan3A_1202#3, %mul3A_1233 : vector<16xf32>
      %swap3A_1235 = arith.index_cast %add3A_1207 : i32 to index
      %swap3A_1236 = arith.constant 48 : index
      %swap3A_1237 = tpu.vector_load %arg7[%swap3A_1235, %swap3A_1236] {strides = array<i32>} : memref<512x64xf32, #tpu.memory_space<vmem>>, vector<1x16xf32>,
      %swap3A_1238 = vector.shape_cast %swap3A_1237 : vector<1x16xf32> to vector<16xf32>
      %swap3A_1239 = vector.shape_cast %mul3A_1234 : vector<16xf32> to vector<1x16xf32>
      tpu.vector_store %arg7[%swap3A_1235, %swap3A_1236], %swap3A_1239 {strides = array<i32>} : memref<512x64xf32, #tpu.memory_space<vmem>>, vector<1x16xf32>,
      %add3A_1240 = arith.constant 1 : i32
      %add3A_1241 = arith.addi %mul3A_998, %add3A_1240 : i32
      %add3A_1242 = arith.constant 8 : i32
      %add3A_1243 = arith.addi %add3A_1241, %add3A_1242 : i32
      %dma_start3A_1244 = arith.constant 1 : i32
      %dma_start3A_1245 = arith.constant 0 : i32
      %dma_start3A_1246 = arith.constant 0 : i32
      %dma_start3A_1247 = tpu.memref_slice %arg6[%dma_start3A_1244, %dma_start3A_1245, %dma_start3A_1246] : memref<8x100x64xf32, #tpu.memory_space<vmem>> -> memref<1x100x64xf32, #tpu.memory_space<vmem>>
      %dma_start3A_1248 = tpu.memref_squeeze %dma_start3A_1247 : memref<1x100x64xf32, #tpu.memory_space<vmem>> -> memref<100x64xf32, #tpu.memory_space<vmem>>
      %dma_start3A_1249 = arith.constant 0 : i32
      %dma_start3A_1250 = tpu.memref_slice %arg5[%add3A_1243, %dma_start3A_1249] : memref<256x100xi32, #tpu.memory_space<vmem>> -> memref<1x100xi32, #tpu.memory_space<vmem>>
      %dma_start3A_1251 = tpu.memref_squeeze %dma_start3A_1250 : memref<1x100xi32, #tpu.memory_space<vmem>> -> memref<100xi32, #tpu.memory_space<vmem>>
      %dma_start3A_1252 = arith.constant 0 : i32
      %dma_start3A_1253 = arith.constant 0 : i32
      %dma_start3A_1254 = tpu.memref_slice %arg3[%dma_start3A_1252, %dma_start3A_1253] : memref<1000000x64xf32, #tpu.memory_space<hbm>> -> memref<1000000x64xf32, #tpu.memory_space<hbm>>
      tpu.enqueue_indirect_dma source(%dma_start3A_1254 : memref<1000000x64xf32, #tpu.memory_space<hbm>>) target(%dma_start3A_1248 : memref<100x64xf32, #tpu.memory_space<vmem>>) offsets(%dma_start3A_1251 : memref<100xi32, #tpu.memory_space<vmem>>) semaphore(%arg9 : memref<!tpu.dma_semaphore, #tpu.memory_space<semaphore_mem>>)
      %add3A_1255 = arith.constant 2 : i32
      %add3A_1256 = arith.addi %mul3A_998, %add3A_1255 : i32
      %dma_wait3A_1257 = arith.constant 2 : i32
      %dma_wait3A_1258 = arith.constant 0 : i32
      %dma_wait3A_1259 = arith.constant 0 : i32
      %dma_wait3A_1260 = tpu.memref_slice %arg6[%dma_wait3A_1257, %dma_wait3A_1258, %dma_wait3A_1259] : memref<8x100x64xf32, #tpu.memory_space<vmem>> -> memref<1x100x64xf32, #tpu.memory_space<vmem>>
      %dma_wait3A_1261 = tpu.memref_squeeze %dma_wait3A_1260 : memref<1x100x64xf32, #tpu.memory_space<vmem>> -> memref<100x64xf32, #tpu.memory_space<vmem>>
      %dma_wait3A_1262 = arith.constant 0 : i32
      %dma_wait3A_1263 = tpu.memref_slice %arg5[%add3A_1256, %dma_wait3A_1262] : memref<256x100xi32, #tpu.memory_space<vmem>> -> memref<1x100xi32, #tpu.memory_space<vmem>>
      %dma_wait3A_1264 = tpu.memref_squeeze %dma_wait3A_1263 : memref<1x100xi32, #tpu.memory_space<vmem>> -> memref<100xi32, #tpu.memory_space<vmem>>
      %dma_wait3A_1265 = arith.constant 0 : i32
      %dma_wait3A_1266 = arith.constant 0 : i32
      %dma_wait3A_1267 = tpu.memref_slice %arg3[%dma_wait3A_1265, %dma_wait3A_1266] : memref<1000000x64xf32, #tpu.memory_space<hbm>> -> memref<1000000x64xf32, #tpu.memory_space<hbm>>
      tpu.wait_indirect_dma semaphore(%arg10 : memref<!tpu.dma_semaphore, #tpu.memory_space<semaphore_mem>>) src(%dma_wait3A_1267 : memref<1000000x64xf32, #tpu.memory_space<hbm>>) dst(%dma_wait3A_1261 : memref<100x64xf32, #tpu.memory_space<vmem>>)
      %broadcast_in_dim3A_1268 = arith.constant 0.000000e+00 : f32
      %broadcast_in_dim3A_1269 = vector.broadcast %broadcast_in_dim3A_1268 : f32 to vector<16xf32>
      %broadcast_in_dim3A_1270 = arith.constant 0.000000e+00 : f32
      %broadcast_in_dim3A_1271 = vector.broadcast %broadcast_in_dim3A_1270 : f32 to vector<16xf32>
      %broadcast_in_dim3A_1272 = arith.constant 0.000000e+00 : f32
      %broadcast_in_dim3A_1273 = vector.broadcast %broadcast_in_dim3A_1272 : f32 to vector<16xf32>
      %broadcast_in_dim3A_1274 = arith.constant 0.000000e+00 : f32
      %broadcast_in_dim3A_1275 = vector.broadcast %broadcast_in_dim3A_1274 : f32 to vector<16xf32>
      %scan3A_1276 = arith.constant 0 : i32
      %scan3A_1277 = arith.constant 50 : i32
      %scan3A_1278 = arith.addi %scan3A_1276, %scan3A_1277 : i32
      %scan3A_1279 = arith.constant 2 : i32
      %scan3A_1280:4 = scf.for %scan3A_2023 = %scan3A_1276 to %scan3A_1278 step %scan3A_1279 iter_args(%scan3A_2024 = %broadcast_in_dim3A_1269, %scan3A_2025 = %broadcast_in_dim3A_1271, %scan3A_2026 = %broadcast_in_dim3A_1273, %scan3A_2027 = %broadcast_in_dim3A_1275) -> (vector<16xf32>, vector<16xf32>, vector<16xf32>, vector<16xf32>)  : i32 {
        %add3A_2028 = arith.constant 0 : i32
        %add3A_2029 = arith.addi %add3A_2028, %scan3A_2023 : i32
        %get3A = arith.constant 2 : i32
        %get3A_2030 = arith.index_cast %get3A : i32 to index
        %get3A_2031 = arith.index_cast %add3A_2029 : i32 to index
        %get3A_2032 = arith.constant 0 : index
        %get3A_2033 = tpu.vector_load %arg6[%get3A_2030, %get3A_2031, %get3A_2032] {strides = array<i32>} : memref<8x100x64xf32, #tpu.memory_space<vmem>>, vector<1x1x16xf32>,
        %get3A_2034 = vector.shape_cast %get3A_2033 : vector<1x1x16xf32> to vector<16xf32>
        %add3A_2035 = arith.addf %scan3A_2024, %get3A_2034 : vector<16xf32>
        %get3A_2036 = arith.constant 2 : i32
        %get3A_2037 = arith.index_cast %get3A_2036 : i32 to index
        %get3A_2038 = arith.index_cast %add3A_2029 : i32 to index
        %get3A_2039 = arith.constant 16 : index
        %get3A_2040 = tpu.vector_load %arg6[%get3A_2037, %get3A_2038, %get3A_2039] {strides = array<i32>} : memref<8x100x64xf32, #tpu.memory_space<vmem>>, vector<1x1x16xf32>,
        %get3A_2041 = vector.shape_cast %get3A_2040 : vector<1x1x16xf32> to vector<16xf32>
        %add3A_2042 = arith.addf %scan3A_2025, %get3A_2041 : vector<16xf32>
        %get3A_2043 = arith.constant 2 : i32
        %get3A_2044 = arith.index_cast %get3A_2043 : i32 to index
        %get3A_2045 = arith.index_cast %add3A_2029 : i32 to index
        %get3A_2046 = arith.constant 32 : index
        %get3A_2047 = tpu.vector_load %arg6[%get3A_2044, %get3A_2045, %get3A_2046] {strides = array<i32>} : memref<8x100x64xf32, #tpu.memory_space<vmem>>, vector<1x1x16xf32>,
        %get3A_2048 = vector.shape_cast %get3A_2047 : vector<1x1x16xf32> to vector<16xf32>
        %add3A_2049 = arith.addf %scan3A_2026, %get3A_2048 : vector<16xf32>
        %get3A_2050 = arith.constant 2 : i32
        %get3A_2051 = arith.index_cast %get3A_2050 : i32 to index
        %get3A_2052 = arith.index_cast %add3A_2029 : i32 to index
        %get3A_2053 = arith.constant 48 : index
        %get3A_2054 = tpu.vector_load %arg6[%get3A_2051, %get3A_2052, %get3A_2053] {strides = array<i32>} : memref<8x100x64xf32, #tpu.memory_space<vmem>>, vector<1x1x16xf32>,
        %get3A_2055 = vector.shape_cast %get3A_2054 : vector<1x1x16xf32> to vector<16xf32>
        %add3A_2056 = arith.addf %scan3A_2027, %get3A_2055 : vector<16xf32>
        %scan3A_2057 = arith.constant 1 : i32
        %scan3A_2058 = arith.addi %scan3A_2023, %scan3A_2057 : i32
        %add3A_2059 = arith.constant 0 : i32
        %add3A_2060 = arith.addi %add3A_2059, %scan3A_2058 : i32
        %get3A_2061 = arith.constant 2 : i32
        %get3A_2062 = arith.index_cast %get3A_2061 : i32 to index
        %get3A_2063 = arith.index_cast %add3A_2060 : i32 to index
        %get3A_2064 = arith.constant 0 : index
        %get3A_2065 = tpu.vector_load %arg6[%get3A_2062, %get3A_2063, %get3A_2064] {strides = array<i32>} : memref<8x100x64xf32, #tpu.memory_space<vmem>>, vector<1x1x16xf32>,
        %get3A_2066 = vector.shape_cast %get3A_2065 : vector<1x1x16xf32> to vector<16xf32>
        %add3A_2067 = arith.addf %add3A_2035, %get3A_2066 : vector<16xf32>
        %get3A_2068 = arith.constant 2 : i32
        %get3A_2069 = arith.index_cast %get3A_2068 : i32 to index
        %get3A_2070 = arith.index_cast %add3A_2060 : i32 to index
        %get3A_2071 = arith.constant 16 : index
        %get3A_2072 = tpu.vector_load %arg6[%get3A_2069, %get3A_2070, %get3A_2071] {strides = array<i32>} : memref<8x100x64xf32, #tpu.memory_space<vmem>>, vector<1x1x16xf32>,
        %get3A_2073 = vector.shape_cast %get3A_2072 : vector<1x1x16xf32> to vector<16xf32>
        %add3A_2074 = arith.addf %add3A_2042, %get3A_2073 : vector<16xf32>
        %get3A_2075 = arith.constant 2 : i32
        %get3A_2076 = arith.index_cast %get3A_2075 : i32 to index
        %get3A_2077 = arith.index_cast %add3A_2060 : i32 to index
        %get3A_2078 = arith.constant 32 : index
        %get3A_2079 = tpu.vector_load %arg6[%get3A_2076, %get3A_2077, %get3A_2078] {strides = array<i32>} : memref<8x100x64xf32, #tpu.memory_space<vmem>>, vector<1x1x16xf32>,
        %get3A_2080 = vector.shape_cast %get3A_2079 : vector<1x1x16xf32> to vector<16xf32>
        %add3A_2081 = arith.addf %add3A_2049, %get3A_2080 : vector<16xf32>
        %get3A_2082 = arith.constant 2 : i32
        %get3A_2083 = arith.index_cast %get3A_2082 : i32 to index
        %get3A_2084 = arith.index_cast %add3A_2060 : i32 to index
        %get3A_2085 = arith.constant 48 : index
        %get3A_2086 = tpu.vector_load %arg6[%get3A_2083, %get3A_2084, %get3A_2085] {strides = array<i32>} : memref<8x100x64xf32, #tpu.memory_space<vmem>>, vector<1x1x16xf32>,
        %get3A_2087 = vector.shape_cast %get3A_2086 : vector<1x1x16xf32> to vector<16xf32>
        %add3A_2088 = arith.addf %add3A_2056, %get3A_2087 : vector<16xf32>
        scf.yield %add3A_2067, %add3A_2074, %add3A_2081, %add3A_2088 : vector<16xf32>, vector<16xf32>, vector<16xf32>, vector<16xf32>
      }
      %scan3A_1281 = arith.constant 50 : i32
      %mul3A_1282 = arith.constant 2 : i32
      %mul3A_1283 = arith.muli %add3A_1256, %mul3A_1282 : i32
      %add3A_1284 = arith.constant 0 : i32
      %add3A_1285 = arith.addi %mul3A_1283, %add3A_1284 : i32
      %mul3A_1286 = arith.constant 2.000000e-02 : f32
      %mul3A_1287 = vector.broadcast %mul3A_1286 : f32 to vector<16xf32>
      %mul3A_1288 = arith.mulf %scan3A_1280#0, %mul3A_1287 : vector<16xf32>
      %swap3A_1289 = arith.index_cast %add3A_1285 : i32 to index
      %swap3A_1290 = arith.constant 0 : index
      %swap3A_1291 = tpu.vector_load %arg7[%swap3A_1289, %swap3A_1290] {strides = array<i32>} : memref<512x64xf32, #tpu.memory_space<vmem>>, vector<1x16xf32>,
      %swap3A_1292 = vector.shape_cast %swap3A_1291 : vector<1x16xf32> to vector<16xf32>
      %swap3A_1293 = vector.shape_cast %mul3A_1288 : vector<16xf32> to vector<1x16xf32>
      tpu.vector_store %arg7[%swap3A_1289, %swap3A_1290], %swap3A_1293 {strides = array<i32>} : memref<512x64xf32, #tpu.memory_space<vmem>>, vector<1x16xf32>,
      %mul3A_1294 = arith.constant 2.000000e-02 : f32
      %mul3A_1295 = vector.broadcast %mul3A_1294 : f32 to vector<16xf32>
      %mul3A_1296 = arith.mulf %scan3A_1280#1, %mul3A_1295 : vector<16xf32>
      %swap3A_1297 = arith.index_cast %add3A_1285 : i32 to index
      %swap3A_1298 = arith.constant 16 : index
      %swap3A_1299 = tpu.vector_load %arg7[%swap3A_1297, %swap3A_1298] {strides = array<i32>} : memref<512x64xf32, #tpu.memory_space<vmem>>, vector<1x16xf32>,
      %swap3A_1300 = vector.shape_cast %swap3A_1299 : vector<1x16xf32> to vector<16xf32>
      %swap3A_1301 = vector.shape_cast %mul3A_1296 : vector<16xf32> to vector<1x16xf32>
      tpu.vector_store %arg7[%swap3A_1297, %swap3A_1298], %swap3A_1301 {strides = array<i32>} : memref<512x64xf32, #tpu.memory_space<vmem>>, vector<1x16xf32>,
      %mul3A_1302 = arith.constant 2.000000e-02 : f32
      %mul3A_1303 = vector.broadcast %mul3A_1302 : f32 to vector<16xf32>
      %mul3A_1304 = arith.mulf %scan3A_1280#2, %mul3A_1303 : vector<16xf32>
      %swap3A_1305 = arith.index_cast %add3A_1285 : i32 to index
      %swap3A_1306 = arith.constant 32 : index
      %swap3A_1307 = tpu.vector_load %arg7[%swap3A_1305, %swap3A_1306] {strides = array<i32>} : memref<512x64xf32, #tpu.memory_space<vmem>>, vector<1x16xf32>,
      %swap3A_1308 = vector.shape_cast %swap3A_1307 : vector<1x16xf32> to vector<16xf32>
      %swap3A_1309 = vector.shape_cast %mul3A_1304 : vector<16xf32> to vector<1x16xf32>
      tpu.vector_store %arg7[%swap3A_1305, %swap3A_1306], %swap3A_1309 {strides = array<i32>} : memref<512x64xf32, #tpu.memory_space<vmem>>, vector<1x16xf32>,
      %mul3A_1310 = arith.constant 2.000000e-02 : f32
      %mul3A_1311 = vector.broadcast %mul3A_1310 : f32 to vector<16xf32>
      %mul3A_1312 = arith.mulf %scan3A_1280#3, %mul3A_1311 : vector<16xf32>
      %swap3A_1313 = arith.index_cast %add3A_1285 : i32 to index
      %swap3A_1314 = arith.constant 48 : index
      %swap3A_1315 = tpu.vector_load %arg7[%swap3A_1313, %swap3A_1314] {strides = array<i32>} : memref<512x64xf32, #tpu.memory_space<vmem>>, vector<1x16xf32>,
      %swap3A_1316 = vector.shape_cast %swap3A_1315 : vector<1x16xf32> to vector<16xf32>
      %swap3A_1317 = vector.shape_cast %mul3A_1312 : vector<16xf32> to vector<1x16xf32>
      tpu.vector_store %arg7[%swap3A_1313, %swap3A_1314], %swap3A_1317 {strides = array<i32>} : memref<512x64xf32, #tpu.memory_space<vmem>>, vector<1x16xf32>,
      %broadcast_in_dim3A_1318 = arith.constant 0.000000e+00 : f32
      %broadcast_in_dim3A_1319 = vector.broadcast %broadcast_in_dim3A_1318 : f32 to vector<16xf32>
      %broadcast_in_dim3A_1320 = arith.constant 0.000000e+00 : f32
      %broadcast_in_dim3A_1321 = vector.broadcast %broadcast_in_dim3A_1320 : f32 to vector<16xf32>
      %broadcast_in_dim3A_1322 = arith.constant 0.000000e+00 : f32
      %broadcast_in_dim3A_1323 = vector.broadcast %broadcast_in_dim3A_1322 : f32 to vector<16xf32>
      %broadcast_in_dim3A_1324 = arith.constant 0.000000e+00 : f32
      %broadcast_in_dim3A_1325 = vector.broadcast %broadcast_in_dim3A_1324 : f32 to vector<16xf32>
      %scan3A_1326 = arith.constant 0 : i32
      %scan3A_1327 = arith.constant 50 : i32
      %scan3A_1328 = arith.addi %scan3A_1326, %scan3A_1327 : i32
      %scan3A_1329 = arith.constant 2 : i32
      %scan3A_1330:4 = scf.for %scan3A_2023 = %scan3A_1326 to %scan3A_1328 step %scan3A_1329 iter_args(%scan3A_2024 = %broadcast_in_dim3A_1319, %scan3A_2025 = %broadcast_in_dim3A_1321, %scan3A_2026 = %broadcast_in_dim3A_1323, %scan3A_2027 = %broadcast_in_dim3A_1325) -> (vector<16xf32>, vector<16xf32>, vector<16xf32>, vector<16xf32>)  : i32 {
        %add3A_2028 = arith.constant 50 : i32
        %add3A_2029 = arith.addi %add3A_2028, %scan3A_2023 : i32
        %get3A = arith.constant 2 : i32
        %get3A_2030 = arith.index_cast %get3A : i32 to index
        %get3A_2031 = arith.index_cast %add3A_2029 : i32 to index
        %get3A_2032 = arith.constant 0 : index
        %get3A_2033 = tpu.vector_load %arg6[%get3A_2030, %get3A_2031, %get3A_2032] {strides = array<i32>} : memref<8x100x64xf32, #tpu.memory_space<vmem>>, vector<1x1x16xf32>,
        %get3A_2034 = vector.shape_cast %get3A_2033 : vector<1x1x16xf32> to vector<16xf32>
        %add3A_2035 = arith.addf %scan3A_2024, %get3A_2034 : vector<16xf32>
        %get3A_2036 = arith.constant 2 : i32
        %get3A_2037 = arith.index_cast %get3A_2036 : i32 to index
        %get3A_2038 = arith.index_cast %add3A_2029 : i32 to index
        %get3A_2039 = arith.constant 16 : index
        %get3A_2040 = tpu.vector_load %arg6[%get3A_2037, %get3A_2038, %get3A_2039] {strides = array<i32>} : memref<8x100x64xf32, #tpu.memory_space<vmem>>, vector<1x1x16xf32>,
        %get3A_2041 = vector.shape_cast %get3A_2040 : vector<1x1x16xf32> to vector<16xf32>
        %add3A_2042 = arith.addf %scan3A_2025, %get3A_2041 : vector<16xf32>
        %get3A_2043 = arith.constant 2 : i32
        %get3A_2044 = arith.index_cast %get3A_2043 : i32 to index
        %get3A_2045 = arith.index_cast %add3A_2029 : i32 to index
        %get3A_2046 = arith.constant 32 : index
        %get3A_2047 = tpu.vector_load %arg6[%get3A_2044, %get3A_2045, %get3A_2046] {strides = array<i32>} : memref<8x100x64xf32, #tpu.memory_space<vmem>>, vector<1x1x16xf32>,
        %get3A_2048 = vector.shape_cast %get3A_2047 : vector<1x1x16xf32> to vector<16xf32>
        %add3A_2049 = arith.addf %scan3A_2026, %get3A_2048 : vector<16xf32>
        %get3A_2050 = arith.constant 2 : i32
        %get3A_2051 = arith.index_cast %get3A_2050 : i32 to index
        %get3A_2052 = arith.index_cast %add3A_2029 : i32 to index
        %get3A_2053 = arith.constant 48 : index
        %get3A_2054 = tpu.vector_load %arg6[%get3A_2051, %get3A_2052, %get3A_2053] {strides = array<i32>} : memref<8x100x64xf32, #tpu.memory_space<vmem>>, vector<1x1x16xf32>,
        %get3A_2055 = vector.shape_cast %get3A_2054 : vector<1x1x16xf32> to vector<16xf32>
        %add3A_2056 = arith.addf %scan3A_2027, %get3A_2055 : vector<16xf32>
        %scan3A_2057 = arith.constant 1 : i32
        %scan3A_2058 = arith.addi %scan3A_2023, %scan3A_2057 : i32
        %add3A_2059 = arith.constant 50 : i32
        %add3A_2060 = arith.addi %add3A_2059, %scan3A_2058 : i32
        %get3A_2061 = arith.constant 2 : i32
        %get3A_2062 = arith.index_cast %get3A_2061 : i32 to index
        %get3A_2063 = arith.index_cast %add3A_2060 : i32 to index
        %get3A_2064 = arith.constant 0 : index
        %get3A_2065 = tpu.vector_load %arg6[%get3A_2062, %get3A_2063, %get3A_2064] {strides = array<i32>} : memref<8x100x64xf32, #tpu.memory_space<vmem>>, vector<1x1x16xf32>,
        %get3A_2066 = vector.shape_cast %get3A_2065 : vector<1x1x16xf32> to vector<16xf32>
        %add3A_2067 = arith.addf %add3A_2035, %get3A_2066 : vector<16xf32>
        %get3A_2068 = arith.constant 2 : i32
        %get3A_2069 = arith.index_cast %get3A_2068 : i32 to index
        %get3A_2070 = arith.index_cast %add3A_2060 : i32 to index
        %get3A_2071 = arith.constant 16 : index
        %get3A_2072 = tpu.vector_load %arg6[%get3A_2069, %get3A_2070, %get3A_2071] {strides = array<i32>} : memref<8x100x64xf32, #tpu.memory_space<vmem>>, vector<1x1x16xf32>,
        %get3A_2073 = vector.shape_cast %get3A_2072 : vector<1x1x16xf32> to vector<16xf32>
        %add3A_2074 = arith.addf %add3A_2042, %get3A_2073 : vector<16xf32>
        %get3A_2075 = arith.constant 2 : i32
        %get3A_2076 = arith.index_cast %get3A_2075 : i32 to index
        %get3A_2077 = arith.index_cast %add3A_2060 : i32 to index
        %get3A_2078 = arith.constant 32 : index
        %get3A_2079 = tpu.vector_load %arg6[%get3A_2076, %get3A_2077, %get3A_2078] {strides = array<i32>} : memref<8x100x64xf32, #tpu.memory_space<vmem>>, vector<1x1x16xf32>,
        %get3A_2080 = vector.shape_cast %get3A_2079 : vector<1x1x16xf32> to vector<16xf32>
        %add3A_2081 = arith.addf %add3A_2049, %get3A_2080 : vector<16xf32>
        %get3A_2082 = arith.constant 2 : i32
        %get3A_2083 = arith.index_cast %get3A_2082 : i32 to index
        %get3A_2084 = arith.index_cast %add3A_2060 : i32 to index
        %get3A_2085 = arith.constant 48 : index
        %get3A_2086 = tpu.vector_load %arg6[%get3A_2083, %get3A_2084, %get3A_2085] {strides = array<i32>} : memref<8x100x64xf32, #tpu.memory_space<vmem>>, vector<1x1x16xf32>,
        %get3A_2087 = vector.shape_cast %get3A_2086 : vector<1x1x16xf32> to vector<16xf32>
        %add3A_2088 = arith.addf %add3A_2056, %get3A_2087 : vector<16xf32>
        scf.yield %add3A_2067, %add3A_2074, %add3A_2081, %add3A_2088 : vector<16xf32>, vector<16xf32>, vector<16xf32>, vector<16xf32>
      }
      %scan3A_1331 = arith.constant 50 : i32
      %mul3A_1332 = arith.constant 2 : i32
      %mul3A_1333 = arith.muli %add3A_1256, %mul3A_1332 : i32
      %add3A_1334 = arith.constant 1 : i32
      %add3A_1335 = arith.addi %mul3A_1333, %add3A_1334 : i32
      %mul3A_1336 = arith.constant 2.000000e-02 : f32
      %mul3A_1337 = vector.broadcast %mul3A_1336 : f32 to vector<16xf32>
      %mul3A_1338 = arith.mulf %scan3A_1330#0, %mul3A_1337 : vector<16xf32>
      %swap3A_1339 = arith.index_cast %add3A_1335 : i32 to index
      %swap3A_1340 = arith.constant 0 : index
      %swap3A_1341 = tpu.vector_load %arg7[%swap3A_1339, %swap3A_1340] {strides = array<i32>} : memref<512x64xf32, #tpu.memory_space<vmem>>, vector<1x16xf32>,
      %swap3A_1342 = vector.shape_cast %swap3A_1341 : vector<1x16xf32> to vector<16xf32>
      %swap3A_1343 = vector.shape_cast %mul3A_1338 : vector<16xf32> to vector<1x16xf32>
      tpu.vector_store %arg7[%swap3A_1339, %swap3A_1340], %swap3A_1343 {strides = array<i32>} : memref<512x64xf32, #tpu.memory_space<vmem>>, vector<1x16xf32>,
      %mul3A_1344 = arith.constant 2.000000e-02 : f32
      %mul3A_1345 = vector.broadcast %mul3A_1344 : f32 to vector<16xf32>
      %mul3A_1346 = arith.mulf %scan3A_1330#1, %mul3A_1345 : vector<16xf32>
      %swap3A_1347 = arith.index_cast %add3A_1335 : i32 to index
      %swap3A_1348 = arith.constant 16 : index
      %swap3A_1349 = tpu.vector_load %arg7[%swap3A_1347, %swap3A_1348] {strides = array<i32>} : memref<512x64xf32, #tpu.memory_space<vmem>>, vector<1x16xf32>,
      %swap3A_1350 = vector.shape_cast %swap3A_1349 : vector<1x16xf32> to vector<16xf32>
      %swap3A_1351 = vector.shape_cast %mul3A_1346 : vector<16xf32> to vector<1x16xf32>
      tpu.vector_store %arg7[%swap3A_1347, %swap3A_1348], %swap3A_1351 {strides = array<i32>} : memref<512x64xf32, #tpu.memory_space<vmem>>, vector<1x16xf32>,
      %mul3A_1352 = arith.constant 2.000000e-02 : f32
      %mul3A_1353 = vector.broadcast %mul3A_1352 : f32 to vector<16xf32>
      %mul3A_1354 = arith.mulf %scan3A_1330#2, %mul3A_1353 : vector<16xf32>
      %swap3A_1355 = arith.index_cast %add3A_1335 : i32 to index
      %swap3A_1356 = arith.constant 32 : index
      %swap3A_1357 = tpu.vector_load %arg7[%swap3A_1355, %swap3A_1356] {strides = array<i32>} : memref<512x64xf32, #tpu.memory_space<vmem>>, vector<1x16xf32>,
      %swap3A_1358 = vector.shape_cast %swap3A_1357 : vector<1x16xf32> to vector<16xf32>
      %swap3A_1359 = vector.shape_cast %mul3A_1354 : vector<16xf32> to vector<1x16xf32>
      tpu.vector_store %arg7[%swap3A_1355, %swap3A_1356], %swap3A_1359 {strides = array<i32>} : memref<512x64xf32, #tpu.memory_space<vmem>>, vector<1x16xf32>,
      %mul3A_1360 = arith.constant 2.000000e-02 : f32
      %mul3A_1361 = vector.broadcast %mul3A_1360 : f32 to vector<16xf32>
      %mul3A_1362 = arith.mulf %scan3A_1330#3, %mul3A_1361 : vector<16xf32>
      %swap3A_1363 = arith.index_cast %add3A_1335 : i32 to index
      %swap3A_1364 = arith.constant 48 : index
      %swap3A_1365 = tpu.vector_load %arg7[%swap3A_1363, %swap3A_1364] {strides = array<i32>} : memref<512x64xf32, #tpu.memory_space<vmem>>, vector<1x16xf32>,
      %swap3A_1366 = vector.shape_cast %swap3A_1365 : vector<1x16xf32> to vector<16xf32>
      %swap3A_1367 = vector.shape_cast %mul3A_1362 : vector<16xf32> to vector<1x16xf32>
      tpu.vector_store %arg7[%swap3A_1363, %swap3A_1364], %swap3A_1367 {strides = array<i32>} : memref<512x64xf32, #tpu.memory_space<vmem>>, vector<1x16xf32>,
      %add3A_1368 = arith.constant 2 : i32
      %add3A_1369 = arith.addi %mul3A_998, %add3A_1368 : i32
      %add3A_1370 = arith.constant 8 : i32
      %add3A_1371 = arith.addi %add3A_1369, %add3A_1370 : i32
      %dma_start3A_1372 = arith.constant 2 : i32
      %dma_start3A_1373 = arith.constant 0 : i32
      %dma_start3A_1374 = arith.constant 0 : i32
      %dma_start3A_1375 = tpu.memref_slice %arg6[%dma_start3A_1372, %dma_start3A_1373, %dma_start3A_1374] : memref<8x100x64xf32, #tpu.memory_space<vmem>> -> memref<1x100x64xf32, #tpu.memory_space<vmem>>
      %dma_start3A_1376 = tpu.memref_squeeze %dma_start3A_1375 : memref<1x100x64xf32, #tpu.memory_space<vmem>> -> memref<100x64xf32, #tpu.memory_space<vmem>>
      %dma_start3A_1377 = arith.constant 0 : i32
      %dma_start3A_1378 = tpu.memref_slice %arg5[%add3A_1371, %dma_start3A_1377] : memref<256x100xi32, #tpu.memory_space<vmem>> -> memref<1x100xi32, #tpu.memory_space<vmem>>
      %dma_start3A_1379 = tpu.memref_squeeze %dma_start3A_1378 : memref<1x100xi32, #tpu.memory_space<vmem>> -> memref<100xi32, #tpu.memory_space<vmem>>
      %dma_start3A_1380 = arith.constant 0 : i32
      %dma_start3A_1381 = arith.constant 0 : i32
      %dma_start3A_1382 = tpu.memref_slice %arg3[%dma_start3A_1380, %dma_start3A_1381] : memref<1000000x64xf32, #tpu.memory_space<hbm>> -> memref<1000000x64xf32, #tpu.memory_space<hbm>>
      tpu.enqueue_indirect_dma source(%dma_start3A_1382 : memref<1000000x64xf32, #tpu.memory_space<hbm>>) target(%dma_start3A_1376 : memref<100x64xf32, #tpu.memory_space<vmem>>) offsets(%dma_start3A_1379 : memref<100xi32, #tpu.memory_space<vmem>>) semaphore(%arg10 : memref<!tpu.dma_semaphore, #tpu.memory_space<semaphore_mem>>)
      %add3A_1383 = arith.constant 3 : i32
      %add3A_1384 = arith.addi %mul3A_998, %add3A_1383 : i32
      %dma_wait3A_1385 = arith.constant 3 : i32
      %dma_wait3A_1386 = arith.constant 0 : i32
      %dma_wait3A_1387 = arith.constant 0 : i32
      %dma_wait3A_1388 = tpu.memref_slice %arg6[%dma_wait3A_1385, %dma_wait3A_1386, %dma_wait3A_1387] : memref<8x100x64xf32, #tpu.memory_space<vmem>> -> memref<1x100x64xf32, #tpu.memory_space<vmem>>
      %dma_wait3A_1389 = tpu.memref_squeeze %dma_wait3A_1388 : memref<1x100x64xf32, #tpu.memory_space<vmem>> -> memref<100x64xf32, #tpu.memory_space<vmem>>
      %dma_wait3A_1390 = arith.constant 0 : i32
      %dma_wait3A_1391 = tpu.memref_slice %arg5[%add3A_1384, %dma_wait3A_1390] : memref<256x100xi32, #tpu.memory_space<vmem>> -> memref<1x100xi32, #tpu.memory_space<vmem>>
      %dma_wait3A_1392 = tpu.memref_squeeze %dma_wait3A_1391 : memref<1x100xi32, #tpu.memory_space<vmem>> -> memref<100xi32, #tpu.memory_space<vmem>>
      %dma_wait3A_1393 = arith.constant 0 : i32
      %dma_wait3A_1394 = arith.constant 0 : i32
      %dma_wait3A_1395 = tpu.memref_slice %arg3[%dma_wait3A_1393, %dma_wait3A_1394] : memref<1000000x64xf32, #tpu.memory_space<hbm>> -> memref<1000000x64xf32, #tpu.memory_space<hbm>>
      tpu.wait_indirect_dma semaphore(%arg11 : memref<!tpu.dma_semaphore, #tpu.memory_space<semaphore_mem>>) src(%dma_wait3A_1395 : memref<1000000x64xf32, #tpu.memory_space<hbm>>) dst(%dma_wait3A_1389 : memref<100x64xf32, #tpu.memory_space<vmem>>)
      %broadcast_in_dim3A_1396 = arith.constant 0.000000e+00 : f32
      %broadcast_in_dim3A_1397 = vector.broadcast %broadcast_in_dim3A_1396 : f32 to vector<16xf32>
      %broadcast_in_dim3A_1398 = arith.constant 0.000000e+00 : f32
      %broadcast_in_dim3A_1399 = vector.broadcast %broadcast_in_dim3A_1398 : f32 to vector<16xf32>
      %broadcast_in_dim3A_1400 = arith.constant 0.000000e+00 : f32
      %broadcast_in_dim3A_1401 = vector.broadcast %broadcast_in_dim3A_1400 : f32 to vector<16xf32>
      %broadcast_in_dim3A_1402 = arith.constant 0.000000e+00 : f32
      %broadcast_in_dim3A_1403 = vector.broadcast %broadcast_in_dim3A_1402 : f32 to vector<16xf32>
      %scan3A_1404 = arith.constant 0 : i32
      %scan3A_1405 = arith.constant 50 : i32
      %scan3A_1406 = arith.addi %scan3A_1404, %scan3A_1405 : i32
      %scan3A_1407 = arith.constant 2 : i32
      %scan3A_1408:4 = scf.for %scan3A_2023 = %scan3A_1404 to %scan3A_1406 step %scan3A_1407 iter_args(%scan3A_2024 = %broadcast_in_dim3A_1397, %scan3A_2025 = %broadcast_in_dim3A_1399, %scan3A_2026 = %broadcast_in_dim3A_1401, %scan3A_2027 = %broadcast_in_dim3A_1403) -> (vector<16xf32>, vector<16xf32>, vector<16xf32>, vector<16xf32>)  : i32 {
        %add3A_2028 = arith.constant 0 : i32
        %add3A_2029 = arith.addi %add3A_2028, %scan3A_2023 : i32
        %get3A = arith.constant 3 : i32
        %get3A_2030 = arith.index_cast %get3A : i32 to index
        %get3A_2031 = arith.index_cast %add3A_2029 : i32 to index
        %get3A_2032 = arith.constant 0 : index
        %get3A_2033 = tpu.vector_load %arg6[%get3A_2030, %get3A_2031, %get3A_2032] {strides = array<i32>} : memref<8x100x64xf32, #tpu.memory_space<vmem>>, vector<1x1x16xf32>,
        %get3A_2034 = vector.shape_cast %get3A_2033 : vector<1x1x16xf32> to vector<16xf32>
        %add3A_2035 = arith.addf %scan3A_2024, %get3A_2034 : vector<16xf32>
        %get3A_2036 = arith.constant 3 : i32
        %get3A_2037 = arith.index_cast %get3A_2036 : i32 to index
        %get3A_2038 = arith.index_cast %add3A_2029 : i32 to index
        %get3A_2039 = arith.constant 16 : index
        %get3A_2040 = tpu.vector_load %arg6[%get3A_2037, %get3A_2038, %get3A_2039] {strides = array<i32>} : memref<8x100x64xf32, #tpu.memory_space<vmem>>, vector<1x1x16xf32>,
        %get3A_2041 = vector.shape_cast %get3A_2040 : vector<1x1x16xf32> to vector<16xf32>
        %add3A_2042 = arith.addf %scan3A_2025, %get3A_2041 : vector<16xf32>
        %get3A_2043 = arith.constant 3 : i32
        %get3A_2044 = arith.index_cast %get3A_2043 : i32 to index
        %get3A_2045 = arith.index_cast %add3A_2029 : i32 to index
        %get3A_2046 = arith.constant 32 : index
        %get3A_2047 = tpu.vector_load %arg6[%get3A_2044, %get3A_2045, %get3A_2046] {strides = array<i32>} : memref<8x100x64xf32, #tpu.memory_space<vmem>>, vector<1x1x16xf32>,
        %get3A_2048 = vector.shape_cast %get3A_2047 : vector<1x1x16xf32> to vector<16xf32>
        %add3A_2049 = arith.addf %scan3A_2026, %get3A_2048 : vector<16xf32>
        %get3A_2050 = arith.constant 3 : i32
        %get3A_2051 = arith.index_cast %get3A_2050 : i32 to index
        %get3A_2052 = arith.index_cast %add3A_2029 : i32 to index
        %get3A_2053 = arith.constant 48 : index
        %get3A_2054 = tpu.vector_load %arg6[%get3A_2051, %get3A_2052, %get3A_2053] {strides = array<i32>} : memref<8x100x64xf32, #tpu.memory_space<vmem>>, vector<1x1x16xf32>,
        %get3A_2055 = vector.shape_cast %get3A_2054 : vector<1x1x16xf32> to vector<16xf32>
        %add3A_2056 = arith.addf %scan3A_2027, %get3A_2055 : vector<16xf32>
        %scan3A_2057 = arith.constant 1 : i32
        %scan3A_2058 = arith.addi %scan3A_2023, %scan3A_2057 : i32
        %add3A_2059 = arith.constant 0 : i32
        %add3A_2060 = arith.addi %add3A_2059, %scan3A_2058 : i32
        %get3A_2061 = arith.constant 3 : i32
        %get3A_2062 = arith.index_cast %get3A_2061 : i32 to index
        %get3A_2063 = arith.index_cast %add3A_2060 : i32 to index
        %get3A_2064 = arith.constant 0 : index
        %get3A_2065 = tpu.vector_load %arg6[%get3A_2062, %get3A_2063, %get3A_2064] {strides = array<i32>} : memref<8x100x64xf32, #tpu.memory_space<vmem>>, vector<1x1x16xf32>,
        %get3A_2066 = vector.shape_cast %get3A_2065 : vector<1x1x16xf32> to vector<16xf32>
        %add3A_2067 = arith.addf %add3A_2035, %get3A_2066 : vector<16xf32>
        %get3A_2068 = arith.constant 3 : i32
        %get3A_2069 = arith.index_cast %get3A_2068 : i32 to index
        %get3A_2070 = arith.index_cast %add3A_2060 : i32 to index
        %get3A_2071 = arith.constant 16 : index
        %get3A_2072 = tpu.vector_load %arg6[%get3A_2069, %get3A_2070, %get3A_2071] {strides = array<i32>} : memref<8x100x64xf32, #tpu.memory_space<vmem>>, vector<1x1x16xf32>,
        %get3A_2073 = vector.shape_cast %get3A_2072 : vector<1x1x16xf32> to vector<16xf32>
        %add3A_2074 = arith.addf %add3A_2042, %get3A_2073 : vector<16xf32>
        %get3A_2075 = arith.constant 3 : i32
        %get3A_2076 = arith.index_cast %get3A_2075 : i32 to index
        %get3A_2077 = arith.index_cast %add3A_2060 : i32 to index
        %get3A_2078 = arith.constant 32 : index
        %get3A_2079 = tpu.vector_load %arg6[%get3A_2076, %get3A_2077, %get3A_2078] {strides = array<i32>} : memref<8x100x64xf32, #tpu.memory_space<vmem>>, vector<1x1x16xf32>,
        %get3A_2080 = vector.shape_cast %get3A_2079 : vector<1x1x16xf32> to vector<16xf32>
        %add3A_2081 = arith.addf %add3A_2049, %get3A_2080 : vector<16xf32>
        %get3A_2082 = arith.constant 3 : i32
        %get3A_2083 = arith.index_cast %get3A_2082 : i32 to index
        %get3A_2084 = arith.index_cast %add3A_2060 : i32 to index
        %get3A_2085 = arith.constant 48 : index
        %get3A_2086 = tpu.vector_load %arg6[%get3A_2083, %get3A_2084, %get3A_2085] {strides = array<i32>} : memref<8x100x64xf32, #tpu.memory_space<vmem>>, vector<1x1x16xf32>,
        %get3A_2087 = vector.shape_cast %get3A_2086 : vector<1x1x16xf32> to vector<16xf32>
        %add3A_2088 = arith.addf %add3A_2056, %get3A_2087 : vector<16xf32>
        scf.yield %add3A_2067, %add3A_2074, %add3A_2081, %add3A_2088 : vector<16xf32>, vector<16xf32>, vector<16xf32>, vector<16xf32>
      }
      %scan3A_1409 = arith.constant 50 : i32
      %mul3A_1410 = arith.constant 2 : i32
      %mul3A_1411 = arith.muli %add3A_1384, %mul3A_1410 : i32
      %add3A_1412 = arith.constant 0 : i32
      %add3A_1413 = arith.addi %mul3A_1411, %add3A_1412 : i32
      %mul3A_1414 = arith.constant 2.000000e-02 : f32
      %mul3A_1415 = vector.broadcast %mul3A_1414 : f32 to vector<16xf32>
      %mul3A_1416 = arith.mulf %scan3A_1408#0, %mul3A_1415 : vector<16xf32>
      %swap3A_1417 = arith.index_cast %add3A_1413 : i32 to index
      %swap3A_1418 = arith.constant 0 : index
      %swap3A_1419 = tpu.vector_load %arg7[%swap3A_1417, %swap3A_1418] {strides = array<i32>} : memref<512x64xf32, #tpu.memory_space<vmem>>, vector<1x16xf32>,
      %swap3A_1420 = vector.shape_cast %swap3A_1419 : vector<1x16xf32> to vector<16xf32>
      %swap3A_1421 = vector.shape_cast %mul3A_1416 : vector<16xf32> to vector<1x16xf32>
      tpu.vector_store %arg7[%swap3A_1417, %swap3A_1418], %swap3A_1421 {strides = array<i32>} : memref<512x64xf32, #tpu.memory_space<vmem>>, vector<1x16xf32>,
      %mul3A_1422 = arith.constant 2.000000e-02 : f32
      %mul3A_1423 = vector.broadcast %mul3A_1422 : f32 to vector<16xf32>
      %mul3A_1424 = arith.mulf %scan3A_1408#1, %mul3A_1423 : vector<16xf32>
      %swap3A_1425 = arith.index_cast %add3A_1413 : i32 to index
      %swap3A_1426 = arith.constant 16 : index
      %swap3A_1427 = tpu.vector_load %arg7[%swap3A_1425, %swap3A_1426] {strides = array<i32>} : memref<512x64xf32, #tpu.memory_space<vmem>>, vector<1x16xf32>,
      %swap3A_1428 = vector.shape_cast %swap3A_1427 : vector<1x16xf32> to vector<16xf32>
      %swap3A_1429 = vector.shape_cast %mul3A_1424 : vector<16xf32> to vector<1x16xf32>
      tpu.vector_store %arg7[%swap3A_1425, %swap3A_1426], %swap3A_1429 {strides = array<i32>} : memref<512x64xf32, #tpu.memory_space<vmem>>, vector<1x16xf32>,
      %mul3A_1430 = arith.constant 2.000000e-02 : f32
      %mul3A_1431 = vector.broadcast %mul3A_1430 : f32 to vector<16xf32>
      %mul3A_1432 = arith.mulf %scan3A_1408#2, %mul3A_1431 : vector<16xf32>
      %swap3A_1433 = arith.index_cast %add3A_1413 : i32 to index
      %swap3A_1434 = arith.constant 32 : index
      %swap3A_1435 = tpu.vector_load %arg7[%swap3A_1433, %swap3A_1434] {strides = array<i32>} : memref<512x64xf32, #tpu.memory_space<vmem>>, vector<1x16xf32>,
      %swap3A_1436 = vector.shape_cast %swap3A_1435 : vector<1x16xf32> to vector<16xf32>
      %swap3A_1437 = vector.shape_cast %mul3A_1432 : vector<16xf32> to vector<1x16xf32>
      tpu.vector_store %arg7[%swap3A_1433, %swap3A_1434], %swap3A_1437 {strides = array<i32>} : memref<512x64xf32, #tpu.memory_space<vmem>>, vector<1x16xf32>,
      %mul3A_1438 = arith.constant 2.000000e-02 : f32
      %mul3A_1439 = vector.broadcast %mul3A_1438 : f32 to vector<16xf32>
      %mul3A_1440 = arith.mulf %scan3A_1408#3, %mul3A_1439 : vector<16xf32>
      %swap3A_1441 = arith.index_cast %add3A_1413 : i32 to index
      %swap3A_1442 = arith.constant 48 : index
      %swap3A_1443 = tpu.vector_load %arg7[%swap3A_1441, %swap3A_1442] {strides = array<i32>} : memref<512x64xf32, #tpu.memory_space<vmem>>, vector<1x16xf32>,
      %swap3A_1444 = vector.shape_cast %swap3A_1443 : vector<1x16xf32> to vector<16xf32>
      %swap3A_1445 = vector.shape_cast %mul3A_1440 : vector<16xf32> to vector<1x16xf32>
      tpu.vector_store %arg7[%swap3A_1441, %swap3A_1442], %swap3A_1445 {strides = array<i32>} : memref<512x64xf32, #tpu.memory_space<vmem>>, vector<1x16xf32>,
      %broadcast_in_dim3A_1446 = arith.constant 0.000000e+00 : f32
      %broadcast_in_dim3A_1447 = vector.broadcast %broadcast_in_dim3A_1446 : f32 to vector<16xf32>
      %broadcast_in_dim3A_1448 = arith.constant 0.000000e+00 : f32
      %broadcast_in_dim3A_1449 = vector.broadcast %broadcast_in_dim3A_1448 : f32 to vector<16xf32>
      %broadcast_in_dim3A_1450 = arith.constant 0.000000e+00 : f32
      %broadcast_in_dim3A_1451 = vector.broadcast %broadcast_in_dim3A_1450 : f32 to vector<16xf32>
      %broadcast_in_dim3A_1452 = arith.constant 0.000000e+00 : f32
      %broadcast_in_dim3A_1453 = vector.broadcast %broadcast_in_dim3A_1452 : f32 to vector<16xf32>
      %scan3A_1454 = arith.constant 0 : i32
      %scan3A_1455 = arith.constant 50 : i32
      %scan3A_1456 = arith.addi %scan3A_1454, %scan3A_1455 : i32
      %scan3A_1457 = arith.constant 2 : i32
      %scan3A_1458:4 = scf.for %scan3A_2023 = %scan3A_1454 to %scan3A_1456 step %scan3A_1457 iter_args(%scan3A_2024 = %broadcast_in_dim3A_1447, %scan3A_2025 = %broadcast_in_dim3A_1449, %scan3A_2026 = %broadcast_in_dim3A_1451, %scan3A_2027 = %broadcast_in_dim3A_1453) -> (vector<16xf32>, vector<16xf32>, vector<16xf32>, vector<16xf32>)  : i32 {
        %add3A_2028 = arith.constant 50 : i32
        %add3A_2029 = arith.addi %add3A_2028, %scan3A_2023 : i32
        %get3A = arith.constant 3 : i32
        %get3A_2030 = arith.index_cast %get3A : i32 to index
        %get3A_2031 = arith.index_cast %add3A_2029 : i32 to index
        %get3A_2032 = arith.constant 0 : index
        %get3A_2033 = tpu.vector_load %arg6[%get3A_2030, %get3A_2031, %get3A_2032] {strides = array<i32>} : memref<8x100x64xf32, #tpu.memory_space<vmem>>, vector<1x1x16xf32>,
        %get3A_2034 = vector.shape_cast %get3A_2033 : vector<1x1x16xf32> to vector<16xf32>
        %add3A_2035 = arith.addf %scan3A_2024, %get3A_2034 : vector<16xf32>
        %get3A_2036 = arith.constant 3 : i32
        %get3A_2037 = arith.index_cast %get3A_2036 : i32 to index
        %get3A_2038 = arith.index_cast %add3A_2029 : i32 to index
        %get3A_2039 = arith.constant 16 : index
        %get3A_2040 = tpu.vector_load %arg6[%get3A_2037, %get3A_2038, %get3A_2039] {strides = array<i32>} : memref<8x100x64xf32, #tpu.memory_space<vmem>>, vector<1x1x16xf32>,
        %get3A_2041 = vector.shape_cast %get3A_2040 : vector<1x1x16xf32> to vector<16xf32>
        %add3A_2042 = arith.addf %scan3A_2025, %get3A_2041 : vector<16xf32>
        %get3A_2043 = arith.constant 3 : i32
        %get3A_2044 = arith.index_cast %get3A_2043 : i32 to index
        %get3A_2045 = arith.index_cast %add3A_2029 : i32 to index
        %get3A_2046 = arith.constant 32 : index
        %get3A_2047 = tpu.vector_load %arg6[%get3A_2044, %get3A_2045, %get3A_2046] {strides = array<i32>} : memref<8x100x64xf32, #tpu.memory_space<vmem>>, vector<1x1x16xf32>,
        %get3A_2048 = vector.shape_cast %get3A_2047 : vector<1x1x16xf32> to vector<16xf32>
        %add3A_2049 = arith.addf %scan3A_2026, %get3A_2048 : vector<16xf32>
        %get3A_2050 = arith.constant 3 : i32
        %get3A_2051 = arith.index_cast %get3A_2050 : i32 to index
        %get3A_2052 = arith.index_cast %add3A_2029 : i32 to index
        %get3A_2053 = arith.constant 48 : index
        %get3A_2054 = tpu.vector_load %arg6[%get3A_2051, %get3A_2052, %get3A_2053] {strides = array<i32>} : memref<8x100x64xf32, #tpu.memory_space<vmem>>, vector<1x1x16xf32>,
        %get3A_2055 = vector.shape_cast %get3A_2054 : vector<1x1x16xf32> to vector<16xf32>
        %add3A_2056 = arith.addf %scan3A_2027, %get3A_2055 : vector<16xf32>
        %scan3A_2057 = arith.constant 1 : i32
        %scan3A_2058 = arith.addi %scan3A_2023, %scan3A_2057 : i32
        %add3A_2059 = arith.constant 50 : i32
        %add3A_2060 = arith.addi %add3A_2059, %scan3A_2058 : i32
        %get3A_2061 = arith.constant 3 : i32
        %get3A_2062 = arith.index_cast %get3A_2061 : i32 to index
        %get3A_2063 = arith.index_cast %add3A_2060 : i32 to index
        %get3A_2064 = arith.constant 0 : index
        %get3A_2065 = tpu.vector_load %arg6[%get3A_2062, %get3A_2063, %get3A_2064] {strides = array<i32>} : memref<8x100x64xf32, #tpu.memory_space<vmem>>, vector<1x1x16xf32>,
        %get3A_2066 = vector.shape_cast %get3A_2065 : vector<1x1x16xf32> to vector<16xf32>
        %add3A_2067 = arith.addf %add3A_2035, %get3A_2066 : vector<16xf32>
        %get3A_2068 = arith.constant 3 : i32
        %get3A_2069 = arith.index_cast %get3A_2068 : i32 to index
        %get3A_2070 = arith.index_cast %add3A_2060 : i32 to index
        %get3A_2071 = arith.constant 16 : index
        %get3A_2072 = tpu.vector_load %arg6[%get3A_2069, %get3A_2070, %get3A_2071] {strides = array<i32>} : memref<8x100x64xf32, #tpu.memory_space<vmem>>, vector<1x1x16xf32>,
        %get3A_2073 = vector.shape_cast %get3A_2072 : vector<1x1x16xf32> to vector<16xf32>
        %add3A_2074 = arith.addf %add3A_2042, %get3A_2073 : vector<16xf32>
        %get3A_2075 = arith.constant 3 : i32
        %get3A_2076 = arith.index_cast %get3A_2075 : i32 to index
        %get3A_2077 = arith.index_cast %add3A_2060 : i32 to index
        %get3A_2078 = arith.constant 32 : index
        %get3A_2079 = tpu.vector_load %arg6[%get3A_2076, %get3A_2077, %get3A_2078] {strides = array<i32>} : memref<8x100x64xf32, #tpu.memory_space<vmem>>, vector<1x1x16xf32>,
        %get3A_2080 = vector.shape_cast %get3A_2079 : vector<1x1x16xf32> to vector<16xf32>
        %add3A_2081 = arith.addf %add3A_2049, %get3A_2080 : vector<16xf32>
        %get3A_2082 = arith.constant 3 : i32
        %get3A_2083 = arith.index_cast %get3A_2082 : i32 to index
        %get3A_2084 = arith.index_cast %add3A_2060 : i32 to index
        %get3A_2085 = arith.constant 48 : index
        %get3A_2086 = tpu.vector_load %arg6[%get3A_2083, %get3A_2084, %get3A_2085] {strides = array<i32>} : memref<8x100x64xf32, #tpu.memory_space<vmem>>, vector<1x1x16xf32>,
        %get3A_2087 = vector.shape_cast %get3A_2086 : vector<1x1x16xf32> to vector<16xf32>
        %add3A_2088 = arith.addf %add3A_2056, %get3A_2087 : vector<16xf32>
        scf.yield %add3A_2067, %add3A_2074, %add3A_2081, %add3A_2088 : vector<16xf32>, vector<16xf32>, vector<16xf32>, vector<16xf32>
      }
      %scan3A_1459 = arith.constant 50 : i32
      %mul3A_1460 = arith.constant 2 : i32
      %mul3A_1461 = arith.muli %add3A_1384, %mul3A_1460 : i32
      %add3A_1462 = arith.constant 1 : i32
      %add3A_1463 = arith.addi %mul3A_1461, %add3A_1462 : i32
      %mul3A_1464 = arith.constant 2.000000e-02 : f32
      %mul3A_1465 = vector.broadcast %mul3A_1464 : f32 to vector<16xf32>
      %mul3A_1466 = arith.mulf %scan3A_1458#0, %mul3A_1465 : vector<16xf32>
      %swap3A_1467 = arith.index_cast %add3A_1463 : i32 to index
      %swap3A_1468 = arith.constant 0 : index
      %swap3A_1469 = tpu.vector_load %arg7[%swap3A_1467, %swap3A_1468] {strides = array<i32>} : memref<512x64xf32, #tpu.memory_space<vmem>>, vector<1x16xf32>,
      %swap3A_1470 = vector.shape_cast %swap3A_1469 : vector<1x16xf32> to vector<16xf32>
      %swap3A_1471 = vector.shape_cast %mul3A_1466 : vector<16xf32> to vector<1x16xf32>
      tpu.vector_store %arg7[%swap3A_1467, %swap3A_1468], %swap3A_1471 {strides = array<i32>} : memref<512x64xf32, #tpu.memory_space<vmem>>, vector<1x16xf32>,
      %mul3A_1472 = arith.constant 2.000000e-02 : f32
      %mul3A_1473 = vector.broadcast %mul3A_1472 : f32 to vector<16xf32>
      %mul3A_1474 = arith.mulf %scan3A_1458#1, %mul3A_1473 : vector<16xf32>
      %swap3A_1475 = arith.index_cast %add3A_1463 : i32 to index
      %swap3A_1476 = arith.constant 16 : index
      %swap3A_1477 = tpu.vector_load %arg7[%swap3A_1475, %swap3A_1476] {strides = array<i32>} : memref<512x64xf32, #tpu.memory_space<vmem>>, vector<1x16xf32>,
      %swap3A_1478 = vector.shape_cast %swap3A_1477 : vector<1x16xf32> to vector<16xf32>
      %swap3A_1479 = vector.shape_cast %mul3A_1474 : vector<16xf32> to vector<1x16xf32>
      tpu.vector_store %arg7[%swap3A_1475, %swap3A_1476], %swap3A_1479 {strides = array<i32>} : memref<512x64xf32, #tpu.memory_space<vmem>>, vector<1x16xf32>,
      %mul3A_1480 = arith.constant 2.000000e-02 : f32
      %mul3A_1481 = vector.broadcast %mul3A_1480 : f32 to vector<16xf32>
      %mul3A_1482 = arith.mulf %scan3A_1458#2, %mul3A_1481 : vector<16xf32>
      %swap3A_1483 = arith.index_cast %add3A_1463 : i32 to index
      %swap3A_1484 = arith.constant 32 : index
      %swap3A_1485 = tpu.vector_load %arg7[%swap3A_1483, %swap3A_1484] {strides = array<i32>} : memref<512x64xf32, #tpu.memory_space<vmem>>, vector<1x16xf32>,
      %swap3A_1486 = vector.shape_cast %swap3A_1485 : vector<1x16xf32> to vector<16xf32>
      %swap3A_1487 = vector.shape_cast %mul3A_1482 : vector<16xf32> to vector<1x16xf32>
      tpu.vector_store %arg7[%swap3A_1483, %swap3A_1484], %swap3A_1487 {strides = array<i32>} : memref<512x64xf32, #tpu.memory_space<vmem>>, vector<1x16xf32>,
      %mul3A_1488 = arith.constant 2.000000e-02 : f32
      %mul3A_1489 = vector.broadcast %mul3A_1488 : f32 to vector<16xf32>
      %mul3A_1490 = arith.mulf %scan3A_1458#3, %mul3A_1489 : vector<16xf32>
      %swap3A_1491 = arith.index_cast %add3A_1463 : i32 to index
      %swap3A_1492 = arith.constant 48 : index
      %swap3A_1493 = tpu.vector_load %arg7[%swap3A_1491, %swap3A_1492] {strides = array<i32>} : memref<512x64xf32, #tpu.memory_space<vmem>>, vector<1x16xf32>,
      %swap3A_1494 = vector.shape_cast %swap3A_1493 : vector<1x16xf32> to vector<16xf32>
      %swap3A_1495 = vector.shape_cast %mul3A_1490 : vector<16xf32> to vector<1x16xf32>
      tpu.vector_store %arg7[%swap3A_1491, %swap3A_1492], %swap3A_1495 {strides = array<i32>} : memref<512x64xf32, #tpu.memory_space<vmem>>, vector<1x16xf32>,
      %add3A_1496 = arith.constant 3 : i32
      %add3A_1497 = arith.addi %mul3A_998, %add3A_1496 : i32
      %add3A_1498 = arith.constant 8 : i32
      %add3A_1499 = arith.addi %add3A_1497, %add3A_1498 : i32
      %dma_start3A_1500 = arith.constant 3 : i32
      %dma_start3A_1501 = arith.constant 0 : i32
      %dma_start3A_1502 = arith.constant 0 : i32
      %dma_start3A_1503 = tpu.memref_slice %arg6[%dma_start3A_1500, %dma_start3A_1501, %dma_start3A_1502] : memref<8x100x64xf32, #tpu.memory_space<vmem>> -> memref<1x100x64xf32, #tpu.memory_space<vmem>>
      %dma_start3A_1504 = tpu.memref_squeeze %dma_start3A_1503 : memref<1x100x64xf32, #tpu.memory_space<vmem>> -> memref<100x64xf32, #tpu.memory_space<vmem>>
      %dma_start3A_1505 = arith.constant 0 : i32
      %dma_start3A_1506 = tpu.memref_slice %arg5[%add3A_1499, %dma_start3A_1505] : memref<256x100xi32, #tpu.memory_space<vmem>> -> memref<1x100xi32, #tpu.memory_space<vmem>>
      %dma_start3A_1507 = tpu.memref_squeeze %dma_start3A_1506 : memref<1x100xi32, #tpu.memory_space<vmem>> -> memref<100xi32, #tpu.memory_space<vmem>>
      %dma_start3A_1508 = arith.constant 0 : i32
      %dma_start3A_1509 = arith.constant 0 : i32
      %dma_start3A_1510 = tpu.memref_slice %arg3[%dma_start3A_1508, %dma_start3A_1509] : memref<1000000x64xf32, #tpu.memory_space<hbm>> -> memref<1000000x64xf32, #tpu.memory_space<hbm>>
      tpu.enqueue_indirect_dma source(%dma_start3A_1510 : memref<1000000x64xf32, #tpu.memory_space<hbm>>) target(%dma_start3A_1504 : memref<100x64xf32, #tpu.memory_space<vmem>>) offsets(%dma_start3A_1507 : memref<100xi32, #tpu.memory_space<vmem>>) semaphore(%arg11 : memref<!tpu.dma_semaphore, #tpu.memory_space<semaphore_mem>>)
      %add3A_1511 = arith.constant 4 : i32
      %add3A_1512 = arith.addi %mul3A_998, %add3A_1511 : i32
      %dma_wait3A_1513 = arith.constant 4 : i32
      %dma_wait3A_1514 = arith.constant 0 : i32
      %dma_wait3A_1515 = arith.constant 0 : i32
      %dma_wait3A_1516 = tpu.memref_slice %arg6[%dma_wait3A_1513, %dma_wait3A_1514, %dma_wait3A_1515] : memref<8x100x64xf32, #tpu.memory_space<vmem>> -> memref<1x100x64xf32, #tpu.memory_space<vmem>>
      %dma_wait3A_1517 = tpu.memref_squeeze %dma_wait3A_1516 : memref<1x100x64xf32, #tpu.memory_space<vmem>> -> memref<100x64xf32, #tpu.memory_space<vmem>>
      %dma_wait3A_1518 = arith.constant 0 : i32
      %dma_wait3A_1519 = tpu.memref_slice %arg5[%add3A_1512, %dma_wait3A_1518] : memref<256x100xi32, #tpu.memory_space<vmem>> -> memref<1x100xi32, #tpu.memory_space<vmem>>
      %dma_wait3A_1520 = tpu.memref_squeeze %dma_wait3A_1519 : memref<1x100xi32, #tpu.memory_space<vmem>> -> memref<100xi32, #tpu.memory_space<vmem>>
      %dma_wait3A_1521 = arith.constant 0 : i32
      %dma_wait3A_1522 = arith.constant 0 : i32
      %dma_wait3A_1523 = tpu.memref_slice %arg3[%dma_wait3A_1521, %dma_wait3A_1522] : memref<1000000x64xf32, #tpu.memory_space<hbm>> -> memref<1000000x64xf32, #tpu.memory_space<hbm>>
      tpu.wait_indirect_dma semaphore(%arg12 : memref<!tpu.dma_semaphore, #tpu.memory_space<semaphore_mem>>) src(%dma_wait3A_1523 : memref<1000000x64xf32, #tpu.memory_space<hbm>>) dst(%dma_wait3A_1517 : memref<100x64xf32, #tpu.memory_space<vmem>>)
      %broadcast_in_dim3A_1524 = arith.constant 0.000000e+00 : f32
      %broadcast_in_dim3A_1525 = vector.broadcast %broadcast_in_dim3A_1524 : f32 to vector<16xf32>
      %broadcast_in_dim3A_1526 = arith.constant 0.000000e+00 : f32
      %broadcast_in_dim3A_1527 = vector.broadcast %broadcast_in_dim3A_1526 : f32 to vector<16xf32>
      %broadcast_in_dim3A_1528 = arith.constant 0.000000e+00 : f32
      %broadcast_in_dim3A_1529 = vector.broadcast %broadcast_in_dim3A_1528 : f32 to vector<16xf32>
      %broadcast_in_dim3A_1530 = arith.constant 0.000000e+00 : f32
      %broadcast_in_dim3A_1531 = vector.broadcast %broadcast_in_dim3A_1530 : f32 to vector<16xf32>
      %scan3A_1532 = arith.constant 0 : i32
      %scan3A_1533 = arith.constant 50 : i32
      %scan3A_1534 = arith.addi %scan3A_1532, %scan3A_1533 : i32
      %scan3A_1535 = arith.constant 2 : i32
      %scan3A_1536:4 = scf.for %scan3A_2023 = %scan3A_1532 to %scan3A_1534 step %scan3A_1535 iter_args(%scan3A_2024 = %broadcast_in_dim3A_1525, %scan3A_2025 = %broadcast_in_dim3A_1527, %scan3A_2026 = %broadcast_in_dim3A_1529, %scan3A_2027 = %broadcast_in_dim3A_1531) -> (vector<16xf32>, vector<16xf32>, vector<16xf32>, vector<16xf32>)  : i32 {
        %add3A_2028 = arith.constant 0 : i32
        %add3A_2029 = arith.addi %add3A_2028, %scan3A_2023 : i32
        %get3A = arith.constant 4 : i32
        %get3A_2030 = arith.index_cast %get3A : i32 to index
        %get3A_2031 = arith.index_cast %add3A_2029 : i32 to index
        %get3A_2032 = arith.constant 0 : index
        %get3A_2033 = tpu.vector_load %arg6[%get3A_2030, %get3A_2031, %get3A_2032] {strides = array<i32>} : memref<8x100x64xf32, #tpu.memory_space<vmem>>, vector<1x1x16xf32>,
        %get3A_2034 = vector.shape_cast %get3A_2033 : vector<1x1x16xf32> to vector<16xf32>
        %add3A_2035 = arith.addf %scan3A_2024, %get3A_2034 : vector<16xf32>
        %get3A_2036 = arith.constant 4 : i32
        %get3A_2037 = arith.index_cast %get3A_2036 : i32 to index
        %get3A_2038 = arith.index_cast %add3A_2029 : i32 to index
        %get3A_2039 = arith.constant 16 : index
        %get3A_2040 = tpu.vector_load %arg6[%get3A_2037, %get3A_2038, %get3A_2039] {strides = array<i32>} : memref<8x100x64xf32, #tpu.memory_space<vmem>>, vector<1x1x16xf32>,
        %get3A_2041 = vector.shape_cast %get3A_2040 : vector<1x1x16xf32> to vector<16xf32>
        %add3A_2042 = arith.addf %scan3A_2025, %get3A_2041 : vector<16xf32>
        %get3A_2043 = arith.constant 4 : i32
        %get3A_2044 = arith.index_cast %get3A_2043 : i32 to index
        %get3A_2045 = arith.index_cast %add3A_2029 : i32 to index
        %get3A_2046 = arith.constant 32 : index
        %get3A_2047 = tpu.vector_load %arg6[%get3A_2044, %get3A_2045, %get3A_2046] {strides = array<i32>} : memref<8x100x64xf32, #tpu.memory_space<vmem>>, vector<1x1x16xf32>,
        %get3A_2048 = vector.shape_cast %get3A_2047 : vector<1x1x16xf32> to vector<16xf32>
        %add3A_2049 = arith.addf %scan3A_2026, %get3A_2048 : vector<16xf32>
        %get3A_2050 = arith.constant 4 : i32
        %get3A_2051 = arith.index_cast %get3A_2050 : i32 to index
        %get3A_2052 = arith.index_cast %add3A_2029 : i32 to index
        %get3A_2053 = arith.constant 48 : index
        %get3A_2054 = tpu.vector_load %arg6[%get3A_2051, %get3A_2052, %get3A_2053] {strides = array<i32>} : memref<8x100x64xf32, #tpu.memory_space<vmem>>, vector<1x1x16xf32>,
        %get3A_2055 = vector.shape_cast %get3A_2054 : vector<1x1x16xf32> to vector<16xf32>
        %add3A_2056 = arith.addf %scan3A_2027, %get3A_2055 : vector<16xf32>
        %scan3A_2057 = arith.constant 1 : i32
        %scan3A_2058 = arith.addi %scan3A_2023, %scan3A_2057 : i32
        %add3A_2059 = arith.constant 0 : i32
        %add3A_2060 = arith.addi %add3A_2059, %scan3A_2058 : i32
        %get3A_2061 = arith.constant 4 : i32
        %get3A_2062 = arith.index_cast %get3A_2061 : i32 to index
        %get3A_2063 = arith.index_cast %add3A_2060 : i32 to index
        %get3A_2064 = arith.constant 0 : index
        %get3A_2065 = tpu.vector_load %arg6[%get3A_2062, %get3A_2063, %get3A_2064] {strides = array<i32>} : memref<8x100x64xf32, #tpu.memory_space<vmem>>, vector<1x1x16xf32>,
        %get3A_2066 = vector.shape_cast %get3A_2065 : vector<1x1x16xf32> to vector<16xf32>
        %add3A_2067 = arith.addf %add3A_2035, %get3A_2066 : vector<16xf32>
        %get3A_2068 = arith.constant 4 : i32
        %get3A_2069 = arith.index_cast %get3A_2068 : i32 to index
        %get3A_2070 = arith.index_cast %add3A_2060 : i32 to index
        %get3A_2071 = arith.constant 16 : index
        %get3A_2072 = tpu.vector_load %arg6[%get3A_2069, %get3A_2070, %get3A_2071] {strides = array<i32>} : memref<8x100x64xf32, #tpu.memory_space<vmem>>, vector<1x1x16xf32>,
        %get3A_2073 = vector.shape_cast %get3A_2072 : vector<1x1x16xf32> to vector<16xf32>
        %add3A_2074 = arith.addf %add3A_2042, %get3A_2073 : vector<16xf32>
        %get3A_2075 = arith.constant 4 : i32
        %get3A_2076 = arith.index_cast %get3A_2075 : i32 to index
        %get3A_2077 = arith.index_cast %add3A_2060 : i32 to index
        %get3A_2078 = arith.constant 32 : index
        %get3A_2079 = tpu.vector_load %arg6[%get3A_2076, %get3A_2077, %get3A_2078] {strides = array<i32>} : memref<8x100x64xf32, #tpu.memory_space<vmem>>, vector<1x1x16xf32>,
        %get3A_2080 = vector.shape_cast %get3A_2079 : vector<1x1x16xf32> to vector<16xf32>
        %add3A_2081 = arith.addf %add3A_2049, %get3A_2080 : vector<16xf32>
        %get3A_2082 = arith.constant 4 : i32
        %get3A_2083 = arith.index_cast %get3A_2082 : i32 to index
        %get3A_2084 = arith.index_cast %add3A_2060 : i32 to index
        %get3A_2085 = arith.constant 48 : index
        %get3A_2086 = tpu.vector_load %arg6[%get3A_2083, %get3A_2084, %get3A_2085] {strides = array<i32>} : memref<8x100x64xf32, #tpu.memory_space<vmem>>, vector<1x1x16xf32>,
        %get3A_2087 = vector.shape_cast %get3A_2086 : vector<1x1x16xf32> to vector<16xf32>
        %add3A_2088 = arith.addf %add3A_2056, %get3A_2087 : vector<16xf32>
        scf.yield %add3A_2067, %add3A_2074, %add3A_2081, %add3A_2088 : vector<16xf32>, vector<16xf32>, vector<16xf32>, vector<16xf32>
      }
      %scan3A_1537 = arith.constant 50 : i32
      %mul3A_1538 = arith.constant 2 : i32
      %mul3A_1539 = arith.muli %add3A_1512, %mul3A_1538 : i32
      %add3A_1540 = arith.constant 0 : i32
      %add3A_1541 = arith.addi %mul3A_1539, %add3A_1540 : i32
      %mul3A_1542 = arith.constant 2.000000e-02 : f32
      %mul3A_1543 = vector.broadcast %mul3A_1542 : f32 to vector<16xf32>
      %mul3A_1544 = arith.mulf %scan3A_1536#0, %mul3A_1543 : vector<16xf32>
      %swap3A_1545 = arith.index_cast %add3A_1541 : i32 to index
      %swap3A_1546 = arith.constant 0 : index
      %swap3A_1547 = tpu.vector_load %arg7[%swap3A_1545, %swap3A_1546] {strides = array<i32>} : memref<512x64xf32, #tpu.memory_space<vmem>>, vector<1x16xf32>,
      %swap3A_1548 = vector.shape_cast %swap3A_1547 : vector<1x16xf32> to vector<16xf32>
      %swap3A_1549 = vector.shape_cast %mul3A_1544 : vector<16xf32> to vector<1x16xf32>
      tpu.vector_store %arg7[%swap3A_1545, %swap3A_1546], %swap3A_1549 {strides = array<i32>} : memref<512x64xf32, #tpu.memory_space<vmem>>, vector<1x16xf32>,
      %mul3A_1550 = arith.constant 2.000000e-02 : f32
      %mul3A_1551 = vector.broadcast %mul3A_1550 : f32 to vector<16xf32>
      %mul3A_1552 = arith.mulf %scan3A_1536#1, %mul3A_1551 : vector<16xf32>
      %swap3A_1553 = arith.index_cast %add3A_1541 : i32 to index
      %swap3A_1554 = arith.constant 16 : index
      %swap3A_1555 = tpu.vector_load %arg7[%swap3A_1553, %swap3A_1554] {strides = array<i32>} : memref<512x64xf32, #tpu.memory_space<vmem>>, vector<1x16xf32>,
      %swap3A_1556 = vector.shape_cast %swap3A_1555 : vector<1x16xf32> to vector<16xf32>
      %swap3A_1557 = vector.shape_cast %mul3A_1552 : vector<16xf32> to vector<1x16xf32>
      tpu.vector_store %arg7[%swap3A_1553, %swap3A_1554], %swap3A_1557 {strides = array<i32>} : memref<512x64xf32, #tpu.memory_space<vmem>>, vector<1x16xf32>,
      %mul3A_1558 = arith.constant 2.000000e-02 : f32
      %mul3A_1559 = vector.broadcast %mul3A_1558 : f32 to vector<16xf32>
      %mul3A_1560 = arith.mulf %scan3A_1536#2, %mul3A_1559 : vector<16xf32>
      %swap3A_1561 = arith.index_cast %add3A_1541 : i32 to index
      %swap3A_1562 = arith.constant 32 : index
      %swap3A_1563 = tpu.vector_load %arg7[%swap3A_1561, %swap3A_1562] {strides = array<i32>} : memref<512x64xf32, #tpu.memory_space<vmem>>, vector<1x16xf32>,
      %swap3A_1564 = vector.shape_cast %swap3A_1563 : vector<1x16xf32> to vector<16xf32>
      %swap3A_1565 = vector.shape_cast %mul3A_1560 : vector<16xf32> to vector<1x16xf32>
      tpu.vector_store %arg7[%swap3A_1561, %swap3A_1562], %swap3A_1565 {strides = array<i32>} : memref<512x64xf32, #tpu.memory_space<vmem>>, vector<1x16xf32>,
      %mul3A_1566 = arith.constant 2.000000e-02 : f32
      %mul3A_1567 = vector.broadcast %mul3A_1566 : f32 to vector<16xf32>
      %mul3A_1568 = arith.mulf %scan3A_1536#3, %mul3A_1567 : vector<16xf32>
      %swap3A_1569 = arith.index_cast %add3A_1541 : i32 to index
      %swap3A_1570 = arith.constant 48 : index
      %swap3A_1571 = tpu.vector_load %arg7[%swap3A_1569, %swap3A_1570] {strides = array<i32>} : memref<512x64xf32, #tpu.memory_space<vmem>>, vector<1x16xf32>,
      %swap3A_1572 = vector.shape_cast %swap3A_1571 : vector<1x16xf32> to vector<16xf32>
      %swap3A_1573 = vector.shape_cast %mul3A_1568 : vector<16xf32> to vector<1x16xf32>
      tpu.vector_store %arg7[%swap3A_1569, %swap3A_1570], %swap3A_1573 {strides = array<i32>} : memref<512x64xf32, #tpu.memory_space<vmem>>, vector<1x16xf32>,
      %broadcast_in_dim3A_1574 = arith.constant 0.000000e+00 : f32
      %broadcast_in_dim3A_1575 = vector.broadcast %broadcast_in_dim3A_1574 : f32 to vector<16xf32>
      %broadcast_in_dim3A_1576 = arith.constant 0.000000e+00 : f32
      %broadcast_in_dim3A_1577 = vector.broadcast %broadcast_in_dim3A_1576 : f32 to vector<16xf32>
      %broadcast_in_dim3A_1578 = arith.constant 0.000000e+00 : f32
      %broadcast_in_dim3A_1579 = vector.broadcast %broadcast_in_dim3A_1578 : f32 to vector<16xf32>
      %broadcast_in_dim3A_1580 = arith.constant 0.000000e+00 : f32
      %broadcast_in_dim3A_1581 = vector.broadcast %broadcast_in_dim3A_1580 : f32 to vector<16xf32>
      %scan3A_1582 = arith.constant 0 : i32
      %scan3A_1583 = arith.constant 50 : i32
      %scan3A_1584 = arith.addi %scan3A_1582, %scan3A_1583 : i32
      %scan3A_1585 = arith.constant 2 : i32
      %scan3A_1586:4 = scf.for %scan3A_2023 = %scan3A_1582 to %scan3A_1584 step %scan3A_1585 iter_args(%scan3A_2024 = %broadcast_in_dim3A_1575, %scan3A_2025 = %broadcast_in_dim3A_1577, %scan3A_2026 = %broadcast_in_dim3A_1579, %scan3A_2027 = %broadcast_in_dim3A_1581) -> (vector<16xf32>, vector<16xf32>, vector<16xf32>, vector<16xf32>)  : i32 {
        %add3A_2028 = arith.constant 50 : i32
        %add3A_2029 = arith.addi %add3A_2028, %scan3A_2023 : i32
        %get3A = arith.constant 4 : i32
        %get3A_2030 = arith.index_cast %get3A : i32 to index
        %get3A_2031 = arith.index_cast %add3A_2029 : i32 to index
        %get3A_2032 = arith.constant 0 : index
        %get3A_2033 = tpu.vector_load %arg6[%get3A_2030, %get3A_2031, %get3A_2032] {strides = array<i32>} : memref<8x100x64xf32, #tpu.memory_space<vmem>>, vector<1x1x16xf32>,
        %get3A_2034 = vector.shape_cast %get3A_2033 : vector<1x1x16xf32> to vector<16xf32>
        %add3A_2035 = arith.addf %scan3A_2024, %get3A_2034 : vector<16xf32>
        %get3A_2036 = arith.constant 4 : i32
        %get3A_2037 = arith.index_cast %get3A_2036 : i32 to index
        %get3A_2038 = arith.index_cast %add3A_2029 : i32 to index
        %get3A_2039 = arith.constant 16 : index
        %get3A_2040 = tpu.vector_load %arg6[%get3A_2037, %get3A_2038, %get3A_2039] {strides = array<i32>} : memref<8x100x64xf32, #tpu.memory_space<vmem>>, vector<1x1x16xf32>,
        %get3A_2041 = vector.shape_cast %get3A_2040 : vector<1x1x16xf32> to vector<16xf32>
        %add3A_2042 = arith.addf %scan3A_2025, %get3A_2041 : vector<16xf32>
        %get3A_2043 = arith.constant 4 : i32
        %get3A_2044 = arith.index_cast %get3A_2043 : i32 to index
        %get3A_2045 = arith.index_cast %add3A_2029 : i32 to index
        %get3A_2046 = arith.constant 32 : index
        %get3A_2047 = tpu.vector_load %arg6[%get3A_2044, %get3A_2045, %get3A_2046] {strides = array<i32>} : memref<8x100x64xf32, #tpu.memory_space<vmem>>, vector<1x1x16xf32>,
        %get3A_2048 = vector.shape_cast %get3A_2047 : vector<1x1x16xf32> to vector<16xf32>
        %add3A_2049 = arith.addf %scan3A_2026, %get3A_2048 : vector<16xf32>
        %get3A_2050 = arith.constant 4 : i32
        %get3A_2051 = arith.index_cast %get3A_2050 : i32 to index
        %get3A_2052 = arith.index_cast %add3A_2029 : i32 to index
        %get3A_2053 = arith.constant 48 : index
        %get3A_2054 = tpu.vector_load %arg6[%get3A_2051, %get3A_2052, %get3A_2053] {strides = array<i32>} : memref<8x100x64xf32, #tpu.memory_space<vmem>>, vector<1x1x16xf32>,
        %get3A_2055 = vector.shape_cast %get3A_2054 : vector<1x1x16xf32> to vector<16xf32>
        %add3A_2056 = arith.addf %scan3A_2027, %get3A_2055 : vector<16xf32>
        %scan3A_2057 = arith.constant 1 : i32
        %scan3A_2058 = arith.addi %scan3A_2023, %scan3A_2057 : i32
        %add3A_2059 = arith.constant 50 : i32
        %add3A_2060 = arith.addi %add3A_2059, %scan3A_2058 : i32
        %get3A_2061 = arith.constant 4 : i32
        %get3A_2062 = arith.index_cast %get3A_2061 : i32 to index
        %get3A_2063 = arith.index_cast %add3A_2060 : i32 to index
        %get3A_2064 = arith.constant 0 : index
        %get3A_2065 = tpu.vector_load %arg6[%get3A_2062, %get3A_2063, %get3A_2064] {strides = array<i32>} : memref<8x100x64xf32, #tpu.memory_space<vmem>>, vector<1x1x16xf32>,
        %get3A_2066 = vector.shape_cast %get3A_2065 : vector<1x1x16xf32> to vector<16xf32>
        %add3A_2067 = arith.addf %add3A_2035, %get3A_2066 : vector<16xf32>
        %get3A_2068 = arith.constant 4 : i32
        %get3A_2069 = arith.index_cast %get3A_2068 : i32 to index
        %get3A_2070 = arith.index_cast %add3A_2060 : i32 to index
        %get3A_2071 = arith.constant 16 : index
        %get3A_2072 = tpu.vector_load %arg6[%get3A_2069, %get3A_2070, %get3A_2071] {strides = array<i32>} : memref<8x100x64xf32, #tpu.memory_space<vmem>>, vector<1x1x16xf32>,
        %get3A_2073 = vector.shape_cast %get3A_2072 : vector<1x1x16xf32> to vector<16xf32>
        %add3A_2074 = arith.addf %add3A_2042, %get3A_2073 : vector<16xf32>
        %get3A_2075 = arith.constant 4 : i32
        %get3A_2076 = arith.index_cast %get3A_2075 : i32 to index
        %get3A_2077 = arith.index_cast %add3A_2060 : i32 to index
        %get3A_2078 = arith.constant 32 : index
        %get3A_2079 = tpu.vector_load %arg6[%get3A_2076, %get3A_2077, %get3A_2078] {strides = array<i32>} : memref<8x100x64xf32, #tpu.memory_space<vmem>>, vector<1x1x16xf32>,
        %get3A_2080 = vector.shape_cast %get3A_2079 : vector<1x1x16xf32> to vector<16xf32>
        %add3A_2081 = arith.addf %add3A_2049, %get3A_2080 : vector<16xf32>
        %get3A_2082 = arith.constant 4 : i32
        %get3A_2083 = arith.index_cast %get3A_2082 : i32 to index
        %get3A_2084 = arith.index_cast %add3A_2060 : i32 to index
        %get3A_2085 = arith.constant 48 : index
        %get3A_2086 = tpu.vector_load %arg6[%get3A_2083, %get3A_2084, %get3A_2085] {strides = array<i32>} : memref<8x100x64xf32, #tpu.memory_space<vmem>>, vector<1x1x16xf32>,
        %get3A_2087 = vector.shape_cast %get3A_2086 : vector<1x1x16xf32> to vector<16xf32>
        %add3A_2088 = arith.addf %add3A_2056, %get3A_2087 : vector<16xf32>
        scf.yield %add3A_2067, %add3A_2074, %add3A_2081, %add3A_2088 : vector<16xf32>, vector<16xf32>, vector<16xf32>, vector<16xf32>
      }
      %scan3A_1587 = arith.constant 50 : i32
      %mul3A_1588 = arith.constant 2 : i32
      %mul3A_1589 = arith.muli %add3A_1512, %mul3A_1588 : i32
      %add3A_1590 = arith.constant 1 : i32
      %add3A_1591 = arith.addi %mul3A_1589, %add3A_1590 : i32
      %mul3A_1592 = arith.constant 2.000000e-02 : f32
      %mul3A_1593 = vector.broadcast %mul3A_1592 : f32 to vector<16xf32>
      %mul3A_1594 = arith.mulf %scan3A_1586#0, %mul3A_1593 : vector<16xf32>
      %swap3A_1595 = arith.index_cast %add3A_1591 : i32 to index
      %swap3A_1596 = arith.constant 0 : index
      %swap3A_1597 = tpu.vector_load %arg7[%swap3A_1595, %swap3A_1596] {strides = array<i32>} : memref<512x64xf32, #tpu.memory_space<vmem>>, vector<1x16xf32>,
      %swap3A_1598 = vector.shape_cast %swap3A_1597 : vector<1x16xf32> to vector<16xf32>
      %swap3A_1599 = vector.shape_cast %mul3A_1594 : vector<16xf32> to vector<1x16xf32>
      tpu.vector_store %arg7[%swap3A_1595, %swap3A_1596], %swap3A_1599 {strides = array<i32>} : memref<512x64xf32, #tpu.memory_space<vmem>>, vector<1x16xf32>,
      %mul3A_1600 = arith.constant 2.000000e-02 : f32
      %mul3A_1601 = vector.broadcast %mul3A_1600 : f32 to vector<16xf32>
      %mul3A_1602 = arith.mulf %scan3A_1586#1, %mul3A_1601 : vector<16xf32>
      %swap3A_1603 = arith.index_cast %add3A_1591 : i32 to index
      %swap3A_1604 = arith.constant 16 : index
      %swap3A_1605 = tpu.vector_load %arg7[%swap3A_1603, %swap3A_1604] {strides = array<i32>} : memref<512x64xf32, #tpu.memory_space<vmem>>, vector<1x16xf32>,
      %swap3A_1606 = vector.shape_cast %swap3A_1605 : vector<1x16xf32> to vector<16xf32>
      %swap3A_1607 = vector.shape_cast %mul3A_1602 : vector<16xf32> to vector<1x16xf32>
      tpu.vector_store %arg7[%swap3A_1603, %swap3A_1604], %swap3A_1607 {strides = array<i32>} : memref<512x64xf32, #tpu.memory_space<vmem>>, vector<1x16xf32>,
      %mul3A_1608 = arith.constant 2.000000e-02 : f32
      %mul3A_1609 = vector.broadcast %mul3A_1608 : f32 to vector<16xf32>
      %mul3A_1610 = arith.mulf %scan3A_1586#2, %mul3A_1609 : vector<16xf32>
      %swap3A_1611 = arith.index_cast %add3A_1591 : i32 to index
      %swap3A_1612 = arith.constant 32 : index
      %swap3A_1613 = tpu.vector_load %arg7[%swap3A_1611, %swap3A_1612] {strides = array<i32>} : memref<512x64xf32, #tpu.memory_space<vmem>>, vector<1x16xf32>,
      %swap3A_1614 = vector.shape_cast %swap3A_1613 : vector<1x16xf32> to vector<16xf32>
      %swap3A_1615 = vector.shape_cast %mul3A_1610 : vector<16xf32> to vector<1x16xf32>
      tpu.vector_store %arg7[%swap3A_1611, %swap3A_1612], %swap3A_1615 {strides = array<i32>} : memref<512x64xf32, #tpu.memory_space<vmem>>, vector<1x16xf32>,
      %mul3A_1616 = arith.constant 2.000000e-02 : f32
      %mul3A_1617 = vector.broadcast %mul3A_1616 : f32 to vector<16xf32>
      %mul3A_1618 = arith.mulf %scan3A_1586#3, %mul3A_1617 : vector<16xf32>
      %swap3A_1619 = arith.index_cast %add3A_1591 : i32 to index
      %swap3A_1620 = arith.constant 48 : index
      %swap3A_1621 = tpu.vector_load %arg7[%swap3A_1619, %swap3A_1620] {strides = array<i32>} : memref<512x64xf32, #tpu.memory_space<vmem>>, vector<1x16xf32>,
      %swap3A_1622 = vector.shape_cast %swap3A_1621 : vector<1x16xf32> to vector<16xf32>
      %swap3A_1623 = vector.shape_cast %mul3A_1618 : vector<16xf32> to vector<1x16xf32>
      tpu.vector_store %arg7[%swap3A_1619, %swap3A_1620], %swap3A_1623 {strides = array<i32>} : memref<512x64xf32, #tpu.memory_space<vmem>>, vector<1x16xf32>,
      %add3A_1624 = arith.constant 4 : i32
      %add3A_1625 = arith.addi %mul3A_998, %add3A_1624 : i32
      %add3A_1626 = arith.constant 8 : i32
      %add3A_1627 = arith.addi %add3A_1625, %add3A_1626 : i32
      %dma_start3A_1628 = arith.constant 4 : i32
      %dma_start3A_1629 = arith.constant 0 : i32
      %dma_start3A_1630 = arith.constant 0 : i32
      %dma_start3A_1631 = tpu.memref_slice %arg6[%dma_start3A_1628, %dma_start3A_1629, %dma_start3A_1630] : memref<8x100x64xf32, #tpu.memory_space<vmem>> -> memref<1x100x64xf32, #tpu.memory_space<vmem>>
      %dma_start3A_1632 = tpu.memref_squeeze %dma_start3A_1631 : memref<1x100x64xf32, #tpu.memory_space<vmem>> -> memref<100x64xf32, #tpu.memory_space<vmem>>
      %dma_start3A_1633 = arith.constant 0 : i32
      %dma_start3A_1634 = tpu.memref_slice %arg5[%add3A_1627, %dma_start3A_1633] : memref<256x100xi32, #tpu.memory_space<vmem>> -> memref<1x100xi32, #tpu.memory_space<vmem>>
      %dma_start3A_1635 = tpu.memref_squeeze %dma_start3A_1634 : memref<1x100xi32, #tpu.memory_space<vmem>> -> memref<100xi32, #tpu.memory_space<vmem>>
      %dma_start3A_1636 = arith.constant 0 : i32
      %dma_start3A_1637 = arith.constant 0 : i32
      %dma_start3A_1638 = tpu.memref_slice %arg3[%dma_start3A_1636, %dma_start3A_1637] : memref<1000000x64xf32, #tpu.memory_space<hbm>> -> memref<1000000x64xf32, #tpu.memory_space<hbm>>
      tpu.enqueue_indirect_dma source(%dma_start3A_1638 : memref<1000000x64xf32, #tpu.memory_space<hbm>>) target(%dma_start3A_1632 : memref<100x64xf32, #tpu.memory_space<vmem>>) offsets(%dma_start3A_1635 : memref<100xi32, #tpu.memory_space<vmem>>) semaphore(%arg12 : memref<!tpu.dma_semaphore, #tpu.memory_space<semaphore_mem>>)
      %add3A_1639 = arith.constant 5 : i32
      %add3A_1640 = arith.addi %mul3A_998, %add3A_1639 : i32
      %dma_wait3A_1641 = arith.constant 5 : i32
      %dma_wait3A_1642 = arith.constant 0 : i32
      %dma_wait3A_1643 = arith.constant 0 : i32
      %dma_wait3A_1644 = tpu.memref_slice %arg6[%dma_wait3A_1641, %dma_wait3A_1642, %dma_wait3A_1643] : memref<8x100x64xf32, #tpu.memory_space<vmem>> -> memref<1x100x64xf32, #tpu.memory_space<vmem>>
      %dma_wait3A_1645 = tpu.memref_squeeze %dma_wait3A_1644 : memref<1x100x64xf32, #tpu.memory_space<vmem>> -> memref<100x64xf32, #tpu.memory_space<vmem>>
      %dma_wait3A_1646 = arith.constant 0 : i32
      %dma_wait3A_1647 = tpu.memref_slice %arg5[%add3A_1640, %dma_wait3A_1646] : memref<256x100xi32, #tpu.memory_space<vmem>> -> memref<1x100xi32, #tpu.memory_space<vmem>>
      %dma_wait3A_1648 = tpu.memref_squeeze %dma_wait3A_1647 : memref<1x100xi32, #tpu.memory_space<vmem>> -> memref<100xi32, #tpu.memory_space<vmem>>
      %dma_wait3A_1649 = arith.constant 0 : i32
      %dma_wait3A_1650 = arith.constant 0 : i32
      %dma_wait3A_1651 = tpu.memref_slice %arg3[%dma_wait3A_1649, %dma_wait3A_1650] : memref<1000000x64xf32, #tpu.memory_space<hbm>> -> memref<1000000x64xf32, #tpu.memory_space<hbm>>
      tpu.wait_indirect_dma semaphore(%arg13 : memref<!tpu.dma_semaphore, #tpu.memory_space<semaphore_mem>>) src(%dma_wait3A_1651 : memref<1000000x64xf32, #tpu.memory_space<hbm>>) dst(%dma_wait3A_1645 : memref<100x64xf32, #tpu.memory_space<vmem>>)
      %broadcast_in_dim3A_1652 = arith.constant 0.000000e+00 : f32
      %broadcast_in_dim3A_1653 = vector.broadcast %broadcast_in_dim3A_1652 : f32 to vector<16xf32>
      %broadcast_in_dim3A_1654 = arith.constant 0.000000e+00 : f32
      %broadcast_in_dim3A_1655 = vector.broadcast %broadcast_in_dim3A_1654 : f32 to vector<16xf32>
      %broadcast_in_dim3A_1656 = arith.constant 0.000000e+00 : f32
      %broadcast_in_dim3A_1657 = vector.broadcast %broadcast_in_dim3A_1656 : f32 to vector<16xf32>
      %broadcast_in_dim3A_1658 = arith.constant 0.000000e+00 : f32
      %broadcast_in_dim3A_1659 = vector.broadcast %broadcast_in_dim3A_1658 : f32 to vector<16xf32>
      %scan3A_1660 = arith.constant 0 : i32
      %scan3A_1661 = arith.constant 50 : i32
      %scan3A_1662 = arith.addi %scan3A_1660, %scan3A_1661 : i32
      %scan3A_1663 = arith.constant 2 : i32
      %scan3A_1664:4 = scf.for %scan3A_2023 = %scan3A_1660 to %scan3A_1662 step %scan3A_1663 iter_args(%scan3A_2024 = %broadcast_in_dim3A_1653, %scan3A_2025 = %broadcast_in_dim3A_1655, %scan3A_2026 = %broadcast_in_dim3A_1657, %scan3A_2027 = %broadcast_in_dim3A_1659) -> (vector<16xf32>, vector<16xf32>, vector<16xf32>, vector<16xf32>)  : i32 {
        %add3A_2028 = arith.constant 0 : i32
        %add3A_2029 = arith.addi %add3A_2028, %scan3A_2023 : i32
        %get3A = arith.constant 5 : i32
        %get3A_2030 = arith.index_cast %get3A : i32 to index
        %get3A_2031 = arith.index_cast %add3A_2029 : i32 to index
        %get3A_2032 = arith.constant 0 : index
        %get3A_2033 = tpu.vector_load %arg6[%get3A_2030, %get3A_2031, %get3A_2032] {strides = array<i32>} : memref<8x100x64xf32, #tpu.memory_space<vmem>>, vector<1x1x16xf32>,
        %get3A_2034 = vector.shape_cast %get3A_2033 : vector<1x1x16xf32> to vector<16xf32>
        %add3A_2035 = arith.addf %scan3A_2024, %get3A_2034 : vector<16xf32>
        %get3A_2036 = arith.constant 5 : i32
        %get3A_2037 = arith.index_cast %get3A_2036 : i32 to index
        %get3A_2038 = arith.index_cast %add3A_2029 : i32 to index
        %get3A_2039 = arith.constant 16 : index
        %get3A_2040 = tpu.vector_load %arg6[%get3A_2037, %get3A_2038, %get3A_2039] {strides = array<i32>} : memref<8x100x64xf32, #tpu.memory_space<vmem>>, vector<1x1x16xf32>,
        %get3A_2041 = vector.shape_cast %get3A_2040 : vector<1x1x16xf32> to vector<16xf32>
        %add3A_2042 = arith.addf %scan3A_2025, %get3A_2041 : vector<16xf32>
        %get3A_2043 = arith.constant 5 : i32
        %get3A_2044 = arith.index_cast %get3A_2043 : i32 to index
        %get3A_2045 = arith.index_cast %add3A_2029 : i32 to index
        %get3A_2046 = arith.constant 32 : index
        %get3A_2047 = tpu.vector_load %arg6[%get3A_2044, %get3A_2045, %get3A_2046] {strides = array<i32>} : memref<8x100x64xf32, #tpu.memory_space<vmem>>, vector<1x1x16xf32>,
        %get3A_2048 = vector.shape_cast %get3A_2047 : vector<1x1x16xf32> to vector<16xf32>
        %add3A_2049 = arith.addf %scan3A_2026, %get3A_2048 : vector<16xf32>
        %get3A_2050 = arith.constant 5 : i32
        %get3A_2051 = arith.index_cast %get3A_2050 : i32 to index
        %get3A_2052 = arith.index_cast %add3A_2029 : i32 to index
        %get3A_2053 = arith.constant 48 : index
        %get3A_2054 = tpu.vector_load %arg6[%get3A_2051, %get3A_2052, %get3A_2053] {strides = array<i32>} : memref<8x100x64xf32, #tpu.memory_space<vmem>>, vector<1x1x16xf32>,
        %get3A_2055 = vector.shape_cast %get3A_2054 : vector<1x1x16xf32> to vector<16xf32>
        %add3A_2056 = arith.addf %scan3A_2027, %get3A_2055 : vector<16xf32>
        %scan3A_2057 = arith.constant 1 : i32
        %scan3A_2058 = arith.addi %scan3A_2023, %scan3A_2057 : i32
        %add3A_2059 = arith.constant 0 : i32
        %add3A_2060 = arith.addi %add3A_2059, %scan3A_2058 : i32
        %get3A_2061 = arith.constant 5 : i32
        %get3A_2062 = arith.index_cast %get3A_2061 : i32 to index
        %get3A_2063 = arith.index_cast %add3A_2060 : i32 to index
        %get3A_2064 = arith.constant 0 : index
        %get3A_2065 = tpu.vector_load %arg6[%get3A_2062, %get3A_2063, %get3A_2064] {strides = array<i32>} : memref<8x100x64xf32, #tpu.memory_space<vmem>>, vector<1x1x16xf32>,
        %get3A_2066 = vector.shape_cast %get3A_2065 : vector<1x1x16xf32> to vector<16xf32>
        %add3A_2067 = arith.addf %add3A_2035, %get3A_2066 : vector<16xf32>
        %get3A_2068 = arith.constant 5 : i32
        %get3A_2069 = arith.index_cast %get3A_2068 : i32 to index
        %get3A_2070 = arith.index_cast %add3A_2060 : i32 to index
        %get3A_2071 = arith.constant 16 : index
        %get3A_2072 = tpu.vector_load %arg6[%get3A_2069, %get3A_2070, %get3A_2071] {strides = array<i32>} : memref<8x100x64xf32, #tpu.memory_space<vmem>>, vector<1x1x16xf32>,
        %get3A_2073 = vector.shape_cast %get3A_2072 : vector<1x1x16xf32> to vector<16xf32>
        %add3A_2074 = arith.addf %add3A_2042, %get3A_2073 : vector<16xf32>
        %get3A_2075 = arith.constant 5 : i32
        %get3A_2076 = arith.index_cast %get3A_2075 : i32 to index
        %get3A_2077 = arith.index_cast %add3A_2060 : i32 to index
        %get3A_2078 = arith.constant 32 : index
        %get3A_2079 = tpu.vector_load %arg6[%get3A_2076, %get3A_2077, %get3A_2078] {strides = array<i32>} : memref<8x100x64xf32, #tpu.memory_space<vmem>>, vector<1x1x16xf32>,
        %get3A_2080 = vector.shape_cast %get3A_2079 : vector<1x1x16xf32> to vector<16xf32>
        %add3A_2081 = arith.addf %add3A_2049, %get3A_2080 : vector<16xf32>
        %get3A_2082 = arith.constant 5 : i32
        %get3A_2083 = arith.index_cast %get3A_2082 : i32 to index
        %get3A_2084 = arith.index_cast %add3A_2060 : i32 to index
        %get3A_2085 = arith.constant 48 : index
        %get3A_2086 = tpu.vector_load %arg6[%get3A_2083, %get3A_2084, %get3A_2085] {strides = array<i32>} : memref<8x100x64xf32, #tpu.memory_space<vmem>>, vector<1x1x16xf32>,
        %get3A_2087 = vector.shape_cast %get3A_2086 : vector<1x1x16xf32> to vector<16xf32>
        %add3A_2088 = arith.addf %add3A_2056, %get3A_2087 : vector<16xf32>
        scf.yield %add3A_2067, %add3A_2074, %add3A_2081, %add3A_2088 : vector<16xf32>, vector<16xf32>, vector<16xf32>, vector<16xf32>
      }
      %scan3A_1665 = arith.constant 50 : i32
      %mul3A_1666 = arith.constant 2 : i32
      %mul3A_1667 = arith.muli %add3A_1640, %mul3A_1666 : i32
      %add3A_1668 = arith.constant 0 : i32
      %add3A_1669 = arith.addi %mul3A_1667, %add3A_1668 : i32
      %mul3A_1670 = arith.constant 2.000000e-02 : f32
      %mul3A_1671 = vector.broadcast %mul3A_1670 : f32 to vector<16xf32>
      %mul3A_1672 = arith.mulf %scan3A_1664#0, %mul3A_1671 : vector<16xf32>
      %swap3A_1673 = arith.index_cast %add3A_1669 : i32 to index
      %swap3A_1674 = arith.constant 0 : index
      %swap3A_1675 = tpu.vector_load %arg7[%swap3A_1673, %swap3A_1674] {strides = array<i32>} : memref<512x64xf32, #tpu.memory_space<vmem>>, vector<1x16xf32>,
      %swap3A_1676 = vector.shape_cast %swap3A_1675 : vector<1x16xf32> to vector<16xf32>
      %swap3A_1677 = vector.shape_cast %mul3A_1672 : vector<16xf32> to vector<1x16xf32>
      tpu.vector_store %arg7[%swap3A_1673, %swap3A_1674], %swap3A_1677 {strides = array<i32>} : memref<512x64xf32, #tpu.memory_space<vmem>>, vector<1x16xf32>,
      %mul3A_1678 = arith.constant 2.000000e-02 : f32
      %mul3A_1679 = vector.broadcast %mul3A_1678 : f32 to vector<16xf32>
      %mul3A_1680 = arith.mulf %scan3A_1664#1, %mul3A_1679 : vector<16xf32>
      %swap3A_1681 = arith.index_cast %add3A_1669 : i32 to index
      %swap3A_1682 = arith.constant 16 : index
      %swap3A_1683 = tpu.vector_load %arg7[%swap3A_1681, %swap3A_1682] {strides = array<i32>} : memref<512x64xf32, #tpu.memory_space<vmem>>, vector<1x16xf32>,
      %swap3A_1684 = vector.shape_cast %swap3A_1683 : vector<1x16xf32> to vector<16xf32>
      %swap3A_1685 = vector.shape_cast %mul3A_1680 : vector<16xf32> to vector<1x16xf32>
      tpu.vector_store %arg7[%swap3A_1681, %swap3A_1682], %swap3A_1685 {strides = array<i32>} : memref<512x64xf32, #tpu.memory_space<vmem>>, vector<1x16xf32>,
      %mul3A_1686 = arith.constant 2.000000e-02 : f32
      %mul3A_1687 = vector.broadcast %mul3A_1686 : f32 to vector<16xf32>
      %mul3A_1688 = arith.mulf %scan3A_1664#2, %mul3A_1687 : vector<16xf32>
      %swap3A_1689 = arith.index_cast %add3A_1669 : i32 to index
      %swap3A_1690 = arith.constant 32 : index
      %swap3A_1691 = tpu.vector_load %arg7[%swap3A_1689, %swap3A_1690] {strides = array<i32>} : memref<512x64xf32, #tpu.memory_space<vmem>>, vector<1x16xf32>,
      %swap3A_1692 = vector.shape_cast %swap3A_1691 : vector<1x16xf32> to vector<16xf32>
      %swap3A_1693 = vector.shape_cast %mul3A_1688 : vector<16xf32> to vector<1x16xf32>
      tpu.vector_store %arg7[%swap3A_1689, %swap3A_1690], %swap3A_1693 {strides = array<i32>} : memref<512x64xf32, #tpu.memory_space<vmem>>, vector<1x16xf32>,
      %mul3A_1694 = arith.constant 2.000000e-02 : f32
      %mul3A_1695 = vector.broadcast %mul3A_1694 : f32 to vector<16xf32>
      %mul3A_1696 = arith.mulf %scan3A_1664#3, %mul3A_1695 : vector<16xf32>
      %swap3A_1697 = arith.index_cast %add3A_1669 : i32 to index
      %swap3A_1698 = arith.constant 48 : index
      %swap3A_1699 = tpu.vector_load %arg7[%swap3A_1697, %swap3A_1698] {strides = array<i32>} : memref<512x64xf32, #tpu.memory_space<vmem>>, vector<1x16xf32>,
      %swap3A_1700 = vector.shape_cast %swap3A_1699 : vector<1x16xf32> to vector<16xf32>
      %swap3A_1701 = vector.shape_cast %mul3A_1696 : vector<16xf32> to vector<1x16xf32>
      tpu.vector_store %arg7[%swap3A_1697, %swap3A_1698], %swap3A_1701 {strides = array<i32>} : memref<512x64xf32, #tpu.memory_space<vmem>>, vector<1x16xf32>,
      %broadcast_in_dim3A_1702 = arith.constant 0.000000e+00 : f32
      %broadcast_in_dim3A_1703 = vector.broadcast %broadcast_in_dim3A_1702 : f32 to vector<16xf32>
      %broadcast_in_dim3A_1704 = arith.constant 0.000000e+00 : f32
      %broadcast_in_dim3A_1705 = vector.broadcast %broadcast_in_dim3A_1704 : f32 to vector<16xf32>
      %broadcast_in_dim3A_1706 = arith.constant 0.000000e+00 : f32
      %broadcast_in_dim3A_1707 = vector.broadcast %broadcast_in_dim3A_1706 : f32 to vector<16xf32>
      %broadcast_in_dim3A_1708 = arith.constant 0.000000e+00 : f32
      %broadcast_in_dim3A_1709 = vector.broadcast %broadcast_in_dim3A_1708 : f32 to vector<16xf32>
      %scan3A_1710 = arith.constant 0 : i32
      %scan3A_1711 = arith.constant 50 : i32
      %scan3A_1712 = arith.addi %scan3A_1710, %scan3A_1711 : i32
      %scan3A_1713 = arith.constant 2 : i32
      %scan3A_1714:4 = scf.for %scan3A_2023 = %scan3A_1710 to %scan3A_1712 step %scan3A_1713 iter_args(%scan3A_2024 = %broadcast_in_dim3A_1703, %scan3A_2025 = %broadcast_in_dim3A_1705, %scan3A_2026 = %broadcast_in_dim3A_1707, %scan3A_2027 = %broadcast_in_dim3A_1709) -> (vector<16xf32>, vector<16xf32>, vector<16xf32>, vector<16xf32>)  : i32 {
        %add3A_2028 = arith.constant 50 : i32
        %add3A_2029 = arith.addi %add3A_2028, %scan3A_2023 : i32
        %get3A = arith.constant 5 : i32
        %get3A_2030 = arith.index_cast %get3A : i32 to index
        %get3A_2031 = arith.index_cast %add3A_2029 : i32 to index
        %get3A_2032 = arith.constant 0 : index
        %get3A_2033 = tpu.vector_load %arg6[%get3A_2030, %get3A_2031, %get3A_2032] {strides = array<i32>} : memref<8x100x64xf32, #tpu.memory_space<vmem>>, vector<1x1x16xf32>,
        %get3A_2034 = vector.shape_cast %get3A_2033 : vector<1x1x16xf32> to vector<16xf32>
        %add3A_2035 = arith.addf %scan3A_2024, %get3A_2034 : vector<16xf32>
        %get3A_2036 = arith.constant 5 : i32
        %get3A_2037 = arith.index_cast %get3A_2036 : i32 to index
        %get3A_2038 = arith.index_cast %add3A_2029 : i32 to index
        %get3A_2039 = arith.constant 16 : index
        %get3A_2040 = tpu.vector_load %arg6[%get3A_2037, %get3A_2038, %get3A_2039] {strides = array<i32>} : memref<8x100x64xf32, #tpu.memory_space<vmem>>, vector<1x1x16xf32>,
        %get3A_2041 = vector.shape_cast %get3A_2040 : vector<1x1x16xf32> to vector<16xf32>
        %add3A_2042 = arith.addf %scan3A_2025, %get3A_2041 : vector<16xf32>
        %get3A_2043 = arith.constant 5 : i32
        %get3A_2044 = arith.index_cast %get3A_2043 : i32 to index
        %get3A_2045 = arith.index_cast %add3A_2029 : i32 to index
        %get3A_2046 = arith.constant 32 : index
        %get3A_2047 = tpu.vector_load %arg6[%get3A_2044, %get3A_2045, %get3A_2046] {strides = array<i32>} : memref<8x100x64xf32, #tpu.memory_space<vmem>>, vector<1x1x16xf32>,
        %get3A_2048 = vector.shape_cast %get3A_2047 : vector<1x1x16xf32> to vector<16xf32>
        %add3A_2049 = arith.addf %scan3A_2026, %get3A_2048 : vector<16xf32>
        %get3A_2050 = arith.constant 5 : i32
        %get3A_2051 = arith.index_cast %get3A_2050 : i32 to index
        %get3A_2052 = arith.index_cast %add3A_2029 : i32 to index
        %get3A_2053 = arith.constant 48 : index
        %get3A_2054 = tpu.vector_load %arg6[%get3A_2051, %get3A_2052, %get3A_2053] {strides = array<i32>} : memref<8x100x64xf32, #tpu.memory_space<vmem>>, vector<1x1x16xf32>,
        %get3A_2055 = vector.shape_cast %get3A_2054 : vector<1x1x16xf32> to vector<16xf32>
        %add3A_2056 = arith.addf %scan3A_2027, %get3A_2055 : vector<16xf32>
        %scan3A_2057 = arith.constant 1 : i32
        %scan3A_2058 = arith.addi %scan3A_2023, %scan3A_2057 : i32
        %add3A_2059 = arith.constant 50 : i32
        %add3A_2060 = arith.addi %add3A_2059, %scan3A_2058 : i32
        %get3A_2061 = arith.constant 5 : i32
        %get3A_2062 = arith.index_cast %get3A_2061 : i32 to index
        %get3A_2063 = arith.index_cast %add3A_2060 : i32 to index
        %get3A_2064 = arith.constant 0 : index
        %get3A_2065 = tpu.vector_load %arg6[%get3A_2062, %get3A_2063, %get3A_2064] {strides = array<i32>} : memref<8x100x64xf32, #tpu.memory_space<vmem>>, vector<1x1x16xf32>,
        %get3A_2066 = vector.shape_cast %get3A_2065 : vector<1x1x16xf32> to vector<16xf32>
        %add3A_2067 = arith.addf %add3A_2035, %get3A_2066 : vector<16xf32>
        %get3A_2068 = arith.constant 5 : i32
        %get3A_2069 = arith.index_cast %get3A_2068 : i32 to index
        %get3A_2070 = arith.index_cast %add3A_2060 : i32 to index
        %get3A_2071 = arith.constant 16 : index
        %get3A_2072 = tpu.vector_load %arg6[%get3A_2069, %get3A_2070, %get3A_2071] {strides = array<i32>} : memref<8x100x64xf32, #tpu.memory_space<vmem>>, vector<1x1x16xf32>,
        %get3A_2073 = vector.shape_cast %get3A_2072 : vector<1x1x16xf32> to vector<16xf32>
        %add3A_2074 = arith.addf %add3A_2042, %get3A_2073 : vector<16xf32>
        %get3A_2075 = arith.constant 5 : i32
        %get3A_2076 = arith.index_cast %get3A_2075 : i32 to index
        %get3A_2077 = arith.index_cast %add3A_2060 : i32 to index
        %get3A_2078 = arith.constant 32 : index
        %get3A_2079 = tpu.vector_load %arg6[%get3A_2076, %get3A_2077, %get3A_2078] {strides = array<i32>} : memref<8x100x64xf32, #tpu.memory_space<vmem>>, vector<1x1x16xf32>,
        %get3A_2080 = vector.shape_cast %get3A_2079 : vector<1x1x16xf32> to vector<16xf32>
        %add3A_2081 = arith.addf %add3A_2049, %get3A_2080 : vector<16xf32>
        %get3A_2082 = arith.constant 5 : i32
        %get3A_2083 = arith.index_cast %get3A_2082 : i32 to index
        %get3A_2084 = arith.index_cast %add3A_2060 : i32 to index
        %get3A_2085 = arith.constant 48 : index
        %get3A_2086 = tpu.vector_load %arg6[%get3A_2083, %get3A_2084, %get3A_2085] {strides = array<i32>} : memref<8x100x64xf32, #tpu.memory_space<vmem>>, vector<1x1x16xf32>,
        %get3A_2087 = vector.shape_cast %get3A_2086 : vector<1x1x16xf32> to vector<16xf32>
        %add3A_2088 = arith.addf %add3A_2056, %get3A_2087 : vector<16xf32>
        scf.yield %add3A_2067, %add3A_2074, %add3A_2081, %add3A_2088 : vector<16xf32>, vector<16xf32>, vector<16xf32>, vector<16xf32>
      }
      %scan3A_1715 = arith.constant 50 : i32
      %mul3A_1716 = arith.constant 2 : i32
      %mul3A_1717 = arith.muli %add3A_1640, %mul3A_1716 : i32
      %add3A_1718 = arith.constant 1 : i32
      %add3A_1719 = arith.addi %mul3A_1717, %add3A_1718 : i32
      %mul3A_1720 = arith.constant 2.000000e-02 : f32
      %mul3A_1721 = vector.broadcast %mul3A_1720 : f32 to vector<16xf32>
      %mul3A_1722 = arith.mulf %scan3A_1714#0, %mul3A_1721 : vector<16xf32>
      %swap3A_1723 = arith.index_cast %add3A_1719 : i32 to index
      %swap3A_1724 = arith.constant 0 : index
      %swap3A_1725 = tpu.vector_load %arg7[%swap3A_1723, %swap3A_1724] {strides = array<i32>} : memref<512x64xf32, #tpu.memory_space<vmem>>, vector<1x16xf32>,
      %swap3A_1726 = vector.shape_cast %swap3A_1725 : vector<1x16xf32> to vector<16xf32>
      %swap3A_1727 = vector.shape_cast %mul3A_1722 : vector<16xf32> to vector<1x16xf32>
      tpu.vector_store %arg7[%swap3A_1723, %swap3A_1724], %swap3A_1727 {strides = array<i32>} : memref<512x64xf32, #tpu.memory_space<vmem>>, vector<1x16xf32>,
      %mul3A_1728 = arith.constant 2.000000e-02 : f32
      %mul3A_1729 = vector.broadcast %mul3A_1728 : f32 to vector<16xf32>
      %mul3A_1730 = arith.mulf %scan3A_1714#1, %mul3A_1729 : vector<16xf32>
      %swap3A_1731 = arith.index_cast %add3A_1719 : i32 to index
      %swap3A_1732 = arith.constant 16 : index
      %swap3A_1733 = tpu.vector_load %arg7[%swap3A_1731, %swap3A_1732] {strides = array<i32>} : memref<512x64xf32, #tpu.memory_space<vmem>>, vector<1x16xf32>,
      %swap3A_1734 = vector.shape_cast %swap3A_1733 : vector<1x16xf32> to vector<16xf32>
      %swap3A_1735 = vector.shape_cast %mul3A_1730 : vector<16xf32> to vector<1x16xf32>
      tpu.vector_store %arg7[%swap3A_1731, %swap3A_1732], %swap3A_1735 {strides = array<i32>} : memref<512x64xf32, #tpu.memory_space<vmem>>, vector<1x16xf32>,
      %mul3A_1736 = arith.constant 2.000000e-02 : f32
      %mul3A_1737 = vector.broadcast %mul3A_1736 : f32 to vector<16xf32>
      %mul3A_1738 = arith.mulf %scan3A_1714#2, %mul3A_1737 : vector<16xf32>
      %swap3A_1739 = arith.index_cast %add3A_1719 : i32 to index
      %swap3A_1740 = arith.constant 32 : index
      %swap3A_1741 = tpu.vector_load %arg7[%swap3A_1739, %swap3A_1740] {strides = array<i32>} : memref<512x64xf32, #tpu.memory_space<vmem>>, vector<1x16xf32>,
      %swap3A_1742 = vector.shape_cast %swap3A_1741 : vector<1x16xf32> to vector<16xf32>
      %swap3A_1743 = vector.shape_cast %mul3A_1738 : vector<16xf32> to vector<1x16xf32>
      tpu.vector_store %arg7[%swap3A_1739, %swap3A_1740], %swap3A_1743 {strides = array<i32>} : memref<512x64xf32, #tpu.memory_space<vmem>>, vector<1x16xf32>,
      %mul3A_1744 = arith.constant 2.000000e-02 : f32
      %mul3A_1745 = vector.broadcast %mul3A_1744 : f32 to vector<16xf32>
      %mul3A_1746 = arith.mulf %scan3A_1714#3, %mul3A_1745 : vector<16xf32>
      %swap3A_1747 = arith.index_cast %add3A_1719 : i32 to index
      %swap3A_1748 = arith.constant 48 : index
      %swap3A_1749 = tpu.vector_load %arg7[%swap3A_1747, %swap3A_1748] {strides = array<i32>} : memref<512x64xf32, #tpu.memory_space<vmem>>, vector<1x16xf32>,
      %swap3A_1750 = vector.shape_cast %swap3A_1749 : vector<1x16xf32> to vector<16xf32>
      %swap3A_1751 = vector.shape_cast %mul3A_1746 : vector<16xf32> to vector<1x16xf32>
      tpu.vector_store %arg7[%swap3A_1747, %swap3A_1748], %swap3A_1751 {strides = array<i32>} : memref<512x64xf32, #tpu.memory_space<vmem>>, vector<1x16xf32>,
      %add3A_1752 = arith.constant 5 : i32
      %add3A_1753 = arith.addi %mul3A_998, %add3A_1752 : i32
      %add3A_1754 = arith.constant 8 : i32
      %add3A_1755 = arith.addi %add3A_1753, %add3A_1754 : i32
      %dma_start3A_1756 = arith.constant 5 : i32
      %dma_start3A_1757 = arith.constant 0 : i32
      %dma_start3A_1758 = arith.constant 0 : i32
      %dma_start3A_1759 = tpu.memref_slice %arg6[%dma_start3A_1756, %dma_start3A_1757, %dma_start3A_1758] : memref<8x100x64xf32, #tpu.memory_space<vmem>> -> memref<1x100x64xf32, #tpu.memory_space<vmem>>
      %dma_start3A_1760 = tpu.memref_squeeze %dma_start3A_1759 : memref<1x100x64xf32, #tpu.memory_space<vmem>> -> memref<100x64xf32, #tpu.memory_space<vmem>>
      %dma_start3A_1761 = arith.constant 0 : i32
      %dma_start3A_1762 = tpu.memref_slice %arg5[%add3A_1755, %dma_start3A_1761] : memref<256x100xi32, #tpu.memory_space<vmem>> -> memref<1x100xi32, #tpu.memory_space<vmem>>
      %dma_start3A_1763 = tpu.memref_squeeze %dma_start3A_1762 : memref<1x100xi32, #tpu.memory_space<vmem>> -> memref<100xi32, #tpu.memory_space<vmem>>
      %dma_start3A_1764 = arith.constant 0 : i32
      %dma_start3A_1765 = arith.constant 0 : i32
      %dma_start3A_1766 = tpu.memref_slice %arg3[%dma_start3A_1764, %dma_start3A_1765] : memref<1000000x64xf32, #tpu.memory_space<hbm>> -> memref<1000000x64xf32, #tpu.memory_space<hbm>>
      tpu.enqueue_indirect_dma source(%dma_start3A_1766 : memref<1000000x64xf32, #tpu.memory_space<hbm>>) target(%dma_start3A_1760 : memref<100x64xf32, #tpu.memory_space<vmem>>) offsets(%dma_start3A_1763 : memref<100xi32, #tpu.memory_space<vmem>>) semaphore(%arg13 : memref<!tpu.dma_semaphore, #tpu.memory_space<semaphore_mem>>)
      %add3A_1767 = arith.constant 6 : i32
      %add3A_1768 = arith.addi %mul3A_998, %add3A_1767 : i32
      %dma_wait3A_1769 = arith.constant 6 : i32
      %dma_wait3A_1770 = arith.constant 0 : i32
      %dma_wait3A_1771 = arith.constant 0 : i32
      %dma_wait3A_1772 = tpu.memref_slice %arg6[%dma_wait3A_1769, %dma_wait3A_1770, %dma_wait3A_1771] : memref<8x100x64xf32, #tpu.memory_space<vmem>> -> memref<1x100x64xf32, #tpu.memory_space<vmem>>
      %dma_wait3A_1773 = tpu.memref_squeeze %dma_wait3A_1772 : memref<1x100x64xf32, #tpu.memory_space<vmem>> -> memref<100x64xf32, #tpu.memory_space<vmem>>
      %dma_wait3A_1774 = arith.constant 0 : i32
      %dma_wait3A_1775 = tpu.memref_slice %arg5[%add3A_1768, %dma_wait3A_1774] : memref<256x100xi32, #tpu.memory_space<vmem>> -> memref<1x100xi32, #tpu.memory_space<vmem>>
      %dma_wait3A_1776 = tpu.memref_squeeze %dma_wait3A_1775 : memref<1x100xi32, #tpu.memory_space<vmem>> -> memref<100xi32, #tpu.memory_space<vmem>>
      %dma_wait3A_1777 = arith.constant 0 : i32
      %dma_wait3A_1778 = arith.constant 0 : i32
      %dma_wait3A_1779 = tpu.memref_slice %arg3[%dma_wait3A_1777, %dma_wait3A_1778] : memref<1000000x64xf32, #tpu.memory_space<hbm>> -> memref<1000000x64xf32, #tpu.memory_space<hbm>>
      tpu.wait_indirect_dma semaphore(%arg14 : memref<!tpu.dma_semaphore, #tpu.memory_space<semaphore_mem>>) src(%dma_wait3A_1779 : memref<1000000x64xf32, #tpu.memory_space<hbm>>) dst(%dma_wait3A_1773 : memref<100x64xf32, #tpu.memory_space<vmem>>)
      %broadcast_in_dim3A_1780 = arith.constant 0.000000e+00 : f32
      %broadcast_in_dim3A_1781 = vector.broadcast %broadcast_in_dim3A_1780 : f32 to vector<16xf32>
      %broadcast_in_dim3A_1782 = arith.constant 0.000000e+00 : f32
      %broadcast_in_dim3A_1783 = vector.broadcast %broadcast_in_dim3A_1782 : f32 to vector<16xf32>
      %broadcast_in_dim3A_1784 = arith.constant 0.000000e+00 : f32
      %broadcast_in_dim3A_1785 = vector.broadcast %broadcast_in_dim3A_1784 : f32 to vector<16xf32>
      %broadcast_in_dim3A_1786 = arith.constant 0.000000e+00 : f32
      %broadcast_in_dim3A_1787 = vector.broadcast %broadcast_in_dim3A_1786 : f32 to vector<16xf32>
      %scan3A_1788 = arith.constant 0 : i32
      %scan3A_1789 = arith.constant 50 : i32
      %scan3A_1790 = arith.addi %scan3A_1788, %scan3A_1789 : i32
      %scan3A_1791 = arith.constant 2 : i32
      %scan3A_1792:4 = scf.for %scan3A_2023 = %scan3A_1788 to %scan3A_1790 step %scan3A_1791 iter_args(%scan3A_2024 = %broadcast_in_dim3A_1781, %scan3A_2025 = %broadcast_in_dim3A_1783, %scan3A_2026 = %broadcast_in_dim3A_1785, %scan3A_2027 = %broadcast_in_dim3A_1787) -> (vector<16xf32>, vector<16xf32>, vector<16xf32>, vector<16xf32>)  : i32 {
        %add3A_2028 = arith.constant 0 : i32
        %add3A_2029 = arith.addi %add3A_2028, %scan3A_2023 : i32
        %get3A = arith.constant 6 : i32
        %get3A_2030 = arith.index_cast %get3A : i32 to index
        %get3A_2031 = arith.index_cast %add3A_2029 : i32 to index
        %get3A_2032 = arith.constant 0 : index
        %get3A_2033 = tpu.vector_load %arg6[%get3A_2030, %get3A_2031, %get3A_2032] {strides = array<i32>} : memref<8x100x64xf32, #tpu.memory_space<vmem>>, vector<1x1x16xf32>,
        %get3A_2034 = vector.shape_cast %get3A_2033 : vector<1x1x16xf32> to vector<16xf32>
        %add3A_2035 = arith.addf %scan3A_2024, %get3A_2034 : vector<16xf32>
        %get3A_2036 = arith.constant 6 : i32
        %get3A_2037 = arith.index_cast %get3A_2036 : i32 to index
        %get3A_2038 = arith.index_cast %add3A_2029 : i32 to index
        %get3A_2039 = arith.constant 16 : index
        %get3A_2040 = tpu.vector_load %arg6[%get3A_2037, %get3A_2038, %get3A_2039] {strides = array<i32>} : memref<8x100x64xf32, #tpu.memory_space<vmem>>, vector<1x1x16xf32>,
        %get3A_2041 = vector.shape_cast %get3A_2040 : vector<1x1x16xf32> to vector<16xf32>
        %add3A_2042 = arith.addf %scan3A_2025, %get3A_2041 : vector<16xf32>
        %get3A_2043 = arith.constant 6 : i32
        %get3A_2044 = arith.index_cast %get3A_2043 : i32 to index
        %get3A_2045 = arith.index_cast %add3A_2029 : i32 to index
        %get3A_2046 = arith.constant 32 : index
        %get3A_2047 = tpu.vector_load %arg6[%get3A_2044, %get3A_2045, %get3A_2046] {strides = array<i32>} : memref<8x100x64xf32, #tpu.memory_space<vmem>>, vector<1x1x16xf32>,
        %get3A_2048 = vector.shape_cast %get3A_2047 : vector<1x1x16xf32> to vector<16xf32>
        %add3A_2049 = arith.addf %scan3A_2026, %get3A_2048 : vector<16xf32>
        %get3A_2050 = arith.constant 6 : i32
        %get3A_2051 = arith.index_cast %get3A_2050 : i32 to index
        %get3A_2052 = arith.index_cast %add3A_2029 : i32 to index
        %get3A_2053 = arith.constant 48 : index
        %get3A_2054 = tpu.vector_load %arg6[%get3A_2051, %get3A_2052, %get3A_2053] {strides = array<i32>} : memref<8x100x64xf32, #tpu.memory_space<vmem>>, vector<1x1x16xf32>,
        %get3A_2055 = vector.shape_cast %get3A_2054 : vector<1x1x16xf32> to vector<16xf32>
        %add3A_2056 = arith.addf %scan3A_2027, %get3A_2055 : vector<16xf32>
        %scan3A_2057 = arith.constant 1 : i32
        %scan3A_2058 = arith.addi %scan3A_2023, %scan3A_2057 : i32
        %add3A_2059 = arith.constant 0 : i32
        %add3A_2060 = arith.addi %add3A_2059, %scan3A_2058 : i32
        %get3A_2061 = arith.constant 6 : i32
        %get3A_2062 = arith.index_cast %get3A_2061 : i32 to index
        %get3A_2063 = arith.index_cast %add3A_2060 : i32 to index
        %get3A_2064 = arith.constant 0 : index
        %get3A_2065 = tpu.vector_load %arg6[%get3A_2062, %get3A_2063, %get3A_2064] {strides = array<i32>} : memref<8x100x64xf32, #tpu.memory_space<vmem>>, vector<1x1x16xf32>,
        %get3A_2066 = vector.shape_cast %get3A_2065 : vector<1x1x16xf32> to vector<16xf32>
        %add3A_2067 = arith.addf %add3A_2035, %get3A_2066 : vector<16xf32>
        %get3A_2068 = arith.constant 6 : i32
        %get3A_2069 = arith.index_cast %get3A_2068 : i32 to index
        %get3A_2070 = arith.index_cast %add3A_2060 : i32 to index
        %get3A_2071 = arith.constant 16 : index
        %get3A_2072 = tpu.vector_load %arg6[%get3A_2069, %get3A_2070, %get3A_2071] {strides = array<i32>} : memref<8x100x64xf32, #tpu.memory_space<vmem>>, vector<1x1x16xf32>,
        %get3A_2073 = vector.shape_cast %get3A_2072 : vector<1x1x16xf32> to vector<16xf32>
        %add3A_2074 = arith.addf %add3A_2042, %get3A_2073 : vector<16xf32>
        %get3A_2075 = arith.constant 6 : i32
        %get3A_2076 = arith.index_cast %get3A_2075 : i32 to index
        %get3A_2077 = arith.index_cast %add3A_2060 : i32 to index
        %get3A_2078 = arith.constant 32 : index
        %get3A_2079 = tpu.vector_load %arg6[%get3A_2076, %get3A_2077, %get3A_2078] {strides = array<i32>} : memref<8x100x64xf32, #tpu.memory_space<vmem>>, vector<1x1x16xf32>,
        %get3A_2080 = vector.shape_cast %get3A_2079 : vector<1x1x16xf32> to vector<16xf32>
        %add3A_2081 = arith.addf %add3A_2049, %get3A_2080 : vector<16xf32>
        %get3A_2082 = arith.constant 6 : i32
        %get3A_2083 = arith.index_cast %get3A_2082 : i32 to index
        %get3A_2084 = arith.index_cast %add3A_2060 : i32 to index
        %get3A_2085 = arith.constant 48 : index
        %get3A_2086 = tpu.vector_load %arg6[%get3A_2083, %get3A_2084, %get3A_2085] {strides = array<i32>} : memref<8x100x64xf32, #tpu.memory_space<vmem>>, vector<1x1x16xf32>,
        %get3A_2087 = vector.shape_cast %get3A_2086 : vector<1x1x16xf32> to vector<16xf32>
        %add3A_2088 = arith.addf %add3A_2056, %get3A_2087 : vector<16xf32>
        scf.yield %add3A_2067, %add3A_2074, %add3A_2081, %add3A_2088 : vector<16xf32>, vector<16xf32>, vector<16xf32>, vector<16xf32>
      }
      %scan3A_1793 = arith.constant 50 : i32
      %mul3A_1794 = arith.constant 2 : i32
      %mul3A_1795 = arith.muli %add3A_1768, %mul3A_1794 : i32
      %add3A_1796 = arith.constant 0 : i32
      %add3A_1797 = arith.addi %mul3A_1795, %add3A_1796 : i32
      %mul3A_1798 = arith.constant 2.000000e-02 : f32
      %mul3A_1799 = vector.broadcast %mul3A_1798 : f32 to vector<16xf32>
      %mul3A_1800 = arith.mulf %scan3A_1792#0, %mul3A_1799 : vector<16xf32>
      %swap3A_1801 = arith.index_cast %add3A_1797 : i32 to index
      %swap3A_1802 = arith.constant 0 : index
      %swap3A_1803 = tpu.vector_load %arg7[%swap3A_1801, %swap3A_1802] {strides = array<i32>} : memref<512x64xf32, #tpu.memory_space<vmem>>, vector<1x16xf32>,
      %swap3A_1804 = vector.shape_cast %swap3A_1803 : vector<1x16xf32> to vector<16xf32>
      %swap3A_1805 = vector.shape_cast %mul3A_1800 : vector<16xf32> to vector<1x16xf32>
      tpu.vector_store %arg7[%swap3A_1801, %swap3A_1802], %swap3A_1805 {strides = array<i32>} : memref<512x64xf32, #tpu.memory_space<vmem>>, vector<1x16xf32>,
      %mul3A_1806 = arith.constant 2.000000e-02 : f32
      %mul3A_1807 = vector.broadcast %mul3A_1806 : f32 to vector<16xf32>
      %mul3A_1808 = arith.mulf %scan3A_1792#1, %mul3A_1807 : vector<16xf32>
      %swap3A_1809 = arith.index_cast %add3A_1797 : i32 to index
      %swap3A_1810 = arith.constant 16 : index
      %swap3A_1811 = tpu.vector_load %arg7[%swap3A_1809, %swap3A_1810] {strides = array<i32>} : memref<512x64xf32, #tpu.memory_space<vmem>>, vector<1x16xf32>,
      %swap3A_1812 = vector.shape_cast %swap3A_1811 : vector<1x16xf32> to vector<16xf32>
      %swap3A_1813 = vector.shape_cast %mul3A_1808 : vector<16xf32> to vector<1x16xf32>
      tpu.vector_store %arg7[%swap3A_1809, %swap3A_1810], %swap3A_1813 {strides = array<i32>} : memref<512x64xf32, #tpu.memory_space<vmem>>, vector<1x16xf32>,
      %mul3A_1814 = arith.constant 2.000000e-02 : f32
      %mul3A_1815 = vector.broadcast %mul3A_1814 : f32 to vector<16xf32>
      %mul3A_1816 = arith.mulf %scan3A_1792#2, %mul3A_1815 : vector<16xf32>
      %swap3A_1817 = arith.index_cast %add3A_1797 : i32 to index
      %swap3A_1818 = arith.constant 32 : index
      %swap3A_1819 = tpu.vector_load %arg7[%swap3A_1817, %swap3A_1818] {strides = array<i32>} : memref<512x64xf32, #tpu.memory_space<vmem>>, vector<1x16xf32>,
      %swap3A_1820 = vector.shape_cast %swap3A_1819 : vector<1x16xf32> to vector<16xf32>
      %swap3A_1821 = vector.shape_cast %mul3A_1816 : vector<16xf32> to vector<1x16xf32>
      tpu.vector_store %arg7[%swap3A_1817, %swap3A_1818], %swap3A_1821 {strides = array<i32>} : memref<512x64xf32, #tpu.memory_space<vmem>>, vector<1x16xf32>,
      %mul3A_1822 = arith.constant 2.000000e-02 : f32
      %mul3A_1823 = vector.broadcast %mul3A_1822 : f32 to vector<16xf32>
      %mul3A_1824 = arith.mulf %scan3A_1792#3, %mul3A_1823 : vector<16xf32>
      %swap3A_1825 = arith.index_cast %add3A_1797 : i32 to index
      %swap3A_1826 = arith.constant 48 : index
      %swap3A_1827 = tpu.vector_load %arg7[%swap3A_1825, %swap3A_1826] {strides = array<i32>} : memref<512x64xf32, #tpu.memory_space<vmem>>, vector<1x16xf32>,
      %swap3A_1828 = vector.shape_cast %swap3A_1827 : vector<1x16xf32> to vector<16xf32>
      %swap3A_1829 = vector.shape_cast %mul3A_1824 : vector<16xf32> to vector<1x16xf32>
      tpu.vector_store %arg7[%swap3A_1825, %swap3A_1826], %swap3A_1829 {strides = array<i32>} : memref<512x64xf32, #tpu.memory_space<vmem>>, vector<1x16xf32>,
      %broadcast_in_dim3A_1830 = arith.constant 0.000000e+00 : f32
      %broadcast_in_dim3A_1831 = vector.broadcast %broadcast_in_dim3A_1830 : f32 to vector<16xf32>
      %broadcast_in_dim3A_1832 = arith.constant 0.000000e+00 : f32
      %broadcast_in_dim3A_1833 = vector.broadcast %broadcast_in_dim3A_1832 : f32 to vector<16xf32>
      %broadcast_in_dim3A_1834 = arith.constant 0.000000e+00 : f32
      %broadcast_in_dim3A_1835 = vector.broadcast %broadcast_in_dim3A_1834 : f32 to vector<16xf32>
      %broadcast_in_dim3A_1836 = arith.constant 0.000000e+00 : f32
      %broadcast_in_dim3A_1837 = vector.broadcast %broadcast_in_dim3A_1836 : f32 to vector<16xf32>
      %scan3A_1838 = arith.constant 0 : i32
      %scan3A_1839 = arith.constant 50 : i32
      %scan3A_1840 = arith.addi %scan3A_1838, %scan3A_1839 : i32
      %scan3A_1841 = arith.constant 2 : i32
      %scan3A_1842:4 = scf.for %scan3A_2023 = %scan3A_1838 to %scan3A_1840 step %scan3A_1841 iter_args(%scan3A_2024 = %broadcast_in_dim3A_1831, %scan3A_2025 = %broadcast_in_dim3A_1833, %scan3A_2026 = %broadcast_in_dim3A_1835, %scan3A_2027 = %broadcast_in_dim3A_1837) -> (vector<16xf32>, vector<16xf32>, vector<16xf32>, vector<16xf32>)  : i32 {
        %add3A_2028 = arith.constant 50 : i32
        %add3A_2029 = arith.addi %add3A_2028, %scan3A_2023 : i32
        %get3A = arith.constant 6 : i32
        %get3A_2030 = arith.index_cast %get3A : i32 to index
        %get3A_2031 = arith.index_cast %add3A_2029 : i32 to index
        %get3A_2032 = arith.constant 0 : index
        %get3A_2033 = tpu.vector_load %arg6[%get3A_2030, %get3A_2031, %get3A_2032] {strides = array<i32>} : memref<8x100x64xf32, #tpu.memory_space<vmem>>, vector<1x1x16xf32>,
        %get3A_2034 = vector.shape_cast %get3A_2033 : vector<1x1x16xf32> to vector<16xf32>
        %add3A_2035 = arith.addf %scan3A_2024, %get3A_2034 : vector<16xf32>
        %get3A_2036 = arith.constant 6 : i32
        %get3A_2037 = arith.index_cast %get3A_2036 : i32 to index
        %get3A_2038 = arith.index_cast %add3A_2029 : i32 to index
        %get3A_2039 = arith.constant 16 : index
        %get3A_2040 = tpu.vector_load %arg6[%get3A_2037, %get3A_2038, %get3A_2039] {strides = array<i32>} : memref<8x100x64xf32, #tpu.memory_space<vmem>>, vector<1x1x16xf32>,
        %get3A_2041 = vector.shape_cast %get3A_2040 : vector<1x1x16xf32> to vector<16xf32>
        %add3A_2042 = arith.addf %scan3A_2025, %get3A_2041 : vector<16xf32>
        %get3A_2043 = arith.constant 6 : i32
        %get3A_2044 = arith.index_cast %get3A_2043 : i32 to index
        %get3A_2045 = arith.index_cast %add3A_2029 : i32 to index
        %get3A_2046 = arith.constant 32 : index
        %get3A_2047 = tpu.vector_load %arg6[%get3A_2044, %get3A_2045, %get3A_2046] {strides = array<i32>} : memref<8x100x64xf32, #tpu.memory_space<vmem>>, vector<1x1x16xf32>,
        %get3A_2048 = vector.shape_cast %get3A_2047 : vector<1x1x16xf32> to vector<16xf32>
        %add3A_2049 = arith.addf %scan3A_2026, %get3A_2048 : vector<16xf32>
        %get3A_2050 = arith.constant 6 : i32
        %get3A_2051 = arith.index_cast %get3A_2050 : i32 to index
        %get3A_2052 = arith.index_cast %add3A_2029 : i32 to index
        %get3A_2053 = arith.constant 48 : index
        %get3A_2054 = tpu.vector_load %arg6[%get3A_2051, %get3A_2052, %get3A_2053] {strides = array<i32>} : memref<8x100x64xf32, #tpu.memory_space<vmem>>, vector<1x1x16xf32>,
        %get3A_2055 = vector.shape_cast %get3A_2054 : vector<1x1x16xf32> to vector<16xf32>
        %add3A_2056 = arith.addf %scan3A_2027, %get3A_2055 : vector<16xf32>
        %scan3A_2057 = arith.constant 1 : i32
        %scan3A_2058 = arith.addi %scan3A_2023, %scan3A_2057 : i32
        %add3A_2059 = arith.constant 50 : i32
        %add3A_2060 = arith.addi %add3A_2059, %scan3A_2058 : i32
        %get3A_2061 = arith.constant 6 : i32
        %get3A_2062 = arith.index_cast %get3A_2061 : i32 to index
        %get3A_2063 = arith.index_cast %add3A_2060 : i32 to index
        %get3A_2064 = arith.constant 0 : index
        %get3A_2065 = tpu.vector_load %arg6[%get3A_2062, %get3A_2063, %get3A_2064] {strides = array<i32>} : memref<8x100x64xf32, #tpu.memory_space<vmem>>, vector<1x1x16xf32>,
        %get3A_2066 = vector.shape_cast %get3A_2065 : vector<1x1x16xf32> to vector<16xf32>
        %add3A_2067 = arith.addf %add3A_2035, %get3A_2066 : vector<16xf32>
        %get3A_2068 = arith.constant 6 : i32
        %get3A_2069 = arith.index_cast %get3A_2068 : i32 to index
        %get3A_2070 = arith.index_cast %add3A_2060 : i32 to index
        %get3A_2071 = arith.constant 16 : index
        %get3A_2072 = tpu.vector_load %arg6[%get3A_2069, %get3A_2070, %get3A_2071] {strides = array<i32>} : memref<8x100x64xf32, #tpu.memory_space<vmem>>, vector<1x1x16xf32>,
        %get3A_2073 = vector.shape_cast %get3A_2072 : vector<1x1x16xf32> to vector<16xf32>
        %add3A_2074 = arith.addf %add3A_2042, %get3A_2073 : vector<16xf32>
        %get3A_2075 = arith.constant 6 : i32
        %get3A_2076 = arith.index_cast %get3A_2075 : i32 to index
        %get3A_2077 = arith.index_cast %add3A_2060 : i32 to index
        %get3A_2078 = arith.constant 32 : index
        %get3A_2079 = tpu.vector_load %arg6[%get3A_2076, %get3A_2077, %get3A_2078] {strides = array<i32>} : memref<8x100x64xf32, #tpu.memory_space<vmem>>, vector<1x1x16xf32>,
        %get3A_2080 = vector.shape_cast %get3A_2079 : vector<1x1x16xf32> to vector<16xf32>
        %add3A_2081 = arith.addf %add3A_2049, %get3A_2080 : vector<16xf32>
        %get3A_2082 = arith.constant 6 : i32
        %get3A_2083 = arith.index_cast %get3A_2082 : i32 to index
        %get3A_2084 = arith.index_cast %add3A_2060 : i32 to index
        %get3A_2085 = arith.constant 48 : index
        %get3A_2086 = tpu.vector_load %arg6[%get3A_2083, %get3A_2084, %get3A_2085] {strides = array<i32>} : memref<8x100x64xf32, #tpu.memory_space<vmem>>, vector<1x1x16xf32>,
        %get3A_2087 = vector.shape_cast %get3A_2086 : vector<1x1x16xf32> to vector<16xf32>
        %add3A_2088 = arith.addf %add3A_2056, %get3A_2087 : vector<16xf32>
        scf.yield %add3A_2067, %add3A_2074, %add3A_2081, %add3A_2088 : vector<16xf32>, vector<16xf32>, vector<16xf32>, vector<16xf32>
      }
      %scan3A_1843 = arith.constant 50 : i32
      %mul3A_1844 = arith.constant 2 : i32
      %mul3A_1845 = arith.muli %add3A_1768, %mul3A_1844 : i32
      %add3A_1846 = arith.constant 1 : i32
      %add3A_1847 = arith.addi %mul3A_1845, %add3A_1846 : i32
      %mul3A_1848 = arith.constant 2.000000e-02 : f32
      %mul3A_1849 = vector.broadcast %mul3A_1848 : f32 to vector<16xf32>
      %mul3A_1850 = arith.mulf %scan3A_1842#0, %mul3A_1849 : vector<16xf32>
      %swap3A_1851 = arith.index_cast %add3A_1847 : i32 to index
      %swap3A_1852 = arith.constant 0 : index
      %swap3A_1853 = tpu.vector_load %arg7[%swap3A_1851, %swap3A_1852] {strides = array<i32>} : memref<512x64xf32, #tpu.memory_space<vmem>>, vector<1x16xf32>,
      %swap3A_1854 = vector.shape_cast %swap3A_1853 : vector<1x16xf32> to vector<16xf32>
      %swap3A_1855 = vector.shape_cast %mul3A_1850 : vector<16xf32> to vector<1x16xf32>
      tpu.vector_store %arg7[%swap3A_1851, %swap3A_1852], %swap3A_1855 {strides = array<i32>} : memref<512x64xf32, #tpu.memory_space<vmem>>, vector<1x16xf32>,
      %mul3A_1856 = arith.constant 2.000000e-02 : f32
      %mul3A_1857 = vector.broadcast %mul3A_1856 : f32 to vector<16xf32>
      %mul3A_1858 = arith.mulf %scan3A_1842#1, %mul3A_1857 : vector<16xf32>
      %swap3A_1859 = arith.index_cast %add3A_1847 : i32 to index
      %swap3A_1860 = arith.constant 16 : index
      %swap3A_1861 = tpu.vector_load %arg7[%swap3A_1859, %swap3A_1860] {strides = array<i32>} : memref<512x64xf32, #tpu.memory_space<vmem>>, vector<1x16xf32>,
      %swap3A_1862 = vector.shape_cast %swap3A_1861 : vector<1x16xf32> to vector<16xf32>
      %swap3A_1863 = vector.shape_cast %mul3A_1858 : vector<16xf32> to vector<1x16xf32>
      tpu.vector_store %arg7[%swap3A_1859, %swap3A_1860], %swap3A_1863 {strides = array<i32>} : memref<512x64xf32, #tpu.memory_space<vmem>>, vector<1x16xf32>,
      %mul3A_1864 = arith.constant 2.000000e-02 : f32
      %mul3A_1865 = vector.broadcast %mul3A_1864 : f32 to vector<16xf32>
      %mul3A_1866 = arith.mulf %scan3A_1842#2, %mul3A_1865 : vector<16xf32>
      %swap3A_1867 = arith.index_cast %add3A_1847 : i32 to index
      %swap3A_1868 = arith.constant 32 : index
      %swap3A_1869 = tpu.vector_load %arg7[%swap3A_1867, %swap3A_1868] {strides = array<i32>} : memref<512x64xf32, #tpu.memory_space<vmem>>, vector<1x16xf32>,
      %swap3A_1870 = vector.shape_cast %swap3A_1869 : vector<1x16xf32> to vector<16xf32>
      %swap3A_1871 = vector.shape_cast %mul3A_1866 : vector<16xf32> to vector<1x16xf32>
      tpu.vector_store %arg7[%swap3A_1867, %swap3A_1868], %swap3A_1871 {strides = array<i32>} : memref<512x64xf32, #tpu.memory_space<vmem>>, vector<1x16xf32>,
      %mul3A_1872 = arith.constant 2.000000e-02 : f32
      %mul3A_1873 = vector.broadcast %mul3A_1872 : f32 to vector<16xf32>
      %mul3A_1874 = arith.mulf %scan3A_1842#3, %mul3A_1873 : vector<16xf32>
      %swap3A_1875 = arith.index_cast %add3A_1847 : i32 to index
      %swap3A_1876 = arith.constant 48 : index
      %swap3A_1877 = tpu.vector_load %arg7[%swap3A_1875, %swap3A_1876] {strides = array<i32>} : memref<512x64xf32, #tpu.memory_space<vmem>>, vector<1x16xf32>,
      %swap3A_1878 = vector.shape_cast %swap3A_1877 : vector<1x16xf32> to vector<16xf32>
      %swap3A_1879 = vector.shape_cast %mul3A_1874 : vector<16xf32> to vector<1x16xf32>
      tpu.vector_store %arg7[%swap3A_1875, %swap3A_1876], %swap3A_1879 {strides = array<i32>} : memref<512x64xf32, #tpu.memory_space<vmem>>, vector<1x16xf32>,
      %add3A_1880 = arith.constant 6 : i32
      %add3A_1881 = arith.addi %mul3A_998, %add3A_1880 : i32
      %add3A_1882 = arith.constant 8 : i32
      %add3A_1883 = arith.addi %add3A_1881, %add3A_1882 : i32
      %dma_start3A_1884 = arith.constant 6 : i32
      %dma_start3A_1885 = arith.constant 0 : i32
      %dma_start3A_1886 = arith.constant 0 : i32
      %dma_start3A_1887 = tpu.memref_slice %arg6[%dma_start3A_1884, %dma_start3A_1885, %dma_start3A_1886] : memref<8x100x64xf32, #tpu.memory_space<vmem>> -> memref<1x100x64xf32, #tpu.memory_space<vmem>>
      %dma_start3A_1888 = tpu.memref_squeeze %dma_start3A_1887 : memref<1x100x64xf32, #tpu.memory_space<vmem>> -> memref<100x64xf32, #tpu.memory_space<vmem>>
      %dma_start3A_1889 = arith.constant 0 : i32
      %dma_start3A_1890 = tpu.memref_slice %arg5[%add3A_1883, %dma_start3A_1889] : memref<256x100xi32, #tpu.memory_space<vmem>> -> memref<1x100xi32, #tpu.memory_space<vmem>>
      %dma_start3A_1891 = tpu.memref_squeeze %dma_start3A_1890 : memref<1x100xi32, #tpu.memory_space<vmem>> -> memref<100xi32, #tpu.memory_space<vmem>>
      %dma_start3A_1892 = arith.constant 0 : i32
      %dma_start3A_1893 = arith.constant 0 : i32
      %dma_start3A_1894 = tpu.memref_slice %arg3[%dma_start3A_1892, %dma_start3A_1893] : memref<1000000x64xf32, #tpu.memory_space<hbm>> -> memref<1000000x64xf32, #tpu.memory_space<hbm>>
      tpu.enqueue_indirect_dma source(%dma_start3A_1894 : memref<1000000x64xf32, #tpu.memory_space<hbm>>) target(%dma_start3A_1888 : memref<100x64xf32, #tpu.memory_space<vmem>>) offsets(%dma_start3A_1891 : memref<100xi32, #tpu.memory_space<vmem>>) semaphore(%arg14 : memref<!tpu.dma_semaphore, #tpu.memory_space<semaphore_mem>>)
      %add3A_1895 = arith.constant 7 : i32
      %add3A_1896 = arith.addi %mul3A_998, %add3A_1895 : i32
      %dma_wait3A_1897 = arith.constant 7 : i32
      %dma_wait3A_1898 = arith.constant 0 : i32
      %dma_wait3A_1899 = arith.constant 0 : i32
      %dma_wait3A_1900 = tpu.memref_slice %arg6[%dma_wait3A_1897, %dma_wait3A_1898, %dma_wait3A_1899] : memref<8x100x64xf32, #tpu.memory_space<vmem>> -> memref<1x100x64xf32, #tpu.memory_space<vmem>>
      %dma_wait3A_1901 = tpu.memref_squeeze %dma_wait3A_1900 : memref<1x100x64xf32, #tpu.memory_space<vmem>> -> memref<100x64xf32, #tpu.memory_space<vmem>>
      %dma_wait3A_1902 = arith.constant 0 : i32
      %dma_wait3A_1903 = tpu.memref_slice %arg5[%add3A_1896, %dma_wait3A_1902] : memref<256x100xi32, #tpu.memory_space<vmem>> -> memref<1x100xi32, #tpu.memory_space<vmem>>
      %dma_wait3A_1904 = tpu.memref_squeeze %dma_wait3A_1903 : memref<1x100xi32, #tpu.memory_space<vmem>> -> memref<100xi32, #tpu.memory_space<vmem>>
      %dma_wait3A_1905 = arith.constant 0 : i32
      %dma_wait3A_1906 = arith.constant 0 : i32
      %dma_wait3A_1907 = tpu.memref_slice %arg3[%dma_wait3A_1905, %dma_wait3A_1906] : memref<1000000x64xf32, #tpu.memory_space<hbm>> -> memref<1000000x64xf32, #tpu.memory_space<hbm>>
      tpu.wait_indirect_dma semaphore(%arg15 : memref<!tpu.dma_semaphore, #tpu.memory_space<semaphore_mem>>) src(%dma_wait3A_1907 : memref<1000000x64xf32, #tpu.memory_space<hbm>>) dst(%dma_wait3A_1901 : memref<100x64xf32, #tpu.memory_space<vmem>>)
      %broadcast_in_dim3A_1908 = arith.constant 0.000000e+00 : f32
      %broadcast_in_dim3A_1909 = vector.broadcast %broadcast_in_dim3A_1908 : f32 to vector<16xf32>
      %broadcast_in_dim3A_1910 = arith.constant 0.000000e+00 : f32
      %broadcast_in_dim3A_1911 = vector.broadcast %broadcast_in_dim3A_1910 : f32 to vector<16xf32>
      %broadcast_in_dim3A_1912 = arith.constant 0.000000e+00 : f32
      %broadcast_in_dim3A_1913 = vector.broadcast %broadcast_in_dim3A_1912 : f32 to vector<16xf32>
      %broadcast_in_dim3A_1914 = arith.constant 0.000000e+00 : f32
      %broadcast_in_dim3A_1915 = vector.broadcast %broadcast_in_dim3A_1914 : f32 to vector<16xf32>
      %scan3A_1916 = arith.constant 0 : i32
      %scan3A_1917 = arith.constant 50 : i32
      %scan3A_1918 = arith.addi %scan3A_1916, %scan3A_1917 : i32
      %scan3A_1919 = arith.constant 2 : i32
      %scan3A_1920:4 = scf.for %scan3A_2023 = %scan3A_1916 to %scan3A_1918 step %scan3A_1919 iter_args(%scan3A_2024 = %broadcast_in_dim3A_1909, %scan3A_2025 = %broadcast_in_dim3A_1911, %scan3A_2026 = %broadcast_in_dim3A_1913, %scan3A_2027 = %broadcast_in_dim3A_1915) -> (vector<16xf32>, vector<16xf32>, vector<16xf32>, vector<16xf32>)  : i32 {
        %add3A_2028 = arith.constant 0 : i32
        %add3A_2029 = arith.addi %add3A_2028, %scan3A_2023 : i32
        %get3A = arith.constant 7 : i32
        %get3A_2030 = arith.index_cast %get3A : i32 to index
        %get3A_2031 = arith.index_cast %add3A_2029 : i32 to index
        %get3A_2032 = arith.constant 0 : index
        %get3A_2033 = tpu.vector_load %arg6[%get3A_2030, %get3A_2031, %get3A_2032] {strides = array<i32>} : memref<8x100x64xf32, #tpu.memory_space<vmem>>, vector<1x1x16xf32>,
        %get3A_2034 = vector.shape_cast %get3A_2033 : vector<1x1x16xf32> to vector<16xf32>
        %add3A_2035 = arith.addf %scan3A_2024, %get3A_2034 : vector<16xf32>
        %get3A_2036 = arith.constant 7 : i32
        %get3A_2037 = arith.index_cast %get3A_2036 : i32 to index
        %get3A_2038 = arith.index_cast %add3A_2029 : i32 to index
        %get3A_2039 = arith.constant 16 : index
        %get3A_2040 = tpu.vector_load %arg6[%get3A_2037, %get3A_2038, %get3A_2039] {strides = array<i32>} : memref<8x100x64xf32, #tpu.memory_space<vmem>>, vector<1x1x16xf32>,
        %get3A_2041 = vector.shape_cast %get3A_2040 : vector<1x1x16xf32> to vector<16xf32>
        %add3A_2042 = arith.addf %scan3A_2025, %get3A_2041 : vector<16xf32>
        %get3A_2043 = arith.constant 7 : i32
        %get3A_2044 = arith.index_cast %get3A_2043 : i32 to index
        %get3A_2045 = arith.index_cast %add3A_2029 : i32 to index
        %get3A_2046 = arith.constant 32 : index
        %get3A_2047 = tpu.vector_load %arg6[%get3A_2044, %get3A_2045, %get3A_2046] {strides = array<i32>} : memref<8x100x64xf32, #tpu.memory_space<vmem>>, vector<1x1x16xf32>,
        %get3A_2048 = vector.shape_cast %get3A_2047 : vector<1x1x16xf32> to vector<16xf32>
        %add3A_2049 = arith.addf %scan3A_2026, %get3A_2048 : vector<16xf32>
        %get3A_2050 = arith.constant 7 : i32
        %get3A_2051 = arith.index_cast %get3A_2050 : i32 to index
        %get3A_2052 = arith.index_cast %add3A_2029 : i32 to index
        %get3A_2053 = arith.constant 48 : index
        %get3A_2054 = tpu.vector_load %arg6[%get3A_2051, %get3A_2052, %get3A_2053] {strides = array<i32>} : memref<8x100x64xf32, #tpu.memory_space<vmem>>, vector<1x1x16xf32>,
        %get3A_2055 = vector.shape_cast %get3A_2054 : vector<1x1x16xf32> to vector<16xf32>
        %add3A_2056 = arith.addf %scan3A_2027, %get3A_2055 : vector<16xf32>
        %scan3A_2057 = arith.constant 1 : i32
        %scan3A_2058 = arith.addi %scan3A_2023, %scan3A_2057 : i32
        %add3A_2059 = arith.constant 0 : i32
        %add3A_2060 = arith.addi %add3A_2059, %scan3A_2058 : i32
        %get3A_2061 = arith.constant 7 : i32
        %get3A_2062 = arith.index_cast %get3A_2061 : i32 to index
        %get3A_2063 = arith.index_cast %add3A_2060 : i32 to index
        %get3A_2064 = arith.constant 0 : index
        %get3A_2065 = tpu.vector_load %arg6[%get3A_2062, %get3A_2063, %get3A_2064] {strides = array<i32>} : memref<8x100x64xf32, #tpu.memory_space<vmem>>, vector<1x1x16xf32>,
        %get3A_2066 = vector.shape_cast %get3A_2065 : vector<1x1x16xf32> to vector<16xf32>
        %add3A_2067 = arith.addf %add3A_2035, %get3A_2066 : vector<16xf32>
        %get3A_2068 = arith.constant 7 : i32
        %get3A_2069 = arith.index_cast %get3A_2068 : i32 to index
        %get3A_2070 = arith.index_cast %add3A_2060 : i32 to index
        %get3A_2071 = arith.constant 16 : index
        %get3A_2072 = tpu.vector_load %arg6[%get3A_2069, %get3A_2070, %get3A_2071] {strides = array<i32>} : memref<8x100x64xf32, #tpu.memory_space<vmem>>, vector<1x1x16xf32>,
        %get3A_2073 = vector.shape_cast %get3A_2072 : vector<1x1x16xf32> to vector<16xf32>
        %add3A_2074 = arith.addf %add3A_2042, %get3A_2073 : vector<16xf32>
        %get3A_2075 = arith.constant 7 : i32
        %get3A_2076 = arith.index_cast %get3A_2075 : i32 to index
        %get3A_2077 = arith.index_cast %add3A_2060 : i32 to index
        %get3A_2078 = arith.constant 32 : index
        %get3A_2079 = tpu.vector_load %arg6[%get3A_2076, %get3A_2077, %get3A_2078] {strides = array<i32>} : memref<8x100x64xf32, #tpu.memory_space<vmem>>, vector<1x1x16xf32>,
        %get3A_2080 = vector.shape_cast %get3A_2079 : vector<1x1x16xf32> to vector<16xf32>
        %add3A_2081 = arith.addf %add3A_2049, %get3A_2080 : vector<16xf32>
        %get3A_2082 = arith.constant 7 : i32
        %get3A_2083 = arith.index_cast %get3A_2082 : i32 to index
        %get3A_2084 = arith.index_cast %add3A_2060 : i32 to index
        %get3A_2085 = arith.constant 48 : index
        %get3A_2086 = tpu.vector_load %arg6[%get3A_2083, %get3A_2084, %get3A_2085] {strides = array<i32>} : memref<8x100x64xf32, #tpu.memory_space<vmem>>, vector<1x1x16xf32>,
        %get3A_2087 = vector.shape_cast %get3A_2086 : vector<1x1x16xf32> to vector<16xf32>
        %add3A_2088 = arith.addf %add3A_2056, %get3A_2087 : vector<16xf32>
        scf.yield %add3A_2067, %add3A_2074, %add3A_2081, %add3A_2088 : vector<16xf32>, vector<16xf32>, vector<16xf32>, vector<16xf32>
      }
      %scan3A_1921 = arith.constant 50 : i32
      %mul3A_1922 = arith.constant 2 : i32
      %mul3A_1923 = arith.muli %add3A_1896, %mul3A_1922 : i32
      %add3A_1924 = arith.constant 0 : i32
      %add3A_1925 = arith.addi %mul3A_1923, %add3A_1924 : i32
      %mul3A_1926 = arith.constant 2.000000e-02 : f32
      %mul3A_1927 = vector.broadcast %mul3A_1926 : f32 to vector<16xf32>
      %mul3A_1928 = arith.mulf %scan3A_1920#0, %mul3A_1927 : vector<16xf32>
      %swap3A_1929 = arith.index_cast %add3A_1925 : i32 to index
      %swap3A_1930 = arith.constant 0 : index
      %swap3A_1931 = tpu.vector_load %arg7[%swap3A_1929, %swap3A_1930] {strides = array<i32>} : memref<512x64xf32, #tpu.memory_space<vmem>>, vector<1x16xf32>,
      %swap3A_1932 = vector.shape_cast %swap3A_1931 : vector<1x16xf32> to vector<16xf32>
      %swap3A_1933 = vector.shape_cast %mul3A_1928 : vector<16xf32> to vector<1x16xf32>
      tpu.vector_store %arg7[%swap3A_1929, %swap3A_1930], %swap3A_1933 {strides = array<i32>} : memref<512x64xf32, #tpu.memory_space<vmem>>, vector<1x16xf32>,
      %mul3A_1934 = arith.constant 2.000000e-02 : f32
      %mul3A_1935 = vector.broadcast %mul3A_1934 : f32 to vector<16xf32>
      %mul3A_1936 = arith.mulf %scan3A_1920#1, %mul3A_1935 : vector<16xf32>
      %swap3A_1937 = arith.index_cast %add3A_1925 : i32 to index
      %swap3A_1938 = arith.constant 16 : index
      %swap3A_1939 = tpu.vector_load %arg7[%swap3A_1937, %swap3A_1938] {strides = array<i32>} : memref<512x64xf32, #tpu.memory_space<vmem>>, vector<1x16xf32>,
      %swap3A_1940 = vector.shape_cast %swap3A_1939 : vector<1x16xf32> to vector<16xf32>
      %swap3A_1941 = vector.shape_cast %mul3A_1936 : vector<16xf32> to vector<1x16xf32>
      tpu.vector_store %arg7[%swap3A_1937, %swap3A_1938], %swap3A_1941 {strides = array<i32>} : memref<512x64xf32, #tpu.memory_space<vmem>>, vector<1x16xf32>,
      %mul3A_1942 = arith.constant 2.000000e-02 : f32
      %mul3A_1943 = vector.broadcast %mul3A_1942 : f32 to vector<16xf32>
      %mul3A_1944 = arith.mulf %scan3A_1920#2, %mul3A_1943 : vector<16xf32>
      %swap3A_1945 = arith.index_cast %add3A_1925 : i32 to index
      %swap3A_1946 = arith.constant 32 : index
      %swap3A_1947 = tpu.vector_load %arg7[%swap3A_1945, %swap3A_1946] {strides = array<i32>} : memref<512x64xf32, #tpu.memory_space<vmem>>, vector<1x16xf32>,
      %swap3A_1948 = vector.shape_cast %swap3A_1947 : vector<1x16xf32> to vector<16xf32>
      %swap3A_1949 = vector.shape_cast %mul3A_1944 : vector<16xf32> to vector<1x16xf32>
      tpu.vector_store %arg7[%swap3A_1945, %swap3A_1946], %swap3A_1949 {strides = array<i32>} : memref<512x64xf32, #tpu.memory_space<vmem>>, vector<1x16xf32>,
      %mul3A_1950 = arith.constant 2.000000e-02 : f32
      %mul3A_1951 = vector.broadcast %mul3A_1950 : f32 to vector<16xf32>
      %mul3A_1952 = arith.mulf %scan3A_1920#3, %mul3A_1951 : vector<16xf32>
      %swap3A_1953 = arith.index_cast %add3A_1925 : i32 to index
      %swap3A_1954 = arith.constant 48 : index
      %swap3A_1955 = tpu.vector_load %arg7[%swap3A_1953, %swap3A_1954] {strides = array<i32>} : memref<512x64xf32, #tpu.memory_space<vmem>>, vector<1x16xf32>,
      %swap3A_1956 = vector.shape_cast %swap3A_1955 : vector<1x16xf32> to vector<16xf32>
      %swap3A_1957 = vector.shape_cast %mul3A_1952 : vector<16xf32> to vector<1x16xf32>
      tpu.vector_store %arg7[%swap3A_1953, %swap3A_1954], %swap3A_1957 {strides = array<i32>} : memref<512x64xf32, #tpu.memory_space<vmem>>, vector<1x16xf32>,
      %broadcast_in_dim3A_1958 = arith.constant 0.000000e+00 : f32
      %broadcast_in_dim3A_1959 = vector.broadcast %broadcast_in_dim3A_1958 : f32 to vector<16xf32>
      %broadcast_in_dim3A_1960 = arith.constant 0.000000e+00 : f32
      %broadcast_in_dim3A_1961 = vector.broadcast %broadcast_in_dim3A_1960 : f32 to vector<16xf32>
      %broadcast_in_dim3A_1962 = arith.constant 0.000000e+00 : f32
      %broadcast_in_dim3A_1963 = vector.broadcast %broadcast_in_dim3A_1962 : f32 to vector<16xf32>
      %broadcast_in_dim3A_1964 = arith.constant 0.000000e+00 : f32
      %broadcast_in_dim3A_1965 = vector.broadcast %broadcast_in_dim3A_1964 : f32 to vector<16xf32>
      %scan3A_1966 = arith.constant 0 : i32
      %scan3A_1967 = arith.constant 50 : i32
      %scan3A_1968 = arith.addi %scan3A_1966, %scan3A_1967 : i32
      %scan3A_1969 = arith.constant 2 : i32
      %scan3A_1970:4 = scf.for %scan3A_2023 = %scan3A_1966 to %scan3A_1968 step %scan3A_1969 iter_args(%scan3A_2024 = %broadcast_in_dim3A_1959, %scan3A_2025 = %broadcast_in_dim3A_1961, %scan3A_2026 = %broadcast_in_dim3A_1963, %scan3A_2027 = %broadcast_in_dim3A_1965) -> (vector<16xf32>, vector<16xf32>, vector<16xf32>, vector<16xf32>)  : i32 {
        %add3A_2028 = arith.constant 50 : i32
        %add3A_2029 = arith.addi %add3A_2028, %scan3A_2023 : i32
        %get3A = arith.constant 7 : i32
        %get3A_2030 = arith.index_cast %get3A : i32 to index
        %get3A_2031 = arith.index_cast %add3A_2029 : i32 to index
        %get3A_2032 = arith.constant 0 : index
        %get3A_2033 = tpu.vector_load %arg6[%get3A_2030, %get3A_2031, %get3A_2032] {strides = array<i32>} : memref<8x100x64xf32, #tpu.memory_space<vmem>>, vector<1x1x16xf32>,
        %get3A_2034 = vector.shape_cast %get3A_2033 : vector<1x1x16xf32> to vector<16xf32>
        %add3A_2035 = arith.addf %scan3A_2024, %get3A_2034 : vector<16xf32>
        %get3A_2036 = arith.constant 7 : i32
        %get3A_2037 = arith.index_cast %get3A_2036 : i32 to index
        %get3A_2038 = arith.index_cast %add3A_2029 : i32 to index
        %get3A_2039 = arith.constant 16 : index
        %get3A_2040 = tpu.vector_load %arg6[%get3A_2037, %get3A_2038, %get3A_2039] {strides = array<i32>} : memref<8x100x64xf32, #tpu.memory_space<vmem>>, vector<1x1x16xf32>,
        %get3A_2041 = vector.shape_cast %get3A_2040 : vector<1x1x16xf32> to vector<16xf32>
        %add3A_2042 = arith.addf %scan3A_2025, %get3A_2041 : vector<16xf32>
        %get3A_2043 = arith.constant 7 : i32
        %get3A_2044 = arith.index_cast %get3A_2043 : i32 to index
        %get3A_2045 = arith.index_cast %add3A_2029 : i32 to index
        %get3A_2046 = arith.constant 32 : index
        %get3A_2047 = tpu.vector_load %arg6[%get3A_2044, %get3A_2045, %get3A_2046] {strides = array<i32>} : memref<8x100x64xf32, #tpu.memory_space<vmem>>, vector<1x1x16xf32>,
        %get3A_2048 = vector.shape_cast %get3A_2047 : vector<1x1x16xf32> to vector<16xf32>
        %add3A_2049 = arith.addf %scan3A_2026, %get3A_2048 : vector<16xf32>
        %get3A_2050 = arith.constant 7 : i32
        %get3A_2051 = arith.index_cast %get3A_2050 : i32 to index
        %get3A_2052 = arith.index_cast %add3A_2029 : i32 to index
        %get3A_2053 = arith.constant 48 : index
        %get3A_2054 = tpu.vector_load %arg6[%get3A_2051, %get3A_2052, %get3A_2053] {strides = array<i32>} : memref<8x100x64xf32, #tpu.memory_space<vmem>>, vector<1x1x16xf32>,
        %get3A_2055 = vector.shape_cast %get3A_2054 : vector<1x1x16xf32> to vector<16xf32>
        %add3A_2056 = arith.addf %scan3A_2027, %get3A_2055 : vector<16xf32>
        %scan3A_2057 = arith.constant 1 : i32
        %scan3A_2058 = arith.addi %scan3A_2023, %scan3A_2057 : i32
        %add3A_2059 = arith.constant 50 : i32
        %add3A_2060 = arith.addi %add3A_2059, %scan3A_2058 : i32
        %get3A_2061 = arith.constant 7 : i32
        %get3A_2062 = arith.index_cast %get3A_2061 : i32 to index
        %get3A_2063 = arith.index_cast %add3A_2060 : i32 to index
        %get3A_2064 = arith.constant 0 : index
        %get3A_2065 = tpu.vector_load %arg6[%get3A_2062, %get3A_2063, %get3A_2064] {strides = array<i32>} : memref<8x100x64xf32, #tpu.memory_space<vmem>>, vector<1x1x16xf32>,
        %get3A_2066 = vector.shape_cast %get3A_2065 : vector<1x1x16xf32> to vector<16xf32>
        %add3A_2067 = arith.addf %add3A_2035, %get3A_2066 : vector<16xf32>
        %get3A_2068 = arith.constant 7 : i32
        %get3A_2069 = arith.index_cast %get3A_2068 : i32 to index
        %get3A_2070 = arith.index_cast %add3A_2060 : i32 to index
        %get3A_2071 = arith.constant 16 : index
        %get3A_2072 = tpu.vector_load %arg6[%get3A_2069, %get3A_2070, %get3A_2071] {strides = array<i32>} : memref<8x100x64xf32, #tpu.memory_space<vmem>>, vector<1x1x16xf32>,
        %get3A_2073 = vector.shape_cast %get3A_2072 : vector<1x1x16xf32> to vector<16xf32>
        %add3A_2074 = arith.addf %add3A_2042, %get3A_2073 : vector<16xf32>
        %get3A_2075 = arith.constant 7 : i32
        %get3A_2076 = arith.index_cast %get3A_2075 : i32 to index
        %get3A_2077 = arith.index_cast %add3A_2060 : i32 to index
        %get3A_2078 = arith.constant 32 : index
        %get3A_2079 = tpu.vector_load %arg6[%get3A_2076, %get3A_2077, %get3A_2078] {strides = array<i32>} : memref<8x100x64xf32, #tpu.memory_space<vmem>>, vector<1x1x16xf32>,
        %get3A_2080 = vector.shape_cast %get3A_2079 : vector<1x1x16xf32> to vector<16xf32>
        %add3A_2081 = arith.addf %add3A_2049, %get3A_2080 : vector<16xf32>
        %get3A_2082 = arith.constant 7 : i32
        %get3A_2083 = arith.index_cast %get3A_2082 : i32 to index
        %get3A_2084 = arith.index_cast %add3A_2060 : i32 to index
        %get3A_2085 = arith.constant 48 : index
        %get3A_2086 = tpu.vector_load %arg6[%get3A_2083, %get3A_2084, %get3A_2085] {strides = array<i32>} : memref<8x100x64xf32, #tpu.memory_space<vmem>>, vector<1x1x16xf32>,
        %get3A_2087 = vector.shape_cast %get3A_2086 : vector<1x1x16xf32> to vector<16xf32>
        %add3A_2088 = arith.addf %add3A_2056, %get3A_2087 : vector<16xf32>
        scf.yield %add3A_2067, %add3A_2074, %add3A_2081, %add3A_2088 : vector<16xf32>, vector<16xf32>, vector<16xf32>, vector<16xf32>
      }
      %scan3A_1971 = arith.constant 50 : i32
      %mul3A_1972 = arith.constant 2 : i32
      %mul3A_1973 = arith.muli %add3A_1896, %mul3A_1972 : i32
      %add3A_1974 = arith.constant 1 : i32
      %add3A_1975 = arith.addi %mul3A_1973, %add3A_1974 : i32
      %mul3A_1976 = arith.constant 2.000000e-02 : f32
      %mul3A_1977 = vector.broadcast %mul3A_1976 : f32 to vector<16xf32>
      %mul3A_1978 = arith.mulf %scan3A_1970#0, %mul3A_1977 : vector<16xf32>
      %swap3A_1979 = arith.index_cast %add3A_1975 : i32 to index
      %swap3A_1980 = arith.constant 0 : index
      %swap3A_1981 = tpu.vector_load %arg7[%swap3A_1979, %swap3A_1980] {strides = array<i32>} : memref<512x64xf32, #tpu.memory_space<vmem>>, vector<1x16xf32>,
      %swap3A_1982 = vector.shape_cast %swap3A_1981 : vector<1x16xf32> to vector<16xf32>
      %swap3A_1983 = vector.shape_cast %mul3A_1978 : vector<16xf32> to vector<1x16xf32>
      tpu.vector_store %arg7[%swap3A_1979, %swap3A_1980], %swap3A_1983 {strides = array<i32>} : memref<512x64xf32, #tpu.memory_space<vmem>>, vector<1x16xf32>,
      %mul3A_1984 = arith.constant 2.000000e-02 : f32
      %mul3A_1985 = vector.broadcast %mul3A_1984 : f32 to vector<16xf32>
      %mul3A_1986 = arith.mulf %scan3A_1970#1, %mul3A_1985 : vector<16xf32>
      %swap3A_1987 = arith.index_cast %add3A_1975 : i32 to index
      %swap3A_1988 = arith.constant 16 : index
      %swap3A_1989 = tpu.vector_load %arg7[%swap3A_1987, %swap3A_1988] {strides = array<i32>} : memref<512x64xf32, #tpu.memory_space<vmem>>, vector<1x16xf32>,
      %swap3A_1990 = vector.shape_cast %swap3A_1989 : vector<1x16xf32> to vector<16xf32>
      %swap3A_1991 = vector.shape_cast %mul3A_1986 : vector<16xf32> to vector<1x16xf32>
      tpu.vector_store %arg7[%swap3A_1987, %swap3A_1988], %swap3A_1991 {strides = array<i32>} : memref<512x64xf32, #tpu.memory_space<vmem>>, vector<1x16xf32>,
      %mul3A_1992 = arith.constant 2.000000e-02 : f32
      %mul3A_1993 = vector.broadcast %mul3A_1992 : f32 to vector<16xf32>
      %mul3A_1994 = arith.mulf %scan3A_1970#2, %mul3A_1993 : vector<16xf32>
      %swap3A_1995 = arith.index_cast %add3A_1975 : i32 to index
      %swap3A_1996 = arith.constant 32 : index
      %swap3A_1997 = tpu.vector_load %arg7[%swap3A_1995, %swap3A_1996] {strides = array<i32>} : memref<512x64xf32, #tpu.memory_space<vmem>>, vector<1x16xf32>,
      %swap3A_1998 = vector.shape_cast %swap3A_1997 : vector<1x16xf32> to vector<16xf32>
      %swap3A_1999 = vector.shape_cast %mul3A_1994 : vector<16xf32> to vector<1x16xf32>
      tpu.vector_store %arg7[%swap3A_1995, %swap3A_1996], %swap3A_1999 {strides = array<i32>} : memref<512x64xf32, #tpu.memory_space<vmem>>, vector<1x16xf32>,
      %mul3A_2000 = arith.constant 2.000000e-02 : f32
      %mul3A_2001 = vector.broadcast %mul3A_2000 : f32 to vector<16xf32>
      %mul3A_2002 = arith.mulf %scan3A_1970#3, %mul3A_2001 : vector<16xf32>
      %swap3A_2003 = arith.index_cast %add3A_1975 : i32 to index
      %swap3A_2004 = arith.constant 48 : index
      %swap3A_2005 = tpu.vector_load %arg7[%swap3A_2003, %swap3A_2004] {strides = array<i32>} : memref<512x64xf32, #tpu.memory_space<vmem>>, vector<1x16xf32>,
      %swap3A_2006 = vector.shape_cast %swap3A_2005 : vector<1x16xf32> to vector<16xf32>
      %swap3A_2007 = vector.shape_cast %mul3A_2002 : vector<16xf32> to vector<1x16xf32>
      tpu.vector_store %arg7[%swap3A_2003, %swap3A_2004], %swap3A_2007 {strides = array<i32>} : memref<512x64xf32, #tpu.memory_space<vmem>>, vector<1x16xf32>,
      %add3A_2008 = arith.constant 7 : i32
      %add3A_2009 = arith.addi %mul3A_998, %add3A_2008 : i32
      %add3A_2010 = arith.constant 8 : i32
      %add3A_2011 = arith.addi %add3A_2009, %add3A_2010 : i32
      %dma_start3A_2012 = arith.constant 7 : i32
      %dma_start3A_2013 = arith.constant 0 : i32
      %dma_start3A_2014 = arith.constant 0 : i32
      %dma_start3A_2015 = tpu.memref_slice %arg6[%dma_start3A_2012, %dma_start3A_2013, %dma_start3A_2014] : memref<8x100x64xf32, #tpu.memory_space<vmem>> -> memref<1x100x64xf32, #tpu.memory_space<vmem>>
      %dma_start3A_2016 = tpu.memref_squeeze %dma_start3A_2015 : memref<1x100x64xf32, #tpu.memory_space<vmem>> -> memref<100x64xf32, #tpu.memory_space<vmem>>
      %dma_start3A_2017 = arith.constant 0 : i32
      %dma_start3A_2018 = tpu.memref_slice %arg5[%add3A_2011, %dma_start3A_2017] : memref<256x100xi32, #tpu.memory_space<vmem>> -> memref<1x100xi32, #tpu.memory_space<vmem>>
      %dma_start3A_2019 = tpu.memref_squeeze %dma_start3A_2018 : memref<1x100xi32, #tpu.memory_space<vmem>> -> memref<100xi32, #tpu.memory_space<vmem>>
      %dma_start3A_2020 = arith.constant 0 : i32
      %dma_start3A_2021 = arith.constant 0 : i32
      %dma_start3A_2022 = tpu.memref_slice %arg3[%dma_start3A_2020, %dma_start3A_2021] : memref<1000000x64xf32, #tpu.memory_space<hbm>> -> memref<1000000x64xf32, #tpu.memory_space<hbm>>
      tpu.enqueue_indirect_dma source(%dma_start3A_2022 : memref<1000000x64xf32, #tpu.memory_space<hbm>>) target(%dma_start3A_2016 : memref<100x64xf32, #tpu.memory_space<vmem>>) offsets(%dma_start3A_2019 : memref<100xi32, #tpu.memory_space<vmem>>) semaphore(%arg15 : memref<!tpu.dma_semaphore, #tpu.memory_space<semaphore_mem>>)
    }
    %scan3A_100 = arith.constant 31 : i32
    %dma_wait3A = arith.constant 248 : i32
    %dma_wait3A_101 = arith.constant 0 : i32
    %dma_wait3A_102 = arith.constant 0 : i32
    %dma_wait3A_103 = arith.constant 0 : i32
    %dma_wait3A_104 = tpu.memref_slice %arg6[%dma_wait3A_101, %dma_wait3A_102, %dma_wait3A_103] : memref<8x100x64xf32, #tpu.memory_space<vmem>> -> memref<1x100x64xf32, #tpu.memory_space<vmem>>
    %dma_wait3A_105 = tpu.memref_squeeze %dma_wait3A_104 : memref<1x100x64xf32, #tpu.memory_space<vmem>> -> memref<100x64xf32, #tpu.memory_space<vmem>>
    %dma_wait3A_106 = arith.constant 0 : i32
    %dma_wait3A_107 = tpu.memref_slice %arg5[%dma_wait3A, %dma_wait3A_106] : memref<256x100xi32, #tpu.memory_space<vmem>> -> memref<1x100xi32, #tpu.memory_space<vmem>>
    %dma_wait3A_108 = tpu.memref_squeeze %dma_wait3A_107 : memref<1x100xi32, #tpu.memory_space<vmem>> -> memref<100xi32, #tpu.memory_space<vmem>>
    %dma_wait3A_109 = arith.constant 0 : i32
    %dma_wait3A_110 = arith.constant 0 : i32
    %dma_wait3A_111 = tpu.memref_slice %arg3[%dma_wait3A_109, %dma_wait3A_110] : memref<1000000x64xf32, #tpu.memory_space<hbm>> -> memref<1000000x64xf32, #tpu.memory_space<hbm>>
    tpu.wait_indirect_dma semaphore(%arg8 : memref<!tpu.dma_semaphore, #tpu.memory_space<semaphore_mem>>) src(%dma_wait3A_111 : memref<1000000x64xf32, #tpu.memory_space<hbm>>) dst(%dma_wait3A_105 : memref<100x64xf32, #tpu.memory_space<vmem>>)
    %broadcast_in_dim3A = arith.constant 0.000000e+00 : f32
    %broadcast_in_dim3A_112 = vector.broadcast %broadcast_in_dim3A : f32 to vector<16xf32>
    %broadcast_in_dim3A_113 = arith.constant 0.000000e+00 : f32
    %broadcast_in_dim3A_114 = vector.broadcast %broadcast_in_dim3A_113 : f32 to vector<16xf32>
    %broadcast_in_dim3A_115 = arith.constant 0.000000e+00 : f32
    %broadcast_in_dim3A_116 = vector.broadcast %broadcast_in_dim3A_115 : f32 to vector<16xf32>
    %broadcast_in_dim3A_117 = arith.constant 0.000000e+00 : f32
    %broadcast_in_dim3A_118 = vector.broadcast %broadcast_in_dim3A_117 : f32 to vector<16xf32>
    %scan3A_119 = arith.constant 0 : i32
    %scan3A_120 = arith.constant 50 : i32
    %scan3A_121 = arith.addi %scan3A_119, %scan3A_120 : i32
    %scan3A_122 = arith.constant 2 : i32
    %scan3A_123:4 = scf.for %scan3A_996 = %scan3A_119 to %scan3A_121 step %scan3A_122 iter_args(%scan3A_997 = %broadcast_in_dim3A_112, %scan3A_998 = %broadcast_in_dim3A_114, %scan3A_999 = %broadcast_in_dim3A_116, %scan3A_1000 = %broadcast_in_dim3A_118) -> (vector<16xf32>, vector<16xf32>, vector<16xf32>, vector<16xf32>)  : i32 {
      %add3A_1001 = arith.constant 0 : i32
      %add3A_1002 = arith.addi %add3A_1001, %scan3A_996 : i32
      %get3A = arith.constant 0 : i32
      %get3A_1003 = arith.index_cast %get3A : i32 to index
      %get3A_1004 = arith.index_cast %add3A_1002 : i32 to index
      %get3A_1005 = arith.constant 0 : index
      %get3A_1006 = tpu.vector_load %arg6[%get3A_1003, %get3A_1004, %get3A_1005] {strides = array<i32>} : memref<8x100x64xf32, #tpu.memory_space<vmem>>, vector<1x1x16xf32>,
      %get3A_1007 = vector.shape_cast %get3A_1006 : vector<1x1x16xf32> to vector<16xf32>
      %add3A_1008 = arith.addf %scan3A_997, %get3A_1007 : vector<16xf32>
      %get3A_1009 = arith.constant 0 : i32
      %get3A_1010 = arith.index_cast %get3A_1009 : i32 to index
      %get3A_1011 = arith.index_cast %add3A_1002 : i32 to index
      %get3A_1012 = arith.constant 16 : index
      %get3A_1013 = tpu.vector_load %arg6[%get3A_1010, %get3A_1011, %get3A_1012] {strides = array<i32>} : memref<8x100x64xf32, #tpu.memory_space<vmem>>, vector<1x1x16xf32>,
      %get3A_1014 = vector.shape_cast %get3A_1013 : vector<1x1x16xf32> to vector<16xf32>
      %add3A_1015 = arith.addf %scan3A_998, %get3A_1014 : vector<16xf32>
      %get3A_1016 = arith.constant 0 : i32
      %get3A_1017 = arith.index_cast %get3A_1016 : i32 to index
      %get3A_1018 = arith.index_cast %add3A_1002 : i32 to index
      %get3A_1019 = arith.constant 32 : index
      %get3A_1020 = tpu.vector_load %arg6[%get3A_1017, %get3A_1018, %get3A_1019] {strides = array<i32>} : memref<8x100x64xf32, #tpu.memory_space<vmem>>, vector<1x1x16xf32>,
      %get3A_1021 = vector.shape_cast %get3A_1020 : vector<1x1x16xf32> to vector<16xf32>
      %add3A_1022 = arith.addf %scan3A_999, %get3A_1021 : vector<16xf32>
      %get3A_1023 = arith.constant 0 : i32
      %get3A_1024 = arith.index_cast %get3A_1023 : i32 to index
      %get3A_1025 = arith.index_cast %add3A_1002 : i32 to index
      %get3A_1026 = arith.constant 48 : index
      %get3A_1027 = tpu.vector_load %arg6[%get3A_1024, %get3A_1025, %get3A_1026] {strides = array<i32>} : memref<8x100x64xf32, #tpu.memory_space<vmem>>, vector<1x1x16xf32>,
      %get3A_1028 = vector.shape_cast %get3A_1027 : vector<1x1x16xf32> to vector<16xf32>
      %add3A_1029 = arith.addf %scan3A_1000, %get3A_1028 : vector<16xf32>
      %scan3A_1030 = arith.constant 1 : i32
      %scan3A_1031 = arith.addi %scan3A_996, %scan3A_1030 : i32
      %add3A_1032 = arith.constant 0 : i32
      %add3A_1033 = arith.addi %add3A_1032, %scan3A_1031 : i32
      %get3A_1034 = arith.constant 0 : i32
      %get3A_1035 = arith.index_cast %get3A_1034 : i32 to index
      %get3A_1036 = arith.index_cast %add3A_1033 : i32 to index
      %get3A_1037 = arith.constant 0 : index
      %get3A_1038 = tpu.vector_load %arg6[%get3A_1035, %get3A_1036, %get3A_1037] {strides = array<i32>} : memref<8x100x64xf32, #tpu.memory_space<vmem>>, vector<1x1x16xf32>,
      %get3A_1039 = vector.shape_cast %get3A_1038 : vector<1x1x16xf32> to vector<16xf32>
      %add3A_1040 = arith.addf %add3A_1008, %get3A_1039 : vector<16xf32>
      %get3A_1041 = arith.constant 0 : i32
      %get3A_1042 = arith.index_cast %get3A_1041 : i32 to index
      %get3A_1043 = arith.index_cast %add3A_1033 : i32 to index
      %get3A_1044 = arith.constant 16 : index
      %get3A_1045 = tpu.vector_load %arg6[%get3A_1042, %get3A_1043, %get3A_1044] {strides = array<i32>} : memref<8x100x64xf32, #tpu.memory_space<vmem>>, vector<1x1x16xf32>,
      %get3A_1046 = vector.shape_cast %get3A_1045 : vector<1x1x16xf32> to vector<16xf32>
      %add3A_1047 = arith.addf %add3A_1015, %get3A_1046 : vector<16xf32>
      %get3A_1048 = arith.constant 0 : i32
      %get3A_1049 = arith.index_cast %get3A_1048 : i32 to index
      %get3A_1050 = arith.index_cast %add3A_1033 : i32 to index
      %get3A_1051 = arith.constant 32 : index
      %get3A_1052 = tpu.vector_load %arg6[%get3A_1049, %get3A_1050, %get3A_1051] {strides = array<i32>} : memref<8x100x64xf32, #tpu.memory_space<vmem>>, vector<1x1x16xf32>,
      %get3A_1053 = vector.shape_cast %get3A_1052 : vector<1x1x16xf32> to vector<16xf32>
      %add3A_1054 = arith.addf %add3A_1022, %get3A_1053 : vector<16xf32>
      %get3A_1055 = arith.constant 0 : i32
      %get3A_1056 = arith.index_cast %get3A_1055 : i32 to index
      %get3A_1057 = arith.index_cast %add3A_1033 : i32 to index
      %get3A_1058 = arith.constant 48 : index
      %get3A_1059 = tpu.vector_load %arg6[%get3A_1056, %get3A_1057, %get3A_1058] {strides = array<i32>} : memref<8x100x64xf32, #tpu.memory_space<vmem>>, vector<1x1x16xf32>,
      %get3A_1060 = vector.shape_cast %get3A_1059 : vector<1x1x16xf32> to vector<16xf32>
      %add3A_1061 = arith.addf %add3A_1029, %get3A_1060 : vector<16xf32>
      scf.yield %add3A_1040, %add3A_1047, %add3A_1054, %add3A_1061 : vector<16xf32>, vector<16xf32>, vector<16xf32>, vector<16xf32>
    }
    %scan3A_124 = arith.constant 50 : i32
    %mul3A_125 = arith.constant 2.000000e-02 : f32
    %mul3A_126 = vector.broadcast %mul3A_125 : f32 to vector<16xf32>
    %mul3A_127 = arith.mulf %scan3A_123#0, %mul3A_126 : vector<16xf32>
    %swap3A = arith.constant 496 : i32
    %swap3A_128 = arith.index_cast %swap3A : i32 to index
    %swap3A_129 = arith.constant 0 : index
    %swap3A_130 = tpu.vector_load %arg7[%swap3A_128, %swap3A_129] {strides = array<i32>} : memref<512x64xf32, #tpu.memory_space<vmem>>, vector<1x16xf32>,
    %swap3A_131 = vector.shape_cast %swap3A_130 : vector<1x16xf32> to vector<16xf32>
    %swap3A_132 = vector.shape_cast %mul3A_127 : vector<16xf32> to vector<1x16xf32>
    tpu.vector_store %arg7[%swap3A_128, %swap3A_129], %swap3A_132 {strides = array<i32>} : memref<512x64xf32, #tpu.memory_space<vmem>>, vector<1x16xf32>,
    %mul3A_133 = arith.constant 2.000000e-02 : f32
    %mul3A_134 = vector.broadcast %mul3A_133 : f32 to vector<16xf32>
    %mul3A_135 = arith.mulf %scan3A_123#1, %mul3A_134 : vector<16xf32>
    %swap3A_136 = arith.constant 496 : i32
    %swap3A_137 = arith.index_cast %swap3A_136 : i32 to index
    %swap3A_138 = arith.constant 16 : index
    %swap3A_139 = tpu.vector_load %arg7[%swap3A_137, %swap3A_138] {strides = array<i32>} : memref<512x64xf32, #tpu.memory_space<vmem>>, vector<1x16xf32>,
    %swap3A_140 = vector.shape_cast %swap3A_139 : vector<1x16xf32> to vector<16xf32>
    %swap3A_141 = vector.shape_cast %mul3A_135 : vector<16xf32> to vector<1x16xf32>
    tpu.vector_store %arg7[%swap3A_137, %swap3A_138], %swap3A_141 {strides = array<i32>} : memref<512x64xf32, #tpu.memory_space<vmem>>, vector<1x16xf32>,
    %mul3A_142 = arith.constant 2.000000e-02 : f32
    %mul3A_143 = vector.broadcast %mul3A_142 : f32 to vector<16xf32>
    %mul3A_144 = arith.mulf %scan3A_123#2, %mul3A_143 : vector<16xf32>
    %swap3A_145 = arith.constant 496 : i32
    %swap3A_146 = arith.index_cast %swap3A_145 : i32 to index
    %swap3A_147 = arith.constant 32 : index
    %swap3A_148 = tpu.vector_load %arg7[%swap3A_146, %swap3A_147] {strides = array<i32>} : memref<512x64xf32, #tpu.memory_space<vmem>>, vector<1x16xf32>,
    %swap3A_149 = vector.shape_cast %swap3A_148 : vector<1x16xf32> to vector<16xf32>
    %swap3A_150 = vector.shape_cast %mul3A_144 : vector<16xf32> to vector<1x16xf32>
    tpu.vector_store %arg7[%swap3A_146, %swap3A_147], %swap3A_150 {strides = array<i32>} : memref<512x64xf32, #tpu.memory_space<vmem>>, vector<1x16xf32>,
    %mul3A_151 = arith.constant 2.000000e-02 : f32
    %mul3A_152 = vector.broadcast %mul3A_151 : f32 to vector<16xf32>
    %mul3A_153 = arith.mulf %scan3A_123#3, %mul3A_152 : vector<16xf32>
    %swap3A_154 = arith.constant 496 : i32
    %swap3A_155 = arith.index_cast %swap3A_154 : i32 to index
    %swap3A_156 = arith.constant 48 : index
    %swap3A_157 = tpu.vector_load %arg7[%swap3A_155, %swap3A_156] {strides = array<i32>} : memref<512x64xf32, #tpu.memory_space<vmem>>, vector<1x16xf32>,
    %swap3A_158 = vector.shape_cast %swap3A_157 : vector<1x16xf32> to vector<16xf32>
    %swap3A_159 = vector.shape_cast %mul3A_153 : vector<16xf32> to vector<1x16xf32>
    tpu.vector_store %arg7[%swap3A_155, %swap3A_156], %swap3A_159 {strides = array<i32>} : memref<512x64xf32, #tpu.memory_space<vmem>>, vector<1x16xf32>,
    %broadcast_in_dim3A_160 = arith.constant 0.000000e+00 : f32
    %broadcast_in_dim3A_161 = vector.broadcast %broadcast_in_dim3A_160 : f32 to vector<16xf32>
    %broadcast_in_dim3A_162 = arith.constant 0.000000e+00 : f32
    %broadcast_in_dim3A_163 = vector.broadcast %broadcast_in_dim3A_162 : f32 to vector<16xf32>
    %broadcast_in_dim3A_164 = arith.constant 0.000000e+00 : f32
    %broadcast_in_dim3A_165 = vector.broadcast %broadcast_in_dim3A_164 : f32 to vector<16xf32>
    %broadcast_in_dim3A_166 = arith.constant 0.000000e+00 : f32
    %broadcast_in_dim3A_167 = vector.broadcast %broadcast_in_dim3A_166 : f32 to vector<16xf32>
    %scan3A_168 = arith.constant 0 : i32
    %scan3A_169 = arith.constant 50 : i32
    %scan3A_170 = arith.addi %scan3A_168, %scan3A_169 : i32
    %scan3A_171 = arith.constant 2 : i32
    %scan3A_172:4 = scf.for %scan3A_996 = %scan3A_168 to %scan3A_170 step %scan3A_171 iter_args(%scan3A_997 = %broadcast_in_dim3A_161, %scan3A_998 = %broadcast_in_dim3A_163, %scan3A_999 = %broadcast_in_dim3A_165, %scan3A_1000 = %broadcast_in_dim3A_167) -> (vector<16xf32>, vector<16xf32>, vector<16xf32>, vector<16xf32>)  : i32 {
      %add3A_1001 = arith.constant 50 : i32
      %add3A_1002 = arith.addi %add3A_1001, %scan3A_996 : i32
      %get3A = arith.constant 0 : i32
      %get3A_1003 = arith.index_cast %get3A : i32 to index
      %get3A_1004 = arith.index_cast %add3A_1002 : i32 to index
      %get3A_1005 = arith.constant 0 : index
      %get3A_1006 = tpu.vector_load %arg6[%get3A_1003, %get3A_1004, %get3A_1005] {strides = array<i32>} : memref<8x100x64xf32, #tpu.memory_space<vmem>>, vector<1x1x16xf32>,
      %get3A_1007 = vector.shape_cast %get3A_1006 : vector<1x1x16xf32> to vector<16xf32>
      %add3A_1008 = arith.addf %scan3A_997, %get3A_1007 : vector<16xf32>
      %get3A_1009 = arith.constant 0 : i32
      %get3A_1010 = arith.index_cast %get3A_1009 : i32 to index
      %get3A_1011 = arith.index_cast %add3A_1002 : i32 to index
      %get3A_1012 = arith.constant 16 : index
      %get3A_1013 = tpu.vector_load %arg6[%get3A_1010, %get3A_1011, %get3A_1012] {strides = array<i32>} : memref<8x100x64xf32, #tpu.memory_space<vmem>>, vector<1x1x16xf32>,
      %get3A_1014 = vector.shape_cast %get3A_1013 : vector<1x1x16xf32> to vector<16xf32>
      %add3A_1015 = arith.addf %scan3A_998, %get3A_1014 : vector<16xf32>
      %get3A_1016 = arith.constant 0 : i32
      %get3A_1017 = arith.index_cast %get3A_1016 : i32 to index
      %get3A_1018 = arith.index_cast %add3A_1002 : i32 to index
      %get3A_1019 = arith.constant 32 : index
      %get3A_1020 = tpu.vector_load %arg6[%get3A_1017, %get3A_1018, %get3A_1019] {strides = array<i32>} : memref<8x100x64xf32, #tpu.memory_space<vmem>>, vector<1x1x16xf32>,
      %get3A_1021 = vector.shape_cast %get3A_1020 : vector<1x1x16xf32> to vector<16xf32>
      %add3A_1022 = arith.addf %scan3A_999, %get3A_1021 : vector<16xf32>
      %get3A_1023 = arith.constant 0 : i32
      %get3A_1024 = arith.index_cast %get3A_1023 : i32 to index
      %get3A_1025 = arith.index_cast %add3A_1002 : i32 to index
      %get3A_1026 = arith.constant 48 : index
      %get3A_1027 = tpu.vector_load %arg6[%get3A_1024, %get3A_1025, %get3A_1026] {strides = array<i32>} : memref<8x100x64xf32, #tpu.memory_space<vmem>>, vector<1x1x16xf32>,
      %get3A_1028 = vector.shape_cast %get3A_1027 : vector<1x1x16xf32> to vector<16xf32>
      %add3A_1029 = arith.addf %scan3A_1000, %get3A_1028 : vector<16xf32>
      %scan3A_1030 = arith.constant 1 : i32
      %scan3A_1031 = arith.addi %scan3A_996, %scan3A_1030 : i32
      %add3A_1032 = arith.constant 50 : i32
      %add3A_1033 = arith.addi %add3A_1032, %scan3A_1031 : i32
      %get3A_1034 = arith.constant 0 : i32
      %get3A_1035 = arith.index_cast %get3A_1034 : i32 to index
      %get3A_1036 = arith.index_cast %add3A_1033 : i32 to index
      %get3A_1037 = arith.constant 0 : index
      %get3A_1038 = tpu.vector_load %arg6[%get3A_1035, %get3A_1036, %get3A_1037] {strides = array<i32>} : memref<8x100x64xf32, #tpu.memory_space<vmem>>, vector<1x1x16xf32>,
      %get3A_1039 = vector.shape_cast %get3A_1038 : vector<1x1x16xf32> to vector<16xf32>
      %add3A_1040 = arith.addf %add3A_1008, %get3A_1039 : vector<16xf32>
      %get3A_1041 = arith.constant 0 : i32
      %get3A_1042 = arith.index_cast %get3A_1041 : i32 to index
      %get3A_1043 = arith.index_cast %add3A_1033 : i32 to index
      %get3A_1044 = arith.constant 16 : index
      %get3A_1045 = tpu.vector_load %arg6[%get3A_1042, %get3A_1043, %get3A_1044] {strides = array<i32>} : memref<8x100x64xf32, #tpu.memory_space<vmem>>, vector<1x1x16xf32>,
      %get3A_1046 = vector.shape_cast %get3A_1045 : vector<1x1x16xf32> to vector<16xf32>
      %add3A_1047 = arith.addf %add3A_1015, %get3A_1046 : vector<16xf32>
      %get3A_1048 = arith.constant 0 : i32
      %get3A_1049 = arith.index_cast %get3A_1048 : i32 to index
      %get3A_1050 = arith.index_cast %add3A_1033 : i32 to index
      %get3A_1051 = arith.constant 32 : index
      %get3A_1052 = tpu.vector_load %arg6[%get3A_1049, %get3A_1050, %get3A_1051] {strides = array<i32>} : memref<8x100x64xf32, #tpu.memory_space<vmem>>, vector<1x1x16xf32>,
      %get3A_1053 = vector.shape_cast %get3A_1052 : vector<1x1x16xf32> to vector<16xf32>
      %add3A_1054 = arith.addf %add3A_1022, %get3A_1053 : vector<16xf32>
      %get3A_1055 = arith.constant 0 : i32
      %get3A_1056 = arith.index_cast %get3A_1055 : i32 to index
      %get3A_1057 = arith.index_cast %add3A_1033 : i32 to index
      %get3A_1058 = arith.constant 48 : index
      %get3A_1059 = tpu.vector_load %arg6[%get3A_1056, %get3A_1057, %get3A_1058] {strides = array<i32>} : memref<8x100x64xf32, #tpu.memory_space<vmem>>, vector<1x1x16xf32>,
      %get3A_1060 = vector.shape_cast %get3A_1059 : vector<1x1x16xf32> to vector<16xf32>
      %add3A_1061 = arith.addf %add3A_1029, %get3A_1060 : vector<16xf32>
      scf.yield %add3A_1040, %add3A_1047, %add3A_1054, %add3A_1061 : vector<16xf32>, vector<16xf32>, vector<16xf32>, vector<16xf32>
    }
    %scan3A_173 = arith.constant 50 : i32
    %mul3A_174 = arith.constant 2.000000e-02 : f32
    %mul3A_175 = vector.broadcast %mul3A_174 : f32 to vector<16xf32>
    %mul3A_176 = arith.mulf %scan3A_172#0, %mul3A_175 : vector<16xf32>
    %swap3A_177 = arith.constant 497 : i32
    %swap3A_178 = arith.index_cast %swap3A_177 : i32 to index
    %swap3A_179 = arith.constant 0 : index
    %swap3A_180 = tpu.vector_load %arg7[%swap3A_178, %swap3A_179] {strides = array<i32>} : memref<512x64xf32, #tpu.memory_space<vmem>>, vector<1x16xf32>,
    %swap3A_181 = vector.shape_cast %swap3A_180 : vector<1x16xf32> to vector<16xf32>
    %swap3A_182 = vector.shape_cast %mul3A_176 : vector<16xf32> to vector<1x16xf32>
    tpu.vector_store %arg7[%swap3A_178, %swap3A_179], %swap3A_182 {strides = array<i32>} : memref<512x64xf32, #tpu.memory_space<vmem>>, vector<1x16xf32>,
    %mul3A_183 = arith.constant 2.000000e-02 : f32
    %mul3A_184 = vector.broadcast %mul3A_183 : f32 to vector<16xf32>
    %mul3A_185 = arith.mulf %scan3A_172#1, %mul3A_184 : vector<16xf32>
    %swap3A_186 = arith.constant 497 : i32
    %swap3A_187 = arith.index_cast %swap3A_186 : i32 to index
    %swap3A_188 = arith.constant 16 : index
    %swap3A_189 = tpu.vector_load %arg7[%swap3A_187, %swap3A_188] {strides = array<i32>} : memref<512x64xf32, #tpu.memory_space<vmem>>, vector<1x16xf32>,
    %swap3A_190 = vector.shape_cast %swap3A_189 : vector<1x16xf32> to vector<16xf32>
    %swap3A_191 = vector.shape_cast %mul3A_185 : vector<16xf32> to vector<1x16xf32>
    tpu.vector_store %arg7[%swap3A_187, %swap3A_188], %swap3A_191 {strides = array<i32>} : memref<512x64xf32, #tpu.memory_space<vmem>>, vector<1x16xf32>,
    %mul3A_192 = arith.constant 2.000000e-02 : f32
    %mul3A_193 = vector.broadcast %mul3A_192 : f32 to vector<16xf32>
    %mul3A_194 = arith.mulf %scan3A_172#2, %mul3A_193 : vector<16xf32>
    %swap3A_195 = arith.constant 497 : i32
    %swap3A_196 = arith.index_cast %swap3A_195 : i32 to index
    %swap3A_197 = arith.constant 32 : index
    %swap3A_198 = tpu.vector_load %arg7[%swap3A_196, %swap3A_197] {strides = array<i32>} : memref<512x64xf32, #tpu.memory_space<vmem>>, vector<1x16xf32>,
    %swap3A_199 = vector.shape_cast %swap3A_198 : vector<1x16xf32> to vector<16xf32>
    %swap3A_200 = vector.shape_cast %mul3A_194 : vector<16xf32> to vector<1x16xf32>
    tpu.vector_store %arg7[%swap3A_196, %swap3A_197], %swap3A_200 {strides = array<i32>} : memref<512x64xf32, #tpu.memory_space<vmem>>, vector<1x16xf32>,
    %mul3A_201 = arith.constant 2.000000e-02 : f32
    %mul3A_202 = vector.broadcast %mul3A_201 : f32 to vector<16xf32>
    %mul3A_203 = arith.mulf %scan3A_172#3, %mul3A_202 : vector<16xf32>
    %swap3A_204 = arith.constant 497 : i32
    %swap3A_205 = arith.index_cast %swap3A_204 : i32 to index
    %swap3A_206 = arith.constant 48 : index
    %swap3A_207 = tpu.vector_load %arg7[%swap3A_205, %swap3A_206] {strides = array<i32>} : memref<512x64xf32, #tpu.memory_space<vmem>>, vector<1x16xf32>,
    %swap3A_208 = vector.shape_cast %swap3A_207 : vector<1x16xf32> to vector<16xf32>
    %swap3A_209 = vector.shape_cast %mul3A_203 : vector<16xf32> to vector<1x16xf32>
    tpu.vector_store %arg7[%swap3A_205, %swap3A_206], %swap3A_209 {strides = array<i32>} : memref<512x64xf32, #tpu.memory_space<vmem>>, vector<1x16xf32>,
    %dma_wait3A_210 = arith.constant 249 : i32
    %dma_wait3A_211 = arith.constant 1 : i32
    %dma_wait3A_212 = arith.constant 0 : i32
    %dma_wait3A_213 = arith.constant 0 : i32
    %dma_wait3A_214 = tpu.memref_slice %arg6[%dma_wait3A_211, %dma_wait3A_212, %dma_wait3A_213] : memref<8x100x64xf32, #tpu.memory_space<vmem>> -> memref<1x100x64xf32, #tpu.memory_space<vmem>>
    %dma_wait3A_215 = tpu.memref_squeeze %dma_wait3A_214 : memref<1x100x64xf32, #tpu.memory_space<vmem>> -> memref<100x64xf32, #tpu.memory_space<vmem>>
    %dma_wait3A_216 = arith.constant 0 : i32
    %dma_wait3A_217 = tpu.memref_slice %arg5[%dma_wait3A_210, %dma_wait3A_216] : memref<256x100xi32, #tpu.memory_space<vmem>> -> memref<1x100xi32, #tpu.memory_space<vmem>>
    %dma_wait3A_218 = tpu.memref_squeeze %dma_wait3A_217 : memref<1x100xi32, #tpu.memory_space<vmem>> -> memref<100xi32, #tpu.memory_space<vmem>>
    %dma_wait3A_219 = arith.constant 0 : i32
    %dma_wait3A_220 = arith.constant 0 : i32
    %dma_wait3A_221 = tpu.memref_slice %arg3[%dma_wait3A_219, %dma_wait3A_220] : memref<1000000x64xf32, #tpu.memory_space<hbm>> -> memref<1000000x64xf32, #tpu.memory_space<hbm>>
    tpu.wait_indirect_dma semaphore(%arg9 : memref<!tpu.dma_semaphore, #tpu.memory_space<semaphore_mem>>) src(%dma_wait3A_221 : memref<1000000x64xf32, #tpu.memory_space<hbm>>) dst(%dma_wait3A_215 : memref<100x64xf32, #tpu.memory_space<vmem>>)
    %broadcast_in_dim3A_222 = arith.constant 0.000000e+00 : f32
    %broadcast_in_dim3A_223 = vector.broadcast %broadcast_in_dim3A_222 : f32 to vector<16xf32>
    %broadcast_in_dim3A_224 = arith.constant 0.000000e+00 : f32
    %broadcast_in_dim3A_225 = vector.broadcast %broadcast_in_dim3A_224 : f32 to vector<16xf32>
    %broadcast_in_dim3A_226 = arith.constant 0.000000e+00 : f32
    %broadcast_in_dim3A_227 = vector.broadcast %broadcast_in_dim3A_226 : f32 to vector<16xf32>
    %broadcast_in_dim3A_228 = arith.constant 0.000000e+00 : f32
    %broadcast_in_dim3A_229 = vector.broadcast %broadcast_in_dim3A_228 : f32 to vector<16xf32>
    %scan3A_230 = arith.constant 0 : i32
    %scan3A_231 = arith.constant 50 : i32
    %scan3A_232 = arith.addi %scan3A_230, %scan3A_231 : i32
    %scan3A_233 = arith.constant 2 : i32
    %scan3A_234:4 = scf.for %scan3A_996 = %scan3A_230 to %scan3A_232 step %scan3A_233 iter_args(%scan3A_997 = %broadcast_in_dim3A_223, %scan3A_998 = %broadcast_in_dim3A_225, %scan3A_999 = %broadcast_in_dim3A_227, %scan3A_1000 = %broadcast_in_dim3A_229) -> (vector<16xf32>, vector<16xf32>, vector<16xf32>, vector<16xf32>)  : i32 {
      %add3A_1001 = arith.constant 0 : i32
      %add3A_1002 = arith.addi %add3A_1001, %scan3A_996 : i32
      %get3A = arith.constant 1 : i32
      %get3A_1003 = arith.index_cast %get3A : i32 to index
      %get3A_1004 = arith.index_cast %add3A_1002 : i32 to index
      %get3A_1005 = arith.constant 0 : index
      %get3A_1006 = tpu.vector_load %arg6[%get3A_1003, %get3A_1004, %get3A_1005] {strides = array<i32>} : memref<8x100x64xf32, #tpu.memory_space<vmem>>, vector<1x1x16xf32>,
      %get3A_1007 = vector.shape_cast %get3A_1006 : vector<1x1x16xf32> to vector<16xf32>
      %add3A_1008 = arith.addf %scan3A_997, %get3A_1007 : vector<16xf32>
      %get3A_1009 = arith.constant 1 : i32
      %get3A_1010 = arith.index_cast %get3A_1009 : i32 to index
      %get3A_1011 = arith.index_cast %add3A_1002 : i32 to index
      %get3A_1012 = arith.constant 16 : index
      %get3A_1013 = tpu.vector_load %arg6[%get3A_1010, %get3A_1011, %get3A_1012] {strides = array<i32>} : memref<8x100x64xf32, #tpu.memory_space<vmem>>, vector<1x1x16xf32>,
      %get3A_1014 = vector.shape_cast %get3A_1013 : vector<1x1x16xf32> to vector<16xf32>
      %add3A_1015 = arith.addf %scan3A_998, %get3A_1014 : vector<16xf32>
      %get3A_1016 = arith.constant 1 : i32
      %get3A_1017 = arith.index_cast %get3A_1016 : i32 to index
      %get3A_1018 = arith.index_cast %add3A_1002 : i32 to index
      %get3A_1019 = arith.constant 32 : index
      %get3A_1020 = tpu.vector_load %arg6[%get3A_1017, %get3A_1018, %get3A_1019] {strides = array<i32>} : memref<8x100x64xf32, #tpu.memory_space<vmem>>, vector<1x1x16xf32>,
      %get3A_1021 = vector.shape_cast %get3A_1020 : vector<1x1x16xf32> to vector<16xf32>
      %add3A_1022 = arith.addf %scan3A_999, %get3A_1021 : vector<16xf32>
      %get3A_1023 = arith.constant 1 : i32
      %get3A_1024 = arith.index_cast %get3A_1023 : i32 to index
      %get3A_1025 = arith.index_cast %add3A_1002 : i32 to index
      %get3A_1026 = arith.constant 48 : index
      %get3A_1027 = tpu.vector_load %arg6[%get3A_1024, %get3A_1025, %get3A_1026] {strides = array<i32>} : memref<8x100x64xf32, #tpu.memory_space<vmem>>, vector<1x1x16xf32>,
      %get3A_1028 = vector.shape_cast %get3A_1027 : vector<1x1x16xf32> to vector<16xf32>
      %add3A_1029 = arith.addf %scan3A_1000, %get3A_1028 : vector<16xf32>
      %scan3A_1030 = arith.constant 1 : i32
      %scan3A_1031 = arith.addi %scan3A_996, %scan3A_1030 : i32
      %add3A_1032 = arith.constant 0 : i32
      %add3A_1033 = arith.addi %add3A_1032, %scan3A_1031 : i32
      %get3A_1034 = arith.constant 1 : i32
      %get3A_1035 = arith.index_cast %get3A_1034 : i32 to index
      %get3A_1036 = arith.index_cast %add3A_1033 : i32 to index
      %get3A_1037 = arith.constant 0 : index
      %get3A_1038 = tpu.vector_load %arg6[%get3A_1035, %get3A_1036, %get3A_1037] {strides = array<i32>} : memref<8x100x64xf32, #tpu.memory_space<vmem>>, vector<1x1x16xf32>,
      %get3A_1039 = vector.shape_cast %get3A_1038 : vector<1x1x16xf32> to vector<16xf32>
      %add3A_1040 = arith.addf %add3A_1008, %get3A_1039 : vector<16xf32>
      %get3A_1041 = arith.constant 1 : i32
      %get3A_1042 = arith.index_cast %get3A_1041 : i32 to index
      %get3A_1043 = arith.index_cast %add3A_1033 : i32 to index
      %get3A_1044 = arith.constant 16 : index
      %get3A_1045 = tpu.vector_load %arg6[%get3A_1042, %get3A_1043, %get3A_1044] {strides = array<i32>} : memref<8x100x64xf32, #tpu.memory_space<vmem>>, vector<1x1x16xf32>,
      %get3A_1046 = vector.shape_cast %get3A_1045 : vector<1x1x16xf32> to vector<16xf32>
      %add3A_1047 = arith.addf %add3A_1015, %get3A_1046 : vector<16xf32>
      %get3A_1048 = arith.constant 1 : i32
      %get3A_1049 = arith.index_cast %get3A_1048 : i32 to index
      %get3A_1050 = arith.index_cast %add3A_1033 : i32 to index
      %get3A_1051 = arith.constant 32 : index
      %get3A_1052 = tpu.vector_load %arg6[%get3A_1049, %get3A_1050, %get3A_1051] {strides = array<i32>} : memref<8x100x64xf32, #tpu.memory_space<vmem>>, vector<1x1x16xf32>,
      %get3A_1053 = vector.shape_cast %get3A_1052 : vector<1x1x16xf32> to vector<16xf32>
      %add3A_1054 = arith.addf %add3A_1022, %get3A_1053 : vector<16xf32>
      %get3A_1055 = arith.constant 1 : i32
      %get3A_1056 = arith.index_cast %get3A_1055 : i32 to index
      %get3A_1057 = arith.index_cast %add3A_1033 : i32 to index
      %get3A_1058 = arith.constant 48 : index
      %get3A_1059 = tpu.vector_load %arg6[%get3A_1056, %get3A_1057, %get3A_1058] {strides = array<i32>} : memref<8x100x64xf32, #tpu.memory_space<vmem>>, vector<1x1x16xf32>,
      %get3A_1060 = vector.shape_cast %get3A_1059 : vector<1x1x16xf32> to vector<16xf32>
      %add3A_1061 = arith.addf %add3A_1029, %get3A_1060 : vector<16xf32>
      scf.yield %add3A_1040, %add3A_1047, %add3A_1054, %add3A_1061 : vector<16xf32>, vector<16xf32>, vector<16xf32>, vector<16xf32>
    }
    %scan3A_235 = arith.constant 50 : i32
    %mul3A_236 = arith.constant 2.000000e-02 : f32
    %mul3A_237 = vector.broadcast %mul3A_236 : f32 to vector<16xf32>
    %mul3A_238 = arith.mulf %scan3A_234#0, %mul3A_237 : vector<16xf32>
    %swap3A_239 = arith.constant 498 : i32
    %swap3A_240 = arith.index_cast %swap3A_239 : i32 to index
    %swap3A_241 = arith.constant 0 : index
    %swap3A_242 = tpu.vector_load %arg7[%swap3A_240, %swap3A_241] {strides = array<i32>} : memref<512x64xf32, #tpu.memory_space<vmem>>, vector<1x16xf32>,
    %swap3A_243 = vector.shape_cast %swap3A_242 : vector<1x16xf32> to vector<16xf32>
    %swap3A_244 = vector.shape_cast %mul3A_238 : vector<16xf32> to vector<1x16xf32>
    tpu.vector_store %arg7[%swap3A_240, %swap3A_241], %swap3A_244 {strides = array<i32>} : memref<512x64xf32, #tpu.memory_space<vmem>>, vector<1x16xf32>,
    %mul3A_245 = arith.constant 2.000000e-02 : f32
    %mul3A_246 = vector.broadcast %mul3A_245 : f32 to vector<16xf32>
    %mul3A_247 = arith.mulf %scan3A_234#1, %mul3A_246 : vector<16xf32>
    %swap3A_248 = arith.constant 498 : i32
    %swap3A_249 = arith.index_cast %swap3A_248 : i32 to index
    %swap3A_250 = arith.constant 16 : index
    %swap3A_251 = tpu.vector_load %arg7[%swap3A_249, %swap3A_250] {strides = array<i32>} : memref<512x64xf32, #tpu.memory_space<vmem>>, vector<1x16xf32>,
    %swap3A_252 = vector.shape_cast %swap3A_251 : vector<1x16xf32> to vector<16xf32>
    %swap3A_253 = vector.shape_cast %mul3A_247 : vector<16xf32> to vector<1x16xf32>
    tpu.vector_store %arg7[%swap3A_249, %swap3A_250], %swap3A_253 {strides = array<i32>} : memref<512x64xf32, #tpu.memory_space<vmem>>, vector<1x16xf32>,
    %mul3A_254 = arith.constant 2.000000e-02 : f32
    %mul3A_255 = vector.broadcast %mul3A_254 : f32 to vector<16xf32>
    %mul3A_256 = arith.mulf %scan3A_234#2, %mul3A_255 : vector<16xf32>
    %swap3A_257 = arith.constant 498 : i32
    %swap3A_258 = arith.index_cast %swap3A_257 : i32 to index
    %swap3A_259 = arith.constant 32 : index
    %swap3A_260 = tpu.vector_load %arg7[%swap3A_258, %swap3A_259] {strides = array<i32>} : memref<512x64xf32, #tpu.memory_space<vmem>>, vector<1x16xf32>,
    %swap3A_261 = vector.shape_cast %swap3A_260 : vector<1x16xf32> to vector<16xf32>
    %swap3A_262 = vector.shape_cast %mul3A_256 : vector<16xf32> to vector<1x16xf32>
    tpu.vector_store %arg7[%swap3A_258, %swap3A_259], %swap3A_262 {strides = array<i32>} : memref<512x64xf32, #tpu.memory_space<vmem>>, vector<1x16xf32>,
    %mul3A_263 = arith.constant 2.000000e-02 : f32
    %mul3A_264 = vector.broadcast %mul3A_263 : f32 to vector<16xf32>
    %mul3A_265 = arith.mulf %scan3A_234#3, %mul3A_264 : vector<16xf32>
    %swap3A_266 = arith.constant 498 : i32
    %swap3A_267 = arith.index_cast %swap3A_266 : i32 to index
    %swap3A_268 = arith.constant 48 : index
    %swap3A_269 = tpu.vector_load %arg7[%swap3A_267, %swap3A_268] {strides = array<i32>} : memref<512x64xf32, #tpu.memory_space<vmem>>, vector<1x16xf32>,
    %swap3A_270 = vector.shape_cast %swap3A_269 : vector<1x16xf32> to vector<16xf32>
    %swap3A_271 = vector.shape_cast %mul3A_265 : vector<16xf32> to vector<1x16xf32>
    tpu.vector_store %arg7[%swap3A_267, %swap3A_268], %swap3A_271 {strides = array<i32>} : memref<512x64xf32, #tpu.memory_space<vmem>>, vector<1x16xf32>,
    %broadcast_in_dim3A_272 = arith.constant 0.000000e+00 : f32
    %broadcast_in_dim3A_273 = vector.broadcast %broadcast_in_dim3A_272 : f32 to vector<16xf32>
    %broadcast_in_dim3A_274 = arith.constant 0.000000e+00 : f32
    %broadcast_in_dim3A_275 = vector.broadcast %broadcast_in_dim3A_274 : f32 to vector<16xf32>
    %broadcast_in_dim3A_276 = arith.constant 0.000000e+00 : f32
    %broadcast_in_dim3A_277 = vector.broadcast %broadcast_in_dim3A_276 : f32 to vector<16xf32>
    %broadcast_in_dim3A_278 = arith.constant 0.000000e+00 : f32
    %broadcast_in_dim3A_279 = vector.broadcast %broadcast_in_dim3A_278 : f32 to vector<16xf32>
    %scan3A_280 = arith.constant 0 : i32
    %scan3A_281 = arith.constant 50 : i32
    %scan3A_282 = arith.addi %scan3A_280, %scan3A_281 : i32
    %scan3A_283 = arith.constant 2 : i32
    %scan3A_284:4 = scf.for %scan3A_996 = %scan3A_280 to %scan3A_282 step %scan3A_283 iter_args(%scan3A_997 = %broadcast_in_dim3A_273, %scan3A_998 = %broadcast_in_dim3A_275, %scan3A_999 = %broadcast_in_dim3A_277, %scan3A_1000 = %broadcast_in_dim3A_279) -> (vector<16xf32>, vector<16xf32>, vector<16xf32>, vector<16xf32>)  : i32 {
      %add3A_1001 = arith.constant 50 : i32
      %add3A_1002 = arith.addi %add3A_1001, %scan3A_996 : i32
      %get3A = arith.constant 1 : i32
      %get3A_1003 = arith.index_cast %get3A : i32 to index
      %get3A_1004 = arith.index_cast %add3A_1002 : i32 to index
      %get3A_1005 = arith.constant 0 : index
      %get3A_1006 = tpu.vector_load %arg6[%get3A_1003, %get3A_1004, %get3A_1005] {strides = array<i32>} : memref<8x100x64xf32, #tpu.memory_space<vmem>>, vector<1x1x16xf32>,
      %get3A_1007 = vector.shape_cast %get3A_1006 : vector<1x1x16xf32> to vector<16xf32>
      %add3A_1008 = arith.addf %scan3A_997, %get3A_1007 : vector<16xf32>
      %get3A_1009 = arith.constant 1 : i32
      %get3A_1010 = arith.index_cast %get3A_1009 : i32 to index
      %get3A_1011 = arith.index_cast %add3A_1002 : i32 to index
      %get3A_1012 = arith.constant 16 : index
      %get3A_1013 = tpu.vector_load %arg6[%get3A_1010, %get3A_1011, %get3A_1012] {strides = array<i32>} : memref<8x100x64xf32, #tpu.memory_space<vmem>>, vector<1x1x16xf32>,
      %get3A_1014 = vector.shape_cast %get3A_1013 : vector<1x1x16xf32> to vector<16xf32>
      %add3A_1015 = arith.addf %scan3A_998, %get3A_1014 : vector<16xf32>
      %get3A_1016 = arith.constant 1 : i32
      %get3A_1017 = arith.index_cast %get3A_1016 : i32 to index
      %get3A_1018 = arith.index_cast %add3A_1002 : i32 to index
      %get3A_1019 = arith.constant 32 : index
      %get3A_1020 = tpu.vector_load %arg6[%get3A_1017, %get3A_1018, %get3A_1019] {strides = array<i32>} : memref<8x100x64xf32, #tpu.memory_space<vmem>>, vector<1x1x16xf32>,
      %get3A_1021 = vector.shape_cast %get3A_1020 : vector<1x1x16xf32> to vector<16xf32>
      %add3A_1022 = arith.addf %scan3A_999, %get3A_1021 : vector<16xf32>
      %get3A_1023 = arith.constant 1 : i32
      %get3A_1024 = arith.index_cast %get3A_1023 : i32 to index
      %get3A_1025 = arith.index_cast %add3A_1002 : i32 to index
      %get3A_1026 = arith.constant 48 : index
      %get3A_1027 = tpu.vector_load %arg6[%get3A_1024, %get3A_1025, %get3A_1026] {strides = array<i32>} : memref<8x100x64xf32, #tpu.memory_space<vmem>>, vector<1x1x16xf32>,
      %get3A_1028 = vector.shape_cast %get3A_1027 : vector<1x1x16xf32> to vector<16xf32>
      %add3A_1029 = arith.addf %scan3A_1000, %get3A_1028 : vector<16xf32>
      %scan3A_1030 = arith.constant 1 : i32
      %scan3A_1031 = arith.addi %scan3A_996, %scan3A_1030 : i32
      %add3A_1032 = arith.constant 50 : i32
      %add3A_1033 = arith.addi %add3A_1032, %scan3A_1031 : i32
      %get3A_1034 = arith.constant 1 : i32
      %get3A_1035 = arith.index_cast %get3A_1034 : i32 to index
      %get3A_1036 = arith.index_cast %add3A_1033 : i32 to index
      %get3A_1037 = arith.constant 0 : index
      %get3A_1038 = tpu.vector_load %arg6[%get3A_1035, %get3A_1036, %get3A_1037] {strides = array<i32>} : memref<8x100x64xf32, #tpu.memory_space<vmem>>, vector<1x1x16xf32>,
      %get3A_1039 = vector.shape_cast %get3A_1038 : vector<1x1x16xf32> to vector<16xf32>
      %add3A_1040 = arith.addf %add3A_1008, %get3A_1039 : vector<16xf32>
      %get3A_1041 = arith.constant 1 : i32
      %get3A_1042 = arith.index_cast %get3A_1041 : i32 to index
      %get3A_1043 = arith.index_cast %add3A_1033 : i32 to index
      %get3A_1044 = arith.constant 16 : index
      %get3A_1045 = tpu.vector_load %arg6[%get3A_1042, %get3A_1043, %get3A_1044] {strides = array<i32>} : memref<8x100x64xf32, #tpu.memory_space<vmem>>, vector<1x1x16xf32>,
      %get3A_1046 = vector.shape_cast %get3A_1045 : vector<1x1x16xf32> to vector<16xf32>
      %add3A_1047 = arith.addf %add3A_1015, %get3A_1046 : vector<16xf32>
      %get3A_1048 = arith.constant 1 : i32
      %get3A_1049 = arith.index_cast %get3A_1048 : i32 to index
      %get3A_1050 = arith.index_cast %add3A_1033 : i32 to index
      %get3A_1051 = arith.constant 32 : index
      %get3A_1052 = tpu.vector_load %arg6[%get3A_1049, %get3A_1050, %get3A_1051] {strides = array<i32>} : memref<8x100x64xf32, #tpu.memory_space<vmem>>, vector<1x1x16xf32>,
      %get3A_1053 = vector.shape_cast %get3A_1052 : vector<1x1x16xf32> to vector<16xf32>
      %add3A_1054 = arith.addf %add3A_1022, %get3A_1053 : vector<16xf32>
      %get3A_1055 = arith.constant 1 : i32
      %get3A_1056 = arith.index_cast %get3A_1055 : i32 to index
      %get3A_1057 = arith.index_cast %add3A_1033 : i32 to index
      %get3A_1058 = arith.constant 48 : index
      %get3A_1059 = tpu.vector_load %arg6[%get3A_1056, %get3A_1057, %get3A_1058] {strides = array<i32>} : memref<8x100x64xf32, #tpu.memory_space<vmem>>, vector<1x1x16xf32>,
      %get3A_1060 = vector.shape_cast %get3A_1059 : vector<1x1x16xf32> to vector<16xf32>
      %add3A_1061 = arith.addf %add3A_1029, %get3A_1060 : vector<16xf32>
      scf.yield %add3A_1040, %add3A_1047, %add3A_1054, %add3A_1061 : vector<16xf32>, vector<16xf32>, vector<16xf32>, vector<16xf32>
    }
    %scan3A_285 = arith.constant 50 : i32
    %mul3A_286 = arith.constant 2.000000e-02 : f32
    %mul3A_287 = vector.broadcast %mul3A_286 : f32 to vector<16xf32>
    %mul3A_288 = arith.mulf %scan3A_284#0, %mul3A_287 : vector<16xf32>
    %swap3A_289 = arith.constant 499 : i32
    %swap3A_290 = arith.index_cast %swap3A_289 : i32 to index
    %swap3A_291 = arith.constant 0 : index
    %swap3A_292 = tpu.vector_load %arg7[%swap3A_290, %swap3A_291] {strides = array<i32>} : memref<512x64xf32, #tpu.memory_space<vmem>>, vector<1x16xf32>,
    %swap3A_293 = vector.shape_cast %swap3A_292 : vector<1x16xf32> to vector<16xf32>
    %swap3A_294 = vector.shape_cast %mul3A_288 : vector<16xf32> to vector<1x16xf32>
    tpu.vector_store %arg7[%swap3A_290, %swap3A_291], %swap3A_294 {strides = array<i32>} : memref<512x64xf32, #tpu.memory_space<vmem>>, vector<1x16xf32>,
    %mul3A_295 = arith.constant 2.000000e-02 : f32
    %mul3A_296 = vector.broadcast %mul3A_295 : f32 to vector<16xf32>
    %mul3A_297 = arith.mulf %scan3A_284#1, %mul3A_296 : vector<16xf32>
    %swap3A_298 = arith.constant 499 : i32
    %swap3A_299 = arith.index_cast %swap3A_298 : i32 to index
    %swap3A_300 = arith.constant 16 : index
    %swap3A_301 = tpu.vector_load %arg7[%swap3A_299, %swap3A_300] {strides = array<i32>} : memref<512x64xf32, #tpu.memory_space<vmem>>, vector<1x16xf32>,
    %swap3A_302 = vector.shape_cast %swap3A_301 : vector<1x16xf32> to vector<16xf32>
    %swap3A_303 = vector.shape_cast %mul3A_297 : vector<16xf32> to vector<1x16xf32>
    tpu.vector_store %arg7[%swap3A_299, %swap3A_300], %swap3A_303 {strides = array<i32>} : memref<512x64xf32, #tpu.memory_space<vmem>>, vector<1x16xf32>,
    %mul3A_304 = arith.constant 2.000000e-02 : f32
    %mul3A_305 = vector.broadcast %mul3A_304 : f32 to vector<16xf32>
    %mul3A_306 = arith.mulf %scan3A_284#2, %mul3A_305 : vector<16xf32>
    %swap3A_307 = arith.constant 499 : i32
    %swap3A_308 = arith.index_cast %swap3A_307 : i32 to index
    %swap3A_309 = arith.constant 32 : index
    %swap3A_310 = tpu.vector_load %arg7[%swap3A_308, %swap3A_309] {strides = array<i32>} : memref<512x64xf32, #tpu.memory_space<vmem>>, vector<1x16xf32>,
    %swap3A_311 = vector.shape_cast %swap3A_310 : vector<1x16xf32> to vector<16xf32>
    %swap3A_312 = vector.shape_cast %mul3A_306 : vector<16xf32> to vector<1x16xf32>
    tpu.vector_store %arg7[%swap3A_308, %swap3A_309], %swap3A_312 {strides = array<i32>} : memref<512x64xf32, #tpu.memory_space<vmem>>, vector<1x16xf32>,
    %mul3A_313 = arith.constant 2.000000e-02 : f32
    %mul3A_314 = vector.broadcast %mul3A_313 : f32 to vector<16xf32>
    %mul3A_315 = arith.mulf %scan3A_284#3, %mul3A_314 : vector<16xf32>
    %swap3A_316 = arith.constant 499 : i32
    %swap3A_317 = arith.index_cast %swap3A_316 : i32 to index
    %swap3A_318 = arith.constant 48 : index
    %swap3A_319 = tpu.vector_load %arg7[%swap3A_317, %swap3A_318] {strides = array<i32>} : memref<512x64xf32, #tpu.memory_space<vmem>>, vector<1x16xf32>,
    %swap3A_320 = vector.shape_cast %swap3A_319 : vector<1x16xf32> to vector<16xf32>
    %swap3A_321 = vector.shape_cast %mul3A_315 : vector<16xf32> to vector<1x16xf32>
    tpu.vector_store %arg7[%swap3A_317, %swap3A_318], %swap3A_321 {strides = array<i32>} : memref<512x64xf32, #tpu.memory_space<vmem>>, vector<1x16xf32>,
    %dma_wait3A_322 = arith.constant 250 : i32
    %dma_wait3A_323 = arith.constant 2 : i32
    %dma_wait3A_324 = arith.constant 0 : i32
    %dma_wait3A_325 = arith.constant 0 : i32
    %dma_wait3A_326 = tpu.memref_slice %arg6[%dma_wait3A_323, %dma_wait3A_324, %dma_wait3A_325] : memref<8x100x64xf32, #tpu.memory_space<vmem>> -> memref<1x100x64xf32, #tpu.memory_space<vmem>>
    %dma_wait3A_327 = tpu.memref_squeeze %dma_wait3A_326 : memref<1x100x64xf32, #tpu.memory_space<vmem>> -> memref<100x64xf32, #tpu.memory_space<vmem>>
    %dma_wait3A_328 = arith.constant 0 : i32
    %dma_wait3A_329 = tpu.memref_slice %arg5[%dma_wait3A_322, %dma_wait3A_328] : memref<256x100xi32, #tpu.memory_space<vmem>> -> memref<1x100xi32, #tpu.memory_space<vmem>>
    %dma_wait3A_330 = tpu.memref_squeeze %dma_wait3A_329 : memref<1x100xi32, #tpu.memory_space<vmem>> -> memref<100xi32, #tpu.memory_space<vmem>>
    %dma_wait3A_331 = arith.constant 0 : i32
    %dma_wait3A_332 = arith.constant 0 : i32
    %dma_wait3A_333 = tpu.memref_slice %arg3[%dma_wait3A_331, %dma_wait3A_332] : memref<1000000x64xf32, #tpu.memory_space<hbm>> -> memref<1000000x64xf32, #tpu.memory_space<hbm>>
    tpu.wait_indirect_dma semaphore(%arg10 : memref<!tpu.dma_semaphore, #tpu.memory_space<semaphore_mem>>) src(%dma_wait3A_333 : memref<1000000x64xf32, #tpu.memory_space<hbm>>) dst(%dma_wait3A_327 : memref<100x64xf32, #tpu.memory_space<vmem>>)
    %broadcast_in_dim3A_334 = arith.constant 0.000000e+00 : f32
    %broadcast_in_dim3A_335 = vector.broadcast %broadcast_in_dim3A_334 : f32 to vector<16xf32>
    %broadcast_in_dim3A_336 = arith.constant 0.000000e+00 : f32
    %broadcast_in_dim3A_337 = vector.broadcast %broadcast_in_dim3A_336 : f32 to vector<16xf32>
    %broadcast_in_dim3A_338 = arith.constant 0.000000e+00 : f32
    %broadcast_in_dim3A_339 = vector.broadcast %broadcast_in_dim3A_338 : f32 to vector<16xf32>
    %broadcast_in_dim3A_340 = arith.constant 0.000000e+00 : f32
    %broadcast_in_dim3A_341 = vector.broadcast %broadcast_in_dim3A_340 : f32 to vector<16xf32>
    %scan3A_342 = arith.constant 0 : i32
    %scan3A_343 = arith.constant 50 : i32
    %scan3A_344 = arith.addi %scan3A_342, %scan3A_343 : i32
    %scan3A_345 = arith.constant 2 : i32
    %scan3A_346:4 = scf.for %scan3A_996 = %scan3A_342 to %scan3A_344 step %scan3A_345 iter_args(%scan3A_997 = %broadcast_in_dim3A_335, %scan3A_998 = %broadcast_in_dim3A_337, %scan3A_999 = %broadcast_in_dim3A_339, %scan3A_1000 = %broadcast_in_dim3A_341) -> (vector<16xf32>, vector<16xf32>, vector<16xf32>, vector<16xf32>)  : i32 {
      %add3A_1001 = arith.constant 0 : i32
      %add3A_1002 = arith.addi %add3A_1001, %scan3A_996 : i32
      %get3A = arith.constant 2 : i32
      %get3A_1003 = arith.index_cast %get3A : i32 to index
      %get3A_1004 = arith.index_cast %add3A_1002 : i32 to index
      %get3A_1005 = arith.constant 0 : index
      %get3A_1006 = tpu.vector_load %arg6[%get3A_1003, %get3A_1004, %get3A_1005] {strides = array<i32>} : memref<8x100x64xf32, #tpu.memory_space<vmem>>, vector<1x1x16xf32>,
      %get3A_1007 = vector.shape_cast %get3A_1006 : vector<1x1x16xf32> to vector<16xf32>
      %add3A_1008 = arith.addf %scan3A_997, %get3A_1007 : vector<16xf32>
      %get3A_1009 = arith.constant 2 : i32
      %get3A_1010 = arith.index_cast %get3A_1009 : i32 to index
      %get3A_1011 = arith.index_cast %add3A_1002 : i32 to index
      %get3A_1012 = arith.constant 16 : index
      %get3A_1013 = tpu.vector_load %arg6[%get3A_1010, %get3A_1011, %get3A_1012] {strides = array<i32>} : memref<8x100x64xf32, #tpu.memory_space<vmem>>, vector<1x1x16xf32>,
      %get3A_1014 = vector.shape_cast %get3A_1013 : vector<1x1x16xf32> to vector<16xf32>
      %add3A_1015 = arith.addf %scan3A_998, %get3A_1014 : vector<16xf32>
      %get3A_1016 = arith.constant 2 : i32
      %get3A_1017 = arith.index_cast %get3A_1016 : i32 to index
      %get3A_1018 = arith.index_cast %add3A_1002 : i32 to index
      %get3A_1019 = arith.constant 32 : index
      %get3A_1020 = tpu.vector_load %arg6[%get3A_1017, %get3A_1018, %get3A_1019] {strides = array<i32>} : memref<8x100x64xf32, #tpu.memory_space<vmem>>, vector<1x1x16xf32>,
      %get3A_1021 = vector.shape_cast %get3A_1020 : vector<1x1x16xf32> to vector<16xf32>
      %add3A_1022 = arith.addf %scan3A_999, %get3A_1021 : vector<16xf32>
      %get3A_1023 = arith.constant 2 : i32
      %get3A_1024 = arith.index_cast %get3A_1023 : i32 to index
      %get3A_1025 = arith.index_cast %add3A_1002 : i32 to index
      %get3A_1026 = arith.constant 48 : index
      %get3A_1027 = tpu.vector_load %arg6[%get3A_1024, %get3A_1025, %get3A_1026] {strides = array<i32>} : memref<8x100x64xf32, #tpu.memory_space<vmem>>, vector<1x1x16xf32>,
      %get3A_1028 = vector.shape_cast %get3A_1027 : vector<1x1x16xf32> to vector<16xf32>
      %add3A_1029 = arith.addf %scan3A_1000, %get3A_1028 : vector<16xf32>
      %scan3A_1030 = arith.constant 1 : i32
      %scan3A_1031 = arith.addi %scan3A_996, %scan3A_1030 : i32
      %add3A_1032 = arith.constant 0 : i32
      %add3A_1033 = arith.addi %add3A_1032, %scan3A_1031 : i32
      %get3A_1034 = arith.constant 2 : i32
      %get3A_1035 = arith.index_cast %get3A_1034 : i32 to index
      %get3A_1036 = arith.index_cast %add3A_1033 : i32 to index
      %get3A_1037 = arith.constant 0 : index
      %get3A_1038 = tpu.vector_load %arg6[%get3A_1035, %get3A_1036, %get3A_1037] {strides = array<i32>} : memref<8x100x64xf32, #tpu.memory_space<vmem>>, vector<1x1x16xf32>,
      %get3A_1039 = vector.shape_cast %get3A_1038 : vector<1x1x16xf32> to vector<16xf32>
      %add3A_1040 = arith.addf %add3A_1008, %get3A_1039 : vector<16xf32>
      %get3A_1041 = arith.constant 2 : i32
      %get3A_1042 = arith.index_cast %get3A_1041 : i32 to index
      %get3A_1043 = arith.index_cast %add3A_1033 : i32 to index
      %get3A_1044 = arith.constant 16 : index
      %get3A_1045 = tpu.vector_load %arg6[%get3A_1042, %get3A_1043, %get3A_1044] {strides = array<i32>} : memref<8x100x64xf32, #tpu.memory_space<vmem>>, vector<1x1x16xf32>,
      %get3A_1046 = vector.shape_cast %get3A_1045 : vector<1x1x16xf32> to vector<16xf32>
      %add3A_1047 = arith.addf %add3A_1015, %get3A_1046 : vector<16xf32>
      %get3A_1048 = arith.constant 2 : i32
      %get3A_1049 = arith.index_cast %get3A_1048 : i32 to index
      %get3A_1050 = arith.index_cast %add3A_1033 : i32 to index
      %get3A_1051 = arith.constant 32 : index
      %get3A_1052 = tpu.vector_load %arg6[%get3A_1049, %get3A_1050, %get3A_1051] {strides = array<i32>} : memref<8x100x64xf32, #tpu.memory_space<vmem>>, vector<1x1x16xf32>,
      %get3A_1053 = vector.shape_cast %get3A_1052 : vector<1x1x16xf32> to vector<16xf32>
      %add3A_1054 = arith.addf %add3A_1022, %get3A_1053 : vector<16xf32>
      %get3A_1055 = arith.constant 2 : i32
      %get3A_1056 = arith.index_cast %get3A_1055 : i32 to index
      %get3A_1057 = arith.index_cast %add3A_1033 : i32 to index
      %get3A_1058 = arith.constant 48 : index
      %get3A_1059 = tpu.vector_load %arg6[%get3A_1056, %get3A_1057, %get3A_1058] {strides = array<i32>} : memref<8x100x64xf32, #tpu.memory_space<vmem>>, vector<1x1x16xf32>,
      %get3A_1060 = vector.shape_cast %get3A_1059 : vector<1x1x16xf32> to vector<16xf32>
      %add3A_1061 = arith.addf %add3A_1029, %get3A_1060 : vector<16xf32>
      scf.yield %add3A_1040, %add3A_1047, %add3A_1054, %add3A_1061 : vector<16xf32>, vector<16xf32>, vector<16xf32>, vector<16xf32>
    }
    %scan3A_347 = arith.constant 50 : i32
    %mul3A_348 = arith.constant 2.000000e-02 : f32
    %mul3A_349 = vector.broadcast %mul3A_348 : f32 to vector<16xf32>
    %mul3A_350 = arith.mulf %scan3A_346#0, %mul3A_349 : vector<16xf32>
    %swap3A_351 = arith.constant 500 : i32
    %swap3A_352 = arith.index_cast %swap3A_351 : i32 to index
    %swap3A_353 = arith.constant 0 : index
    %swap3A_354 = tpu.vector_load %arg7[%swap3A_352, %swap3A_353] {strides = array<i32>} : memref<512x64xf32, #tpu.memory_space<vmem>>, vector<1x16xf32>,
    %swap3A_355 = vector.shape_cast %swap3A_354 : vector<1x16xf32> to vector<16xf32>
    %swap3A_356 = vector.shape_cast %mul3A_350 : vector<16xf32> to vector<1x16xf32>
    tpu.vector_store %arg7[%swap3A_352, %swap3A_353], %swap3A_356 {strides = array<i32>} : memref<512x64xf32, #tpu.memory_space<vmem>>, vector<1x16xf32>,
    %mul3A_357 = arith.constant 2.000000e-02 : f32
    %mul3A_358 = vector.broadcast %mul3A_357 : f32 to vector<16xf32>
    %mul3A_359 = arith.mulf %scan3A_346#1, %mul3A_358 : vector<16xf32>
    %swap3A_360 = arith.constant 500 : i32
    %swap3A_361 = arith.index_cast %swap3A_360 : i32 to index
    %swap3A_362 = arith.constant 16 : index
    %swap3A_363 = tpu.vector_load %arg7[%swap3A_361, %swap3A_362] {strides = array<i32>} : memref<512x64xf32, #tpu.memory_space<vmem>>, vector<1x16xf32>,
    %swap3A_364 = vector.shape_cast %swap3A_363 : vector<1x16xf32> to vector<16xf32>
    %swap3A_365 = vector.shape_cast %mul3A_359 : vector<16xf32> to vector<1x16xf32>
    tpu.vector_store %arg7[%swap3A_361, %swap3A_362], %swap3A_365 {strides = array<i32>} : memref<512x64xf32, #tpu.memory_space<vmem>>, vector<1x16xf32>,
    %mul3A_366 = arith.constant 2.000000e-02 : f32
    %mul3A_367 = vector.broadcast %mul3A_366 : f32 to vector<16xf32>
    %mul3A_368 = arith.mulf %scan3A_346#2, %mul3A_367 : vector<16xf32>
    %swap3A_369 = arith.constant 500 : i32
    %swap3A_370 = arith.index_cast %swap3A_369 : i32 to index
    %swap3A_371 = arith.constant 32 : index
    %swap3A_372 = tpu.vector_load %arg7[%swap3A_370, %swap3A_371] {strides = array<i32>} : memref<512x64xf32, #tpu.memory_space<vmem>>, vector<1x16xf32>,
    %swap3A_373 = vector.shape_cast %swap3A_372 : vector<1x16xf32> to vector<16xf32>
    %swap3A_374 = vector.shape_cast %mul3A_368 : vector<16xf32> to vector<1x16xf32>
    tpu.vector_store %arg7[%swap3A_370, %swap3A_371], %swap3A_374 {strides = array<i32>} : memref<512x64xf32, #tpu.memory_space<vmem>>, vector<1x16xf32>,
    %mul3A_375 = arith.constant 2.000000e-02 : f32
    %mul3A_376 = vector.broadcast %mul3A_375 : f32 to vector<16xf32>
    %mul3A_377 = arith.mulf %scan3A_346#3, %mul3A_376 : vector<16xf32>
    %swap3A_378 = arith.constant 500 : i32
    %swap3A_379 = arith.index_cast %swap3A_378 : i32 to index
    %swap3A_380 = arith.constant 48 : index
    %swap3A_381 = tpu.vector_load %arg7[%swap3A_379, %swap3A_380] {strides = array<i32>} : memref<512x64xf32, #tpu.memory_space<vmem>>, vector<1x16xf32>,
    %swap3A_382 = vector.shape_cast %swap3A_381 : vector<1x16xf32> to vector<16xf32>
    %swap3A_383 = vector.shape_cast %mul3A_377 : vector<16xf32> to vector<1x16xf32>
    tpu.vector_store %arg7[%swap3A_379, %swap3A_380], %swap3A_383 {strides = array<i32>} : memref<512x64xf32, #tpu.memory_space<vmem>>, vector<1x16xf32>,
    %broadcast_in_dim3A_384 = arith.constant 0.000000e+00 : f32
    %broadcast_in_dim3A_385 = vector.broadcast %broadcast_in_dim3A_384 : f32 to vector<16xf32>
    %broadcast_in_dim3A_386 = arith.constant 0.000000e+00 : f32
    %broadcast_in_dim3A_387 = vector.broadcast %broadcast_in_dim3A_386 : f32 to vector<16xf32>
    %broadcast_in_dim3A_388 = arith.constant 0.000000e+00 : f32
    %broadcast_in_dim3A_389 = vector.broadcast %broadcast_in_dim3A_388 : f32 to vector<16xf32>
    %broadcast_in_dim3A_390 = arith.constant 0.000000e+00 : f32
    %broadcast_in_dim3A_391 = vector.broadcast %broadcast_in_dim3A_390 : f32 to vector<16xf32>
    %scan3A_392 = arith.constant 0 : i32
    %scan3A_393 = arith.constant 50 : i32
    %scan3A_394 = arith.addi %scan3A_392, %scan3A_393 : i32
    %scan3A_395 = arith.constant 2 : i32
    %scan3A_396:4 = scf.for %scan3A_996 = %scan3A_392 to %scan3A_394 step %scan3A_395 iter_args(%scan3A_997 = %broadcast_in_dim3A_385, %scan3A_998 = %broadcast_in_dim3A_387, %scan3A_999 = %broadcast_in_dim3A_389, %scan3A_1000 = %broadcast_in_dim3A_391) -> (vector<16xf32>, vector<16xf32>, vector<16xf32>, vector<16xf32>)  : i32 {
      %add3A_1001 = arith.constant 50 : i32
      %add3A_1002 = arith.addi %add3A_1001, %scan3A_996 : i32
      %get3A = arith.constant 2 : i32
      %get3A_1003 = arith.index_cast %get3A : i32 to index
      %get3A_1004 = arith.index_cast %add3A_1002 : i32 to index
      %get3A_1005 = arith.constant 0 : index
      %get3A_1006 = tpu.vector_load %arg6[%get3A_1003, %get3A_1004, %get3A_1005] {strides = array<i32>} : memref<8x100x64xf32, #tpu.memory_space<vmem>>, vector<1x1x16xf32>,
      %get3A_1007 = vector.shape_cast %get3A_1006 : vector<1x1x16xf32> to vector<16xf32>
      %add3A_1008 = arith.addf %scan3A_997, %get3A_1007 : vector<16xf32>
      %get3A_1009 = arith.constant 2 : i32
      %get3A_1010 = arith.index_cast %get3A_1009 : i32 to index
      %get3A_1011 = arith.index_cast %add3A_1002 : i32 to index
      %get3A_1012 = arith.constant 16 : index
      %get3A_1013 = tpu.vector_load %arg6[%get3A_1010, %get3A_1011, %get3A_1012] {strides = array<i32>} : memref<8x100x64xf32, #tpu.memory_space<vmem>>, vector<1x1x16xf32>,
      %get3A_1014 = vector.shape_cast %get3A_1013 : vector<1x1x16xf32> to vector<16xf32>
      %add3A_1015 = arith.addf %scan3A_998, %get3A_1014 : vector<16xf32>
      %get3A_1016 = arith.constant 2 : i32
      %get3A_1017 = arith.index_cast %get3A_1016 : i32 to index
      %get3A_1018 = arith.index_cast %add3A_1002 : i32 to index
      %get3A_1019 = arith.constant 32 : index
      %get3A_1020 = tpu.vector_load %arg6[%get3A_1017, %get3A_1018, %get3A_1019] {strides = array<i32>} : memref<8x100x64xf32, #tpu.memory_space<vmem>>, vector<1x1x16xf32>,
      %get3A_1021 = vector.shape_cast %get3A_1020 : vector<1x1x16xf32> to vector<16xf32>
      %add3A_1022 = arith.addf %scan3A_999, %get3A_1021 : vector<16xf32>
      %get3A_1023 = arith.constant 2 : i32
      %get3A_1024 = arith.index_cast %get3A_1023 : i32 to index
      %get3A_1025 = arith.index_cast %add3A_1002 : i32 to index
      %get3A_1026 = arith.constant 48 : index
      %get3A_1027 = tpu.vector_load %arg6[%get3A_1024, %get3A_1025, %get3A_1026] {strides = array<i32>} : memref<8x100x64xf32, #tpu.memory_space<vmem>>, vector<1x1x16xf32>,
      %get3A_1028 = vector.shape_cast %get3A_1027 : vector<1x1x16xf32> to vector<16xf32>
      %add3A_1029 = arith.addf %scan3A_1000, %get3A_1028 : vector<16xf32>
      %scan3A_1030 = arith.constant 1 : i32
      %scan3A_1031 = arith.addi %scan3A_996, %scan3A_1030 : i32
      %add3A_1032 = arith.constant 50 : i32
      %add3A_1033 = arith.addi %add3A_1032, %scan3A_1031 : i32
      %get3A_1034 = arith.constant 2 : i32
      %get3A_1035 = arith.index_cast %get3A_1034 : i32 to index
      %get3A_1036 = arith.index_cast %add3A_1033 : i32 to index
      %get3A_1037 = arith.constant 0 : index
      %get3A_1038 = tpu.vector_load %arg6[%get3A_1035, %get3A_1036, %get3A_1037] {strides = array<i32>} : memref<8x100x64xf32, #tpu.memory_space<vmem>>, vector<1x1x16xf32>,
      %get3A_1039 = vector.shape_cast %get3A_1038 : vector<1x1x16xf32> to vector<16xf32>
      %add3A_1040 = arith.addf %add3A_1008, %get3A_1039 : vector<16xf32>
      %get3A_1041 = arith.constant 2 : i32
      %get3A_1042 = arith.index_cast %get3A_1041 : i32 to index
      %get3A_1043 = arith.index_cast %add3A_1033 : i32 to index
      %get3A_1044 = arith.constant 16 : index
      %get3A_1045 = tpu.vector_load %arg6[%get3A_1042, %get3A_1043, %get3A_1044] {strides = array<i32>} : memref<8x100x64xf32, #tpu.memory_space<vmem>>, vector<1x1x16xf32>,
      %get3A_1046 = vector.shape_cast %get3A_1045 : vector<1x1x16xf32> to vector<16xf32>
      %add3A_1047 = arith.addf %add3A_1015, %get3A_1046 : vector<16xf32>
      %get3A_1048 = arith.constant 2 : i32
      %get3A_1049 = arith.index_cast %get3A_1048 : i32 to index
      %get3A_1050 = arith.index_cast %add3A_1033 : i32 to index
      %get3A_1051 = arith.constant 32 : index
      %get3A_1052 = tpu.vector_load %arg6[%get3A_1049, %get3A_1050, %get3A_1051] {strides = array<i32>} : memref<8x100x64xf32, #tpu.memory_space<vmem>>, vector<1x1x16xf32>,
      %get3A_1053 = vector.shape_cast %get3A_1052 : vector<1x1x16xf32> to vector<16xf32>
      %add3A_1054 = arith.addf %add3A_1022, %get3A_1053 : vector<16xf32>
      %get3A_1055 = arith.constant 2 : i32
      %get3A_1056 = arith.index_cast %get3A_1055 : i32 to index
      %get3A_1057 = arith.index_cast %add3A_1033 : i32 to index
      %get3A_1058 = arith.constant 48 : index
      %get3A_1059 = tpu.vector_load %arg6[%get3A_1056, %get3A_1057, %get3A_1058] {strides = array<i32>} : memref<8x100x64xf32, #tpu.memory_space<vmem>>, vector<1x1x16xf32>,
      %get3A_1060 = vector.shape_cast %get3A_1059 : vector<1x1x16xf32> to vector<16xf32>
      %add3A_1061 = arith.addf %add3A_1029, %get3A_1060 : vector<16xf32>
      scf.yield %add3A_1040, %add3A_1047, %add3A_1054, %add3A_1061 : vector<16xf32>, vector<16xf32>, vector<16xf32>, vector<16xf32>
    }
    %scan3A_397 = arith.constant 50 : i32
    %mul3A_398 = arith.constant 2.000000e-02 : f32
    %mul3A_399 = vector.broadcast %mul3A_398 : f32 to vector<16xf32>
    %mul3A_400 = arith.mulf %scan3A_396#0, %mul3A_399 : vector<16xf32>
    %swap3A_401 = arith.constant 501 : i32
    %swap3A_402 = arith.index_cast %swap3A_401 : i32 to index
    %swap3A_403 = arith.constant 0 : index
    %swap3A_404 = tpu.vector_load %arg7[%swap3A_402, %swap3A_403] {strides = array<i32>} : memref<512x64xf32, #tpu.memory_space<vmem>>, vector<1x16xf32>,
    %swap3A_405 = vector.shape_cast %swap3A_404 : vector<1x16xf32> to vector<16xf32>
    %swap3A_406 = vector.shape_cast %mul3A_400 : vector<16xf32> to vector<1x16xf32>
    tpu.vector_store %arg7[%swap3A_402, %swap3A_403], %swap3A_406 {strides = array<i32>} : memref<512x64xf32, #tpu.memory_space<vmem>>, vector<1x16xf32>,
    %mul3A_407 = arith.constant 2.000000e-02 : f32
    %mul3A_408 = vector.broadcast %mul3A_407 : f32 to vector<16xf32>
    %mul3A_409 = arith.mulf %scan3A_396#1, %mul3A_408 : vector<16xf32>
    %swap3A_410 = arith.constant 501 : i32
    %swap3A_411 = arith.index_cast %swap3A_410 : i32 to index
    %swap3A_412 = arith.constant 16 : index
    %swap3A_413 = tpu.vector_load %arg7[%swap3A_411, %swap3A_412] {strides = array<i32>} : memref<512x64xf32, #tpu.memory_space<vmem>>, vector<1x16xf32>,
    %swap3A_414 = vector.shape_cast %swap3A_413 : vector<1x16xf32> to vector<16xf32>
    %swap3A_415 = vector.shape_cast %mul3A_409 : vector<16xf32> to vector<1x16xf32>
    tpu.vector_store %arg7[%swap3A_411, %swap3A_412], %swap3A_415 {strides = array<i32>} : memref<512x64xf32, #tpu.memory_space<vmem>>, vector<1x16xf32>,
    %mul3A_416 = arith.constant 2.000000e-02 : f32
    %mul3A_417 = vector.broadcast %mul3A_416 : f32 to vector<16xf32>
    %mul3A_418 = arith.mulf %scan3A_396#2, %mul3A_417 : vector<16xf32>
    %swap3A_419 = arith.constant 501 : i32
    %swap3A_420 = arith.index_cast %swap3A_419 : i32 to index
    %swap3A_421 = arith.constant 32 : index
    %swap3A_422 = tpu.vector_load %arg7[%swap3A_420, %swap3A_421] {strides = array<i32>} : memref<512x64xf32, #tpu.memory_space<vmem>>, vector<1x16xf32>,
    %swap3A_423 = vector.shape_cast %swap3A_422 : vector<1x16xf32> to vector<16xf32>
    %swap3A_424 = vector.shape_cast %mul3A_418 : vector<16xf32> to vector<1x16xf32>
    tpu.vector_store %arg7[%swap3A_420, %swap3A_421], %swap3A_424 {strides = array<i32>} : memref<512x64xf32, #tpu.memory_space<vmem>>, vector<1x16xf32>,
    %mul3A_425 = arith.constant 2.000000e-02 : f32
    %mul3A_426 = vector.broadcast %mul3A_425 : f32 to vector<16xf32>
    %mul3A_427 = arith.mulf %scan3A_396#3, %mul3A_426 : vector<16xf32>
    %swap3A_428 = arith.constant 501 : i32
    %swap3A_429 = arith.index_cast %swap3A_428 : i32 to index
    %swap3A_430 = arith.constant 48 : index
    %swap3A_431 = tpu.vector_load %arg7[%swap3A_429, %swap3A_430] {strides = array<i32>} : memref<512x64xf32, #tpu.memory_space<vmem>>, vector<1x16xf32>,
    %swap3A_432 = vector.shape_cast %swap3A_431 : vector<1x16xf32> to vector<16xf32>
    %swap3A_433 = vector.shape_cast %mul3A_427 : vector<16xf32> to vector<1x16xf32>
    tpu.vector_store %arg7[%swap3A_429, %swap3A_430], %swap3A_433 {strides = array<i32>} : memref<512x64xf32, #tpu.memory_space<vmem>>, vector<1x16xf32>,
    %dma_wait3A_434 = arith.constant 251 : i32
    %dma_wait3A_435 = arith.constant 3 : i32
    %dma_wait3A_436 = arith.constant 0 : i32
    %dma_wait3A_437 = arith.constant 0 : i32
    %dma_wait3A_438 = tpu.memref_slice %arg6[%dma_wait3A_435, %dma_wait3A_436, %dma_wait3A_437] : memref<8x100x64xf32, #tpu.memory_space<vmem>> -> memref<1x100x64xf32, #tpu.memory_space<vmem>>
    %dma_wait3A_439 = tpu.memref_squeeze %dma_wait3A_438 : memref<1x100x64xf32, #tpu.memory_space<vmem>> -> memref<100x64xf32, #tpu.memory_space<vmem>>
    %dma_wait3A_440 = arith.constant 0 : i32
    %dma_wait3A_441 = tpu.memref_slice %arg5[%dma_wait3A_434, %dma_wait3A_440] : memref<256x100xi32, #tpu.memory_space<vmem>> -> memref<1x100xi32, #tpu.memory_space<vmem>>
    %dma_wait3A_442 = tpu.memref_squeeze %dma_wait3A_441 : memref<1x100xi32, #tpu.memory_space<vmem>> -> memref<100xi32, #tpu.memory_space<vmem>>
    %dma_wait3A_443 = arith.constant 0 : i32
    %dma_wait3A_444 = arith.constant 0 : i32
    %dma_wait3A_445 = tpu.memref_slice %arg3[%dma_wait3A_443, %dma_wait3A_444] : memref<1000000x64xf32, #tpu.memory_space<hbm>> -> memref<1000000x64xf32, #tpu.memory_space<hbm>>
    tpu.wait_indirect_dma semaphore(%arg11 : memref<!tpu.dma_semaphore, #tpu.memory_space<semaphore_mem>>) src(%dma_wait3A_445 : memref<1000000x64xf32, #tpu.memory_space<hbm>>) dst(%dma_wait3A_439 : memref<100x64xf32, #tpu.memory_space<vmem>>)
    %broadcast_in_dim3A_446 = arith.constant 0.000000e+00 : f32
    %broadcast_in_dim3A_447 = vector.broadcast %broadcast_in_dim3A_446 : f32 to vector<16xf32>
    %broadcast_in_dim3A_448 = arith.constant 0.000000e+00 : f32
    %broadcast_in_dim3A_449 = vector.broadcast %broadcast_in_dim3A_448 : f32 to vector<16xf32>
    %broadcast_in_dim3A_450 = arith.constant 0.000000e+00 : f32
    %broadcast_in_dim3A_451 = vector.broadcast %broadcast_in_dim3A_450 : f32 to vector<16xf32>
    %broadcast_in_dim3A_452 = arith.constant 0.000000e+00 : f32
    %broadcast_in_dim3A_453 = vector.broadcast %broadcast_in_dim3A_452 : f32 to vector<16xf32>
    %scan3A_454 = arith.constant 0 : i32
    %scan3A_455 = arith.constant 50 : i32
    %scan3A_456 = arith.addi %scan3A_454, %scan3A_455 : i32
    %scan3A_457 = arith.constant 2 : i32
    %scan3A_458:4 = scf.for %scan3A_996 = %scan3A_454 to %scan3A_456 step %scan3A_457 iter_args(%scan3A_997 = %broadcast_in_dim3A_447, %scan3A_998 = %broadcast_in_dim3A_449, %scan3A_999 = %broadcast_in_dim3A_451, %scan3A_1000 = %broadcast_in_dim3A_453) -> (vector<16xf32>, vector<16xf32>, vector<16xf32>, vector<16xf32>)  : i32 {
      %add3A_1001 = arith.constant 0 : i32
      %add3A_1002 = arith.addi %add3A_1001, %scan3A_996 : i32
      %get3A = arith.constant 3 : i32
      %get3A_1003 = arith.index_cast %get3A : i32 to index
      %get3A_1004 = arith.index_cast %add3A_1002 : i32 to index
      %get3A_1005 = arith.constant 0 : index
      %get3A_1006 = tpu.vector_load %arg6[%get3A_1003, %get3A_1004, %get3A_1005] {strides = array<i32>} : memref<8x100x64xf32, #tpu.memory_space<vmem>>, vector<1x1x16xf32>,
      %get3A_1007 = vector.shape_cast %get3A_1006 : vector<1x1x16xf32> to vector<16xf32>
      %add3A_1008 = arith.addf %scan3A_997, %get3A_1007 : vector<16xf32>
      %get3A_1009 = arith.constant 3 : i32
      %get3A_1010 = arith.index_cast %get3A_1009 : i32 to index
      %get3A_1011 = arith.index_cast %add3A_1002 : i32 to index
      %get3A_1012 = arith.constant 16 : index
      %get3A_1013 = tpu.vector_load %arg6[%get3A_1010, %get3A_1011, %get3A_1012] {strides = array<i32>} : memref<8x100x64xf32, #tpu.memory_space<vmem>>, vector<1x1x16xf32>,
      %get3A_1014 = vector.shape_cast %get3A_1013 : vector<1x1x16xf32> to vector<16xf32>
      %add3A_1015 = arith.addf %scan3A_998, %get3A_1014 : vector<16xf32>
      %get3A_1016 = arith.constant 3 : i32
      %get3A_1017 = arith.index_cast %get3A_1016 : i32 to index
      %get3A_1018 = arith.index_cast %add3A_1002 : i32 to index
      %get3A_1019 = arith.constant 32 : index
      %get3A_1020 = tpu.vector_load %arg6[%get3A_1017, %get3A_1018, %get3A_1019] {strides = array<i32>} : memref<8x100x64xf32, #tpu.memory_space<vmem>>, vector<1x1x16xf32>,
      %get3A_1021 = vector.shape_cast %get3A_1020 : vector<1x1x16xf32> to vector<16xf32>
      %add3A_1022 = arith.addf %scan3A_999, %get3A_1021 : vector<16xf32>
      %get3A_1023 = arith.constant 3 : i32
      %get3A_1024 = arith.index_cast %get3A_1023 : i32 to index
      %get3A_1025 = arith.index_cast %add3A_1002 : i32 to index
      %get3A_1026 = arith.constant 48 : index
      %get3A_1027 = tpu.vector_load %arg6[%get3A_1024, %get3A_1025, %get3A_1026] {strides = array<i32>} : memref<8x100x64xf32, #tpu.memory_space<vmem>>, vector<1x1x16xf32>,
      %get3A_1028 = vector.shape_cast %get3A_1027 : vector<1x1x16xf32> to vector<16xf32>
      %add3A_1029 = arith.addf %scan3A_1000, %get3A_1028 : vector<16xf32>
      %scan3A_1030 = arith.constant 1 : i32
      %scan3A_1031 = arith.addi %scan3A_996, %scan3A_1030 : i32
      %add3A_1032 = arith.constant 0 : i32
      %add3A_1033 = arith.addi %add3A_1032, %scan3A_1031 : i32
      %get3A_1034 = arith.constant 3 : i32
      %get3A_1035 = arith.index_cast %get3A_1034 : i32 to index
      %get3A_1036 = arith.index_cast %add3A_1033 : i32 to index
      %get3A_1037 = arith.constant 0 : index
      %get3A_1038 = tpu.vector_load %arg6[%get3A_1035, %get3A_1036, %get3A_1037] {strides = array<i32>} : memref<8x100x64xf32, #tpu.memory_space<vmem>>, vector<1x1x16xf32>,
      %get3A_1039 = vector.shape_cast %get3A_1038 : vector<1x1x16xf32> to vector<16xf32>
      %add3A_1040 = arith.addf %add3A_1008, %get3A_1039 : vector<16xf32>
      %get3A_1041 = arith.constant 3 : i32
      %get3A_1042 = arith.index_cast %get3A_1041 : i32 to index
      %get3A_1043 = arith.index_cast %add3A_1033 : i32 to index
      %get3A_1044 = arith.constant 16 : index
      %get3A_1045 = tpu.vector_load %arg6[%get3A_1042, %get3A_1043, %get3A_1044] {strides = array<i32>} : memref<8x100x64xf32, #tpu.memory_space<vmem>>, vector<1x1x16xf32>,
      %get3A_1046 = vector.shape_cast %get3A_1045 : vector<1x1x16xf32> to vector<16xf32>
      %add3A_1047 = arith.addf %add3A_1015, %get3A_1046 : vector<16xf32>
      %get3A_1048 = arith.constant 3 : i32
      %get3A_1049 = arith.index_cast %get3A_1048 : i32 to index
      %get3A_1050 = arith.index_cast %add3A_1033 : i32 to index
      %get3A_1051 = arith.constant 32 : index
      %get3A_1052 = tpu.vector_load %arg6[%get3A_1049, %get3A_1050, %get3A_1051] {strides = array<i32>} : memref<8x100x64xf32, #tpu.memory_space<vmem>>, vector<1x1x16xf32>,
      %get3A_1053 = vector.shape_cast %get3A_1052 : vector<1x1x16xf32> to vector<16xf32>
      %add3A_1054 = arith.addf %add3A_1022, %get3A_1053 : vector<16xf32>
      %get3A_1055 = arith.constant 3 : i32
      %get3A_1056 = arith.index_cast %get3A_1055 : i32 to index
      %get3A_1057 = arith.index_cast %add3A_1033 : i32 to index
      %get3A_1058 = arith.constant 48 : index
      %get3A_1059 = tpu.vector_load %arg6[%get3A_1056, %get3A_1057, %get3A_1058] {strides = array<i32>} : memref<8x100x64xf32, #tpu.memory_space<vmem>>, vector<1x1x16xf32>,
      %get3A_1060 = vector.shape_cast %get3A_1059 : vector<1x1x16xf32> to vector<16xf32>
      %add3A_1061 = arith.addf %add3A_1029, %get3A_1060 : vector<16xf32>
      scf.yield %add3A_1040, %add3A_1047, %add3A_1054, %add3A_1061 : vector<16xf32>, vector<16xf32>, vector<16xf32>, vector<16xf32>
    }
    %scan3A_459 = arith.constant 50 : i32
    %mul3A_460 = arith.constant 2.000000e-02 : f32
    %mul3A_461 = vector.broadcast %mul3A_460 : f32 to vector<16xf32>
    %mul3A_462 = arith.mulf %scan3A_458#0, %mul3A_461 : vector<16xf32>
    %swap3A_463 = arith.constant 502 : i32
    %swap3A_464 = arith.index_cast %swap3A_463 : i32 to index
    %swap3A_465 = arith.constant 0 : index
    %swap3A_466 = tpu.vector_load %arg7[%swap3A_464, %swap3A_465] {strides = array<i32>} : memref<512x64xf32, #tpu.memory_space<vmem>>, vector<1x16xf32>,
    %swap3A_467 = vector.shape_cast %swap3A_466 : vector<1x16xf32> to vector<16xf32>
    %swap3A_468 = vector.shape_cast %mul3A_462 : vector<16xf32> to vector<1x16xf32>
    tpu.vector_store %arg7[%swap3A_464, %swap3A_465], %swap3A_468 {strides = array<i32>} : memref<512x64xf32, #tpu.memory_space<vmem>>, vector<1x16xf32>,
    %mul3A_469 = arith.constant 2.000000e-02 : f32
    %mul3A_470 = vector.broadcast %mul3A_469 : f32 to vector<16xf32>
    %mul3A_471 = arith.mulf %scan3A_458#1, %mul3A_470 : vector<16xf32>
    %swap3A_472 = arith.constant 502 : i32
    %swap3A_473 = arith.index_cast %swap3A_472 : i32 to index
    %swap3A_474 = arith.constant 16 : index
    %swap3A_475 = tpu.vector_load %arg7[%swap3A_473, %swap3A_474] {strides = array<i32>} : memref<512x64xf32, #tpu.memory_space<vmem>>, vector<1x16xf32>,
    %swap3A_476 = vector.shape_cast %swap3A_475 : vector<1x16xf32> to vector<16xf32>
    %swap3A_477 = vector.shape_cast %mul3A_471 : vector<16xf32> to vector<1x16xf32>
    tpu.vector_store %arg7[%swap3A_473, %swap3A_474], %swap3A_477 {strides = array<i32>} : memref<512x64xf32, #tpu.memory_space<vmem>>, vector<1x16xf32>,
    %mul3A_478 = arith.constant 2.000000e-02 : f32
    %mul3A_479 = vector.broadcast %mul3A_478 : f32 to vector<16xf32>
    %mul3A_480 = arith.mulf %scan3A_458#2, %mul3A_479 : vector<16xf32>
    %swap3A_481 = arith.constant 502 : i32
    %swap3A_482 = arith.index_cast %swap3A_481 : i32 to index
    %swap3A_483 = arith.constant 32 : index
    %swap3A_484 = tpu.vector_load %arg7[%swap3A_482, %swap3A_483] {strides = array<i32>} : memref<512x64xf32, #tpu.memory_space<vmem>>, vector<1x16xf32>,
    %swap3A_485 = vector.shape_cast %swap3A_484 : vector<1x16xf32> to vector<16xf32>
    %swap3A_486 = vector.shape_cast %mul3A_480 : vector<16xf32> to vector<1x16xf32>
    tpu.vector_store %arg7[%swap3A_482, %swap3A_483], %swap3A_486 {strides = array<i32>} : memref<512x64xf32, #tpu.memory_space<vmem>>, vector<1x16xf32>,
    %mul3A_487 = arith.constant 2.000000e-02 : f32
    %mul3A_488 = vector.broadcast %mul3A_487 : f32 to vector<16xf32>
    %mul3A_489 = arith.mulf %scan3A_458#3, %mul3A_488 : vector<16xf32>
    %swap3A_490 = arith.constant 502 : i32
    %swap3A_491 = arith.index_cast %swap3A_490 : i32 to index
    %swap3A_492 = arith.constant 48 : index
    %swap3A_493 = tpu.vector_load %arg7[%swap3A_491, %swap3A_492] {strides = array<i32>} : memref<512x64xf32, #tpu.memory_space<vmem>>, vector<1x16xf32>,
    %swap3A_494 = vector.shape_cast %swap3A_493 : vector<1x16xf32> to vector<16xf32>
    %swap3A_495 = vector.shape_cast %mul3A_489 : vector<16xf32> to vector<1x16xf32>
    tpu.vector_store %arg7[%swap3A_491, %swap3A_492], %swap3A_495 {strides = array<i32>} : memref<512x64xf32, #tpu.memory_space<vmem>>, vector<1x16xf32>,
    %broadcast_in_dim3A_496 = arith.constant 0.000000e+00 : f32
    %broadcast_in_dim3A_497 = vector.broadcast %broadcast_in_dim3A_496 : f32 to vector<16xf32>
    %broadcast_in_dim3A_498 = arith.constant 0.000000e+00 : f32
    %broadcast_in_dim3A_499 = vector.broadcast %broadcast_in_dim3A_498 : f32 to vector<16xf32>
    %broadcast_in_dim3A_500 = arith.constant 0.000000e+00 : f32
    %broadcast_in_dim3A_501 = vector.broadcast %broadcast_in_dim3A_500 : f32 to vector<16xf32>
    %broadcast_in_dim3A_502 = arith.constant 0.000000e+00 : f32
    %broadcast_in_dim3A_503 = vector.broadcast %broadcast_in_dim3A_502 : f32 to vector<16xf32>
    %scan3A_504 = arith.constant 0 : i32
    %scan3A_505 = arith.constant 50 : i32
    %scan3A_506 = arith.addi %scan3A_504, %scan3A_505 : i32
    %scan3A_507 = arith.constant 2 : i32
    %scan3A_508:4 = scf.for %scan3A_996 = %scan3A_504 to %scan3A_506 step %scan3A_507 iter_args(%scan3A_997 = %broadcast_in_dim3A_497, %scan3A_998 = %broadcast_in_dim3A_499, %scan3A_999 = %broadcast_in_dim3A_501, %scan3A_1000 = %broadcast_in_dim3A_503) -> (vector<16xf32>, vector<16xf32>, vector<16xf32>, vector<16xf32>)  : i32 {
      %add3A_1001 = arith.constant 50 : i32
      %add3A_1002 = arith.addi %add3A_1001, %scan3A_996 : i32
      %get3A = arith.constant 3 : i32
      %get3A_1003 = arith.index_cast %get3A : i32 to index
      %get3A_1004 = arith.index_cast %add3A_1002 : i32 to index
      %get3A_1005 = arith.constant 0 : index
      %get3A_1006 = tpu.vector_load %arg6[%get3A_1003, %get3A_1004, %get3A_1005] {strides = array<i32>} : memref<8x100x64xf32, #tpu.memory_space<vmem>>, vector<1x1x16xf32>,
      %get3A_1007 = vector.shape_cast %get3A_1006 : vector<1x1x16xf32> to vector<16xf32>
      %add3A_1008 = arith.addf %scan3A_997, %get3A_1007 : vector<16xf32>
      %get3A_1009 = arith.constant 3 : i32
      %get3A_1010 = arith.index_cast %get3A_1009 : i32 to index
      %get3A_1011 = arith.index_cast %add3A_1002 : i32 to index
      %get3A_1012 = arith.constant 16 : index
      %get3A_1013 = tpu.vector_load %arg6[%get3A_1010, %get3A_1011, %get3A_1012] {strides = array<i32>} : memref<8x100x64xf32, #tpu.memory_space<vmem>>, vector<1x1x16xf32>,
      %get3A_1014 = vector.shape_cast %get3A_1013 : vector<1x1x16xf32> to vector<16xf32>
      %add3A_1015 = arith.addf %scan3A_998, %get3A_1014 : vector<16xf32>
      %get3A_1016 = arith.constant 3 : i32
      %get3A_1017 = arith.index_cast %get3A_1016 : i32 to index
      %get3A_1018 = arith.index_cast %add3A_1002 : i32 to index
      %get3A_1019 = arith.constant 32 : index
      %get3A_1020 = tpu.vector_load %arg6[%get3A_1017, %get3A_1018, %get3A_1019] {strides = array<i32>} : memref<8x100x64xf32, #tpu.memory_space<vmem>>, vector<1x1x16xf32>,
      %get3A_1021 = vector.shape_cast %get3A_1020 : vector<1x1x16xf32> to vector<16xf32>
      %add3A_1022 = arith.addf %scan3A_999, %get3A_1021 : vector<16xf32>
      %get3A_1023 = arith.constant 3 : i32
      %get3A_1024 = arith.index_cast %get3A_1023 : i32 to index
      %get3A_1025 = arith.index_cast %add3A_1002 : i32 to index
      %get3A_1026 = arith.constant 48 : index
      %get3A_1027 = tpu.vector_load %arg6[%get3A_1024, %get3A_1025, %get3A_1026] {strides = array<i32>} : memref<8x100x64xf32, #tpu.memory_space<vmem>>, vector<1x1x16xf32>,
      %get3A_1028 = vector.shape_cast %get3A_1027 : vector<1x1x16xf32> to vector<16xf32>
      %add3A_1029 = arith.addf %scan3A_1000, %get3A_1028 : vector<16xf32>
      %scan3A_1030 = arith.constant 1 : i32
      %scan3A_1031 = arith.addi %scan3A_996, %scan3A_1030 : i32
      %add3A_1032 = arith.constant 50 : i32
      %add3A_1033 = arith.addi %add3A_1032, %scan3A_1031 : i32
      %get3A_1034 = arith.constant 3 : i32
      %get3A_1035 = arith.index_cast %get3A_1034 : i32 to index
      %get3A_1036 = arith.index_cast %add3A_1033 : i32 to index
      %get3A_1037 = arith.constant 0 : index
      %get3A_1038 = tpu.vector_load %arg6[%get3A_1035, %get3A_1036, %get3A_1037] {strides = array<i32>} : memref<8x100x64xf32, #tpu.memory_space<vmem>>, vector<1x1x16xf32>,
      %get3A_1039 = vector.shape_cast %get3A_1038 : vector<1x1x16xf32> to vector<16xf32>
      %add3A_1040 = arith.addf %add3A_1008, %get3A_1039 : vector<16xf32>
      %get3A_1041 = arith.constant 3 : i32
      %get3A_1042 = arith.index_cast %get3A_1041 : i32 to index
      %get3A_1043 = arith.index_cast %add3A_1033 : i32 to index
      %get3A_1044 = arith.constant 16 : index
      %get3A_1045 = tpu.vector_load %arg6[%get3A_1042, %get3A_1043, %get3A_1044] {strides = array<i32>} : memref<8x100x64xf32, #tpu.memory_space<vmem>>, vector<1x1x16xf32>,
      %get3A_1046 = vector.shape_cast %get3A_1045 : vector<1x1x16xf32> to vector<16xf32>
      %add3A_1047 = arith.addf %add3A_1015, %get3A_1046 : vector<16xf32>
      %get3A_1048 = arith.constant 3 : i32
      %get3A_1049 = arith.index_cast %get3A_1048 : i32 to index
      %get3A_1050 = arith.index_cast %add3A_1033 : i32 to index
      %get3A_1051 = arith.constant 32 : index
      %get3A_1052 = tpu.vector_load %arg6[%get3A_1049, %get3A_1050, %get3A_1051] {strides = array<i32>} : memref<8x100x64xf32, #tpu.memory_space<vmem>>, vector<1x1x16xf32>,
      %get3A_1053 = vector.shape_cast %get3A_1052 : vector<1x1x16xf32> to vector<16xf32>
      %add3A_1054 = arith.addf %add3A_1022, %get3A_1053 : vector<16xf32>
      %get3A_1055 = arith.constant 3 : i32
      %get3A_1056 = arith.index_cast %get3A_1055 : i32 to index
      %get3A_1057 = arith.index_cast %add3A_1033 : i32 to index
      %get3A_1058 = arith.constant 48 : index
      %get3A_1059 = tpu.vector_load %arg6[%get3A_1056, %get3A_1057, %get3A_1058] {strides = array<i32>} : memref<8x100x64xf32, #tpu.memory_space<vmem>>, vector<1x1x16xf32>,
      %get3A_1060 = vector.shape_cast %get3A_1059 : vector<1x1x16xf32> to vector<16xf32>
      %add3A_1061 = arith.addf %add3A_1029, %get3A_1060 : vector<16xf32>
      scf.yield %add3A_1040, %add3A_1047, %add3A_1054, %add3A_1061 : vector<16xf32>, vector<16xf32>, vector<16xf32>, vector<16xf32>
    }
    %scan3A_509 = arith.constant 50 : i32
    %mul3A_510 = arith.constant 2.000000e-02 : f32
    %mul3A_511 = vector.broadcast %mul3A_510 : f32 to vector<16xf32>
    %mul3A_512 = arith.mulf %scan3A_508#0, %mul3A_511 : vector<16xf32>
    %swap3A_513 = arith.constant 503 : i32
    %swap3A_514 = arith.index_cast %swap3A_513 : i32 to index
    %swap3A_515 = arith.constant 0 : index
    %swap3A_516 = tpu.vector_load %arg7[%swap3A_514, %swap3A_515] {strides = array<i32>} : memref<512x64xf32, #tpu.memory_space<vmem>>, vector<1x16xf32>,
    %swap3A_517 = vector.shape_cast %swap3A_516 : vector<1x16xf32> to vector<16xf32>
    %swap3A_518 = vector.shape_cast %mul3A_512 : vector<16xf32> to vector<1x16xf32>
    tpu.vector_store %arg7[%swap3A_514, %swap3A_515], %swap3A_518 {strides = array<i32>} : memref<512x64xf32, #tpu.memory_space<vmem>>, vector<1x16xf32>,
    %mul3A_519 = arith.constant 2.000000e-02 : f32
    %mul3A_520 = vector.broadcast %mul3A_519 : f32 to vector<16xf32>
    %mul3A_521 = arith.mulf %scan3A_508#1, %mul3A_520 : vector<16xf32>
    %swap3A_522 = arith.constant 503 : i32
    %swap3A_523 = arith.index_cast %swap3A_522 : i32 to index
    %swap3A_524 = arith.constant 16 : index
    %swap3A_525 = tpu.vector_load %arg7[%swap3A_523, %swap3A_524] {strides = array<i32>} : memref<512x64xf32, #tpu.memory_space<vmem>>, vector<1x16xf32>,
    %swap3A_526 = vector.shape_cast %swap3A_525 : vector<1x16xf32> to vector<16xf32>
    %swap3A_527 = vector.shape_cast %mul3A_521 : vector<16xf32> to vector<1x16xf32>
    tpu.vector_store %arg7[%swap3A_523, %swap3A_524], %swap3A_527 {strides = array<i32>} : memref<512x64xf32, #tpu.memory_space<vmem>>, vector<1x16xf32>,
    %mul3A_528 = arith.constant 2.000000e-02 : f32
    %mul3A_529 = vector.broadcast %mul3A_528 : f32 to vector<16xf32>
    %mul3A_530 = arith.mulf %scan3A_508#2, %mul3A_529 : vector<16xf32>
    %swap3A_531 = arith.constant 503 : i32
    %swap3A_532 = arith.index_cast %swap3A_531 : i32 to index
    %swap3A_533 = arith.constant 32 : index
    %swap3A_534 = tpu.vector_load %arg7[%swap3A_532, %swap3A_533] {strides = array<i32>} : memref<512x64xf32, #tpu.memory_space<vmem>>, vector<1x16xf32>,
    %swap3A_535 = vector.shape_cast %swap3A_534 : vector<1x16xf32> to vector<16xf32>
    %swap3A_536 = vector.shape_cast %mul3A_530 : vector<16xf32> to vector<1x16xf32>
    tpu.vector_store %arg7[%swap3A_532, %swap3A_533], %swap3A_536 {strides = array<i32>} : memref<512x64xf32, #tpu.memory_space<vmem>>, vector<1x16xf32>,
    %mul3A_537 = arith.constant 2.000000e-02 : f32
    %mul3A_538 = vector.broadcast %mul3A_537 : f32 to vector<16xf32>
    %mul3A_539 = arith.mulf %scan3A_508#3, %mul3A_538 : vector<16xf32>
    %swap3A_540 = arith.constant 503 : i32
    %swap3A_541 = arith.index_cast %swap3A_540 : i32 to index
    %swap3A_542 = arith.constant 48 : index
    %swap3A_543 = tpu.vector_load %arg7[%swap3A_541, %swap3A_542] {strides = array<i32>} : memref<512x64xf32, #tpu.memory_space<vmem>>, vector<1x16xf32>,
    %swap3A_544 = vector.shape_cast %swap3A_543 : vector<1x16xf32> to vector<16xf32>
    %swap3A_545 = vector.shape_cast %mul3A_539 : vector<16xf32> to vector<1x16xf32>
    tpu.vector_store %arg7[%swap3A_541, %swap3A_542], %swap3A_545 {strides = array<i32>} : memref<512x64xf32, #tpu.memory_space<vmem>>, vector<1x16xf32>,
    %dma_wait3A_546 = arith.constant 252 : i32
    %dma_wait3A_547 = arith.constant 4 : i32
    %dma_wait3A_548 = arith.constant 0 : i32
    %dma_wait3A_549 = arith.constant 0 : i32
    %dma_wait3A_550 = tpu.memref_slice %arg6[%dma_wait3A_547, %dma_wait3A_548, %dma_wait3A_549] : memref<8x100x64xf32, #tpu.memory_space<vmem>> -> memref<1x100x64xf32, #tpu.memory_space<vmem>>
    %dma_wait3A_551 = tpu.memref_squeeze %dma_wait3A_550 : memref<1x100x64xf32, #tpu.memory_space<vmem>> -> memref<100x64xf32, #tpu.memory_space<vmem>>
    %dma_wait3A_552 = arith.constant 0 : i32
    %dma_wait3A_553 = tpu.memref_slice %arg5[%dma_wait3A_546, %dma_wait3A_552] : memref<256x100xi32, #tpu.memory_space<vmem>> -> memref<1x100xi32, #tpu.memory_space<vmem>>
    %dma_wait3A_554 = tpu.memref_squeeze %dma_wait3A_553 : memref<1x100xi32, #tpu.memory_space<vmem>> -> memref<100xi32, #tpu.memory_space<vmem>>
    %dma_wait3A_555 = arith.constant 0 : i32
    %dma_wait3A_556 = arith.constant 0 : i32
    %dma_wait3A_557 = tpu.memref_slice %arg3[%dma_wait3A_555, %dma_wait3A_556] : memref<1000000x64xf32, #tpu.memory_space<hbm>> -> memref<1000000x64xf32, #tpu.memory_space<hbm>>
    tpu.wait_indirect_dma semaphore(%arg12 : memref<!tpu.dma_semaphore, #tpu.memory_space<semaphore_mem>>) src(%dma_wait3A_557 : memref<1000000x64xf32, #tpu.memory_space<hbm>>) dst(%dma_wait3A_551 : memref<100x64xf32, #tpu.memory_space<vmem>>)
    %broadcast_in_dim3A_558 = arith.constant 0.000000e+00 : f32
    %broadcast_in_dim3A_559 = vector.broadcast %broadcast_in_dim3A_558 : f32 to vector<16xf32>
    %broadcast_in_dim3A_560 = arith.constant 0.000000e+00 : f32
    %broadcast_in_dim3A_561 = vector.broadcast %broadcast_in_dim3A_560 : f32 to vector<16xf32>
    %broadcast_in_dim3A_562 = arith.constant 0.000000e+00 : f32
    %broadcast_in_dim3A_563 = vector.broadcast %broadcast_in_dim3A_562 : f32 to vector<16xf32>
    %broadcast_in_dim3A_564 = arith.constant 0.000000e+00 : f32
    %broadcast_in_dim3A_565 = vector.broadcast %broadcast_in_dim3A_564 : f32 to vector<16xf32>
    %scan3A_566 = arith.constant 0 : i32
    %scan3A_567 = arith.constant 50 : i32
    %scan3A_568 = arith.addi %scan3A_566, %scan3A_567 : i32
    %scan3A_569 = arith.constant 2 : i32
    %scan3A_570:4 = scf.for %scan3A_996 = %scan3A_566 to %scan3A_568 step %scan3A_569 iter_args(%scan3A_997 = %broadcast_in_dim3A_559, %scan3A_998 = %broadcast_in_dim3A_561, %scan3A_999 = %broadcast_in_dim3A_563, %scan3A_1000 = %broadcast_in_dim3A_565) -> (vector<16xf32>, vector<16xf32>, vector<16xf32>, vector<16xf32>)  : i32 {
      %add3A_1001 = arith.constant 0 : i32
      %add3A_1002 = arith.addi %add3A_1001, %scan3A_996 : i32
      %get3A = arith.constant 4 : i32
      %get3A_1003 = arith.index_cast %get3A : i32 to index
      %get3A_1004 = arith.index_cast %add3A_1002 : i32 to index
      %get3A_1005 = arith.constant 0 : index
      %get3A_1006 = tpu.vector_load %arg6[%get3A_1003, %get3A_1004, %get3A_1005] {strides = array<i32>} : memref<8x100x64xf32, #tpu.memory_space<vmem>>, vector<1x1x16xf32>,
      %get3A_1007 = vector.shape_cast %get3A_1006 : vector<1x1x16xf32> to vector<16xf32>
      %add3A_1008 = arith.addf %scan3A_997, %get3A_1007 : vector<16xf32>
      %get3A_1009 = arith.constant 4 : i32
      %get3A_1010 = arith.index_cast %get3A_1009 : i32 to index
      %get3A_1011 = arith.index_cast %add3A_1002 : i32 to index
      %get3A_1012 = arith.constant 16 : index
      %get3A_1013 = tpu.vector_load %arg6[%get3A_1010, %get3A_1011, %get3A_1012] {strides = array<i32>} : memref<8x100x64xf32, #tpu.memory_space<vmem>>, vector<1x1x16xf32>,
      %get3A_1014 = vector.shape_cast %get3A_1013 : vector<1x1x16xf32> to vector<16xf32>
      %add3A_1015 = arith.addf %scan3A_998, %get3A_1014 : vector<16xf32>
      %get3A_1016 = arith.constant 4 : i32
      %get3A_1017 = arith.index_cast %get3A_1016 : i32 to index
      %get3A_1018 = arith.index_cast %add3A_1002 : i32 to index
      %get3A_1019 = arith.constant 32 : index
      %get3A_1020 = tpu.vector_load %arg6[%get3A_1017, %get3A_1018, %get3A_1019] {strides = array<i32>} : memref<8x100x64xf32, #tpu.memory_space<vmem>>, vector<1x1x16xf32>,
      %get3A_1021 = vector.shape_cast %get3A_1020 : vector<1x1x16xf32> to vector<16xf32>
      %add3A_1022 = arith.addf %scan3A_999, %get3A_1021 : vector<16xf32>
      %get3A_1023 = arith.constant 4 : i32
      %get3A_1024 = arith.index_cast %get3A_1023 : i32 to index
      %get3A_1025 = arith.index_cast %add3A_1002 : i32 to index
      %get3A_1026 = arith.constant 48 : index
      %get3A_1027 = tpu.vector_load %arg6[%get3A_1024, %get3A_1025, %get3A_1026] {strides = array<i32>} : memref<8x100x64xf32, #tpu.memory_space<vmem>>, vector<1x1x16xf32>,
      %get3A_1028 = vector.shape_cast %get3A_1027 : vector<1x1x16xf32> to vector<16xf32>
      %add3A_1029 = arith.addf %scan3A_1000, %get3A_1028 : vector<16xf32>
      %scan3A_1030 = arith.constant 1 : i32
      %scan3A_1031 = arith.addi %scan3A_996, %scan3A_1030 : i32
      %add3A_1032 = arith.constant 0 : i32
      %add3A_1033 = arith.addi %add3A_1032, %scan3A_1031 : i32
      %get3A_1034 = arith.constant 4 : i32
      %get3A_1035 = arith.index_cast %get3A_1034 : i32 to index
      %get3A_1036 = arith.index_cast %add3A_1033 : i32 to index
      %get3A_1037 = arith.constant 0 : index
      %get3A_1038 = tpu.vector_load %arg6[%get3A_1035, %get3A_1036, %get3A_1037] {strides = array<i32>} : memref<8x100x64xf32, #tpu.memory_space<vmem>>, vector<1x1x16xf32>,
      %get3A_1039 = vector.shape_cast %get3A_1038 : vector<1x1x16xf32> to vector<16xf32>
      %add3A_1040 = arith.addf %add3A_1008, %get3A_1039 : vector<16xf32>
      %get3A_1041 = arith.constant 4 : i32
      %get3A_1042 = arith.index_cast %get3A_1041 : i32 to index
      %get3A_1043 = arith.index_cast %add3A_1033 : i32 to index
      %get3A_1044 = arith.constant 16 : index
      %get3A_1045 = tpu.vector_load %arg6[%get3A_1042, %get3A_1043, %get3A_1044] {strides = array<i32>} : memref<8x100x64xf32, #tpu.memory_space<vmem>>, vector<1x1x16xf32>,
      %get3A_1046 = vector.shape_cast %get3A_1045 : vector<1x1x16xf32> to vector<16xf32>
      %add3A_1047 = arith.addf %add3A_1015, %get3A_1046 : vector<16xf32>
      %get3A_1048 = arith.constant 4 : i32
      %get3A_1049 = arith.index_cast %get3A_1048 : i32 to index
      %get3A_1050 = arith.index_cast %add3A_1033 : i32 to index
      %get3A_1051 = arith.constant 32 : index
      %get3A_1052 = tpu.vector_load %arg6[%get3A_1049, %get3A_1050, %get3A_1051] {strides = array<i32>} : memref<8x100x64xf32, #tpu.memory_space<vmem>>, vector<1x1x16xf32>,
      %get3A_1053 = vector.shape_cast %get3A_1052 : vector<1x1x16xf32> to vector<16xf32>
      %add3A_1054 = arith.addf %add3A_1022, %get3A_1053 : vector<16xf32>
      %get3A_1055 = arith.constant 4 : i32
      %get3A_1056 = arith.index_cast %get3A_1055 : i32 to index
      %get3A_1057 = arith.index_cast %add3A_1033 : i32 to index
      %get3A_1058 = arith.constant 48 : index
      %get3A_1059 = tpu.vector_load %arg6[%get3A_1056, %get3A_1057, %get3A_1058] {strides = array<i32>} : memref<8x100x64xf32, #tpu.memory_space<vmem>>, vector<1x1x16xf32>,
      %get3A_1060 = vector.shape_cast %get3A_1059 : vector<1x1x16xf32> to vector<16xf32>
      %add3A_1061 = arith.addf %add3A_1029, %get3A_1060 : vector<16xf32>
      scf.yield %add3A_1040, %add3A_1047, %add3A_1054, %add3A_1061 : vector<16xf32>, vector<16xf32>, vector<16xf32>, vector<16xf32>
    }
    %scan3A_571 = arith.constant 50 : i32
    %mul3A_572 = arith.constant 2.000000e-02 : f32
    %mul3A_573 = vector.broadcast %mul3A_572 : f32 to vector<16xf32>
    %mul3A_574 = arith.mulf %scan3A_570#0, %mul3A_573 : vector<16xf32>
    %swap3A_575 = arith.constant 504 : i32
    %swap3A_576 = arith.index_cast %swap3A_575 : i32 to index
    %swap3A_577 = arith.constant 0 : index
    %swap3A_578 = tpu.vector_load %arg7[%swap3A_576, %swap3A_577] {strides = array<i32>} : memref<512x64xf32, #tpu.memory_space<vmem>>, vector<1x16xf32>,
    %swap3A_579 = vector.shape_cast %swap3A_578 : vector<1x16xf32> to vector<16xf32>
    %swap3A_580 = vector.shape_cast %mul3A_574 : vector<16xf32> to vector<1x16xf32>
    tpu.vector_store %arg7[%swap3A_576, %swap3A_577], %swap3A_580 {strides = array<i32>} : memref<512x64xf32, #tpu.memory_space<vmem>>, vector<1x16xf32>,
    %mul3A_581 = arith.constant 2.000000e-02 : f32
    %mul3A_582 = vector.broadcast %mul3A_581 : f32 to vector<16xf32>
    %mul3A_583 = arith.mulf %scan3A_570#1, %mul3A_582 : vector<16xf32>
    %swap3A_584 = arith.constant 504 : i32
    %swap3A_585 = arith.index_cast %swap3A_584 : i32 to index
    %swap3A_586 = arith.constant 16 : index
    %swap3A_587 = tpu.vector_load %arg7[%swap3A_585, %swap3A_586] {strides = array<i32>} : memref<512x64xf32, #tpu.memory_space<vmem>>, vector<1x16xf32>,
    %swap3A_588 = vector.shape_cast %swap3A_587 : vector<1x16xf32> to vector<16xf32>
    %swap3A_589 = vector.shape_cast %mul3A_583 : vector<16xf32> to vector<1x16xf32>
    tpu.vector_store %arg7[%swap3A_585, %swap3A_586], %swap3A_589 {strides = array<i32>} : memref<512x64xf32, #tpu.memory_space<vmem>>, vector<1x16xf32>,
    %mul3A_590 = arith.constant 2.000000e-02 : f32
    %mul3A_591 = vector.broadcast %mul3A_590 : f32 to vector<16xf32>
    %mul3A_592 = arith.mulf %scan3A_570#2, %mul3A_591 : vector<16xf32>
    %swap3A_593 = arith.constant 504 : i32
    %swap3A_594 = arith.index_cast %swap3A_593 : i32 to index
    %swap3A_595 = arith.constant 32 : index
    %swap3A_596 = tpu.vector_load %arg7[%swap3A_594, %swap3A_595] {strides = array<i32>} : memref<512x64xf32, #tpu.memory_space<vmem>>, vector<1x16xf32>,
    %swap3A_597 = vector.shape_cast %swap3A_596 : vector<1x16xf32> to vector<16xf32>
    %swap3A_598 = vector.shape_cast %mul3A_592 : vector<16xf32> to vector<1x16xf32>
    tpu.vector_store %arg7[%swap3A_594, %swap3A_595], %swap3A_598 {strides = array<i32>} : memref<512x64xf32, #tpu.memory_space<vmem>>, vector<1x16xf32>,
    %mul3A_599 = arith.constant 2.000000e-02 : f32
    %mul3A_600 = vector.broadcast %mul3A_599 : f32 to vector<16xf32>
    %mul3A_601 = arith.mulf %scan3A_570#3, %mul3A_600 : vector<16xf32>
    %swap3A_602 = arith.constant 504 : i32
    %swap3A_603 = arith.index_cast %swap3A_602 : i32 to index
    %swap3A_604 = arith.constant 48 : index
    %swap3A_605 = tpu.vector_load %arg7[%swap3A_603, %swap3A_604] {strides = array<i32>} : memref<512x64xf32, #tpu.memory_space<vmem>>, vector<1x16xf32>,
    %swap3A_606 = vector.shape_cast %swap3A_605 : vector<1x16xf32> to vector<16xf32>
    %swap3A_607 = vector.shape_cast %mul3A_601 : vector<16xf32> to vector<1x16xf32>
    tpu.vector_store %arg7[%swap3A_603, %swap3A_604], %swap3A_607 {strides = array<i32>} : memref<512x64xf32, #tpu.memory_space<vmem>>, vector<1x16xf32>,
    %broadcast_in_dim3A_608 = arith.constant 0.000000e+00 : f32
    %broadcast_in_dim3A_609 = vector.broadcast %broadcast_in_dim3A_608 : f32 to vector<16xf32>
    %broadcast_in_dim3A_610 = arith.constant 0.000000e+00 : f32
    %broadcast_in_dim3A_611 = vector.broadcast %broadcast_in_dim3A_610 : f32 to vector<16xf32>
    %broadcast_in_dim3A_612 = arith.constant 0.000000e+00 : f32
    %broadcast_in_dim3A_613 = vector.broadcast %broadcast_in_dim3A_612 : f32 to vector<16xf32>
    %broadcast_in_dim3A_614 = arith.constant 0.000000e+00 : f32
    %broadcast_in_dim3A_615 = vector.broadcast %broadcast_in_dim3A_614 : f32 to vector<16xf32>
    %scan3A_616 = arith.constant 0 : i32
    %scan3A_617 = arith.constant 50 : i32
    %scan3A_618 = arith.addi %scan3A_616, %scan3A_617 : i32
    %scan3A_619 = arith.constant 2 : i32
    %scan3A_620:4 = scf.for %scan3A_996 = %scan3A_616 to %scan3A_618 step %scan3A_619 iter_args(%scan3A_997 = %broadcast_in_dim3A_609, %scan3A_998 = %broadcast_in_dim3A_611, %scan3A_999 = %broadcast_in_dim3A_613, %scan3A_1000 = %broadcast_in_dim3A_615) -> (vector<16xf32>, vector<16xf32>, vector<16xf32>, vector<16xf32>)  : i32 {
      %add3A_1001 = arith.constant 50 : i32
      %add3A_1002 = arith.addi %add3A_1001, %scan3A_996 : i32
      %get3A = arith.constant 4 : i32
      %get3A_1003 = arith.index_cast %get3A : i32 to index
      %get3A_1004 = arith.index_cast %add3A_1002 : i32 to index
      %get3A_1005 = arith.constant 0 : index
      %get3A_1006 = tpu.vector_load %arg6[%get3A_1003, %get3A_1004, %get3A_1005] {strides = array<i32>} : memref<8x100x64xf32, #tpu.memory_space<vmem>>, vector<1x1x16xf32>,
      %get3A_1007 = vector.shape_cast %get3A_1006 : vector<1x1x16xf32> to vector<16xf32>
      %add3A_1008 = arith.addf %scan3A_997, %get3A_1007 : vector<16xf32>
      %get3A_1009 = arith.constant 4 : i32
      %get3A_1010 = arith.index_cast %get3A_1009 : i32 to index
      %get3A_1011 = arith.index_cast %add3A_1002 : i32 to index
      %get3A_1012 = arith.constant 16 : index
      %get3A_1013 = tpu.vector_load %arg6[%get3A_1010, %get3A_1011, %get3A_1012] {strides = array<i32>} : memref<8x100x64xf32, #tpu.memory_space<vmem>>, vector<1x1x16xf32>,
      %get3A_1014 = vector.shape_cast %get3A_1013 : vector<1x1x16xf32> to vector<16xf32>
      %add3A_1015 = arith.addf %scan3A_998, %get3A_1014 : vector<16xf32>
      %get3A_1016 = arith.constant 4 : i32
      %get3A_1017 = arith.index_cast %get3A_1016 : i32 to index
      %get3A_1018 = arith.index_cast %add3A_1002 : i32 to index
      %get3A_1019 = arith.constant 32 : index
      %get3A_1020 = tpu.vector_load %arg6[%get3A_1017, %get3A_1018, %get3A_1019] {strides = array<i32>} : memref<8x100x64xf32, #tpu.memory_space<vmem>>, vector<1x1x16xf32>,
      %get3A_1021 = vector.shape_cast %get3A_1020 : vector<1x1x16xf32> to vector<16xf32>
      %add3A_1022 = arith.addf %scan3A_999, %get3A_1021 : vector<16xf32>
      %get3A_1023 = arith.constant 4 : i32
      %get3A_1024 = arith.index_cast %get3A_1023 : i32 to index
      %get3A_1025 = arith.index_cast %add3A_1002 : i32 to index
      %get3A_1026 = arith.constant 48 : index
      %get3A_1027 = tpu.vector_load %arg6[%get3A_1024, %get3A_1025, %get3A_1026] {strides = array<i32>} : memref<8x100x64xf32, #tpu.memory_space<vmem>>, vector<1x1x16xf32>,
      %get3A_1028 = vector.shape_cast %get3A_1027 : vector<1x1x16xf32> to vector<16xf32>
      %add3A_1029 = arith.addf %scan3A_1000, %get3A_1028 : vector<16xf32>
      %scan3A_1030 = arith.constant 1 : i32
      %scan3A_1031 = arith.addi %scan3A_996, %scan3A_1030 : i32
      %add3A_1032 = arith.constant 50 : i32
      %add3A_1033 = arith.addi %add3A_1032, %scan3A_1031 : i32
      %get3A_1034 = arith.constant 4 : i32
      %get3A_1035 = arith.index_cast %get3A_1034 : i32 to index
      %get3A_1036 = arith.index_cast %add3A_1033 : i32 to index
      %get3A_1037 = arith.constant 0 : index
      %get3A_1038 = tpu.vector_load %arg6[%get3A_1035, %get3A_1036, %get3A_1037] {strides = array<i32>} : memref<8x100x64xf32, #tpu.memory_space<vmem>>, vector<1x1x16xf32>,
      %get3A_1039 = vector.shape_cast %get3A_1038 : vector<1x1x16xf32> to vector<16xf32>
      %add3A_1040 = arith.addf %add3A_1008, %get3A_1039 : vector<16xf32>
      %get3A_1041 = arith.constant 4 : i32
      %get3A_1042 = arith.index_cast %get3A_1041 : i32 to index
      %get3A_1043 = arith.index_cast %add3A_1033 : i32 to index
      %get3A_1044 = arith.constant 16 : index
      %get3A_1045 = tpu.vector_load %arg6[%get3A_1042, %get3A_1043, %get3A_1044] {strides = array<i32>} : memref<8x100x64xf32, #tpu.memory_space<vmem>>, vector<1x1x16xf32>,
      %get3A_1046 = vector.shape_cast %get3A_1045 : vector<1x1x16xf32> to vector<16xf32>
      %add3A_1047 = arith.addf %add3A_1015, %get3A_1046 : vector<16xf32>
      %get3A_1048 = arith.constant 4 : i32
      %get3A_1049 = arith.index_cast %get3A_1048 : i32 to index
      %get3A_1050 = arith.index_cast %add3A_1033 : i32 to index
      %get3A_1051 = arith.constant 32 : index
      %get3A_1052 = tpu.vector_load %arg6[%get3A_1049, %get3A_1050, %get3A_1051] {strides = array<i32>} : memref<8x100x64xf32, #tpu.memory_space<vmem>>, vector<1x1x16xf32>,
      %get3A_1053 = vector.shape_cast %get3A_1052 : vector<1x1x16xf32> to vector<16xf32>
      %add3A_1054 = arith.addf %add3A_1022, %get3A_1053 : vector<16xf32>
      %get3A_1055 = arith.constant 4 : i32
      %get3A_1056 = arith.index_cast %get3A_1055 : i32 to index
      %get3A_1057 = arith.index_cast %add3A_1033 : i32 to index
      %get3A_1058 = arith.constant 48 : index
      %get3A_1059 = tpu.vector_load %arg6[%get3A_1056, %get3A_1057, %get3A_1058] {strides = array<i32>} : memref<8x100x64xf32, #tpu.memory_space<vmem>>, vector<1x1x16xf32>,
      %get3A_1060 = vector.shape_cast %get3A_1059 : vector<1x1x16xf32> to vector<16xf32>
      %add3A_1061 = arith.addf %add3A_1029, %get3A_1060 : vector<16xf32>
      scf.yield %add3A_1040, %add3A_1047, %add3A_1054, %add3A_1061 : vector<16xf32>, vector<16xf32>, vector<16xf32>, vector<16xf32>
    }
    %scan3A_621 = arith.constant 50 : i32
    %mul3A_622 = arith.constant 2.000000e-02 : f32
    %mul3A_623 = vector.broadcast %mul3A_622 : f32 to vector<16xf32>
    %mul3A_624 = arith.mulf %scan3A_620#0, %mul3A_623 : vector<16xf32>
    %swap3A_625 = arith.constant 505 : i32
    %swap3A_626 = arith.index_cast %swap3A_625 : i32 to index
    %swap3A_627 = arith.constant 0 : index
    %swap3A_628 = tpu.vector_load %arg7[%swap3A_626, %swap3A_627] {strides = array<i32>} : memref<512x64xf32, #tpu.memory_space<vmem>>, vector<1x16xf32>,
    %swap3A_629 = vector.shape_cast %swap3A_628 : vector<1x16xf32> to vector<16xf32>
    %swap3A_630 = vector.shape_cast %mul3A_624 : vector<16xf32> to vector<1x16xf32>
    tpu.vector_store %arg7[%swap3A_626, %swap3A_627], %swap3A_630 {strides = array<i32>} : memref<512x64xf32, #tpu.memory_space<vmem>>, vector<1x16xf32>,
    %mul3A_631 = arith.constant 2.000000e-02 : f32
    %mul3A_632 = vector.broadcast %mul3A_631 : f32 to vector<16xf32>
    %mul3A_633 = arith.mulf %scan3A_620#1, %mul3A_632 : vector<16xf32>
    %swap3A_634 = arith.constant 505 : i32
    %swap3A_635 = arith.index_cast %swap3A_634 : i32 to index
    %swap3A_636 = arith.constant 16 : index
    %swap3A_637 = tpu.vector_load %arg7[%swap3A_635, %swap3A_636] {strides = array<i32>} : memref<512x64xf32, #tpu.memory_space<vmem>>, vector<1x16xf32>,
    %swap3A_638 = vector.shape_cast %swap3A_637 : vector<1x16xf32> to vector<16xf32>
    %swap3A_639 = vector.shape_cast %mul3A_633 : vector<16xf32> to vector<1x16xf32>
    tpu.vector_store %arg7[%swap3A_635, %swap3A_636], %swap3A_639 {strides = array<i32>} : memref<512x64xf32, #tpu.memory_space<vmem>>, vector<1x16xf32>,
    %mul3A_640 = arith.constant 2.000000e-02 : f32
    %mul3A_641 = vector.broadcast %mul3A_640 : f32 to vector<16xf32>
    %mul3A_642 = arith.mulf %scan3A_620#2, %mul3A_641 : vector<16xf32>
    %swap3A_643 = arith.constant 505 : i32
    %swap3A_644 = arith.index_cast %swap3A_643 : i32 to index
    %swap3A_645 = arith.constant 32 : index
    %swap3A_646 = tpu.vector_load %arg7[%swap3A_644, %swap3A_645] {strides = array<i32>} : memref<512x64xf32, #tpu.memory_space<vmem>>, vector<1x16xf32>,
    %swap3A_647 = vector.shape_cast %swap3A_646 : vector<1x16xf32> to vector<16xf32>
    %swap3A_648 = vector.shape_cast %mul3A_642 : vector<16xf32> to vector<1x16xf32>
    tpu.vector_store %arg7[%swap3A_644, %swap3A_645], %swap3A_648 {strides = array<i32>} : memref<512x64xf32, #tpu.memory_space<vmem>>, vector<1x16xf32>,
    %mul3A_649 = arith.constant 2.000000e-02 : f32
    %mul3A_650 = vector.broadcast %mul3A_649 : f32 to vector<16xf32>
    %mul3A_651 = arith.mulf %scan3A_620#3, %mul3A_650 : vector<16xf32>
    %swap3A_652 = arith.constant 505 : i32
    %swap3A_653 = arith.index_cast %swap3A_652 : i32 to index
    %swap3A_654 = arith.constant 48 : index
    %swap3A_655 = tpu.vector_load %arg7[%swap3A_653, %swap3A_654] {strides = array<i32>} : memref<512x64xf32, #tpu.memory_space<vmem>>, vector<1x16xf32>,
    %swap3A_656 = vector.shape_cast %swap3A_655 : vector<1x16xf32> to vector<16xf32>
    %swap3A_657 = vector.shape_cast %mul3A_651 : vector<16xf32> to vector<1x16xf32>
    tpu.vector_store %arg7[%swap3A_653, %swap3A_654], %swap3A_657 {strides = array<i32>} : memref<512x64xf32, #tpu.memory_space<vmem>>, vector<1x16xf32>,
    %dma_wait3A_658 = arith.constant 253 : i32
    %dma_wait3A_659 = arith.constant 5 : i32
    %dma_wait3A_660 = arith.constant 0 : i32
    %dma_wait3A_661 = arith.constant 0 : i32
    %dma_wait3A_662 = tpu.memref_slice %arg6[%dma_wait3A_659, %dma_wait3A_660, %dma_wait3A_661] : memref<8x100x64xf32, #tpu.memory_space<vmem>> -> memref<1x100x64xf32, #tpu.memory_space<vmem>>
    %dma_wait3A_663 = tpu.memref_squeeze %dma_wait3A_662 : memref<1x100x64xf32, #tpu.memory_space<vmem>> -> memref<100x64xf32, #tpu.memory_space<vmem>>
    %dma_wait3A_664 = arith.constant 0 : i32
    %dma_wait3A_665 = tpu.memref_slice %arg5[%dma_wait3A_658, %dma_wait3A_664] : memref<256x100xi32, #tpu.memory_space<vmem>> -> memref<1x100xi32, #tpu.memory_space<vmem>>
    %dma_wait3A_666 = tpu.memref_squeeze %dma_wait3A_665 : memref<1x100xi32, #tpu.memory_space<vmem>> -> memref<100xi32, #tpu.memory_space<vmem>>
    %dma_wait3A_667 = arith.constant 0 : i32
    %dma_wait3A_668 = arith.constant 0 : i32
    %dma_wait3A_669 = tpu.memref_slice %arg3[%dma_wait3A_667, %dma_wait3A_668] : memref<1000000x64xf32, #tpu.memory_space<hbm>> -> memref<1000000x64xf32, #tpu.memory_space<hbm>>
    tpu.wait_indirect_dma semaphore(%arg13 : memref<!tpu.dma_semaphore, #tpu.memory_space<semaphore_mem>>) src(%dma_wait3A_669 : memref<1000000x64xf32, #tpu.memory_space<hbm>>) dst(%dma_wait3A_663 : memref<100x64xf32, #tpu.memory_space<vmem>>)
    %broadcast_in_dim3A_670 = arith.constant 0.000000e+00 : f32
    %broadcast_in_dim3A_671 = vector.broadcast %broadcast_in_dim3A_670 : f32 to vector<16xf32>
    %broadcast_in_dim3A_672 = arith.constant 0.000000e+00 : f32
    %broadcast_in_dim3A_673 = vector.broadcast %broadcast_in_dim3A_672 : f32 to vector<16xf32>
    %broadcast_in_dim3A_674 = arith.constant 0.000000e+00 : f32
    %broadcast_in_dim3A_675 = vector.broadcast %broadcast_in_dim3A_674 : f32 to vector<16xf32>
    %broadcast_in_dim3A_676 = arith.constant 0.000000e+00 : f32
    %broadcast_in_dim3A_677 = vector.broadcast %broadcast_in_dim3A_676 : f32 to vector<16xf32>
    %scan3A_678 = arith.constant 0 : i32
    %scan3A_679 = arith.constant 50 : i32
    %scan3A_680 = arith.addi %scan3A_678, %scan3A_679 : i32
    %scan3A_681 = arith.constant 2 : i32
    %scan3A_682:4 = scf.for %scan3A_996 = %scan3A_678 to %scan3A_680 step %scan3A_681 iter_args(%scan3A_997 = %broadcast_in_dim3A_671, %scan3A_998 = %broadcast_in_dim3A_673, %scan3A_999 = %broadcast_in_dim3A_675, %scan3A_1000 = %broadcast_in_dim3A_677) -> (vector<16xf32>, vector<16xf32>, vector<16xf32>, vector<16xf32>)  : i32 {
      %add3A_1001 = arith.constant 0 : i32
      %add3A_1002 = arith.addi %add3A_1001, %scan3A_996 : i32
      %get3A = arith.constant 5 : i32
      %get3A_1003 = arith.index_cast %get3A : i32 to index
      %get3A_1004 = arith.index_cast %add3A_1002 : i32 to index
      %get3A_1005 = arith.constant 0 : index
      %get3A_1006 = tpu.vector_load %arg6[%get3A_1003, %get3A_1004, %get3A_1005] {strides = array<i32>} : memref<8x100x64xf32, #tpu.memory_space<vmem>>, vector<1x1x16xf32>,
      %get3A_1007 = vector.shape_cast %get3A_1006 : vector<1x1x16xf32> to vector<16xf32>
      %add3A_1008 = arith.addf %scan3A_997, %get3A_1007 : vector<16xf32>
      %get3A_1009 = arith.constant 5 : i32
      %get3A_1010 = arith.index_cast %get3A_1009 : i32 to index
      %get3A_1011 = arith.index_cast %add3A_1002 : i32 to index
      %get3A_1012 = arith.constant 16 : index
      %get3A_1013 = tpu.vector_load %arg6[%get3A_1010, %get3A_1011, %get3A_1012] {strides = array<i32>} : memref<8x100x64xf32, #tpu.memory_space<vmem>>, vector<1x1x16xf32>,
      %get3A_1014 = vector.shape_cast %get3A_1013 : vector<1x1x16xf32> to vector<16xf32>
      %add3A_1015 = arith.addf %scan3A_998, %get3A_1014 : vector<16xf32>
      %get3A_1016 = arith.constant 5 : i32
      %get3A_1017 = arith.index_cast %get3A_1016 : i32 to index
      %get3A_1018 = arith.index_cast %add3A_1002 : i32 to index
      %get3A_1019 = arith.constant 32 : index
      %get3A_1020 = tpu.vector_load %arg6[%get3A_1017, %get3A_1018, %get3A_1019] {strides = array<i32>} : memref<8x100x64xf32, #tpu.memory_space<vmem>>, vector<1x1x16xf32>,
      %get3A_1021 = vector.shape_cast %get3A_1020 : vector<1x1x16xf32> to vector<16xf32>
      %add3A_1022 = arith.addf %scan3A_999, %get3A_1021 : vector<16xf32>
      %get3A_1023 = arith.constant 5 : i32
      %get3A_1024 = arith.index_cast %get3A_1023 : i32 to index
      %get3A_1025 = arith.index_cast %add3A_1002 : i32 to index
      %get3A_1026 = arith.constant 48 : index
      %get3A_1027 = tpu.vector_load %arg6[%get3A_1024, %get3A_1025, %get3A_1026] {strides = array<i32>} : memref<8x100x64xf32, #tpu.memory_space<vmem>>, vector<1x1x16xf32>,
      %get3A_1028 = vector.shape_cast %get3A_1027 : vector<1x1x16xf32> to vector<16xf32>
      %add3A_1029 = arith.addf %scan3A_1000, %get3A_1028 : vector<16xf32>
      %scan3A_1030 = arith.constant 1 : i32
      %scan3A_1031 = arith.addi %scan3A_996, %scan3A_1030 : i32
      %add3A_1032 = arith.constant 0 : i32
      %add3A_1033 = arith.addi %add3A_1032, %scan3A_1031 : i32
      %get3A_1034 = arith.constant 5 : i32
      %get3A_1035 = arith.index_cast %get3A_1034 : i32 to index
      %get3A_1036 = arith.index_cast %add3A_1033 : i32 to index
      %get3A_1037 = arith.constant 0 : index
      %get3A_1038 = tpu.vector_load %arg6[%get3A_1035, %get3A_1036, %get3A_1037] {strides = array<i32>} : memref<8x100x64xf32, #tpu.memory_space<vmem>>, vector<1x1x16xf32>,
      %get3A_1039 = vector.shape_cast %get3A_1038 : vector<1x1x16xf32> to vector<16xf32>
      %add3A_1040 = arith.addf %add3A_1008, %get3A_1039 : vector<16xf32>
      %get3A_1041 = arith.constant 5 : i32
      %get3A_1042 = arith.index_cast %get3A_1041 : i32 to index
      %get3A_1043 = arith.index_cast %add3A_1033 : i32 to index
      %get3A_1044 = arith.constant 16 : index
      %get3A_1045 = tpu.vector_load %arg6[%get3A_1042, %get3A_1043, %get3A_1044] {strides = array<i32>} : memref<8x100x64xf32, #tpu.memory_space<vmem>>, vector<1x1x16xf32>,
      %get3A_1046 = vector.shape_cast %get3A_1045 : vector<1x1x16xf32> to vector<16xf32>
      %add3A_1047 = arith.addf %add3A_1015, %get3A_1046 : vector<16xf32>
      %get3A_1048 = arith.constant 5 : i32
      %get3A_1049 = arith.index_cast %get3A_1048 : i32 to index
      %get3A_1050 = arith.index_cast %add3A_1033 : i32 to index
      %get3A_1051 = arith.constant 32 : index
      %get3A_1052 = tpu.vector_load %arg6[%get3A_1049, %get3A_1050, %get3A_1051] {strides = array<i32>} : memref<8x100x64xf32, #tpu.memory_space<vmem>>, vector<1x1x16xf32>,
      %get3A_1053 = vector.shape_cast %get3A_1052 : vector<1x1x16xf32> to vector<16xf32>
      %add3A_1054 = arith.addf %add3A_1022, %get3A_1053 : vector<16xf32>
      %get3A_1055 = arith.constant 5 : i32
      %get3A_1056 = arith.index_cast %get3A_1055 : i32 to index
      %get3A_1057 = arith.index_cast %add3A_1033 : i32 to index
      %get3A_1058 = arith.constant 48 : index
      %get3A_1059 = tpu.vector_load %arg6[%get3A_1056, %get3A_1057, %get3A_1058] {strides = array<i32>} : memref<8x100x64xf32, #tpu.memory_space<vmem>>, vector<1x1x16xf32>,
      %get3A_1060 = vector.shape_cast %get3A_1059 : vector<1x1x16xf32> to vector<16xf32>
      %add3A_1061 = arith.addf %add3A_1029, %get3A_1060 : vector<16xf32>
      scf.yield %add3A_1040, %add3A_1047, %add3A_1054, %add3A_1061 : vector<16xf32>, vector<16xf32>, vector<16xf32>, vector<16xf32>
    }
    %scan3A_683 = arith.constant 50 : i32
    %mul3A_684 = arith.constant 2.000000e-02 : f32
    %mul3A_685 = vector.broadcast %mul3A_684 : f32 to vector<16xf32>
    %mul3A_686 = arith.mulf %scan3A_682#0, %mul3A_685 : vector<16xf32>
    %swap3A_687 = arith.constant 506 : i32
    %swap3A_688 = arith.index_cast %swap3A_687 : i32 to index
    %swap3A_689 = arith.constant 0 : index
    %swap3A_690 = tpu.vector_load %arg7[%swap3A_688, %swap3A_689] {strides = array<i32>} : memref<512x64xf32, #tpu.memory_space<vmem>>, vector<1x16xf32>,
    %swap3A_691 = vector.shape_cast %swap3A_690 : vector<1x16xf32> to vector<16xf32>
    %swap3A_692 = vector.shape_cast %mul3A_686 : vector<16xf32> to vector<1x16xf32>
    tpu.vector_store %arg7[%swap3A_688, %swap3A_689], %swap3A_692 {strides = array<i32>} : memref<512x64xf32, #tpu.memory_space<vmem>>, vector<1x16xf32>,
    %mul3A_693 = arith.constant 2.000000e-02 : f32
    %mul3A_694 = vector.broadcast %mul3A_693 : f32 to vector<16xf32>
    %mul3A_695 = arith.mulf %scan3A_682#1, %mul3A_694 : vector<16xf32>
    %swap3A_696 = arith.constant 506 : i32
    %swap3A_697 = arith.index_cast %swap3A_696 : i32 to index
    %swap3A_698 = arith.constant 16 : index
    %swap3A_699 = tpu.vector_load %arg7[%swap3A_697, %swap3A_698] {strides = array<i32>} : memref<512x64xf32, #tpu.memory_space<vmem>>, vector<1x16xf32>,
    %swap3A_700 = vector.shape_cast %swap3A_699 : vector<1x16xf32> to vector<16xf32>
    %swap3A_701 = vector.shape_cast %mul3A_695 : vector<16xf32> to vector<1x16xf32>
    tpu.vector_store %arg7[%swap3A_697, %swap3A_698], %swap3A_701 {strides = array<i32>} : memref<512x64xf32, #tpu.memory_space<vmem>>, vector<1x16xf32>,
    %mul3A_702 = arith.constant 2.000000e-02 : f32
    %mul3A_703 = vector.broadcast %mul3A_702 : f32 to vector<16xf32>
    %mul3A_704 = arith.mulf %scan3A_682#2, %mul3A_703 : vector<16xf32>
    %swap3A_705 = arith.constant 506 : i32
    %swap3A_706 = arith.index_cast %swap3A_705 : i32 to index
    %swap3A_707 = arith.constant 32 : index
    %swap3A_708 = tpu.vector_load %arg7[%swap3A_706, %swap3A_707] {strides = array<i32>} : memref<512x64xf32, #tpu.memory_space<vmem>>, vector<1x16xf32>,
    %swap3A_709 = vector.shape_cast %swap3A_708 : vector<1x16xf32> to vector<16xf32>
    %swap3A_710 = vector.shape_cast %mul3A_704 : vector<16xf32> to vector<1x16xf32>
    tpu.vector_store %arg7[%swap3A_706, %swap3A_707], %swap3A_710 {strides = array<i32>} : memref<512x64xf32, #tpu.memory_space<vmem>>, vector<1x16xf32>,
    %mul3A_711 = arith.constant 2.000000e-02 : f32
    %mul3A_712 = vector.broadcast %mul3A_711 : f32 to vector<16xf32>
    %mul3A_713 = arith.mulf %scan3A_682#3, %mul3A_712 : vector<16xf32>
    %swap3A_714 = arith.constant 506 : i32
    %swap3A_715 = arith.index_cast %swap3A_714 : i32 to index
    %swap3A_716 = arith.constant 48 : index
    %swap3A_717 = tpu.vector_load %arg7[%swap3A_715, %swap3A_716] {strides = array<i32>} : memref<512x64xf32, #tpu.memory_space<vmem>>, vector<1x16xf32>,
    %swap3A_718 = vector.shape_cast %swap3A_717 : vector<1x16xf32> to vector<16xf32>
    %swap3A_719 = vector.shape_cast %mul3A_713 : vector<16xf32> to vector<1x16xf32>
    tpu.vector_store %arg7[%swap3A_715, %swap3A_716], %swap3A_719 {strides = array<i32>} : memref<512x64xf32, #tpu.memory_space<vmem>>, vector<1x16xf32>,
    %broadcast_in_dim3A_720 = arith.constant 0.000000e+00 : f32
    %broadcast_in_dim3A_721 = vector.broadcast %broadcast_in_dim3A_720 : f32 to vector<16xf32>
    %broadcast_in_dim3A_722 = arith.constant 0.000000e+00 : f32
    %broadcast_in_dim3A_723 = vector.broadcast %broadcast_in_dim3A_722 : f32 to vector<16xf32>
    %broadcast_in_dim3A_724 = arith.constant 0.000000e+00 : f32
    %broadcast_in_dim3A_725 = vector.broadcast %broadcast_in_dim3A_724 : f32 to vector<16xf32>
    %broadcast_in_dim3A_726 = arith.constant 0.000000e+00 : f32
    %broadcast_in_dim3A_727 = vector.broadcast %broadcast_in_dim3A_726 : f32 to vector<16xf32>
    %scan3A_728 = arith.constant 0 : i32
    %scan3A_729 = arith.constant 50 : i32
    %scan3A_730 = arith.addi %scan3A_728, %scan3A_729 : i32
    %scan3A_731 = arith.constant 2 : i32
    %scan3A_732:4 = scf.for %scan3A_996 = %scan3A_728 to %scan3A_730 step %scan3A_731 iter_args(%scan3A_997 = %broadcast_in_dim3A_721, %scan3A_998 = %broadcast_in_dim3A_723, %scan3A_999 = %broadcast_in_dim3A_725, %scan3A_1000 = %broadcast_in_dim3A_727) -> (vector<16xf32>, vector<16xf32>, vector<16xf32>, vector<16xf32>)  : i32 {
      %add3A_1001 = arith.constant 50 : i32
      %add3A_1002 = arith.addi %add3A_1001, %scan3A_996 : i32
      %get3A = arith.constant 5 : i32
      %get3A_1003 = arith.index_cast %get3A : i32 to index
      %get3A_1004 = arith.index_cast %add3A_1002 : i32 to index
      %get3A_1005 = arith.constant 0 : index
      %get3A_1006 = tpu.vector_load %arg6[%get3A_1003, %get3A_1004, %get3A_1005] {strides = array<i32>} : memref<8x100x64xf32, #tpu.memory_space<vmem>>, vector<1x1x16xf32>,
      %get3A_1007 = vector.shape_cast %get3A_1006 : vector<1x1x16xf32> to vector<16xf32>
      %add3A_1008 = arith.addf %scan3A_997, %get3A_1007 : vector<16xf32>
      %get3A_1009 = arith.constant 5 : i32
      %get3A_1010 = arith.index_cast %get3A_1009 : i32 to index
      %get3A_1011 = arith.index_cast %add3A_1002 : i32 to index
      %get3A_1012 = arith.constant 16 : index
      %get3A_1013 = tpu.vector_load %arg6[%get3A_1010, %get3A_1011, %get3A_1012] {strides = array<i32>} : memref<8x100x64xf32, #tpu.memory_space<vmem>>, vector<1x1x16xf32>,
      %get3A_1014 = vector.shape_cast %get3A_1013 : vector<1x1x16xf32> to vector<16xf32>
      %add3A_1015 = arith.addf %scan3A_998, %get3A_1014 : vector<16xf32>
      %get3A_1016 = arith.constant 5 : i32
      %get3A_1017 = arith.index_cast %get3A_1016 : i32 to index
      %get3A_1018 = arith.index_cast %add3A_1002 : i32 to index
      %get3A_1019 = arith.constant 32 : index
      %get3A_1020 = tpu.vector_load %arg6[%get3A_1017, %get3A_1018, %get3A_1019] {strides = array<i32>} : memref<8x100x64xf32, #tpu.memory_space<vmem>>, vector<1x1x16xf32>,
      %get3A_1021 = vector.shape_cast %get3A_1020 : vector<1x1x16xf32> to vector<16xf32>
      %add3A_1022 = arith.addf %scan3A_999, %get3A_1021 : vector<16xf32>
      %get3A_1023 = arith.constant 5 : i32
      %get3A_1024 = arith.index_cast %get3A_1023 : i32 to index
      %get3A_1025 = arith.index_cast %add3A_1002 : i32 to index
      %get3A_1026 = arith.constant 48 : index
      %get3A_1027 = tpu.vector_load %arg6[%get3A_1024, %get3A_1025, %get3A_1026] {strides = array<i32>} : memref<8x100x64xf32, #tpu.memory_space<vmem>>, vector<1x1x16xf32>,
      %get3A_1028 = vector.shape_cast %get3A_1027 : vector<1x1x16xf32> to vector<16xf32>
      %add3A_1029 = arith.addf %scan3A_1000, %get3A_1028 : vector<16xf32>
      %scan3A_1030 = arith.constant 1 : i32
      %scan3A_1031 = arith.addi %scan3A_996, %scan3A_1030 : i32
      %add3A_1032 = arith.constant 50 : i32
      %add3A_1033 = arith.addi %add3A_1032, %scan3A_1031 : i32
      %get3A_1034 = arith.constant 5 : i32
      %get3A_1035 = arith.index_cast %get3A_1034 : i32 to index
      %get3A_1036 = arith.index_cast %add3A_1033 : i32 to index
      %get3A_1037 = arith.constant 0 : index
      %get3A_1038 = tpu.vector_load %arg6[%get3A_1035, %get3A_1036, %get3A_1037] {strides = array<i32>} : memref<8x100x64xf32, #tpu.memory_space<vmem>>, vector<1x1x16xf32>,
      %get3A_1039 = vector.shape_cast %get3A_1038 : vector<1x1x16xf32> to vector<16xf32>
      %add3A_1040 = arith.addf %add3A_1008, %get3A_1039 : vector<16xf32>
      %get3A_1041 = arith.constant 5 : i32
      %get3A_1042 = arith.index_cast %get3A_1041 : i32 to index
      %get3A_1043 = arith.index_cast %add3A_1033 : i32 to index
      %get3A_1044 = arith.constant 16 : index
      %get3A_1045 = tpu.vector_load %arg6[%get3A_1042, %get3A_1043, %get3A_1044] {strides = array<i32>} : memref<8x100x64xf32, #tpu.memory_space<vmem>>, vector<1x1x16xf32>,
      %get3A_1046 = vector.shape_cast %get3A_1045 : vector<1x1x16xf32> to vector<16xf32>
      %add3A_1047 = arith.addf %add3A_1015, %get3A_1046 : vector<16xf32>
      %get3A_1048 = arith.constant 5 : i32
      %get3A_1049 = arith.index_cast %get3A_1048 : i32 to index
      %get3A_1050 = arith.index_cast %add3A_1033 : i32 to index
      %get3A_1051 = arith.constant 32 : index
      %get3A_1052 = tpu.vector_load %arg6[%get3A_1049, %get3A_1050, %get3A_1051] {strides = array<i32>} : memref<8x100x64xf32, #tpu.memory_space<vmem>>, vector<1x1x16xf32>,
      %get3A_1053 = vector.shape_cast %get3A_1052 : vector<1x1x16xf32> to vector<16xf32>
      %add3A_1054 = arith.addf %add3A_1022, %get3A_1053 : vector<16xf32>
      %get3A_1055 = arith.constant 5 : i32
      %get3A_1056 = arith.index_cast %get3A_1055 : i32 to index
      %get3A_1057 = arith.index_cast %add3A_1033 : i32 to index
      %get3A_1058 = arith.constant 48 : index
      %get3A_1059 = tpu.vector_load %arg6[%get3A_1056, %get3A_1057, %get3A_1058] {strides = array<i32>} : memref<8x100x64xf32, #tpu.memory_space<vmem>>, vector<1x1x16xf32>,
      %get3A_1060 = vector.shape_cast %get3A_1059 : vector<1x1x16xf32> to vector<16xf32>
      %add3A_1061 = arith.addf %add3A_1029, %get3A_1060 : vector<16xf32>
      scf.yield %add3A_1040, %add3A_1047, %add3A_1054, %add3A_1061 : vector<16xf32>, vector<16xf32>, vector<16xf32>, vector<16xf32>
    }
    %scan3A_733 = arith.constant 50 : i32
    %mul3A_734 = arith.constant 2.000000e-02 : f32
    %mul3A_735 = vector.broadcast %mul3A_734 : f32 to vector<16xf32>
    %mul3A_736 = arith.mulf %scan3A_732#0, %mul3A_735 : vector<16xf32>
    %swap3A_737 = arith.constant 507 : i32
    %swap3A_738 = arith.index_cast %swap3A_737 : i32 to index
    %swap3A_739 = arith.constant 0 : index
    %swap3A_740 = tpu.vector_load %arg7[%swap3A_738, %swap3A_739] {strides = array<i32>} : memref<512x64xf32, #tpu.memory_space<vmem>>, vector<1x16xf32>,
    %swap3A_741 = vector.shape_cast %swap3A_740 : vector<1x16xf32> to vector<16xf32>
    %swap3A_742 = vector.shape_cast %mul3A_736 : vector<16xf32> to vector<1x16xf32>
    tpu.vector_store %arg7[%swap3A_738, %swap3A_739], %swap3A_742 {strides = array<i32>} : memref<512x64xf32, #tpu.memory_space<vmem>>, vector<1x16xf32>,
    %mul3A_743 = arith.constant 2.000000e-02 : f32
    %mul3A_744 = vector.broadcast %mul3A_743 : f32 to vector<16xf32>
    %mul3A_745 = arith.mulf %scan3A_732#1, %mul3A_744 : vector<16xf32>
    %swap3A_746 = arith.constant 507 : i32
    %swap3A_747 = arith.index_cast %swap3A_746 : i32 to index
    %swap3A_748 = arith.constant 16 : index
    %swap3A_749 = tpu.vector_load %arg7[%swap3A_747, %swap3A_748] {strides = array<i32>} : memref<512x64xf32, #tpu.memory_space<vmem>>, vector<1x16xf32>,
    %swap3A_750 = vector.shape_cast %swap3A_749 : vector<1x16xf32> to vector<16xf32>
    %swap3A_751 = vector.shape_cast %mul3A_745 : vector<16xf32> to vector<1x16xf32>
    tpu.vector_store %arg7[%swap3A_747, %swap3A_748], %swap3A_751 {strides = array<i32>} : memref<512x64xf32, #tpu.memory_space<vmem>>, vector<1x16xf32>,
    %mul3A_752 = arith.constant 2.000000e-02 : f32
    %mul3A_753 = vector.broadcast %mul3A_752 : f32 to vector<16xf32>
    %mul3A_754 = arith.mulf %scan3A_732#2, %mul3A_753 : vector<16xf32>
    %swap3A_755 = arith.constant 507 : i32
    %swap3A_756 = arith.index_cast %swap3A_755 : i32 to index
    %swap3A_757 = arith.constant 32 : index
    %swap3A_758 = tpu.vector_load %arg7[%swap3A_756, %swap3A_757] {strides = array<i32>} : memref<512x64xf32, #tpu.memory_space<vmem>>, vector<1x16xf32>,
    %swap3A_759 = vector.shape_cast %swap3A_758 : vector<1x16xf32> to vector<16xf32>
    %swap3A_760 = vector.shape_cast %mul3A_754 : vector<16xf32> to vector<1x16xf32>
    tpu.vector_store %arg7[%swap3A_756, %swap3A_757], %swap3A_760 {strides = array<i32>} : memref<512x64xf32, #tpu.memory_space<vmem>>, vector<1x16xf32>,
    %mul3A_761 = arith.constant 2.000000e-02 : f32
    %mul3A_762 = vector.broadcast %mul3A_761 : f32 to vector<16xf32>
    %mul3A_763 = arith.mulf %scan3A_732#3, %mul3A_762 : vector<16xf32>
    %swap3A_764 = arith.constant 507 : i32
    %swap3A_765 = arith.index_cast %swap3A_764 : i32 to index
    %swap3A_766 = arith.constant 48 : index
    %swap3A_767 = tpu.vector_load %arg7[%swap3A_765, %swap3A_766] {strides = array<i32>} : memref<512x64xf32, #tpu.memory_space<vmem>>, vector<1x16xf32>,
    %swap3A_768 = vector.shape_cast %swap3A_767 : vector<1x16xf32> to vector<16xf32>
    %swap3A_769 = vector.shape_cast %mul3A_763 : vector<16xf32> to vector<1x16xf32>
    tpu.vector_store %arg7[%swap3A_765, %swap3A_766], %swap3A_769 {strides = array<i32>} : memref<512x64xf32, #tpu.memory_space<vmem>>, vector<1x16xf32>,
    %dma_wait3A_770 = arith.constant 254 : i32
    %dma_wait3A_771 = arith.constant 6 : i32
    %dma_wait3A_772 = arith.constant 0 : i32
    %dma_wait3A_773 = arith.constant 0 : i32
    %dma_wait3A_774 = tpu.memref_slice %arg6[%dma_wait3A_771, %dma_wait3A_772, %dma_wait3A_773] : memref<8x100x64xf32, #tpu.memory_space<vmem>> -> memref<1x100x64xf32, #tpu.memory_space<vmem>>
    %dma_wait3A_775 = tpu.memref_squeeze %dma_wait3A_774 : memref<1x100x64xf32, #tpu.memory_space<vmem>> -> memref<100x64xf32, #tpu.memory_space<vmem>>
    %dma_wait3A_776 = arith.constant 0 : i32
    %dma_wait3A_777 = tpu.memref_slice %arg5[%dma_wait3A_770, %dma_wait3A_776] : memref<256x100xi32, #tpu.memory_space<vmem>> -> memref<1x100xi32, #tpu.memory_space<vmem>>
    %dma_wait3A_778 = tpu.memref_squeeze %dma_wait3A_777 : memref<1x100xi32, #tpu.memory_space<vmem>> -> memref<100xi32, #tpu.memory_space<vmem>>
    %dma_wait3A_779 = arith.constant 0 : i32
    %dma_wait3A_780 = arith.constant 0 : i32
    %dma_wait3A_781 = tpu.memref_slice %arg3[%dma_wait3A_779, %dma_wait3A_780] : memref<1000000x64xf32, #tpu.memory_space<hbm>> -> memref<1000000x64xf32, #tpu.memory_space<hbm>>
    tpu.wait_indirect_dma semaphore(%arg14 : memref<!tpu.dma_semaphore, #tpu.memory_space<semaphore_mem>>) src(%dma_wait3A_781 : memref<1000000x64xf32, #tpu.memory_space<hbm>>) dst(%dma_wait3A_775 : memref<100x64xf32, #tpu.memory_space<vmem>>)
    %broadcast_in_dim3A_782 = arith.constant 0.000000e+00 : f32
    %broadcast_in_dim3A_783 = vector.broadcast %broadcast_in_dim3A_782 : f32 to vector<16xf32>
    %broadcast_in_dim3A_784 = arith.constant 0.000000e+00 : f32
    %broadcast_in_dim3A_785 = vector.broadcast %broadcast_in_dim3A_784 : f32 to vector<16xf32>
    %broadcast_in_dim3A_786 = arith.constant 0.000000e+00 : f32
    %broadcast_in_dim3A_787 = vector.broadcast %broadcast_in_dim3A_786 : f32 to vector<16xf32>
    %broadcast_in_dim3A_788 = arith.constant 0.000000e+00 : f32
    %broadcast_in_dim3A_789 = vector.broadcast %broadcast_in_dim3A_788 : f32 to vector<16xf32>
    %scan3A_790 = arith.constant 0 : i32
    %scan3A_791 = arith.constant 50 : i32
    %scan3A_792 = arith.addi %scan3A_790, %scan3A_791 : i32
    %scan3A_793 = arith.constant 2 : i32
    %scan3A_794:4 = scf.for %scan3A_996 = %scan3A_790 to %scan3A_792 step %scan3A_793 iter_args(%scan3A_997 = %broadcast_in_dim3A_783, %scan3A_998 = %broadcast_in_dim3A_785, %scan3A_999 = %broadcast_in_dim3A_787, %scan3A_1000 = %broadcast_in_dim3A_789) -> (vector<16xf32>, vector<16xf32>, vector<16xf32>, vector<16xf32>)  : i32 {
      %add3A_1001 = arith.constant 0 : i32
      %add3A_1002 = arith.addi %add3A_1001, %scan3A_996 : i32
      %get3A = arith.constant 6 : i32
      %get3A_1003 = arith.index_cast %get3A : i32 to index
      %get3A_1004 = arith.index_cast %add3A_1002 : i32 to index
      %get3A_1005 = arith.constant 0 : index
      %get3A_1006 = tpu.vector_load %arg6[%get3A_1003, %get3A_1004, %get3A_1005] {strides = array<i32>} : memref<8x100x64xf32, #tpu.memory_space<vmem>>, vector<1x1x16xf32>,
      %get3A_1007 = vector.shape_cast %get3A_1006 : vector<1x1x16xf32> to vector<16xf32>
      %add3A_1008 = arith.addf %scan3A_997, %get3A_1007 : vector<16xf32>
      %get3A_1009 = arith.constant 6 : i32
      %get3A_1010 = arith.index_cast %get3A_1009 : i32 to index
      %get3A_1011 = arith.index_cast %add3A_1002 : i32 to index
      %get3A_1012 = arith.constant 16 : index
      %get3A_1013 = tpu.vector_load %arg6[%get3A_1010, %get3A_1011, %get3A_1012] {strides = array<i32>} : memref<8x100x64xf32, #tpu.memory_space<vmem>>, vector<1x1x16xf32>,
      %get3A_1014 = vector.shape_cast %get3A_1013 : vector<1x1x16xf32> to vector<16xf32>
      %add3A_1015 = arith.addf %scan3A_998, %get3A_1014 : vector<16xf32>
      %get3A_1016 = arith.constant 6 : i32
      %get3A_1017 = arith.index_cast %get3A_1016 : i32 to index
      %get3A_1018 = arith.index_cast %add3A_1002 : i32 to index
      %get3A_1019 = arith.constant 32 : index
      %get3A_1020 = tpu.vector_load %arg6[%get3A_1017, %get3A_1018, %get3A_1019] {strides = array<i32>} : memref<8x100x64xf32, #tpu.memory_space<vmem>>, vector<1x1x16xf32>,
      %get3A_1021 = vector.shape_cast %get3A_1020 : vector<1x1x16xf32> to vector<16xf32>
      %add3A_1022 = arith.addf %scan3A_999, %get3A_1021 : vector<16xf32>
      %get3A_1023 = arith.constant 6 : i32
      %get3A_1024 = arith.index_cast %get3A_1023 : i32 to index
      %get3A_1025 = arith.index_cast %add3A_1002 : i32 to index
      %get3A_1026 = arith.constant 48 : index
      %get3A_1027 = tpu.vector_load %arg6[%get3A_1024, %get3A_1025, %get3A_1026] {strides = array<i32>} : memref<8x100x64xf32, #tpu.memory_space<vmem>>, vector<1x1x16xf32>,
      %get3A_1028 = vector.shape_cast %get3A_1027 : vector<1x1x16xf32> to vector<16xf32>
      %add3A_1029 = arith.addf %scan3A_1000, %get3A_1028 : vector<16xf32>
      %scan3A_1030 = arith.constant 1 : i32
      %scan3A_1031 = arith.addi %scan3A_996, %scan3A_1030 : i32
      %add3A_1032 = arith.constant 0 : i32
      %add3A_1033 = arith.addi %add3A_1032, %scan3A_1031 : i32
      %get3A_1034 = arith.constant 6 : i32
      %get3A_1035 = arith.index_cast %get3A_1034 : i32 to index
      %get3A_1036 = arith.index_cast %add3A_1033 : i32 to index
      %get3A_1037 = arith.constant 0 : index
      %get3A_1038 = tpu.vector_load %arg6[%get3A_1035, %get3A_1036, %get3A_1037] {strides = array<i32>} : memref<8x100x64xf32, #tpu.memory_space<vmem>>, vector<1x1x16xf32>,
      %get3A_1039 = vector.shape_cast %get3A_1038 : vector<1x1x16xf32> to vector<16xf32>
      %add3A_1040 = arith.addf %add3A_1008, %get3A_1039 : vector<16xf32>
      %get3A_1041 = arith.constant 6 : i32
      %get3A_1042 = arith.index_cast %get3A_1041 : i32 to index
      %get3A_1043 = arith.index_cast %add3A_1033 : i32 to index
      %get3A_1044 = arith.constant 16 : index
      %get3A_1045 = tpu.vector_load %arg6[%get3A_1042, %get3A_1043, %get3A_1044] {strides = array<i32>} : memref<8x100x64xf32, #tpu.memory_space<vmem>>, vector<1x1x16xf32>,
      %get3A_1046 = vector.shape_cast %get3A_1045 : vector<1x1x16xf32> to vector<16xf32>
      %add3A_1047 = arith.addf %add3A_1015, %get3A_1046 : vector<16xf32>
      %get3A_1048 = arith.constant 6 : i32
      %get3A_1049 = arith.index_cast %get3A_1048 : i32 to index
      %get3A_1050 = arith.index_cast %add3A_1033 : i32 to index
      %get3A_1051 = arith.constant 32 : index
      %get3A_1052 = tpu.vector_load %arg6[%get3A_1049, %get3A_1050, %get3A_1051] {strides = array<i32>} : memref<8x100x64xf32, #tpu.memory_space<vmem>>, vector<1x1x16xf32>,
      %get3A_1053 = vector.shape_cast %get3A_1052 : vector<1x1x16xf32> to vector<16xf32>
      %add3A_1054 = arith.addf %add3A_1022, %get3A_1053 : vector<16xf32>
      %get3A_1055 = arith.constant 6 : i32
      %get3A_1056 = arith.index_cast %get3A_1055 : i32 to index
      %get3A_1057 = arith.index_cast %add3A_1033 : i32 to index
      %get3A_1058 = arith.constant 48 : index
      %get3A_1059 = tpu.vector_load %arg6[%get3A_1056, %get3A_1057, %get3A_1058] {strides = array<i32>} : memref<8x100x64xf32, #tpu.memory_space<vmem>>, vector<1x1x16xf32>,
      %get3A_1060 = vector.shape_cast %get3A_1059 : vector<1x1x16xf32> to vector<16xf32>
      %add3A_1061 = arith.addf %add3A_1029, %get3A_1060 : vector<16xf32>
      scf.yield %add3A_1040, %add3A_1047, %add3A_1054, %add3A_1061 : vector<16xf32>, vector<16xf32>, vector<16xf32>, vector<16xf32>
    }
    %scan3A_795 = arith.constant 50 : i32
    %mul3A_796 = arith.constant 2.000000e-02 : f32
    %mul3A_797 = vector.broadcast %mul3A_796 : f32 to vector<16xf32>
    %mul3A_798 = arith.mulf %scan3A_794#0, %mul3A_797 : vector<16xf32>
    %swap3A_799 = arith.constant 508 : i32
    %swap3A_800 = arith.index_cast %swap3A_799 : i32 to index
    %swap3A_801 = arith.constant 0 : index
    %swap3A_802 = tpu.vector_load %arg7[%swap3A_800, %swap3A_801] {strides = array<i32>} : memref<512x64xf32, #tpu.memory_space<vmem>>, vector<1x16xf32>,
    %swap3A_803 = vector.shape_cast %swap3A_802 : vector<1x16xf32> to vector<16xf32>
    %swap3A_804 = vector.shape_cast %mul3A_798 : vector<16xf32> to vector<1x16xf32>
    tpu.vector_store %arg7[%swap3A_800, %swap3A_801], %swap3A_804 {strides = array<i32>} : memref<512x64xf32, #tpu.memory_space<vmem>>, vector<1x16xf32>,
    %mul3A_805 = arith.constant 2.000000e-02 : f32
    %mul3A_806 = vector.broadcast %mul3A_805 : f32 to vector<16xf32>
    %mul3A_807 = arith.mulf %scan3A_794#1, %mul3A_806 : vector<16xf32>
    %swap3A_808 = arith.constant 508 : i32
    %swap3A_809 = arith.index_cast %swap3A_808 : i32 to index
    %swap3A_810 = arith.constant 16 : index
    %swap3A_811 = tpu.vector_load %arg7[%swap3A_809, %swap3A_810] {strides = array<i32>} : memref<512x64xf32, #tpu.memory_space<vmem>>, vector<1x16xf32>,
    %swap3A_812 = vector.shape_cast %swap3A_811 : vector<1x16xf32> to vector<16xf32>
    %swap3A_813 = vector.shape_cast %mul3A_807 : vector<16xf32> to vector<1x16xf32>
    tpu.vector_store %arg7[%swap3A_809, %swap3A_810], %swap3A_813 {strides = array<i32>} : memref<512x64xf32, #tpu.memory_space<vmem>>, vector<1x16xf32>,
    %mul3A_814 = arith.constant 2.000000e-02 : f32
    %mul3A_815 = vector.broadcast %mul3A_814 : f32 to vector<16xf32>
    %mul3A_816 = arith.mulf %scan3A_794#2, %mul3A_815 : vector<16xf32>
    %swap3A_817 = arith.constant 508 : i32
    %swap3A_818 = arith.index_cast %swap3A_817 : i32 to index
    %swap3A_819 = arith.constant 32 : index
    %swap3A_820 = tpu.vector_load %arg7[%swap3A_818, %swap3A_819] {strides = array<i32>} : memref<512x64xf32, #tpu.memory_space<vmem>>, vector<1x16xf32>,
    %swap3A_821 = vector.shape_cast %swap3A_820 : vector<1x16xf32> to vector<16xf32>
    %swap3A_822 = vector.shape_cast %mul3A_816 : vector<16xf32> to vector<1x16xf32>
    tpu.vector_store %arg7[%swap3A_818, %swap3A_819], %swap3A_822 {strides = array<i32>} : memref<512x64xf32, #tpu.memory_space<vmem>>, vector<1x16xf32>,
    %mul3A_823 = arith.constant 2.000000e-02 : f32
    %mul3A_824 = vector.broadcast %mul3A_823 : f32 to vector<16xf32>
    %mul3A_825 = arith.mulf %scan3A_794#3, %mul3A_824 : vector<16xf32>
    %swap3A_826 = arith.constant 508 : i32
    %swap3A_827 = arith.index_cast %swap3A_826 : i32 to index
    %swap3A_828 = arith.constant 48 : index
    %swap3A_829 = tpu.vector_load %arg7[%swap3A_827, %swap3A_828] {strides = array<i32>} : memref<512x64xf32, #tpu.memory_space<vmem>>, vector<1x16xf32>,
    %swap3A_830 = vector.shape_cast %swap3A_829 : vector<1x16xf32> to vector<16xf32>
    %swap3A_831 = vector.shape_cast %mul3A_825 : vector<16xf32> to vector<1x16xf32>
    tpu.vector_store %arg7[%swap3A_827, %swap3A_828], %swap3A_831 {strides = array<i32>} : memref<512x64xf32, #tpu.memory_space<vmem>>, vector<1x16xf32>,
    %broadcast_in_dim3A_832 = arith.constant 0.000000e+00 : f32
    %broadcast_in_dim3A_833 = vector.broadcast %broadcast_in_dim3A_832 : f32 to vector<16xf32>
    %broadcast_in_dim3A_834 = arith.constant 0.000000e+00 : f32
    %broadcast_in_dim3A_835 = vector.broadcast %broadcast_in_dim3A_834 : f32 to vector<16xf32>
    %broadcast_in_dim3A_836 = arith.constant 0.000000e+00 : f32
    %broadcast_in_dim3A_837 = vector.broadcast %broadcast_in_dim3A_836 : f32 to vector<16xf32>
    %broadcast_in_dim3A_838 = arith.constant 0.000000e+00 : f32
    %broadcast_in_dim3A_839 = vector.broadcast %broadcast_in_dim3A_838 : f32 to vector<16xf32>
    %scan3A_840 = arith.constant 0 : i32
    %scan3A_841 = arith.constant 50 : i32
    %scan3A_842 = arith.addi %scan3A_840, %scan3A_841 : i32
    %scan3A_843 = arith.constant 2 : i32
    %scan3A_844:4 = scf.for %scan3A_996 = %scan3A_840 to %scan3A_842 step %scan3A_843 iter_args(%scan3A_997 = %broadcast_in_dim3A_833, %scan3A_998 = %broadcast_in_dim3A_835, %scan3A_999 = %broadcast_in_dim3A_837, %scan3A_1000 = %broadcast_in_dim3A_839) -> (vector<16xf32>, vector<16xf32>, vector<16xf32>, vector<16xf32>)  : i32 {
      %add3A_1001 = arith.constant 50 : i32
      %add3A_1002 = arith.addi %add3A_1001, %scan3A_996 : i32
      %get3A = arith.constant 6 : i32
      %get3A_1003 = arith.index_cast %get3A : i32 to index
      %get3A_1004 = arith.index_cast %add3A_1002 : i32 to index
      %get3A_1005 = arith.constant 0 : index
      %get3A_1006 = tpu.vector_load %arg6[%get3A_1003, %get3A_1004, %get3A_1005] {strides = array<i32>} : memref<8x100x64xf32, #tpu.memory_space<vmem>>, vector<1x1x16xf32>,
      %get3A_1007 = vector.shape_cast %get3A_1006 : vector<1x1x16xf32> to vector<16xf32>
      %add3A_1008 = arith.addf %scan3A_997, %get3A_1007 : vector<16xf32>
      %get3A_1009 = arith.constant 6 : i32
      %get3A_1010 = arith.index_cast %get3A_1009 : i32 to index
      %get3A_1011 = arith.index_cast %add3A_1002 : i32 to index
      %get3A_1012 = arith.constant 16 : index
      %get3A_1013 = tpu.vector_load %arg6[%get3A_1010, %get3A_1011, %get3A_1012] {strides = array<i32>} : memref<8x100x64xf32, #tpu.memory_space<vmem>>, vector<1x1x16xf32>,
      %get3A_1014 = vector.shape_cast %get3A_1013 : vector<1x1x16xf32> to vector<16xf32>
      %add3A_1015 = arith.addf %scan3A_998, %get3A_1014 : vector<16xf32>
      %get3A_1016 = arith.constant 6 : i32
      %get3A_1017 = arith.index_cast %get3A_1016 : i32 to index
      %get3A_1018 = arith.index_cast %add3A_1002 : i32 to index
      %get3A_1019 = arith.constant 32 : index
      %get3A_1020 = tpu.vector_load %arg6[%get3A_1017, %get3A_1018, %get3A_1019] {strides = array<i32>} : memref<8x100x64xf32, #tpu.memory_space<vmem>>, vector<1x1x16xf32>,
      %get3A_1021 = vector.shape_cast %get3A_1020 : vector<1x1x16xf32> to vector<16xf32>
      %add3A_1022 = arith.addf %scan3A_999, %get3A_1021 : vector<16xf32>
      %get3A_1023 = arith.constant 6 : i32
      %get3A_1024 = arith.index_cast %get3A_1023 : i32 to index
      %get3A_1025 = arith.index_cast %add3A_1002 : i32 to index
      %get3A_1026 = arith.constant 48 : index
      %get3A_1027 = tpu.vector_load %arg6[%get3A_1024, %get3A_1025, %get3A_1026] {strides = array<i32>} : memref<8x100x64xf32, #tpu.memory_space<vmem>>, vector<1x1x16xf32>,
      %get3A_1028 = vector.shape_cast %get3A_1027 : vector<1x1x16xf32> to vector<16xf32>
      %add3A_1029 = arith.addf %scan3A_1000, %get3A_1028 : vector<16xf32>
      %scan3A_1030 = arith.constant 1 : i32
      %scan3A_1031 = arith.addi %scan3A_996, %scan3A_1030 : i32
      %add3A_1032 = arith.constant 50 : i32
      %add3A_1033 = arith.addi %add3A_1032, %scan3A_1031 : i32
      %get3A_1034 = arith.constant 6 : i32
      %get3A_1035 = arith.index_cast %get3A_1034 : i32 to index
      %get3A_1036 = arith.index_cast %add3A_1033 : i32 to index
      %get3A_1037 = arith.constant 0 : index
      %get3A_1038 = tpu.vector_load %arg6[%get3A_1035, %get3A_1036, %get3A_1037] {strides = array<i32>} : memref<8x100x64xf32, #tpu.memory_space<vmem>>, vector<1x1x16xf32>,
      %get3A_1039 = vector.shape_cast %get3A_1038 : vector<1x1x16xf32> to vector<16xf32>
      %add3A_1040 = arith.addf %add3A_1008, %get3A_1039 : vector<16xf32>
      %get3A_1041 = arith.constant 6 : i32
      %get3A_1042 = arith.index_cast %get3A_1041 : i32 to index
      %get3A_1043 = arith.index_cast %add3A_1033 : i32 to index
      %get3A_1044 = arith.constant 16 : index
      %get3A_1045 = tpu.vector_load %arg6[%get3A_1042, %get3A_1043, %get3A_1044] {strides = array<i32>} : memref<8x100x64xf32, #tpu.memory_space<vmem>>, vector<1x1x16xf32>,
      %get3A_1046 = vector.shape_cast %get3A_1045 : vector<1x1x16xf32> to vector<16xf32>
      %add3A_1047 = arith.addf %add3A_1015, %get3A_1046 : vector<16xf32>
      %get3A_1048 = arith.constant 6 : i32
      %get3A_1049 = arith.index_cast %get3A_1048 : i32 to index
      %get3A_1050 = arith.index_cast %add3A_1033 : i32 to index
      %get3A_1051 = arith.constant 32 : index
      %get3A_1052 = tpu.vector_load %arg6[%get3A_1049, %get3A_1050, %get3A_1051] {strides = array<i32>} : memref<8x100x64xf32, #tpu.memory_space<vmem>>, vector<1x1x16xf32>,
      %get3A_1053 = vector.shape_cast %get3A_1052 : vector<1x1x16xf32> to vector<16xf32>
      %add3A_1054 = arith.addf %add3A_1022, %get3A_1053 : vector<16xf32>
      %get3A_1055 = arith.constant 6 : i32
      %get3A_1056 = arith.index_cast %get3A_1055 : i32 to index
      %get3A_1057 = arith.index_cast %add3A_1033 : i32 to index
      %get3A_1058 = arith.constant 48 : index
      %get3A_1059 = tpu.vector_load %arg6[%get3A_1056, %get3A_1057, %get3A_1058] {strides = array<i32>} : memref<8x100x64xf32, #tpu.memory_space<vmem>>, vector<1x1x16xf32>,
      %get3A_1060 = vector.shape_cast %get3A_1059 : vector<1x1x16xf32> to vector<16xf32>
      %add3A_1061 = arith.addf %add3A_1029, %get3A_1060 : vector<16xf32>
      scf.yield %add3A_1040, %add3A_1047, %add3A_1054, %add3A_1061 : vector<16xf32>, vector<16xf32>, vector<16xf32>, vector<16xf32>
    }
    %scan3A_845 = arith.constant 50 : i32
    %mul3A_846 = arith.constant 2.000000e-02 : f32
    %mul3A_847 = vector.broadcast %mul3A_846 : f32 to vector<16xf32>
    %mul3A_848 = arith.mulf %scan3A_844#0, %mul3A_847 : vector<16xf32>
    %swap3A_849 = arith.constant 509 : i32
    %swap3A_850 = arith.index_cast %swap3A_849 : i32 to index
    %swap3A_851 = arith.constant 0 : index
    %swap3A_852 = tpu.vector_load %arg7[%swap3A_850, %swap3A_851] {strides = array<i32>} : memref<512x64xf32, #tpu.memory_space<vmem>>, vector<1x16xf32>,
    %swap3A_853 = vector.shape_cast %swap3A_852 : vector<1x16xf32> to vector<16xf32>
    %swap3A_854 = vector.shape_cast %mul3A_848 : vector<16xf32> to vector<1x16xf32>
    tpu.vector_store %arg7[%swap3A_850, %swap3A_851], %swap3A_854 {strides = array<i32>} : memref<512x64xf32, #tpu.memory_space<vmem>>, vector<1x16xf32>,
    %mul3A_855 = arith.constant 2.000000e-02 : f32
    %mul3A_856 = vector.broadcast %mul3A_855 : f32 to vector<16xf32>
    %mul3A_857 = arith.mulf %scan3A_844#1, %mul3A_856 : vector<16xf32>
    %swap3A_858 = arith.constant 509 : i32
    %swap3A_859 = arith.index_cast %swap3A_858 : i32 to index
    %swap3A_860 = arith.constant 16 : index
    %swap3A_861 = tpu.vector_load %arg7[%swap3A_859, %swap3A_860] {strides = array<i32>} : memref<512x64xf32, #tpu.memory_space<vmem>>, vector<1x16xf32>,
    %swap3A_862 = vector.shape_cast %swap3A_861 : vector<1x16xf32> to vector<16xf32>
    %swap3A_863 = vector.shape_cast %mul3A_857 : vector<16xf32> to vector<1x16xf32>
    tpu.vector_store %arg7[%swap3A_859, %swap3A_860], %swap3A_863 {strides = array<i32>} : memref<512x64xf32, #tpu.memory_space<vmem>>, vector<1x16xf32>,
    %mul3A_864 = arith.constant 2.000000e-02 : f32
    %mul3A_865 = vector.broadcast %mul3A_864 : f32 to vector<16xf32>
    %mul3A_866 = arith.mulf %scan3A_844#2, %mul3A_865 : vector<16xf32>
    %swap3A_867 = arith.constant 509 : i32
    %swap3A_868 = arith.index_cast %swap3A_867 : i32 to index
    %swap3A_869 = arith.constant 32 : index
    %swap3A_870 = tpu.vector_load %arg7[%swap3A_868, %swap3A_869] {strides = array<i32>} : memref<512x64xf32, #tpu.memory_space<vmem>>, vector<1x16xf32>,
    %swap3A_871 = vector.shape_cast %swap3A_870 : vector<1x16xf32> to vector<16xf32>
    %swap3A_872 = vector.shape_cast %mul3A_866 : vector<16xf32> to vector<1x16xf32>
    tpu.vector_store %arg7[%swap3A_868, %swap3A_869], %swap3A_872 {strides = array<i32>} : memref<512x64xf32, #tpu.memory_space<vmem>>, vector<1x16xf32>,
    %mul3A_873 = arith.constant 2.000000e-02 : f32
    %mul3A_874 = vector.broadcast %mul3A_873 : f32 to vector<16xf32>
    %mul3A_875 = arith.mulf %scan3A_844#3, %mul3A_874 : vector<16xf32>
    %swap3A_876 = arith.constant 509 : i32
    %swap3A_877 = arith.index_cast %swap3A_876 : i32 to index
    %swap3A_878 = arith.constant 48 : index
    %swap3A_879 = tpu.vector_load %arg7[%swap3A_877, %swap3A_878] {strides = array<i32>} : memref<512x64xf32, #tpu.memory_space<vmem>>, vector<1x16xf32>,
    %swap3A_880 = vector.shape_cast %swap3A_879 : vector<1x16xf32> to vector<16xf32>
    %swap3A_881 = vector.shape_cast %mul3A_875 : vector<16xf32> to vector<1x16xf32>
    tpu.vector_store %arg7[%swap3A_877, %swap3A_878], %swap3A_881 {strides = array<i32>} : memref<512x64xf32, #tpu.memory_space<vmem>>, vector<1x16xf32>,
    %dma_wait3A_882 = arith.constant 255 : i32
    %dma_wait3A_883 = arith.constant 7 : i32
    %dma_wait3A_884 = arith.constant 0 : i32
    %dma_wait3A_885 = arith.constant 0 : i32
    %dma_wait3A_886 = tpu.memref_slice %arg6[%dma_wait3A_883, %dma_wait3A_884, %dma_wait3A_885] : memref<8x100x64xf32, #tpu.memory_space<vmem>> -> memref<1x100x64xf32, #tpu.memory_space<vmem>>
    %dma_wait3A_887 = tpu.memref_squeeze %dma_wait3A_886 : memref<1x100x64xf32, #tpu.memory_space<vmem>> -> memref<100x64xf32, #tpu.memory_space<vmem>>
    %dma_wait3A_888 = arith.constant 0 : i32
    %dma_wait3A_889 = tpu.memref_slice %arg5[%dma_wait3A_882, %dma_wait3A_888] : memref<256x100xi32, #tpu.memory_space<vmem>> -> memref<1x100xi32, #tpu.memory_space<vmem>>
    %dma_wait3A_890 = tpu.memref_squeeze %dma_wait3A_889 : memref<1x100xi32, #tpu.memory_space<vmem>> -> memref<100xi32, #tpu.memory_space<vmem>>
    %dma_wait3A_891 = arith.constant 0 : i32
    %dma_wait3A_892 = arith.constant 0 : i32
    %dma_wait3A_893 = tpu.memref_slice %arg3[%dma_wait3A_891, %dma_wait3A_892] : memref<1000000x64xf32, #tpu.memory_space<hbm>> -> memref<1000000x64xf32, #tpu.memory_space<hbm>>
    tpu.wait_indirect_dma semaphore(%arg15 : memref<!tpu.dma_semaphore, #tpu.memory_space<semaphore_mem>>) src(%dma_wait3A_893 : memref<1000000x64xf32, #tpu.memory_space<hbm>>) dst(%dma_wait3A_887 : memref<100x64xf32, #tpu.memory_space<vmem>>)
    %broadcast_in_dim3A_894 = arith.constant 0.000000e+00 : f32
    %broadcast_in_dim3A_895 = vector.broadcast %broadcast_in_dim3A_894 : f32 to vector<16xf32>
    %broadcast_in_dim3A_896 = arith.constant 0.000000e+00 : f32
    %broadcast_in_dim3A_897 = vector.broadcast %broadcast_in_dim3A_896 : f32 to vector<16xf32>
    %broadcast_in_dim3A_898 = arith.constant 0.000000e+00 : f32
    %broadcast_in_dim3A_899 = vector.broadcast %broadcast_in_dim3A_898 : f32 to vector<16xf32>
    %broadcast_in_dim3A_900 = arith.constant 0.000000e+00 : f32
    %broadcast_in_dim3A_901 = vector.broadcast %broadcast_in_dim3A_900 : f32 to vector<16xf32>
    %scan3A_902 = arith.constant 0 : i32
    %scan3A_903 = arith.constant 50 : i32
    %scan3A_904 = arith.addi %scan3A_902, %scan3A_903 : i32
    %scan3A_905 = arith.constant 2 : i32
    %scan3A_906:4 = scf.for %scan3A_996 = %scan3A_902 to %scan3A_904 step %scan3A_905 iter_args(%scan3A_997 = %broadcast_in_dim3A_895, %scan3A_998 = %broadcast_in_dim3A_897, %scan3A_999 = %broadcast_in_dim3A_899, %scan3A_1000 = %broadcast_in_dim3A_901) -> (vector<16xf32>, vector<16xf32>, vector<16xf32>, vector<16xf32>)  : i32 {
      %add3A_1001 = arith.constant 0 : i32
      %add3A_1002 = arith.addi %add3A_1001, %scan3A_996 : i32
      %get3A = arith.constant 7 : i32
      %get3A_1003 = arith.index_cast %get3A : i32 to index
      %get3A_1004 = arith.index_cast %add3A_1002 : i32 to index
      %get3A_1005 = arith.constant 0 : index
      %get3A_1006 = tpu.vector_load %arg6[%get3A_1003, %get3A_1004, %get3A_1005] {strides = array<i32>} : memref<8x100x64xf32, #tpu.memory_space<vmem>>, vector<1x1x16xf32>,
      %get3A_1007 = vector.shape_cast %get3A_1006 : vector<1x1x16xf32> to vector<16xf32>
      %add3A_1008 = arith.addf %scan3A_997, %get3A_1007 : vector<16xf32>
      %get3A_1009 = arith.constant 7 : i32
      %get3A_1010 = arith.index_cast %get3A_1009 : i32 to index
      %get3A_1011 = arith.index_cast %add3A_1002 : i32 to index
      %get3A_1012 = arith.constant 16 : index
      %get3A_1013 = tpu.vector_load %arg6[%get3A_1010, %get3A_1011, %get3A_1012] {strides = array<i32>} : memref<8x100x64xf32, #tpu.memory_space<vmem>>, vector<1x1x16xf32>,
      %get3A_1014 = vector.shape_cast %get3A_1013 : vector<1x1x16xf32> to vector<16xf32>
      %add3A_1015 = arith.addf %scan3A_998, %get3A_1014 : vector<16xf32>
      %get3A_1016 = arith.constant 7 : i32
      %get3A_1017 = arith.index_cast %get3A_1016 : i32 to index
      %get3A_1018 = arith.index_cast %add3A_1002 : i32 to index
      %get3A_1019 = arith.constant 32 : index
      %get3A_1020 = tpu.vector_load %arg6[%get3A_1017, %get3A_1018, %get3A_1019] {strides = array<i32>} : memref<8x100x64xf32, #tpu.memory_space<vmem>>, vector<1x1x16xf32>,
      %get3A_1021 = vector.shape_cast %get3A_1020 : vector<1x1x16xf32> to vector<16xf32>
      %add3A_1022 = arith.addf %scan3A_999, %get3A_1021 : vector<16xf32>
      %get3A_1023 = arith.constant 7 : i32
      %get3A_1024 = arith.index_cast %get3A_1023 : i32 to index
      %get3A_1025 = arith.index_cast %add3A_1002 : i32 to index
      %get3A_1026 = arith.constant 48 : index
      %get3A_1027 = tpu.vector_load %arg6[%get3A_1024, %get3A_1025, %get3A_1026] {strides = array<i32>} : memref<8x100x64xf32, #tpu.memory_space<vmem>>, vector<1x1x16xf32>,
      %get3A_1028 = vector.shape_cast %get3A_1027 : vector<1x1x16xf32> to vector<16xf32>
      %add3A_1029 = arith.addf %scan3A_1000, %get3A_1028 : vector<16xf32>
      %scan3A_1030 = arith.constant 1 : i32
      %scan3A_1031 = arith.addi %scan3A_996, %scan3A_1030 : i32
      %add3A_1032 = arith.constant 0 : i32
      %add3A_1033 = arith.addi %add3A_1032, %scan3A_1031 : i32
      %get3A_1034 = arith.constant 7 : i32
      %get3A_1035 = arith.index_cast %get3A_1034 : i32 to index
      %get3A_1036 = arith.index_cast %add3A_1033 : i32 to index
      %get3A_1037 = arith.constant 0 : index
      %get3A_1038 = tpu.vector_load %arg6[%get3A_1035, %get3A_1036, %get3A_1037] {strides = array<i32>} : memref<8x100x64xf32, #tpu.memory_space<vmem>>, vector<1x1x16xf32>,
      %get3A_1039 = vector.shape_cast %get3A_1038 : vector<1x1x16xf32> to vector<16xf32>
      %add3A_1040 = arith.addf %add3A_1008, %get3A_1039 : vector<16xf32>
      %get3A_1041 = arith.constant 7 : i32
      %get3A_1042 = arith.index_cast %get3A_1041 : i32 to index
      %get3A_1043 = arith.index_cast %add3A_1033 : i32 to index
      %get3A_1044 = arith.constant 16 : index
      %get3A_1045 = tpu.vector_load %arg6[%get3A_1042, %get3A_1043, %get3A_1044] {strides = array<i32>} : memref<8x100x64xf32, #tpu.memory_space<vmem>>, vector<1x1x16xf32>,
      %get3A_1046 = vector.shape_cast %get3A_1045 : vector<1x1x16xf32> to vector<16xf32>
      %add3A_1047 = arith.addf %add3A_1015, %get3A_1046 : vector<16xf32>
      %get3A_1048 = arith.constant 7 : i32
      %get3A_1049 = arith.index_cast %get3A_1048 : i32 to index
      %get3A_1050 = arith.index_cast %add3A_1033 : i32 to index
      %get3A_1051 = arith.constant 32 : index
      %get3A_1052 = tpu.vector_load %arg6[%get3A_1049, %get3A_1050, %get3A_1051] {strides = array<i32>} : memref<8x100x64xf32, #tpu.memory_space<vmem>>, vector<1x1x16xf32>,
      %get3A_1053 = vector.shape_cast %get3A_1052 : vector<1x1x16xf32> to vector<16xf32>
      %add3A_1054 = arith.addf %add3A_1022, %get3A_1053 : vector<16xf32>
      %get3A_1055 = arith.constant 7 : i32
      %get3A_1056 = arith.index_cast %get3A_1055 : i32 to index
      %get3A_1057 = arith.index_cast %add3A_1033 : i32 to index
      %get3A_1058 = arith.constant 48 : index
      %get3A_1059 = tpu.vector_load %arg6[%get3A_1056, %get3A_1057, %get3A_1058] {strides = array<i32>} : memref<8x100x64xf32, #tpu.memory_space<vmem>>, vector<1x1x16xf32>,
      %get3A_1060 = vector.shape_cast %get3A_1059 : vector<1x1x16xf32> to vector<16xf32>
      %add3A_1061 = arith.addf %add3A_1029, %get3A_1060 : vector<16xf32>
      scf.yield %add3A_1040, %add3A_1047, %add3A_1054, %add3A_1061 : vector<16xf32>, vector<16xf32>, vector<16xf32>, vector<16xf32>
    }
    %scan3A_907 = arith.constant 50 : i32
    %mul3A_908 = arith.constant 2.000000e-02 : f32
    %mul3A_909 = vector.broadcast %mul3A_908 : f32 to vector<16xf32>
    %mul3A_910 = arith.mulf %scan3A_906#0, %mul3A_909 : vector<16xf32>
    %swap3A_911 = arith.constant 510 : i32
    %swap3A_912 = arith.index_cast %swap3A_911 : i32 to index
    %swap3A_913 = arith.constant 0 : index
    %swap3A_914 = tpu.vector_load %arg7[%swap3A_912, %swap3A_913] {strides = array<i32>} : memref<512x64xf32, #tpu.memory_space<vmem>>, vector<1x16xf32>,
    %swap3A_915 = vector.shape_cast %swap3A_914 : vector<1x16xf32> to vector<16xf32>
    %swap3A_916 = vector.shape_cast %mul3A_910 : vector<16xf32> to vector<1x16xf32>
    tpu.vector_store %arg7[%swap3A_912, %swap3A_913], %swap3A_916 {strides = array<i32>} : memref<512x64xf32, #tpu.memory_space<vmem>>, vector<1x16xf32>,
    %mul3A_917 = arith.constant 2.000000e-02 : f32
    %mul3A_918 = vector.broadcast %mul3A_917 : f32 to vector<16xf32>
    %mul3A_919 = arith.mulf %scan3A_906#1, %mul3A_918 : vector<16xf32>
    %swap3A_920 = arith.constant 510 : i32
    %swap3A_921 = arith.index_cast %swap3A_920 : i32 to index
    %swap3A_922 = arith.constant 16 : index
    %swap3A_923 = tpu.vector_load %arg7[%swap3A_921, %swap3A_922] {strides = array<i32>} : memref<512x64xf32, #tpu.memory_space<vmem>>, vector<1x16xf32>,
    %swap3A_924 = vector.shape_cast %swap3A_923 : vector<1x16xf32> to vector<16xf32>
    %swap3A_925 = vector.shape_cast %mul3A_919 : vector<16xf32> to vector<1x16xf32>
    tpu.vector_store %arg7[%swap3A_921, %swap3A_922], %swap3A_925 {strides = array<i32>} : memref<512x64xf32, #tpu.memory_space<vmem>>, vector<1x16xf32>,
    %mul3A_926 = arith.constant 2.000000e-02 : f32
    %mul3A_927 = vector.broadcast %mul3A_926 : f32 to vector<16xf32>
    %mul3A_928 = arith.mulf %scan3A_906#2, %mul3A_927 : vector<16xf32>
    %swap3A_929 = arith.constant 510 : i32
    %swap3A_930 = arith.index_cast %swap3A_929 : i32 to index
    %swap3A_931 = arith.constant 32 : index
    %swap3A_932 = tpu.vector_load %arg7[%swap3A_930, %swap3A_931] {strides = array<i32>} : memref<512x64xf32, #tpu.memory_space<vmem>>, vector<1x16xf32>,
    %swap3A_933 = vector.shape_cast %swap3A_932 : vector<1x16xf32> to vector<16xf32>
    %swap3A_934 = vector.shape_cast %mul3A_928 : vector<16xf32> to vector<1x16xf32>
    tpu.vector_store %arg7[%swap3A_930, %swap3A_931], %swap3A_934 {strides = array<i32>} : memref<512x64xf32, #tpu.memory_space<vmem>>, vector<1x16xf32>,
    %mul3A_935 = arith.constant 2.000000e-02 : f32
    %mul3A_936 = vector.broadcast %mul3A_935 : f32 to vector<16xf32>
    %mul3A_937 = arith.mulf %scan3A_906#3, %mul3A_936 : vector<16xf32>
    %swap3A_938 = arith.constant 510 : i32
    %swap3A_939 = arith.index_cast %swap3A_938 : i32 to index
    %swap3A_940 = arith.constant 48 : index
    %swap3A_941 = tpu.vector_load %arg7[%swap3A_939, %swap3A_940] {strides = array<i32>} : memref<512x64xf32, #tpu.memory_space<vmem>>, vector<1x16xf32>,
    %swap3A_942 = vector.shape_cast %swap3A_941 : vector<1x16xf32> to vector<16xf32>
    %swap3A_943 = vector.shape_cast %mul3A_937 : vector<16xf32> to vector<1x16xf32>
    tpu.vector_store %arg7[%swap3A_939, %swap3A_940], %swap3A_943 {strides = array<i32>} : memref<512x64xf32, #tpu.memory_space<vmem>>, vector<1x16xf32>,
    %broadcast_in_dim3A_944 = arith.constant 0.000000e+00 : f32
    %broadcast_in_dim3A_945 = vector.broadcast %broadcast_in_dim3A_944 : f32 to vector<16xf32>
    %broadcast_in_dim3A_946 = arith.constant 0.000000e+00 : f32
    %broadcast_in_dim3A_947 = vector.broadcast %broadcast_in_dim3A_946 : f32 to vector<16xf32>
    %broadcast_in_dim3A_948 = arith.constant 0.000000e+00 : f32
    %broadcast_in_dim3A_949 = vector.broadcast %broadcast_in_dim3A_948 : f32 to vector<16xf32>
    %broadcast_in_dim3A_950 = arith.constant 0.000000e+00 : f32
    %broadcast_in_dim3A_951 = vector.broadcast %broadcast_in_dim3A_950 : f32 to vector<16xf32>
    %scan3A_952 = arith.constant 0 : i32
    %scan3A_953 = arith.constant 50 : i32
    %scan3A_954 = arith.addi %scan3A_952, %scan3A_953 : i32
    %scan3A_955 = arith.constant 2 : i32
    %scan3A_956:4 = scf.for %scan3A_996 = %scan3A_952 to %scan3A_954 step %scan3A_955 iter_args(%scan3A_997 = %broadcast_in_dim3A_945, %scan3A_998 = %broadcast_in_dim3A_947, %scan3A_999 = %broadcast_in_dim3A_949, %scan3A_1000 = %broadcast_in_dim3A_951) -> (vector<16xf32>, vector<16xf32>, vector<16xf32>, vector<16xf32>)  : i32 {
      %add3A_1001 = arith.constant 50 : i32
      %add3A_1002 = arith.addi %add3A_1001, %scan3A_996 : i32
      %get3A = arith.constant 7 : i32
      %get3A_1003 = arith.index_cast %get3A : i32 to index
      %get3A_1004 = arith.index_cast %add3A_1002 : i32 to index
      %get3A_1005 = arith.constant 0 : index
      %get3A_1006 = tpu.vector_load %arg6[%get3A_1003, %get3A_1004, %get3A_1005] {strides = array<i32>} : memref<8x100x64xf32, #tpu.memory_space<vmem>>, vector<1x1x16xf32>,
      %get3A_1007 = vector.shape_cast %get3A_1006 : vector<1x1x16xf32> to vector<16xf32>
      %add3A_1008 = arith.addf %scan3A_997, %get3A_1007 : vector<16xf32>
      %get3A_1009 = arith.constant 7 : i32
      %get3A_1010 = arith.index_cast %get3A_1009 : i32 to index
      %get3A_1011 = arith.index_cast %add3A_1002 : i32 to index
      %get3A_1012 = arith.constant 16 : index
      %get3A_1013 = tpu.vector_load %arg6[%get3A_1010, %get3A_1011, %get3A_1012] {strides = array<i32>} : memref<8x100x64xf32, #tpu.memory_space<vmem>>, vector<1x1x16xf32>,
      %get3A_1014 = vector.shape_cast %get3A_1013 : vector<1x1x16xf32> to vector<16xf32>
      %add3A_1015 = arith.addf %scan3A_998, %get3A_1014 : vector<16xf32>
      %get3A_1016 = arith.constant 7 : i32
      %get3A_1017 = arith.index_cast %get3A_1016 : i32 to index
      %get3A_1018 = arith.index_cast %add3A_1002 : i32 to index
      %get3A_1019 = arith.constant 32 : index
      %get3A_1020 = tpu.vector_load %arg6[%get3A_1017, %get3A_1018, %get3A_1019] {strides = array<i32>} : memref<8x100x64xf32, #tpu.memory_space<vmem>>, vector<1x1x16xf32>,
      %get3A_1021 = vector.shape_cast %get3A_1020 : vector<1x1x16xf32> to vector<16xf32>
      %add3A_1022 = arith.addf %scan3A_999, %get3A_1021 : vector<16xf32>
      %get3A_1023 = arith.constant 7 : i32
      %get3A_1024 = arith.index_cast %get3A_1023 : i32 to index
      %get3A_1025 = arith.index_cast %add3A_1002 : i32 to index
      %get3A_1026 = arith.constant 48 : index
      %get3A_1027 = tpu.vector_load %arg6[%get3A_1024, %get3A_1025, %get3A_1026] {strides = array<i32>} : memref<8x100x64xf32, #tpu.memory_space<vmem>>, vector<1x1x16xf32>,
      %get3A_1028 = vector.shape_cast %get3A_1027 : vector<1x1x16xf32> to vector<16xf32>
      %add3A_1029 = arith.addf %scan3A_1000, %get3A_1028 : vector<16xf32>
      %scan3A_1030 = arith.constant 1 : i32
      %scan3A_1031 = arith.addi %scan3A_996, %scan3A_1030 : i32
      %add3A_1032 = arith.constant 50 : i32
      %add3A_1033 = arith.addi %add3A_1032, %scan3A_1031 : i32
      %get3A_1034 = arith.constant 7 : i32
      %get3A_1035 = arith.index_cast %get3A_1034 : i32 to index
      %get3A_1036 = arith.index_cast %add3A_1033 : i32 to index
      %get3A_1037 = arith.constant 0 : index
      %get3A_1038 = tpu.vector_load %arg6[%get3A_1035, %get3A_1036, %get3A_1037] {strides = array<i32>} : memref<8x100x64xf32, #tpu.memory_space<vmem>>, vector<1x1x16xf32>,
      %get3A_1039 = vector.shape_cast %get3A_1038 : vector<1x1x16xf32> to vector<16xf32>
      %add3A_1040 = arith.addf %add3A_1008, %get3A_1039 : vector<16xf32>
      %get3A_1041 = arith.constant 7 : i32
      %get3A_1042 = arith.index_cast %get3A_1041 : i32 to index
      %get3A_1043 = arith.index_cast %add3A_1033 : i32 to index
      %get3A_1044 = arith.constant 16 : index
      %get3A_1045 = tpu.vector_load %arg6[%get3A_1042, %get3A_1043, %get3A_1044] {strides = array<i32>} : memref<8x100x64xf32, #tpu.memory_space<vmem>>, vector<1x1x16xf32>,
      %get3A_1046 = vector.shape_cast %get3A_1045 : vector<1x1x16xf32> to vector<16xf32>
      %add3A_1047 = arith.addf %add3A_1015, %get3A_1046 : vector<16xf32>
      %get3A_1048 = arith.constant 7 : i32
      %get3A_1049 = arith.index_cast %get3A_1048 : i32 to index
      %get3A_1050 = arith.index_cast %add3A_1033 : i32 to index
      %get3A_1051 = arith.constant 32 : index
      %get3A_1052 = tpu.vector_load %arg6[%get3A_1049, %get3A_1050, %get3A_1051] {strides = array<i32>} : memref<8x100x64xf32, #tpu.memory_space<vmem>>, vector<1x1x16xf32>,
      %get3A_1053 = vector.shape_cast %get3A_1052 : vector<1x1x16xf32> to vector<16xf32>
      %add3A_1054 = arith.addf %add3A_1022, %get3A_1053 : vector<16xf32>
      %get3A_1055 = arith.constant 7 : i32
      %get3A_1056 = arith.index_cast %get3A_1055 : i32 to index
      %get3A_1057 = arith.index_cast %add3A_1033 : i32 to index
      %get3A_1058 = arith.constant 48 : index
      %get3A_1059 = tpu.vector_load %arg6[%get3A_1056, %get3A_1057, %get3A_1058] {strides = array<i32>} : memref<8x100x64xf32, #tpu.memory_space<vmem>>, vector<1x1x16xf32>,
      %get3A_1060 = vector.shape_cast %get3A_1059 : vector<1x1x16xf32> to vector<16xf32>
      %add3A_1061 = arith.addf %add3A_1029, %get3A_1060 : vector<16xf32>
      scf.yield %add3A_1040, %add3A_1047, %add3A_1054, %add3A_1061 : vector<16xf32>, vector<16xf32>, vector<16xf32>, vector<16xf32>
    }
    %scan3A_957 = arith.constant 50 : i32
    %mul3A_958 = arith.constant 2.000000e-02 : f32
    %mul3A_959 = vector.broadcast %mul3A_958 : f32 to vector<16xf32>
    %mul3A_960 = arith.mulf %scan3A_956#0, %mul3A_959 : vector<16xf32>
    %swap3A_961 = arith.constant 511 : i32
    %swap3A_962 = arith.index_cast %swap3A_961 : i32 to index
    %swap3A_963 = arith.constant 0 : index
    %swap3A_964 = tpu.vector_load %arg7[%swap3A_962, %swap3A_963] {strides = array<i32>} : memref<512x64xf32, #tpu.memory_space<vmem>>, vector<1x16xf32>,
    %swap3A_965 = vector.shape_cast %swap3A_964 : vector<1x16xf32> to vector<16xf32>
    %swap3A_966 = vector.shape_cast %mul3A_960 : vector<16xf32> to vector<1x16xf32>
    tpu.vector_store %arg7[%swap3A_962, %swap3A_963], %swap3A_966 {strides = array<i32>} : memref<512x64xf32, #tpu.memory_space<vmem>>, vector<1x16xf32>,
    %mul3A_967 = arith.constant 2.000000e-02 : f32
    %mul3A_968 = vector.broadcast %mul3A_967 : f32 to vector<16xf32>
    %mul3A_969 = arith.mulf %scan3A_956#1, %mul3A_968 : vector<16xf32>
    %swap3A_970 = arith.constant 511 : i32
    %swap3A_971 = arith.index_cast %swap3A_970 : i32 to index
    %swap3A_972 = arith.constant 16 : index
    %swap3A_973 = tpu.vector_load %arg7[%swap3A_971, %swap3A_972] {strides = array<i32>} : memref<512x64xf32, #tpu.memory_space<vmem>>, vector<1x16xf32>,
    %swap3A_974 = vector.shape_cast %swap3A_973 : vector<1x16xf32> to vector<16xf32>
    %swap3A_975 = vector.shape_cast %mul3A_969 : vector<16xf32> to vector<1x16xf32>
    tpu.vector_store %arg7[%swap3A_971, %swap3A_972], %swap3A_975 {strides = array<i32>} : memref<512x64xf32, #tpu.memory_space<vmem>>, vector<1x16xf32>,
    %mul3A_976 = arith.constant 2.000000e-02 : f32
    %mul3A_977 = vector.broadcast %mul3A_976 : f32 to vector<16xf32>
    %mul3A_978 = arith.mulf %scan3A_956#2, %mul3A_977 : vector<16xf32>
    %swap3A_979 = arith.constant 511 : i32
    %swap3A_980 = arith.index_cast %swap3A_979 : i32 to index
    %swap3A_981 = arith.constant 32 : index
    %swap3A_982 = tpu.vector_load %arg7[%swap3A_980, %swap3A_981] {strides = array<i32>} : memref<512x64xf32, #tpu.memory_space<vmem>>, vector<1x16xf32>,
    %swap3A_983 = vector.shape_cast %swap3A_982 : vector<1x16xf32> to vector<16xf32>
    %swap3A_984 = vector.shape_cast %mul3A_978 : vector<16xf32> to vector<1x16xf32>
    tpu.vector_store %arg7[%swap3A_980, %swap3A_981], %swap3A_984 {strides = array<i32>} : memref<512x64xf32, #tpu.memory_space<vmem>>, vector<1x16xf32>,
    %mul3A_985 = arith.constant 2.000000e-02 : f32
    %mul3A_986 = vector.broadcast %mul3A_985 : f32 to vector<16xf32>
    %mul3A_987 = arith.mulf %scan3A_956#3, %mul3A_986 : vector<16xf32>
    %swap3A_988 = arith.constant 511 : i32
    %swap3A_989 = arith.index_cast %swap3A_988 : i32 to index
    %swap3A_990 = arith.constant 48 : index
    %swap3A_991 = tpu.vector_load %arg7[%swap3A_989, %swap3A_990] {strides = array<i32>} : memref<512x64xf32, #tpu.memory_space<vmem>>, vector<1x16xf32>,
    %swap3A_992 = vector.shape_cast %swap3A_991 : vector<1x16xf32> to vector<16xf32>
    %swap3A_993 = vector.shape_cast %mul3A_987 : vector<16xf32> to vector<1x16xf32>
    tpu.vector_store %arg7[%swap3A_989, %swap3A_990], %swap3A_993 {strides = array<i32>} : memref<512x64xf32, #tpu.memory_space<vmem>>, vector<1x16xf32>,
    %mul3A_994 = arith.constant 512 : i32
    %mul3A_995 = arith.muli %add3A, %mul3A_994 : i32
    "tpu.region"() ({
      %run_scoped3A = tpu.sem_alloc : memref<!tpu.dma_semaphore, #tpu.memory_space<semaphore_mem>>
      %dma_start3A_996 = arith.constant 0 : i32
      %dma_start3A_997 = tpu.memref_slice %arg4[%mul3A_995, %dma_start3A_996] : memref<16384x64xf32, #tpu.memory_space<hbm>> -> memref<512x64xf32, #tpu.memory_space<hbm>>
      %dma_start3A_998 = arith.constant 0 : i32
      %dma_start3A_999 = tpu.memref_slice %arg4[%mul3A_995, %dma_start3A_998] : memref<16384x64xf32, #tpu.memory_space<hbm>> -> memref<512x64xf32, #tpu.memory_space<hbm>>
      tpu.enqueue_dma source(%arg7 : memref<512x64xf32, #tpu.memory_space<vmem>>) target(%dma_start3A_999 : memref<512x64xf32, #tpu.memory_space<hbm>>) target_semaphore(%run_scoped3A : memref<!tpu.dma_semaphore, #tpu.memory_space<semaphore_mem>>)
      %dma_wait3A_1000 = arith.constant 0 : i32
      %dma_wait3A_1001 = tpu.memref_slice %arg4[%mul3A_995, %dma_wait3A_1000] : memref<16384x64xf32, #tpu.memory_space<hbm>> -> memref<512x64xf32, #tpu.memory_space<hbm>>
      %dma_wait3A_1002 = arith.constant 0 : i32
      %dma_wait3A_1003 = tpu.memref_slice %arg4[%mul3A_995, %dma_wait3A_1002] : memref<16384x64xf32, #tpu.memory_space<hbm>> -> memref<512x64xf32, #tpu.memory_space<hbm>>
      tpu.wait_dma2 semaphore(%run_scoped3A : memref<!tpu.dma_semaphore, #tpu.memory_space<semaphore_mem>>) src(%arg7 : memref<512x64xf32, #tpu.memory_space<vmem>>) dst(%dma_wait3A_1003 : memref<512x64xf32, #tpu.memory_space<hbm>>)
      tpu.yield
    }) : () -> ()
    return
  }
}

module attributes {stable_mosaic.version = 14 : i64} {
  func.func @mm(%arg0: i32, %arg1: memref<2048x64xf32, #tpu.memory_space<vmem>>, %arg2: memref<20x64xf32, #tpu.memory_space<vmem>>, %arg3: memref<1x20xf32, #tpu.memory_space<vmem>>, %arg4: memref<2048x20xf32, #tpu.memory_space<vmem>>) attributes {dimension_semantics = [#tpu.dimension_semantics<arbitrary>], iteration_bounds = array<i64: 8>, scalar_prefetch = 0 : i64, scratch_operands = 0 : i64, tpu.core_type = #tpu.core_type<tc>, window_params = [{transform_indices = @transform_0, window_bounds = array<i64: 2048, 64>}, {pipeline_mode = #tpu.pipeline_mode<synchronous>, transform_indices = @transform_1, window_bounds = array<i64: 20, 64>}, {pipeline_mode = #tpu.pipeline_mode<synchronous>, transform_indices = @transform_2, window_bounds = array<i64: 1, 20>}, {transform_indices = @transform_3, window_bounds = array<i64: 2048, 20>}]} {
    %get3A = arith.constant 0 : index
    %get3A_0 = arith.constant 0 : index
    %get3A_1 = vector.load %arg1[%get3A, %get3A_0] : memref<2048x64xf32, #tpu.memory_space<vmem>>, vector<2048x64xf32>
    %get3A_2 = arith.constant 0 : index
    %get3A_3 = arith.constant 0 : index
    %get3A_4 = vector.load %arg2[%get3A_2, %get3A_3] : memref<20x64xf32, #tpu.memory_space<vmem>>, vector<20x64xf32>
    %dot_general3A = arith.constant dense<0.000000e+00> : vector<2048x20xf32>
    %dot_general3A_5 = tpu.matmul %get3A_1, %get3A_4, %dot_general3A {dimension_numbers = #tpu.dot_dimension_numbers<[1], [1], [0], [0], [0, 0, 1, 0], [], []>, transpose_lhs_hint = false} : vector<2048x64xf32>, vector<20x64xf32>, vector<2048x20xf32> -> vector<2048x20xf32>
    %get3A_6 = arith.constant 0 : index
    %get3A_7 = arith.constant 0 : index
    %get3A_8 = vector.load %arg3[%get3A_6, %get3A_7] : memref<1x20xf32, #tpu.memory_space<vmem>>, vector<1x20xf32>
    %add3A = vector.broadcast %get3A_8 : vector<1x20xf32> to vector<2048x20xf32>
    %add3A_9 = arith.addf %dot_general3A_5, %add3A : vector<2048x20xf32>
    %swap3A = arith.constant 0 : index
    %swap3A_10 = arith.constant 0 : index
    %swap3A_11 = vector.load %arg4[%swap3A, %swap3A_10] : memref<2048x20xf32, #tpu.memory_space<vmem>>, vector<2048x20xf32>
    tpu.vector_store %arg4[%swap3A, %swap3A_10], %add3A_9 {strides = array<i32>} : memref<2048x20xf32, #tpu.memory_space<vmem>>, vector<2048x20xf32>,
    return
  }
  func.func @transform_0(%arg0: i32) -> (i32, i32) {
    %c0_i32 = arith.constant 0 : i32
    %c0_i32_0 = arith.constant 0 : i32
    return %arg0, %c0_i32 : i32, i32
  }
  func.func @transform_1(%arg0: i32) -> (i32, i32) {
    %c0_i32 = arith.constant 0 : i32
    %c0_i32_0 = arith.constant 0 : i32
    %c0_i32_1 = arith.constant 0 : i32
    return %c0_i32, %c0_i32_0 : i32, i32
  }
  func.func @transform_2(%arg0: i32) -> (i32, i32) {
    %c0_i32 = arith.constant 0 : i32
    %c0_i32_0 = arith.constant 0 : i32
    %c0_i32_1 = arith.constant 0 : i32
    return %c0_i32, %c0_i32_0 : i32, i32
  }
  func.func @transform_3(%arg0: i32) -> (i32, i32) {
    %c0_i32 = arith.constant 0 : i32
    %c0_i32_0 = arith.constant 0 : i32
    return %arg0, %c0_i32 : i32, i32
  }
}

</mosaic_0001>

<sc_bundles>
// kernel: kernel.4.cloned.1.call-start
scs
__scs_entry_jumppad:
0x0: {  	(pc) =	sbr.rel $0x88, $3  }
0x1: {  	(tag) =	ssettag $0x0;
	lr =	simm.s32 $0x1  }
0x2: {  	[smem:$0x3F9D] =	sst lr;
	_ =	strace $0xD0000000  }
0x3: {  	_ = 	snop  }
0x4: {  	_ = 	snop  }
0x5: {  	_ = 	snop  }
0x6: {  	_ = 	snop  }
0x7: {  	_ = 	snop  }
__scs_overlays_trampoline_lowered:
0x8: {  	[smem:$0x3FAC] =	sst s0  }
0x9: {  	[smem:$0x3FAD] =	sst s1  }
0xa: {  	[smem:$0x3FAE] =	sst s2  }
0xb: {  	[smem:$0x3FAF] =	sst s3  }
0xc: {  	[smem:$0x3FB0] =	sst s4  }
0xd: {  	[smem:$0x3FB1] =	sst s5  }
0xe: {  	[smem:$0x3FB2] =	sst s6  }
0xf: {  	[smem:$0x3FB3] =	sst s7  }
0x10: {  	[smem:$0x3FB4] =	sst s8  }
0x11: {  	[smem:$0x3FB5] =	sst s9;
	s0 =	simm.s32 @!p0 $0x0  }
0x12: {  	s1 =	sld [smem:$0x3F9B];
	s0 =	simm.s32 @p0 $0x1  }
0x13: {  	[smem:$0x3FB6] =	sst s0;
	s0 =	simm.s32 @!p1 $0x0  }
0x14: {  	s2 =	sld [smem:$0x3F9A];
	s0 =	simm.s32 @p1 $0x1  }
0x15: {  	[smem:$0x3FB7] =	sst s0;
	s0 =	simm.s32 @!p2 $0x0  }
0x16: {  	s3 =	sld [smem:$0x3FDB];
	s0 =	simm.s32 @p2 $0x1  }
0x17: {  	s4 =	simm.s32 $0x1BF5;
	[smem:$0x3FB9] =	sst s0  }
0x18: {  	s0 =	sld [smem:$0x3F9C];
	_ =	swait.ge [sflag:s4], $0x0  }
0x19: {  	s7 =	sld [smem:$0x3F9D]  }
0x1a: {  	s8 =	sadd.s32 $0xFFFFE003, lr  }
0x1b: {  	s9 =	sadd.s32 $0xFFFFFEF7, lr;
	s5 =	simm.s32 $0xFFFFFFFF;
	p2 =	slt.u32 s8, $0xFFFFF086  }
0x1c: {  	p1 =	slt.u32 s9, $0xF7A;
	s5 =	simm.s32 @!p2 $0x0  }
0x1d: {  	s5 =	simm.s32 @p1 $0x1;
	p0 =	seq.s32 s7, s2  }
0x1e: {  	s7 =	smul.u32 @!p0 $0xF7A, s2;
	p2 =	seq.s32 @!p0 s5, $0x0  }
0x1f: {  	s9 =	smul.u32 $0xF7A, s1;
	s8 =	simm.s32 @!p0 $0x1BF5;
	p2 =	por !p2, p0  }
0x20: {  	[sflag:s8] =	ssyncset.s32 @!p0 $0xFFFFF086;
	s6 =	sadd.s32 @!p0 s3, s7;
	s7 =	simm.s32 @!p0 $0x108  }
0x21: {  	s3 =	sadd.s32 s3, s9;
	s6 =	sadd.s32 @!p0 $0x88, s6;
	s7 =	simm.s32 @p2 $0x1082  }
0x22: {  	[simem:s7], [sflag:s8] =	dma.local @!p0 [hbm:s6], $0xF7A  }
0x23: {  	s9 =	sor.u32 $0xD0000000, s2;
	s6 =	simm.s32 $0x108;
	_ =	swait.ge @!p0 [sflag:s8], $0x0  }
0x24: {  	s3 =	sadd.s32 $0x88, s3;
	s6 =	simm.s32 @!p1 $0x1082;
	[sflag:s4] =	ssyncset.s32 $0xFFFFF086  }
0x25: {  	[simem:s6], [sflag:s4] =	dma.local [hbm:s3], $0xF7A  }
0x26: {  	[smem:$0x3F9D] =	sst s1;
	(tag) =	ssettag s2;
	_ =	strace s9  }
0x27: {  	s1 =	sld [smem:$0x3FAD]  }
0x28: {  	s2 =	sld [smem:$0x3FAE]  }
0x29: {  	s4 =	sld [smem:$0x3FB0]  }
0x2a: {  	p0 =	seq.s32 s5, $0x0;
	s5 =	sld [smem:$0x3FB1]  }
0x2b: {  	s6 =	sld [smem:$0x3FB2]  }
0x2c: {  	s7 =	sld [smem:$0x3FB3]  }
0x2d: {  	s3 =	simm.s32 $0x108;
	s8 =	sld [smem:$0x3FB4]  }
0x2e: {  	s3 =	simm.s32 @!p0 $0x1082;
	s9 =	sld [smem:$0x3FB5]  }
0x2f: {  	lr =	sadd.s32 s0, s3;
	s0 =	sld [smem:$0x3FAC]  }
0x30: {  	s3 =	sld [smem:$0x3FAF]  }
0x31: {  	[smem:$0x3FB8] =	sst s10  }
0x32: {  	s10 =	sld [smem:$0x3FB6];
	_ =	sdelay $0x3  }
0x33: {  	p0 =	seq.s32 s10, $0x1;
	s10 =	sld [smem:$0x3FB8];
	_ =	sdelay $0x3  }
0x34: {  	[smem:$0x3FB8] =	sst s10  }
0x35: {  	s10 =	sld [smem:$0x3FB7];
	_ =	sdelay $0x3  }
0x36: {  	p1 =	seq.s32 s10, $0x1;
	s10 =	sld [smem:$0x3FB8];
	_ =	sdelay $0x3  }
0x37: {  	[smem:$0x3FB8] =	sst s10  }
0x38: {  	s10 =	sld [smem:$0x3FB9]  }
0x39: {  	_ = 	snop;
	(pc) =	sbr.ind lr, $3  }
0x3a: {  	_ = 	snop  }
0x3b: {  	_ = 	snop  }
0x3c: {  	p2 =	seq.s32 s10, $0x1;
	s10 =	sld [smem:$0x3FB8]  }
0x3d: {  	_ =	shalt  }
0x3e: {  	_ =	shalt  }
0x3f: {  	_ =	shalt  }
0x40: {  	_ =	shalt  }
0x41: {  	_ =	shalt  }
0x42: {  	_ =	shalt  }
0x43: {  	_ =	shalt  }
0x44: {  	_ =	shalt  }
0x45: {  	_ =	shalt  }
0x46: {  	_ =	shalt  }
0x47: {  	_ =	shalt  }
0x48: {  	_ =	shalt  }
0x49: {  	_ =	shalt  }
0x4a: {  	_ =	shalt  }
0x4b: {  	_ =	shalt  }
0x4c: {  	_ =	shalt  }
0x4d: {  	_ =	shalt  }
0x4e: {  	_ =	shalt  }
0x4f: {  	_ =	shalt  }
0x50: {  	_ =	shalt  }
0x51: {  	_ =	shalt  }
0x52: {  	_ =	shalt  }
0x53: {  	_ =	shalt  }
0x54: {  	_ =	shalt  }
0x55: {  	_ =	shalt  }
0x56: {  	_ =	shalt  }
0x57: {  	_ =	shalt  }
0x58: {  	_ =	shalt  }
0x59: {  	_ =	shalt  }
0x5a: {  	_ =	shalt  }
0x5b: {  	_ =	shalt  }
0x5c: {  	_ =	shalt  }
0x5d: {  	_ =	shalt  }
0x5e: {  	_ =	shalt  }
0x5f: {  	_ =	shalt  }
0x60: {  	_ =	shalt  }
0x61: {  	_ =	shalt  }
0x62: {  	_ =	shalt  }
0x63: {  	_ =	shalt  }
0x64: {  	_ =	shalt  }
0x65: {  	_ =	shalt  }
0x66: {  	_ =	shalt  }
0x67: {  	_ =	shalt  }
0x68: {  	_ =	shalt  }
0x69: {  	_ =	shalt  }
0x6a: {  	_ =	shalt  }
0x6b: {  	_ =	shalt  }
0x6c: {  	_ =	shalt  }
0x6d: {  	_ =	shalt  }
0x6e: {  	_ =	shalt  }
0x6f: {  	_ =	shalt  }
0x70: {  	_ =	shalt  }
0x71: {  	_ =	shalt  }
0x72: {  	_ =	shalt  }
0x73: {  	_ =	shalt  }
0x74: {  	_ =	shalt  }
0x75: {  	_ =	shalt  }
0x76: {  	_ =	shalt  }
0x77: {  	_ =	shalt  }
0x78: {  	_ =	shalt  }
0x79: {  	_ =	shalt  }
0x7a: {  	_ =	shalt  }
0x7b: {  	_ =	shalt  }
0x7c: {  	_ =	shalt  }
0x7d: {  	_ =	shalt  }
0x7e: {  	_ =	shalt  }
0x7f: {  	_ =	shalt  }
0x80: {  	_ =	shalt  }
0x81: {  	_ =	shalt  }
0x82: {  	_ =	shalt  }
0x83: {  	_ =	shalt  }
0x84: {  	_ =	shalt  }
0x85: {  	_ =	shalt  }
0x86: {  	_ =	shalt  }
0x87: {  	_ =	shalt  }
.Lfunc_end0:
.L_simem_size_0:
called_computation_lowered:
.L_overlay_start_0:
0x88: {  	s2 =	sld [smem:$0x3FD9]  }
0x89: {  	s3 =	sld [smem:$0x3FFE];
	_ =	sdelay $0x1  }
0x8a: {  	s1 =	srdreg.scid  }
0x8b: {  	s0 =	sand.u32 $0x1, s1  }
0x8c: {  	s16 =	sshll.u32 s0, $0xA;
	s2 =	sadd.s32 s3, s2  }
0x8d: {  	s2 =	sadd.s32 s2, s16  }
0x8e: {  	[smem:$0x3FC4] =	sst s2  }
0x8f: {  	_ = 	snop  }
0x90: {  	(tm) =	ssettm $0x1  }
0x91: {  	s17 =	sld [smem:$0x3FFB];
	_ =	sdelay $0x3  }
0x92: {  	_ =	strace s17  }
0x93: {  	s2 =	sld [smem:$0x3FFC];
	_ =	sdelay $0x3  }
0x94: {  	_ =	strace s2  }
0x95: {  	s2 =	sld [smem:$0x3FFD];
	_ =	sdelay $0x3  }
0x96: {  	_ =	strace s2  }
0x97: {  	_ =	strace $0x8FFFFFFF  }
0x98: {  	s18 =	sld [smem:$0x3FDB];
	_ =	sdelay $0x1  }
0x99: {  	s19 =	simm.s32 $_scs_section_size  }
0x9a: {  	s4 =	simm.s32 $_size__tile_overlayer_lowered;
	s5 =	simm.s32 $_tile_overlayer_lowered  }
0x9b: {  	s22 =	simm.s32 $0x1BFF;
	s21 =	sshll.u32 s5, $0x1;
	s2 =	sadd.s32 s19, s18  }
0x9c: {  	s6 =	simm.s32 $0x0;
	s20 =	sshll.u32 s4, $0x1;
	s4 =	sadd.s32 s21, s2  }
0x9d: {  	[timem:s6], [sflag:s22] =	dma.local [hbm:s4], s20  }
0x9e: {  	_ =	swait.ge [sflag:s22], s20  }
0x9f: {  	s3 =	ssub.s32 $0x0, s20;
	[sflag:s22] =	ssyncset.done $0x0  }
0xa0: {  	[sflag:s22] =	ssyncadd.s32 s3;
	_ =	sdelay $0x1  }
0xa1: {  	s23 =	simm.s32 $0x1B8B  }
0xa2: {  	_ =	swait.ge [sflag:s23], $0x1  }
0xa3: {  	[sflag:s23] =	ssyncset.done $0x0  }
0xa4: {  	s25 =	simm.s32 $0x1B8E;
	s24 =	sld [smem:$0x3FFE];
	[sflag:s23] =	ssyncadd.s32 $0xFFFFFFFF  }
0xa5: {  	s26 =	simm.s32 $execute0_lowered;
	[smem:$0x3FD2] =	sst s25  }
0xa6: {  	s4 =	sshll.u32 s26, $0x1;
	_ =	strace $0x80000046;
	[dreg:$0x1] =	wrdreg $0xFFFFFFFF  }
0xa7: {  	s28 =	simm.s32 $_size_execute0_lowered;
	s2 =	sadd.s32 s2, s4;
	[dreg:$0x0] =	wrdreg $0x0  }
0xa8: {  	s4 =	sshll.u32 s28, $0x1;
	[dreg:$0x2] =	wrdreg s2  }
0xa9: {  	[dreg:$0x3] =	wrdreg s4  }
0xaa: {  	[dreg:$0x4] =	wrdreg $0xC0  }
0xab: {  	_ =	task [dreg:s6], $0x5FFFF  }
0xac: {  	[dreg:$0x1] =	wrdreg $0xFFFFFFFF  }
0xad: {  	[dreg:$0x0] =	wrdreg $0x60  }
0xae: {  	[dreg:$0x2] =	wrdreg s24  }
0xaf: {  	[dreg:$0x3] =	wrdreg $0x9  }
0xb0: {  	_ =	task.clear_ibuf [dreg:s6], $0x4FFFF;
	_ =	strace $0x90000046  }
0xb1: {  	s29 =	simm.s32 $0x9;
	_ =	strace $0x80000048  }
0xb2: {  	_ =	swait.ge [sflag:s29], $0x1  }
0xb3: {  	[sflag:s29] =	ssyncadd.s32 $0xFFFFFFFF  }
0xb4: {  	_ =	strace $0x90000048  }
0xb5: {  	_ =	sfence  }
0xb6: {  	s30 =	sld [smem:$0x0];
	_ =	sdelay $0x2  }
0xb7: {  	s31 =	sshll.u32 s1, $0xD;
	s1 =	sshrl.u32 s1, $0x2  }
0xb8: {  	s3 =	sand.u32 $0x4000, s31;
	s1 =	sadd.s32 s1, s30  }
0xb9: {  	s0 =	sor.u32 s3, s0;
	s1 =	sshll.u32 s1, $0x11  }
0xba: {  	s0 =	sor.u32 s1, s0  }
0xbb: {  	s0 =	sadd.s32 $0x8F2B, s0  }
0xbc: {  	[sflag:s0] =	ssyncadd.remote.s32 $0x1  }
0xbd: {  	_ =	sfence.sel $0xFFFF  }
0xbe: {  	[dreg:$0x0] =	wrdreg $0xFFFFFFFF;
	(pc) =	sbr.abs _section_cstart, $3  }
0xbf: {  	[dreg:$0x1] =	wrdreg $0xFFFFFFFF  }
0xc0: {  	_ =	task.clear_ibuf [dreg:s6], $0x2FFFF;
	_ =	strace $0x9FFFFFFF  }
0xc1: {  	(tm) =	ssettm $0x7FFFFFFF  }
tec
execute0_lowered:
.L_overlay_start_1:
0x0: {  	(tag) =	ssettag $0x1  }
0x1: {  	s0 =	srdreg.scid;
	s1 =	rddreg [dreg:$0x0]  }
0x2: {  	s4 =	stileid.u32;
	s2 =	simm.s32 $0x0;
	s7 =	simm.s32 $0x9  }
0x3: {  	s8 =	simm.s32 $0x64;
	s9 =	simm.s32 $0x6800;
	s11 =	simm.s32 $0x8100  }
0x4: {  	s13 =	simm.s32 $0x9A00;
	s15 =	simm.s32 $0xB300;
	s17 =	simm.s32 $0xCC00  }
0x5: {  	s19 =	simm.s32 $0xE500;
	s21 =	simm.s32 $0xFE00;
	s22 =	simm.s32 $0x2D8  }
0x6: {  	s23 =	simm.s32 $0x11700;
	s24 =	simm.s32 $0x1;
	s25 =	simm.s32 $0x2  }
0x7: {  	s26 =	simm.s32 $0x3;
	s28 =	simm.s32 $0x4;
	s29 =	simm.s32 $0x5  }
0x8: {  	s30 =	simm.s32 $0x6;
	s31 =	simm.s32 $0x7;
	s0 =	sand.u32 $0x1, s0  }
0x9: {  	s10 =	simm.s32 $0x0;
	s3 =	sshll.u32 s0, $0x4;
	s0 =	ssub.s32 $0x2, s0  }
0xa: {  	[smem:$0x7FF] =	sst s2;
	s3 =	sor.u32 s4, s3;
	s6 =	sshrl.u32 s0, $0x1  }
0xb: {  	_ =	strace $0x80000047;
	s4 =	smul.u32 $0xD00, s3;
	s0 =	ssub.s32 s0, s6  }
0xc: {  	s5 =	sshll.u32 s3, $0xC;
	s3 =	sadd.s32 $0xF42E00, s1;
	s6 =	smax.u32 s0, $0x1  }
0xd: {  	s0 =	simm.s32 $0x8;
	s4 =	sadd.s32 s4, s1;
	s1 =	sadd.s32 s5, s1  }
0xe: {  	s4 =	sadd.s32 $0xA00, s4;
	s5 =	sadd.s32 $0x1AA00, s1;
	s1 =	simm.s32 $0x13000  }
.LBB2_1:
0xf: {  	[tilespmem:s2], [sflag:$0x9] =	stream.linear.gather [hbm4b:s4+s2], $0x6800, $0x38;
	[tilespmem:$0x1B000] =	vst v63  }
0x10: {  	_ =	swait.ge [sflag:s7], $0x6800  }
0x11: {  	[sflag:s7] =	ssyncset.done $0x0  }
0x12: {  	[sflag:s7] =	ssyncadd.s32 $0xFFFF9800  }
0x13: {  	[tilespmem:s9], [sflag:$0x1] =	stream.indirect.gather [hbm4b:s3+s8], $0x40, s2, s8, $0xb8;
	[tilespmem:$0x1B000] =	vst v63  }
0x14: {  	s12 =	simm.s32 $0x68  }
0x15: {  	[tilespmem:s11], [sflag:$0x2] =	stream.indirect.gather [hbm4b:s3+s8], $0x40, s12, s8, $0xb8;
	[tilespmem:$0x1B000] =	vst v63  }
0x16: {  	s20 =	simm.s32 $0xD0  }
0x17: {  	[tilespmem:s13], [sflag:$0x3] =	stream.indirect.gather [hbm4b:s3+s8], $0x40, s20, s8, $0xb8;
	[tilespmem:$0x1B000] =	vst v63  }
0x18: {  	s14 =	simm.s32 $0x138  }
0x19: {  	[tilespmem:s15], [sflag:$0x4] =	stream.indirect.gather [hbm4b:s3+s8], $0x40, s14, s8, $0xb8;
	[tilespmem:$0x1B000] =	vst v63  }
0x1a: {  	s16 =	simm.s32 $0x1A0  }
0x1b: {  	[tilespmem:s17], [sflag:$0x5] =	stream.indirect.gather [hbm4b:s3+s8], $0x40, s16, s8, $0xb8;
	[tilespmem:$0x1B000] =	vst v63  }
0x1c: {  	s18 =	simm.s32 $0x208  }
0x1d: {  	[tilespmem:s19], [sflag:$0x6] =	stream.indirect.gather [hbm4b:s3+s8], $0x40, s18, s8, $0xb8;
	[tilespmem:$0x1B000] =	vst v63  }
0x1e: {  	s20 =	simm.s32 $0x270  }
0x1f: {  	[tilespmem:s21], [sflag:$0x7] =	stream.indirect.gather [hbm4b:s3+s8], $0x40, s20, s8, $0xb8;
	[tilespmem:$0x1B000] =	vst v63  }
0x20: {  	s12 =	simm.s32 $0x0  }
0x21: {  	[tilespmem:s23], [sflag:$0x8] =	stream.indirect.gather [hbm4b:s3+s8], $0x40, s22, s8, $0xb8;
	[tilespmem:$0x1B000] =	vst v63  }
.LBB2_2:
0x22: {  	_ =	swait.ge [sflag:s24], $0x1900  }
0x23: {  	[sflag:s24] =	ssyncset.done $0x0  }
0x24: {  	s16 =	simm.s32 $0x6840;
	[sflag:s24] =	ssyncadd.s32 $0xFFFFE700  }
0x25: {  	v1 =	vld [tilespmem:s16+$0x0]  }
0x26: {  	v2 =	vld [tilespmem:s16+$0x10]  }
0x27: {  	v0 =	vld [tilespmem:s16+$0xFFFFFFC0]  }
0x28: {  	v3 =	vld [tilespmem:s16+$0xFFFFFFD0]  }
0x29: {  	v5 =	vld [tilespmem:s16+$0xFFFFFFE0]  }
0x2a: {  	v7 =	vld [tilespmem:s16+$0xFFFFFFF0]  }
0x2b: {  	v8 =	vimm.f32 $0.0e+00;
	v4 =	vld [tilespmem:s16+$0x20]  }
0x2c: {  	s14 =	simm.s32 $0x0;
	v10 =	vimm.f32 $0.0e+00;
	v11 =	vimm.f32 $0.0e+00;
	v9 =	vimm.f32 $0.0e+00;
	v6 =	vld [tilespmem:s16+$0x30];
	s16 =	simm.s32 $0x68C0  }
.LBB2_3:
0x2d: {  	v12 =	vld [tilespmem:s16+$0x0]  }
0x2e: {  	v8 =	vadd.f32 v0, v8;
	v10 =	vadd.f32 v3, v10;
	s14 =	sadd.s32 $0x2, s14;
	v13 =	vld [tilespmem:s16+$0x10]  }
0x2f: {  	v11 =	vadd.f32 v5, v11;
	p0 =	slt.u32 s14, $0x30;
	v0 =	vld [tilespmem:s16+$0xFFFFFFC0];
	v7 =	vadd.f32 v7, v9  }
.Ltmp0:
0x30: {  	v8 =	vadd.f32 v1, v8;
	v10 =	vadd.f32 v2, v10;
	v3 =	vld [tilespmem:s16+$0xFFFFFFD0];
	(pc) =	sbr.rel @p0 .LBB2_3-.Ltmp0, $4  }
0x31: {  	v11 =	vadd.f32 v4, v11;
	v5 =	vld [tilespmem:s16+$0xFFFFFFE0];
	v9 =	vadd.f32 v6, v7  }
0x32: {  	v7 =	vld [tilespmem:s16+$0xFFFFFFF0];
	v1 =	vmov v12  }
0x33: {  	v4 =	vld [tilespmem:s16+$0x20];
	v2 =	vmov v13  }
0x34: {  	v6 =	vld [tilespmem:s16+$0x30];
	s16 =	sadd.s32 $0x80, s16  }
0x35: {  	v0 =	vadd.f32 v0, v8  }
0x36: {  	v3 =	vadd.f32 v3, v10  }
0x37: {  	v5 =	vadd.f32 v5, v11;
	v0 =	vadd.f32 v1, v0  }
0x38: {  	v1 =	vadd.f32 v7, v9;
	v2 =	vadd.f32 v2, v3  }
0x39: {  	s14 =	sshll.u32 s12, $0xC;
	v3 =	vadd.f32 v4, v5;
	v0 =	vmul.f32 $1.999999960e-02, v0  }
0x3a: {  	s14 =	sshra.s32 s14, $0x2;
	v1 =	vadd.f32 v6, v1;
	v2 =	vmul.f32 $1.999999960e-02, v2  }
0x3b: {  	[tilespmem:s14+$0x13000] =	vst v0;
	v0 =	vmul.f32 $1.999999960e-02, v3  }
0x3c: {  	[tilespmem:s14+$0x13010] =	vst v2;
	v1 =	vmul.f32 $1.999999960e-02, v1  }
0x3d: {  	[tilespmem:s14+$0x13020] =	vst v0  }
0x3e: {  	s18 =	simm.s32 $0x74F0;
	[tilespmem:s14+$0x13030] =	vst v1  }
0x3f: {  	v1 =	vld [tilespmem:s18+$0xFFFFFFD0]  }
0x40: {  	v2 =	vld [tilespmem:s18+$0xFFFFFFE0]  }
0x41: {  	v0 =	vld [tilespmem:s18+$0xFFFFFF90]  }
0x42: {  	v3 =	vld [tilespmem:s18+$0xFFFFFFA0]  }
0x43: {  	v5 =	vld [tilespmem:s18+$0xFFFFFFB0]  }
0x44: {  	v6 =	vld [tilespmem:s18+$0xFFFFFFC0]  }
0x45: {  	v8 =	vimm.f32 $0.0e+00;
	v4 =	vld [tilespmem:s18+$0xFFFFFFF0]  }
0x46: {  	s16 =	simm.s32 $0x0;
	v10 =	vimm.f32 $0.0e+00;
	v11 =	vimm.f32 $0.0e+00;
	v9 =	vimm.f32 $0.0e+00;
	v7 =	vld [tilespmem:s18+$0x0];
	s18 =	simm.s32 $0x7570  }
.LBB2_5:
0x47: {  	v12 =	vld [tilespmem:s18+$0xFFFFFFD0]  }
0x48: {  	v8 =	vadd.f32 v0, v8;
	v10 =	vadd.f32 v3, v10;
	s16 =	sadd.s32 $0x2, s16;
	v13 =	vld [tilespmem:s18+$0xFFFFFFE0]  }
0x49: {  	v11 =	vadd.f32 v5, v11;
	p0 =	slt.u32 s16, $0x30;
	v0 =	vld [tilespmem:s18+$0xFFFFFF90];
	v6 =	vadd.f32 v6, v9  }
.Ltmp1:
0x4a: {  	v8 =	vadd.f32 v1, v8;
	v10 =	vadd.f32 v2, v10;
	v3 =	vld [tilespmem:s18+$0xFFFFFFA0];
	(pc) =	sbr.rel @p0 .LBB2_5-.Ltmp1, $4  }
0x4b: {  	v11 =	vadd.f32 v4, v11;
	v5 =	vld [tilespmem:s18+$0xFFFFFFB0];
	v9 =	vadd.f32 v7, v6  }
0x4c: {  	v6 =	vld [tilespmem:s18+$0xFFFFFFC0];
	v1 =	vmov v12  }
0x4d: {  	v4 =	vld [tilespmem:s18+$0xFFFFFFF0];
	v2 =	vmov v13  }
0x4e: {  	v7 =	vld [tilespmem:s18+$0x0];
	s18 =	sadd.s32 $0x80, s18  }
0x4f: {  	v0 =	vadd.f32 v0, v8  }
0x50: {  	v3 =	vadd.f32 v3, v10  }
0x51: {  	v5 =	vadd.f32 v5, v11;
	v0 =	vadd.f32 v1, v0  }
0x52: {  	v1 =	vadd.f32 v6, v9;
	v2 =	vadd.f32 v2, v3  }
0x53: {  	v3 =	vadd.f32 v4, v5;
	v0 =	vmul.f32 $1.999999960e-02, v0  }
0x54: {  	v1 =	vadd.f32 v7, v1;
	v2 =	vmul.f32 $1.999999960e-02, v2  }
0x55: {  	s16 =	smul.u32 $0xD00, s12;
	[tilespmem:s14+$0x13040] =	vst v0;
	v0 =	vmul.f32 $1.999999960e-02, v3  }
0x56: {  	[tilespmem:s14+$0x13050] =	vst v2;
	v1 =	vmul.f32 $1.999999960e-02, v1  }
0x57: {  	s16 =	sshra.s32 s16, $0x2;
	[tilespmem:s14+$0x13060] =	vst v0  }
0x58: {  	s18 =	sadd.s32 $0x340, s16;
	[tilespmem:s14+$0x13070] =	vst v1  }
0x59: {  	[tilespmem:s9], [sflag:$0x1] =	stream.indirect.gather [hbm4b:s3+s8], $0x40, s18, s8, $0xb8;
	[tilespmem:$0x1B000] =	vst v63  }
0x5a: {  	_ =	swait.ge [sflag:s25], $0x1900  }
0x5b: {  	[sflag:s25] =	ssyncset.done $0x0  }
0x5c: {  	s20 =	simm.s32 $0x8170;
	[sflag:s25] =	ssyncadd.s32 $0xFFFFE700  }
0x5d: {  	v1 =	vld [tilespmem:s20+$0xFFFFFFD0]  }
0x5e: {  	v2 =	vld [tilespmem:s20+$0xFFFFFFE0]  }
0x5f: {  	v0 =	vld [tilespmem:s20+$0xFFFFFF90]  }
0x60: {  	v3 =	vld [tilespmem:s20+$0xFFFFFFA0]  }
0x61: {  	v5 =	vld [tilespmem:s20+$0xFFFFFFB0]  }
0x62: {  	v6 =	vld [tilespmem:s20+$0xFFFFFFC0]  }
0x63: {  	v8 =	vimm.f32 $0.0e+00;
	v4 =	vld [tilespmem:s20+$0xFFFFFFF0]  }
0x64: {  	v10 =	vimm.f32 $0.0e+00;
	v11 =	vimm.f32 $0.0e+00;
	v9 =	vimm.f32 $0.0e+00;
	s18 =	simm.s32 $0x0;
	v7 =	vld [tilespmem:s20+$0x0];
	s20 =	simm.s32 $0x81F0  }
.LBB2_7:
0x65: {  	v12 =	vld [tilespmem:s20+$0xFFFFFFD0]  }
0x66: {  	v8 =	vadd.f32 v0, v8;
	v10 =	vadd.f32 v3, v10;
	s18 =	sadd.s32 $0x2, s18;
	v13 =	vld [tilespmem:s20+$0xFFFFFFE0]  }
0x67: {  	v11 =	vadd.f32 v5, v11;
	p0 =	slt.u32 s18, $0x30;
	v0 =	vld [tilespmem:s20+$0xFFFFFF90];
	v6 =	vadd.f32 v6, v9  }
.Ltmp2:
0x68: {  	v8 =	vadd.f32 v1, v8;
	v10 =	vadd.f32 v2, v10;
	v3 =	vld [tilespmem:s20+$0xFFFFFFA0];
	(pc) =	sbr.rel @p0 .LBB2_7-.Ltmp2, $4  }
0x69: {  	v11 =	vadd.f32 v4, v11;
	v5 =	vld [tilespmem:s20+$0xFFFFFFB0];
	v9 =	vadd.f32 v7, v6  }
0x6a: {  	v6 =	vld [tilespmem:s20+$0xFFFFFFC0];
	v1 =	vmov v12  }
0x6b: {  	v4 =	vld [tilespmem:s20+$0xFFFFFFF0];
	v2 =	vmov v13  }
0x6c: {  	v7 =	vld [tilespmem:s20+$0x0];
	s20 =	sadd.s32 $0x80, s20  }
0x6d: {  	v0 =	vadd.f32 v0, v8  }
0x6e: {  	v3 =	vadd.f32 v3, v10  }
0x6f: {  	v5 =	vadd.f32 v5, v11;
	v0 =	vadd.f32 v1, v0  }
0x70: {  	v1 =	vadd.f32 v6, v9;
	v2 =	vadd.f32 v2, v3  }
0x71: {  	v3 =	vadd.f32 v4, v5;
	v0 =	vmul.f32 $1.999999960e-02, v0  }
0x72: {  	v1 =	vadd.f32 v7, v1;
	v2 =	vmul.f32 $1.999999960e-02, v2  }
0x73: {  	[tilespmem:s14+$0x13080] =	vst v0;
	v0 =	vmul.f32 $1.999999960e-02, v3  }
0x74: {  	[tilespmem:s14+$0x13090] =	vst v2;
	v1 =	vmul.f32 $1.999999960e-02, v1  }
0x75: {  	[tilespmem:s14+$0x130A0] =	vst v0  }
0x76: {  	s20 =	simm.s32 $0x8DF0;
	[tilespmem:s14+$0x130B0] =	vst v1  }
0x77: {  	v1 =	vld [tilespmem:s20+$0xFFFFFFD0]  }
0x78: {  	v2 =	vld [tilespmem:s20+$0xFFFFFFE0]  }
0x79: {  	v0 =	vld [tilespmem:s20+$0xFFFFFF90]  }
0x7a: {  	v3 =	vld [tilespmem:s20+$0xFFFFFFA0]  }
0x7b: {  	v5 =	vld [tilespmem:s20+$0xFFFFFFB0]  }
0x7c: {  	v6 =	vld [tilespmem:s20+$0xFFFFFFC0]  }
0x7d: {  	v8 =	vimm.f32 $0.0e+00;
	v4 =	vld [tilespmem:s20+$0xFFFFFFF0]  }
0x7e: {  	s18 =	simm.s32 $0x0;
	v10 =	vimm.f32 $0.0e+00;
	v11 =	vimm.f32 $0.0e+00;
	v9 =	vimm.f32 $0.0e+00;
	v7 =	vld [tilespmem:s20+$0x0];
	s20 =	simm.s32 $0x8E70  }
.LBB2_9:
0x7f: {  	v12 =	vld [tilespmem:s20+$0xFFFFFFD0]  }
0x80: {  	v8 =	vadd.f32 v0, v8;
	v10 =	vadd.f32 v3, v10;
	s18 =	sadd.s32 $0x2, s18;
	v13 =	vld [tilespmem:s20+$0xFFFFFFE0]  }
0x81: {  	v11 =	vadd.f32 v5, v11;
	p0 =	slt.u32 s18, $0x30;
	v0 =	vld [tilespmem:s20+$0xFFFFFF90];
	v6 =	vadd.f32 v6, v9  }
.Ltmp3:
0x82: {  	v8 =	vadd.f32 v1, v8;
	v10 =	vadd.f32 v2, v10;
	v3 =	vld [tilespmem:s20+$0xFFFFFFA0];
	(pc) =	sbr.rel @p0 .LBB2_9-.Ltmp3, $4  }
0x83: {  	v11 =	vadd.f32 v4, v11;
	v5 =	vld [tilespmem:s20+$0xFFFFFFB0];
	v9 =	vadd.f32 v7, v6  }
0x84: {  	v6 =	vld [tilespmem:s20+$0xFFFFFFC0];
	v1 =	vmov v12  }
0x85: {  	v4 =	vld [tilespmem:s20+$0xFFFFFFF0];
	v2 =	vmov v13  }
0x86: {  	v7 =	vld [tilespmem:s20+$0x0];
	s20 =	sadd.s32 $0x80, s20  }
0x87: {  	v0 =	vadd.f32 v0, v8  }
0x88: {  	v3 =	vadd.f32 v3, v10  }
0x89: {  	v5 =	vadd.f32 v5, v11;
	v0 =	vadd.f32 v1, v0  }
0x8a: {  	v1 =	vadd.f32 v6, v9;
	v2 =	vadd.f32 v2, v3  }
0x8b: {  	v3 =	vadd.f32 v4, v5;
	v0 =	vmul.f32 $1.999999960e-02, v0  }
0x8c: {  	v1 =	vadd.f32 v7, v1;
	v2 =	vmul.f32 $1.999999960e-02, v2  }
0x8d: {  	[tilespmem:s14+$0x130C0] =	vst v0;
	v0 =	vmul.f32 $1.999999960e-02, v3  }
0x8e: {  	[tilespmem:s14+$0x130D0] =	vst v2;
	v1 =	vmul.f32 $1.999999960e-02, v1  }
0x8f: {  	[tilespmem:s14+$0x130E0] =	vst v0  }
0x90: {  	s18 =	sadd.s32 $0x3A8, s16;
	[tilespmem:s14+$0x130F0] =	vst v1  }
0x91: {  	[tilespmem:s11], [sflag:$0x2] =	stream.indirect.gather [hbm4b:s3+s8], $0x40, s18, s8, $0xb8;
	[tilespmem:$0x1B000] =	vst v63  }
0x92: {  	_ =	swait.ge [sflag:s26], $0x1900  }
0x93: {  	[sflag:s26] =	ssyncset.done $0x0  }
0x94: {  	s20 =	simm.s32 $0x9A70;
	[sflag:s26] =	ssyncadd.s32 $0xFFFFE700  }
0x95: {  	v1 =	vld [tilespmem:s20+$0xFFFFFFD0]  }
0x96: {  	v2 =	vld [tilespmem:s20+$0xFFFFFFE0]  }
0x97: {  	v0 =	vld [tilespmem:s20+$0xFFFFFF90]  }
0x98: {  	v3 =	vld [tilespmem:s20+$0xFFFFFFA0]  }
0x99: {  	v5 =	vld [tilespmem:s20+$0xFFFFFFB0]  }
0x9a: {  	v6 =	vld [tilespmem:s20+$0xFFFFFFC0]  }
0x9b: {  	v8 =	vimm.f32 $0.0e+00;
	v4 =	vld [tilespmem:s20+$0xFFFFFFF0]  }
0x9c: {  	v10 =	vimm.f32 $0.0e+00;
	v11 =	vimm.f32 $0.0e+00;
	v9 =	vimm.f32 $0.0e+00;
	s18 =	simm.s32 $0x0;
	v7 =	vld [tilespmem:s20+$0x0];
	s20 =	simm.s32 $0x9AF0  }
.LBB2_11:
0x9d: {  	v12 =	vld [tilespmem:s20+$0xFFFFFFD0]  }
0x9e: {  	v8 =	vadd.f32 v0, v8;
	v10 =	vadd.f32 v3, v10;
	s18 =	sadd.s32 $0x2, s18;
	v13 =	vld [tilespmem:s20+$0xFFFFFFE0]  }
0x9f: {  	v11 =	vadd.f32 v5, v11;
	p0 =	slt.u32 s18, $0x30;
	v0 =	vld [tilespmem:s20+$0xFFFFFF90];
	v6 =	vadd.f32 v6, v9  }
.Ltmp4:
0xa0: {  	v8 =	vadd.f32 v1, v8;
	v10 =	vadd.f32 v2, v10;
	v3 =	vld [tilespmem:s20+$0xFFFFFFA0];
	(pc) =	sbr.rel @p0 .LBB2_11-.Ltmp4, $4  }
0xa1: {  	v11 =	vadd.f32 v4, v11;
	v5 =	vld [tilespmem:s20+$0xFFFFFFB0];
	v9 =	vadd.f32 v7, v6  }
0xa2: {  	v6 =	vld [tilespmem:s20+$0xFFFFFFC0];
	v1 =	vmov v12  }
0xa3: {  	v4 =	vld [tilespmem:s20+$0xFFFFFFF0];
	v2 =	vmov v13  }
0xa4: {  	v7 =	vld [tilespmem:s20+$0x0];
	s20 =	sadd.s32 $0x80, s20  }
0xa5: {  	v0 =	vadd.f32 v0, v8  }
0xa6: {  	v3 =	vadd.f32 v3, v10  }
0xa7: {  	v5 =	vadd.f32 v5, v11;
	v0 =	vadd.f32 v1, v0  }
0xa8: {  	v1 =	vadd.f32 v6, v9;
	v2 =	vadd.f32 v2, v3  }
0xa9: {  	v3 =	vadd.f32 v4, v5;
	v0 =	vmul.f32 $1.999999960e-02, v0  }
0xaa: {  	v1 =	vadd.f32 v7, v1;
	v2 =	vmul.f32 $1.999999960e-02, v2  }
0xab: {  	[tilespmem:s14+$0x13100] =	vst v0;
	v0 =	vmul.f32 $1.999999960e-02, v3  }
0xac: {  	[tilespmem:s14+$0x13110] =	vst v2;
	v1 =	vmul.f32 $1.999999960e-02, v1  }
0xad: {  	[tilespmem:s14+$0x13120] =	vst v0  }
0xae: {  	s20 =	simm.s32 $0xA6F0;
	[tilespmem:s14+$0x13130] =	vst v1  }
0xaf: {  	v1 =	vld [tilespmem:s20+$0xFFFFFFD0]  }
0xb0: {  	v2 =	vld [tilespmem:s20+$0xFFFFFFE0]  }
0xb1: {  	v0 =	vld [tilespmem:s20+$0xFFFFFF90]  }
0xb2: {  	v3 =	vld [tilespmem:s20+$0xFFFFFFA0]  }
0xb3: {  	v5 =	vld [tilespmem:s20+$0xFFFFFFB0]  }
0xb4: {  	v6 =	vld [tilespmem:s20+$0xFFFFFFC0]  }
0xb5: {  	v8 =	vimm.f32 $0.0e+00;
	v4 =	vld [tilespmem:s20+$0xFFFFFFF0]  }
0xb6: {  	s18 =	simm.s32 $0x0;
	v10 =	vimm.f32 $0.0e+00;
	v11 =	vimm.f32 $0.0e+00;
	v9 =	vimm.f32 $0.0e+00;
	v7 =	vld [tilespmem:s20+$0x0];
	s20 =	simm.s32 $0xA770  }
.LBB2_13:
0xb7: {  	v12 =	vld [tilespmem:s20+$0xFFFFFFD0]  }
0xb8: {  	v8 =	vadd.f32 v0, v8;
	v10 =	vadd.f32 v3, v10;
	s18 =	sadd.s32 $0x2, s18;
	v13 =	vld [tilespmem:s20+$0xFFFFFFE0]  }
0xb9: {  	v11 =	vadd.f32 v5, v11;
	p0 =	slt.u32 s18, $0x30;
	v0 =	vld [tilespmem:s20+$0xFFFFFF90];
	v6 =	vadd.f32 v6, v9  }
.Ltmp5:
0xba: {  	v8 =	vadd.f32 v1, v8;
	v10 =	vadd.f32 v2, v10;
	v3 =	vld [tilespmem:s20+$0xFFFFFFA0];
	(pc) =	sbr.rel @p0 .LBB2_13-.Ltmp5, $4  }
0xbb: {  	v11 =	vadd.f32 v4, v11;
	v5 =	vld [tilespmem:s20+$0xFFFFFFB0];
	v9 =	vadd.f32 v7, v6  }
0xbc: {  	v6 =	vld [tilespmem:s20+$0xFFFFFFC0];
	v1 =	vmov v12  }
0xbd: {  	v4 =	vld [tilespmem:s20+$0xFFFFFFF0];
	v2 =	vmov v13  }
0xbe: {  	v7 =	vld [tilespmem:s20+$0x0];
	s20 =	sadd.s32 $0x80, s20  }
0xbf: {  	v0 =	vadd.f32 v0, v8  }
0xc0: {  	v3 =	vadd.f32 v3, v10  }
0xc1: {  	v5 =	vadd.f32 v5, v11;
	v0 =	vadd.f32 v1, v0  }
0xc2: {  	v1 =	vadd.f32 v6, v9;
	v2 =	vadd.f32 v2, v3  }
0xc3: {  	v3 =	vadd.f32 v4, v5;
	v0 =	vmul.f32 $1.999999960e-02, v0  }
0xc4: {  	v1 =	vadd.f32 v7, v1;
	v2 =	vmul.f32 $1.999999960e-02, v2  }
0xc5: {  	[tilespmem:s14+$0x13140] =	vst v0;
	v0 =	vmul.f32 $1.999999960e-02, v3  }
0xc6: {  	[tilespmem:s14+$0x13150] =	vst v2;
	v1 =	vmul.f32 $1.999999960e-02, v1  }
0xc7: {  	[tilespmem:s14+$0x13160] =	vst v0  }
0xc8: {  	s18 =	sadd.s32 $0x410, s16;
	[tilespmem:s14+$0x13170] =	vst v1  }
0xc9: {  	[tilespmem:s13], [sflag:$0x3] =	stream.indirect.gather [hbm4b:s3+s8], $0x40, s18, s8, $0xb8;
	[tilespmem:$0x1B000] =	vst v63  }
0xca: {  	_ =	swait.ge [sflag:s28], $0x1900  }
0xcb: {  	[sflag:s28] =	ssyncset.done $0x0  }
0xcc: {  	s20 =	simm.s32 $0xB300;
	[sflag:s28] =	ssyncadd.s32 $0xFFFFE700  }
0xcd: {  	v1 =	vld [tilespmem:s20+$0x40]  }
0xce: {  	v2 =	vld [tilespmem:s20+$0x50]  }
0xcf: {  	v0 =	vld [tilespmem:s20+$0x0]  }
0xd0: {  	v3 =	vld [tilespmem:s20+$0x10]  }
0xd1: {  	v5 =	vld [tilespmem:s20+$0x20]  }
0xd2: {  	v6 =	vld [tilespmem:s20+$0x30]  }
0xd3: {  	v8 =	vimm.f32 $0.0e+00;
	v4 =	vld [tilespmem:s20+$0x60]  }
0xd4: {  	v10 =	vimm.f32 $0.0e+00;
	v11 =	vimm.f32 $0.0e+00;
	v9 =	vimm.f32 $0.0e+00;
	s18 =	simm.s32 $0x0;
	v7 =	vld [tilespmem:s20+$0x70];
	s20 =	simm.s32 $0xB380  }
.LBB2_15:
0xd5: {  	v12 =	vld [tilespmem:s20+$0x40]  }
0xd6: {  	v8 =	vadd.f32 v0, v8;
	v10 =	vadd.f32 v3, v10;
	s18 =	sadd.s32 $0x2, s18;
	v13 =	vld [tilespmem:s20+$0x50]  }
0xd7: {  	v11 =	vadd.f32 v5, v11;
	p0 =	slt.u32 s18, $0x30;
	v0 =	vld [tilespmem:s20+$0x0];
	v6 =	vadd.f32 v6, v9  }
.Ltmp6:
0xd8: {  	v8 =	vadd.f32 v1, v8;
	v10 =	vadd.f32 v2, v10;
	v3 =	vld [tilespmem:s20+$0x10];
	(pc) =	sbr.rel @p0 .LBB2_15-.Ltmp6, $4  }
0xd9: {  	v11 =	vadd.f32 v4, v11;
	v5 =	vld [tilespmem:s20+$0x20];
	v9 =	vadd.f32 v7, v6  }
0xda: {  	v6 =	vld [tilespmem:s20+$0x30];
	v1 =	vmov v12  }
0xdb: {  	v4 =	vld [tilespmem:s20+$0x60];
	v2 =	vmov v13  }
0xdc: {  	v7 =	vld [tilespmem:s20+$0x70];
	s20 =	sadd.s32 $0x80, s20  }
0xdd: {  	v0 =	vadd.f32 v0, v8  }
0xde: {  	v3 =	vadd.f32 v3, v10  }
0xdf: {  	v5 =	vadd.f32 v5, v11;
	v0 =	vadd.f32 v1, v0  }
0xe0: {  	v1 =	vadd.f32 v6, v9;
	v2 =	vadd.f32 v2, v3  }
0xe1: {  	v3 =	vadd.f32 v4, v5;
	v0 =	vmul.f32 $1.999999960e-02, v0  }
0xe2: {  	v1 =	vadd.f32 v7, v1;
	v2 =	vmul.f32 $1.999999960e-02, v2  }
0xe3: {  	[tilespmem:s14+$0x13180] =	vst v0;
	v0 =	vmul.f32 $1.999999960e-02, v3  }
0xe4: {  	[tilespmem:s14+$0x13190] =	vst v2;
	v1 =	vmul.f32 $1.999999960e-02, v1  }
0xe5: {  	[tilespmem:s14+$0x131A0] =	vst v0  }
0xe6: {  	s20 =	simm.s32 $0xBF80;
	[tilespmem:s14+$0x131B0] =	vst v1  }
0xe7: {  	v1 =	vld [tilespmem:s20+$0x40]  }
0xe8: {  	v2 =	vld [tilespmem:s20+$0x50]  }
0xe9: {  	v0 =	vld [tilespmem:s20+$0x0]  }
0xea: {  	v3 =	vld [tilespmem:s20+$0x10]  }
0xeb: {  	v5 =	vld [tilespmem:s20+$0x20]  }
0xec: {  	v6 =	vld [tilespmem:s20+$0x30]  }
0xed: {  	v8 =	vimm.f32 $0.0e+00;
	v4 =	vld [tilespmem:s20+$0x60]  }
0xee: {  	s18 =	simm.s32 $0x0;
	v10 =	vimm.f32 $0.0e+00;
	v11 =	vimm.f32 $0.0e+00;
	v9 =	vimm.f32 $0.0e+00;
	v7 =	vld [tilespmem:s20+$0x70];
	s20 =	simm.s32 $0xC000  }
.LBB2_17:
0xef: {  	v12 =	vld [tilespmem:s20+$0x40]  }
0xf0: {  	v8 =	vadd.f32 v0, v8;
	v10 =	vadd.f32 v3, v10;
	s18 =	sadd.s32 $0x2, s18;
	v13 =	vld [tilespmem:s20+$0x50]  }
0xf1: {  	v11 =	vadd.f32 v5, v11;
	p0 =	slt.u32 s18, $0x30;
	v0 =	vld [tilespmem:s20+$0x0];
	v6 =	vadd.f32 v6, v9  }
.Ltmp7:
0xf2: {  	v8 =	vadd.f32 v1, v8;
	v10 =	vadd.f32 v2, v10;
	v3 =	vld [tilespmem:s20+$0x10];
	(pc) =	sbr.rel @p0 .LBB2_17-.Ltmp7, $4  }
0xf3: {  	v11 =	vadd.f32 v4, v11;
	v5 =	vld [tilespmem:s20+$0x20];
	v9 =	vadd.f32 v7, v6  }
0xf4: {  	v6 =	vld [tilespmem:s20+$0x30];
	v1 =	vmov v12  }
0xf5: {  	v4 =	vld [tilespmem:s20+$0x60];
	v2 =	vmov v13  }
0xf6: {  	v7 =	vld [tilespmem:s20+$0x70];
	s20 =	sadd.s32 $0x80, s20  }
0xf7: {  	v0 =	vadd.f32 v0, v8  }
0xf8: {  	v3 =	vadd.f32 v3, v10  }
0xf9: {  	v5 =	vadd.f32 v5, v11;
	v0 =	vadd.f32 v1, v0  }
0xfa: {  	v1 =	vadd.f32 v6, v9;
	v2 =	vadd.f32 v2, v3  }
0xfb: {  	v3 =	vadd.f32 v4, v5;
	v0 =	vmul.f32 $1.999999960e-02, v0  }
0xfc: {  	v1 =	vadd.f32 v7, v1;
	v2 =	vmul.f32 $1.999999960e-02, v2  }
0xfd: {  	[tilespmem:s14+$0x131C0] =	vst v0;
	v0 =	vmul.f32 $1.999999960e-02, v3  }
0xfe: {  	[tilespmem:s14+$0x131D0] =	vst v2;
	v1 =	vmul.f32 $1.999999960e-02, v1  }
0xff: {  	[tilespmem:s14+$0x131E0] =	vst v0  }
0x100: {  	s18 =	sadd.s32 $0x478, s16;
	[tilespmem:s14+$0x131F0] =	vst v1  }
0x101: {  	[tilespmem:s15], [sflag:$0x4] =	stream.indirect.gather [hbm4b:s3+s8], $0x40, s18, s8, $0xb8;
	[tilespmem:$0x1B000] =	vst v63  }
0x102: {  	_ =	swait.ge [sflag:s29], $0x1900  }
0x103: {  	[sflag:s29] =	ssyncset.done $0x0  }
0x104: {  	s20 =	simm.s32 $0xCC00;
	[sflag:s29] =	ssyncadd.s32 $0xFFFFE700  }
0x105: {  	v1 =	vld [tilespmem:s20+$0x40]  }
0x106: {  	v2 =	vld [tilespmem:s20+$0x50]  }
0x107: {  	v0 =	vld [tilespmem:s20+$0x0]  }
0x108: {  	v3 =	vld [tilespmem:s20+$0x10]  }
0x109: {  	v5 =	vld [tilespmem:s20+$0x20]  }
0x10a: {  	v6 =	vld [tilespmem:s20+$0x30]  }
0x10b: {  	v8 =	vimm.f32 $0.0e+00;
	v4 =	vld [tilespmem:s20+$0x60]  }
0x10c: {  	v10 =	vimm.f32 $0.0e+00;
	v11 =	vimm.f32 $0.0e+00;
	v9 =	vimm.f32 $0.0e+00;
	s18 =	simm.s32 $0x0;
	v7 =	vld [tilespmem:s20+$0x70];
	s20 =	simm.s32 $0xCC80  }
.LBB2_19:
0x10d: {  	v12 =	vld [tilespmem:s20+$0x40]  }
0x10e: {  	v8 =	vadd.f32 v0, v8;
	v10 =	vadd.f32 v3, v10;
	s18 =	sadd.s32 $0x2, s18;
	v13 =	vld [tilespmem:s20+$0x50]  }
0x10f: {  	v11 =	vadd.f32 v5, v11;
	p0 =	slt.u32 s18, $0x30;
	v0 =	vld [tilespmem:s20+$0x0];
	v6 =	vadd.f32 v6, v9  }
.Ltmp8:
0x110: {  	v8 =	vadd.f32 v1, v8;
	v10 =	vadd.f32 v2, v10;
	v3 =	vld [tilespmem:s20+$0x10];
	(pc) =	sbr.rel @p0 .LBB2_19-.Ltmp8, $4  }
0x111: {  	v11 =	vadd.f32 v4, v11;
	v5 =	vld [tilespmem:s20+$0x20];
	v9 =	vadd.f32 v7, v6  }
0x112: {  	v6 =	vld [tilespmem:s20+$0x30];
	v1 =	vmov v12  }
0x113: {  	v4 =	vld [tilespmem:s20+$0x60];
	v2 =	vmov v13  }
0x114: {  	v7 =	vld [tilespmem:s20+$0x70];
	s20 =	sadd.s32 $0x80, s20  }
0x115: {  	v0 =	vadd.f32 v0, v8  }
0x116: {  	v3 =	vadd.f32 v3, v10  }
0x117: {  	v5 =	vadd.f32 v5, v11;
	v0 =	vadd.f32 v1, v0  }
0x118: {  	v1 =	vadd.f32 v6, v9;
	v2 =	vadd.f32 v2, v3  }
0x119: {  	v3 =	vadd.f32 v4, v5;
	v0 =	vmul.f32 $1.999999960e-02, v0  }
0x11a: {  	v1 =	vadd.f32 v7, v1;
	v2 =	vmul.f32 $1.999999960e-02, v2  }
0x11b: {  	[tilespmem:s14+$0x13200] =	vst v0;
	v0 =	vmul.f32 $1.999999960e-02, v3  }
0x11c: {  	[tilespmem:s14+$0x13210] =	vst v2;
	v1 =	vmul.f32 $1.999999960e-02, v1  }
0x11d: {  	[tilespmem:s14+$0x13220] =	vst v0  }
0x11e: {  	s20 =	simm.s32 $0xD880;
	[tilespmem:s14+$0x13230] =	vst v1  }
0x11f: {  	v1 =	vld [tilespmem:s20+$0x40]  }
0x120: {  	v2 =	vld [tilespmem:s20+$0x50]  }
0x121: {  	v0 =	vld [tilespmem:s20+$0x0]  }
0x122: {  	v3 =	vld [tilespmem:s20+$0x10]  }
0x123: {  	v5 =	vld [tilespmem:s20+$0x20]  }
0x124: {  	v6 =	vld [tilespmem:s20+$0x30]  }
0x125: {  	v8 =	vimm.f32 $0.0e+00;
	v4 =	vld [tilespmem:s20+$0x60]  }
0x126: {  	s18 =	simm.s32 $0x0;
	v10 =	vimm.f32 $0.0e+00;
	v11 =	vimm.f32 $0.0e+00;
	v9 =	vimm.f32 $0.0e+00;
	v7 =	vld [tilespmem:s20+$0x70];
	s20 =	simm.s32 $0xD900  }
.LBB2_21:
0x127: {  	v12 =	vld [tilespmem:s20+$0x40]  }
0x128: {  	v8 =	vadd.f32 v0, v8;
	v10 =	vadd.f32 v3, v10;
	s18 =	sadd.s32 $0x2, s18;
	v13 =	vld [tilespmem:s20+$0x50]  }
0x129: {  	v11 =	vadd.f32 v5, v11;
	p0 =	slt.u32 s18, $0x30;
	v0 =	vld [tilespmem:s20+$0x0];
	v6 =	vadd.f32 v6, v9  }
.Ltmp9:
0x12a: {  	v8 =	vadd.f32 v1, v8;
	v10 =	vadd.f32 v2, v10;
	v3 =	vld [tilespmem:s20+$0x10];
	(pc) =	sbr.rel @p0 .LBB2_21-.Ltmp9, $4  }
0x12b: {  	v11 =	vadd.f32 v4, v11;
	v5 =	vld [tilespmem:s20+$0x20];
	v9 =	vadd.f32 v7, v6  }
0x12c: {  	v6 =	vld [tilespmem:s20+$0x30];
	v1 =	vmov v12  }
0x12d: {  	v4 =	vld [tilespmem:s20+$0x60];
	v2 =	vmov v13  }
0x12e: {  	v7 =	vld [tilespmem:s20+$0x70];
	s20 =	sadd.s32 $0x80, s20  }
0x12f: {  	v0 =	vadd.f32 v0, v8  }
0x130: {  	v3 =	vadd.f32 v3, v10  }
0x131: {  	v5 =	vadd.f32 v5, v11;
	v0 =	vadd.f32 v1, v0  }
0x132: {  	v1 =	vadd.f32 v6, v9;
	v2 =	vadd.f32 v2, v3  }
0x133: {  	v3 =	vadd.f32 v4, v5;
	v0 =	vmul.f32 $1.999999960e-02, v0  }
0x134: {  	v1 =	vadd.f32 v7, v1;
	v2 =	vmul.f32 $1.999999960e-02, v2  }
0x135: {  	[tilespmem:s14+$0x13240] =	vst v0;
	v0 =	vmul.f32 $1.999999960e-02, v3  }
0x136: {  	[tilespmem:s14+$0x13250] =	vst v2;
	v1 =	vmul.f32 $1.999999960e-02, v1  }
0x137: {  	[tilespmem:s14+$0x13260] =	vst v0  }
0x138: {  	s18 =	sadd.s32 $0x4E0, s16;
	[tilespmem:s14+$0x13270] =	vst v1  }
0x139: {  	[tilespmem:s17], [sflag:$0x5] =	stream.indirect.gather [hbm4b:s3+s8], $0x40, s18, s8, $0xb8;
	[tilespmem:$0x1B000] =	vst v63  }
0x13a: {  	_ =	swait.ge [sflag:s30], $0x1900  }
0x13b: {  	[sflag:s30] =	ssyncset.done $0x0  }
0x13c: {  	s20 =	simm.s32 $0xE500;
	[sflag:s30] =	ssyncadd.s32 $0xFFFFE700  }
0x13d: {  	v1 =	vld [tilespmem:s20+$0x40]  }
0x13e: {  	v2 =	vld [tilespmem:s20+$0x50]  }
0x13f: {  	v0 =	vld [tilespmem:s20+$0x0]  }
0x140: {  	v3 =	vld [tilespmem:s20+$0x10]  }
0x141: {  	v5 =	vld [tilespmem:s20+$0x20]  }
0x142: {  	v6 =	vld [tilespmem:s20+$0x30]  }
0x143: {  	v8 =	vimm.f32 $0.0e+00;
	v4 =	vld [tilespmem:s20+$0x60]  }
0x144: {  	v10 =	vimm.f32 $0.0e+00;
	v11 =	vimm.f32 $0.0e+00;
	v9 =	vimm.f32 $0.0e+00;
	s18 =	simm.s32 $0x0;
	v7 =	vld [tilespmem:s20+$0x70];
	s20 =	simm.s32 $0xE580  }
.LBB2_23:
0x145: {  	v12 =	vld [tilespmem:s20+$0x40]  }
0x146: {  	v8 =	vadd.f32 v0, v8;
	v10 =	vadd.f32 v3, v10;
	s18 =	sadd.s32 $0x2, s18;
	v13 =	vld [tilespmem:s20+$0x50]  }
0x147: {  	v11 =	vadd.f32 v5, v11;
	p0 =	slt.u32 s18, $0x30;
	v0 =	vld [tilespmem:s20+$0x0];
	v6 =	vadd.f32 v6, v9  }
.Ltmp10:
0x148: {  	v8 =	vadd.f32 v1, v8;
	v10 =	vadd.f32 v2, v10;
	v3 =	vld [tilespmem:s20+$0x10];
	(pc) =	sbr.rel @p0 .LBB2_23-.Ltmp10, $4  }
0x149: {  	v11 =	vadd.f32 v4, v11;
	v5 =	vld [tilespmem:s20+$0x20];
	v9 =	vadd.f32 v7, v6  }
0x14a: {  	v6 =	vld [tilespmem:s20+$0x30];
	v1 =	vmov v12  }
0x14b: {  	v4 =	vld [tilespmem:s20+$0x60];
	v2 =	vmov v13  }
0x14c: {  	v7 =	vld [tilespmem:s20+$0x70];
	s20 =	sadd.s32 $0x80, s20  }
0x14d: {  	v0 =	vadd.f32 v0, v8  }
0x14e: {  	v3 =	vadd.f32 v3, v10  }
0x14f: {  	v5 =	vadd.f32 v5, v11;
	v0 =	vadd.f32 v1, v0  }
0x150: {  	v1 =	vadd.f32 v6, v9;
	v2 =	vadd.f32 v2, v3  }
0x151: {  	v3 =	vadd.f32 v4, v5;
	v0 =	vmul.f32 $1.999999960e-02, v0  }
0x152: {  	v1 =	vadd.f32 v7, v1;
	v2 =	vmul.f32 $1.999999960e-02, v2  }
0x153: {  	[tilespmem:s14+$0x13280] =	vst v0;
	v0 =	vmul.f32 $1.999999960e-02, v3  }
0x154: {  	[tilespmem:s14+$0x13290] =	vst v2;
	v1 =	vmul.f32 $1.999999960e-02, v1  }
0x155: {  	[tilespmem:s14+$0x132A0] =	vst v0  }
0x156: {  	s20 =	simm.s32 $0xF180;
	[tilespmem:s14+$0x132B0] =	vst v1  }
0x157: {  	v1 =	vld [tilespmem:s20+$0x40]  }
0x158: {  	v2 =	vld [tilespmem:s20+$0x50]  }
0x159: {  	v0 =	vld [tilespmem:s20+$0x0]  }
0x15a: {  	v3 =	vld [tilespmem:s20+$0x10]  }
0x15b: {  	v5 =	vld [tilespmem:s20+$0x20]  }
0x15c: {  	v6 =	vld [tilespmem:s20+$0x30]  }
0x15d: {  	v8 =	vimm.f32 $0.0e+00;
	v4 =	vld [tilespmem:s20+$0x60]  }
0x15e: {  	s18 =	simm.s32 $0x0;
	v10 =	vimm.f32 $0.0e+00;
	v11 =	vimm.f32 $0.0e+00;
	v9 =	vimm.f32 $0.0e+00;
	v7 =	vld [tilespmem:s20+$0x70];
	s20 =	simm.s32 $0xF200  }
.LBB2_25:
0x15f: {  	v12 =	vld [tilespmem:s20+$0x40]  }
0x160: {  	v8 =	vadd.f32 v0, v8;
	v10 =	vadd.f32 v3, v10;
	s18 =	sadd.s32 $0x2, s18;
	v13 =	vld [tilespmem:s20+$0x50]  }
0x161: {  	v11 =	vadd.f32 v5, v11;
	p0 =	slt.u32 s18, $0x30;
	v0 =	vld [tilespmem:s20+$0x0];
	v6 =	vadd.f32 v6, v9  }
.Ltmp11:
0x162: {  	v8 =	vadd.f32 v1, v8;
	v10 =	vadd.f32 v2, v10;
	v3 =	vld [tilespmem:s20+$0x10];
	(pc) =	sbr.rel @p0 .LBB2_25-.Ltmp11, $4  }
0x163: {  	v11 =	vadd.f32 v4, v11;
	v5 =	vld [tilespmem:s20+$0x20];
	v9 =	vadd.f32 v7, v6  }
0x164: {  	v6 =	vld [tilespmem:s20+$0x30];
	v1 =	vmov v12  }
0x165: {  	v4 =	vld [tilespmem:s20+$0x60];
	v2 =	vmov v13  }
0x166: {  	v7 =	vld [tilespmem:s20+$0x70];
	s20 =	sadd.s32 $0x80, s20  }
0x167: {  	v0 =	vadd.f32 v0, v8  }
0x168: {  	v3 =	vadd.f32 v3, v10  }
0x169: {  	v5 =	vadd.f32 v5, v11;
	v0 =	vadd.f32 v1, v0  }
0x16a: {  	v1 =	vadd.f32 v6, v9;
	v2 =	vadd.f32 v2, v3  }
0x16b: {  	v3 =	vadd.f32 v4, v5;
	v0 =	vmul.f32 $1.999999960e-02, v0  }
0x16c: {  	v1 =	vadd.f32 v7, v1;
	v2 =	vmul.f32 $1.999999960e-02, v2  }
0x16d: {  	[tilespmem:s14+$0x132C0] =	vst v0;
	v0 =	vmul.f32 $1.999999960e-02, v3  }
0x16e: {  	[tilespmem:s14+$0x132D0] =	vst v2;
	v1 =	vmul.f32 $1.999999960e-02, v1  }
0x16f: {  	[tilespmem:s14+$0x132E0] =	vst v0  }
0x170: {  	s18 =	sadd.s32 $0x548, s16;
	[tilespmem:s14+$0x132F0] =	vst v1  }
0x171: {  	[tilespmem:s19], [sflag:$0x6] =	stream.indirect.gather [hbm4b:s3+s8], $0x40, s18, s8, $0xb8;
	[tilespmem:$0x1B000] =	vst v63  }
0x172: {  	_ =	swait.ge [sflag:s31], $0x1900  }
0x173: {  	[sflag:s31] =	ssyncset.done $0x0  }
0x174: {  	s20 =	simm.s32 $0xFE00;
	[sflag:s31] =	ssyncadd.s32 $0xFFFFE700  }
0x175: {  	v1 =	vld [tilespmem:s20+$0x40]  }
0x176: {  	v2 =	vld [tilespmem:s20+$0x50]  }
0x177: {  	v0 =	vld [tilespmem:s20+$0x0]  }
0x178: {  	v3 =	vld [tilespmem:s20+$0x10]  }
0x179: {  	v5 =	vld [tilespmem:s20+$0x20]  }
0x17a: {  	v6 =	vld [tilespmem:s20+$0x30]  }
0x17b: {  	v8 =	vimm.f32 $0.0e+00;
	v4 =	vld [tilespmem:s20+$0x60]  }
0x17c: {  	v10 =	vimm.f32 $0.0e+00;
	v11 =	vimm.f32 $0.0e+00;
	v9 =	vimm.f32 $0.0e+00;
	s18 =	simm.s32 $0x0;
	v7 =	vld [tilespmem:s20+$0x70];
	s20 =	simm.s32 $0xFE80  }
.LBB2_27:
0x17d: {  	v12 =	vld [tilespmem:s20+$0x40]  }
0x17e: {  	v8 =	vadd.f32 v0, v8;
	v10 =	vadd.f32 v3, v10;
	s18 =	sadd.s32 $0x2, s18;
	v13 =	vld [tilespmem:s20+$0x50]  }
0x17f: {  	v11 =	vadd.f32 v5, v11;
	p0 =	slt.u32 s18, $0x30;
	v0 =	vld [tilespmem:s20+$0x0];
	v6 =	vadd.f32 v6, v9  }
.Ltmp12:
0x180: {  	v8 =	vadd.f32 v1, v8;
	v10 =	vadd.f32 v2, v10;
	v3 =	vld [tilespmem:s20+$0x10];
	(pc) =	sbr.rel @p0 .LBB2_27-.Ltmp12, $4  }
0x181: {  	v11 =	vadd.f32 v4, v11;
	v5 =	vld [tilespmem:s20+$0x20];
	v9 =	vadd.f32 v7, v6  }
0x182: {  	v6 =	vld [tilespmem:s20+$0x30];
	v1 =	vmov v12  }
0x183: {  	v4 =	vld [tilespmem:s20+$0x60];
	v2 =	vmov v13  }
0x184: {  	v7 =	vld [tilespmem:s20+$0x70];
	s20 =	sadd.s32 $0x80, s20  }
0x185: {  	v0 =	vadd.f32 v0, v8  }
0x186: {  	v3 =	vadd.f32 v3, v10  }
0x187: {  	v5 =	vadd.f32 v5, v11;
	v0 =	vadd.f32 v1, v0  }
0x188: {  	v1 =	vadd.f32 v6, v9;
	v2 =	vadd.f32 v2, v3  }
0x189: {  	v3 =	vadd.f32 v4, v5;
	v0 =	vmul.f32 $1.999999960e-02, v0  }
0x18a: {  	v1 =	vadd.f32 v7, v1;
	v2 =	vmul.f32 $1.999999960e-02, v2  }
0x18b: {  	[tilespmem:s14+$0x13300] =	vst v0;
	v0 =	vmul.f32 $1.999999960e-02, v3  }
0x18c: {  	[tilespmem:s14+$0x13310] =	vst v2;
	v1 =	vmul.f32 $1.999999960e-02, v1  }
0x18d: {  	[tilespmem:s14+$0x13320] =	vst v0  }
0x18e: {  	s20 =	simm.s32 $0x10A80;
	[tilespmem:s14+$0x13330] =	vst v1  }
0x18f: {  	v1 =	vld [tilespmem:s20+$0x40]  }
0x190: {  	v2 =	vld [tilespmem:s20+$0x50]  }
0x191: {  	v0 =	vld [tilespmem:s20+$0x0]  }
0x192: {  	v3 =	vld [tilespmem:s20+$0x10]  }
0x193: {  	v5 =	vld [tilespmem:s20+$0x20]  }
0x194: {  	v6 =	vld [tilespmem:s20+$0x30]  }
0x195: {  	v8 =	vimm.f32 $0.0e+00;
	v4 =	vld [tilespmem:s20+$0x60]  }
0x196: {  	s18 =	simm.s32 $0x0;
	v10 =	vimm.f32 $0.0e+00;
	v11 =	vimm.f32 $0.0e+00;
	v9 =	vimm.f32 $0.0e+00;
	v7 =	vld [tilespmem:s20+$0x70];
	s20 =	simm.s32 $0x10B00  }
.LBB2_29:
0x197: {  	v12 =	vld [tilespmem:s20+$0x40]  }
0x198: {  	v8 =	vadd.f32 v0, v8;
	v10 =	vadd.f32 v3, v10;
	s18 =	sadd.s32 $0x2, s18;
	v13 =	vld [tilespmem:s20+$0x50]  }
0x199: {  	v11 =	vadd.f32 v5, v11;
	p0 =	slt.u32 s18, $0x30;
	v0 =	vld [tilespmem:s20+$0x0];
	v6 =	vadd.f32 v6, v9  }
.Ltmp13:
0x19a: {  	v8 =	vadd.f32 v1, v8;
	v10 =	vadd.f32 v2, v10;
	v3 =	vld [tilespmem:s20+$0x10];
	(pc) =	sbr.rel @p0 .LBB2_29-.Ltmp13, $4  }
0x19b: {  	v11 =	vadd.f32 v4, v11;
	v5 =	vld [tilespmem:s20+$0x20];
	v9 =	vadd.f32 v7, v6  }
0x19c: {  	v6 =	vld [tilespmem:s20+$0x30];
	v1 =	vmov v12  }
0x19d: {  	v4 =	vld [tilespmem:s20+$0x60];
	v2 =	vmov v13  }
0x19e: {  	v7 =	vld [tilespmem:s20+$0x70];
	s20 =	sadd.s32 $0x80, s20  }
0x19f: {  	v0 =	vadd.f32 v0, v8  }
0x1a0: {  	v3 =	vadd.f32 v3, v10  }
0x1a1: {  	v5 =	vadd.f32 v5, v11;
	v0 =	vadd.f32 v1, v0  }
0x1a2: {  	v1 =	vadd.f32 v6, v9;
	v2 =	vadd.f32 v2, v3  }
0x1a3: {  	v3 =	vadd.f32 v4, v5;
	v0 =	vmul.f32 $1.999999960e-02, v0  }
0x1a4: {  	v1 =	vadd.f32 v7, v1;
	v2 =	vmul.f32 $1.999999960e-02, v2  }
0x1a5: {  	[tilespmem:s14+$0x13340] =	vst v0;
	v0 =	vmul.f32 $1.999999960e-02, v3  }
0x1a6: {  	[tilespmem:s14+$0x13350] =	vst v2;
	v1 =	vmul.f32 $1.999999960e-02, v1  }
0x1a7: {  	[tilespmem:s14+$0x13360] =	vst v0  }
0x1a8: {  	s18 =	sadd.s32 $0x5B0, s16;
	[tilespmem:s14+$0x13370] =	vst v1  }
0x1a9: {  	[tilespmem:s21], [sflag:$0x7] =	stream.indirect.gather [hbm4b:s3+s8], $0x40, s18, s8, $0xb8;
	[tilespmem:$0x1B000] =	vst v63  }
0x1aa: {  	_ =	swait.ge [sflag:s0], $0x1900  }
0x1ab: {  	[sflag:s0] =	ssyncset.done $0x0  }
0x1ac: {  	s20 =	simm.s32 $0x11700;
	[sflag:s0] =	ssyncadd.s32 $0xFFFFE700  }
0x1ad: {  	v1 =	vld [tilespmem:s20+$0x40]  }
0x1ae: {  	v2 =	vld [tilespmem:s20+$0x50]  }
0x1af: {  	v0 =	vld [tilespmem:s20+$0x0]  }
0x1b0: {  	v3 =	vld [tilespmem:s20+$0x10]  }
0x1b1: {  	v5 =	vld [tilespmem:s20+$0x20]  }
0x1b2: {  	v6 =	vld [tilespmem:s20+$0x30]  }
0x1b3: {  	v8 =	vimm.f32 $0.0e+00;
	v4 =	vld [tilespmem:s20+$0x60]  }
0x1b4: {  	v10 =	vimm.f32 $0.0e+00;
	v11 =	vimm.f32 $0.0e+00;
	v9 =	vimm.f32 $0.0e+00;
	s18 =	simm.s32 $0x0;
	v7 =	vld [tilespmem:s20+$0x70];
	s20 =	simm.s32 $0x11780  }
.LBB2_31:
0x1b5: {  	v12 =	vld [tilespmem:s20+$0x40]  }
0x1b6: {  	v8 =	vadd.f32 v0, v8;
	v10 =	vadd.f32 v3, v10;
	s18 =	sadd.s32 $0x2, s18;
	v13 =	vld [tilespmem:s20+$0x50]  }
0x1b7: {  	v11 =	vadd.f32 v5, v11;
	p0 =	slt.u32 s18, $0x30;
	v0 =	vld [tilespmem:s20+$0x0];
	v6 =	vadd.f32 v6, v9  }
.Ltmp14:
0x1b8: {  	v8 =	vadd.f32 v1, v8;
	v10 =	vadd.f32 v2, v10;
	v3 =	vld [tilespmem:s20+$0x10];
	(pc) =	sbr.rel @p0 .LBB2_31-.Ltmp14, $4  }
0x1b9: {  	v11 =	vadd.f32 v4, v11;
	v5 =	vld [tilespmem:s20+$0x20];
	v9 =	vadd.f32 v7, v6  }
0x1ba: {  	v6 =	vld [tilespmem:s20+$0x30];
	v1 =	vmov v12  }
0x1bb: {  	v4 =	vld [tilespmem:s20+$0x60];
	v2 =	vmov v13  }
0x1bc: {  	v7 =	vld [tilespmem:s20+$0x70];
	s20 =	sadd.s32 $0x80, s20  }
0x1bd: {  	v0 =	vadd.f32 v0, v8  }
0x1be: {  	v3 =	vadd.f32 v3, v10  }
0x1bf: {  	v5 =	vadd.f32 v5, v11;
	v0 =	vadd.f32 v1, v0  }
0x1c0: {  	v1 =	vadd.f32 v6, v9;
	v2 =	vadd.f32 v2, v3  }
0x1c1: {  	v3 =	vadd.f32 v4, v5;
	v0 =	vmul.f32 $1.999999960e-02, v0  }
0x1c2: {  	v1 =	vadd.f32 v7, v1;
	v2 =	vmul.f32 $1.999999960e-02, v2  }
0x1c3: {  	[tilespmem:s14+$0x13380] =	vst v0;
	v0 =	vmul.f32 $1.999999960e-02, v3  }
0x1c4: {  	[tilespmem:s14+$0x13390] =	vst v2;
	v1 =	vmul.f32 $1.999999960e-02, v1  }
0x1c5: {  	[tilespmem:s14+$0x133A0] =	vst v0  }
0x1c6: {  	s20 =	simm.s32 $0x12380;
	[tilespmem:s14+$0x133B0] =	vst v1  }
0x1c7: {  	v1 =	vld [tilespmem:s20+$0x40]  }
0x1c8: {  	v2 =	vld [tilespmem:s20+$0x50]  }
0x1c9: {  	v0 =	vld [tilespmem:s20+$0x0]  }
0x1ca: {  	v3 =	vld [tilespmem:s20+$0x10]  }
0x1cb: {  	v5 =	vld [tilespmem:s20+$0x20]  }
0x1cc: {  	v6 =	vld [tilespmem:s20+$0x30]  }
0x1cd: {  	v8 =	vimm.f32 $0.0e+00;
	v4 =	vld [tilespmem:s20+$0x60]  }
0x1ce: {  	s18 =	simm.s32 $0x0;
	v10 =	vimm.f32 $0.0e+00;
	v11 =	vimm.f32 $0.0e+00;
	v9 =	vimm.f32 $0.0e+00;
	v7 =	vld [tilespmem:s20+$0x70];
	s20 =	simm.s32 $0x12400  }
.LBB2_33:
0x1cf: {  	v12 =	vld [tilespmem:s20+$0x40]  }
0x1d0: {  	v8 =	vadd.f32 v0, v8;
	v10 =	vadd.f32 v3, v10;
	s18 =	sadd.s32 $0x2, s18;
	v13 =	vld [tilespmem:s20+$0x50]  }
0x1d1: {  	v11 =	vadd.f32 v5, v11;
	p0 =	slt.u32 s18, $0x30;
	v0 =	vld [tilespmem:s20+$0x0];
	v6 =	vadd.f32 v6, v9  }
.Ltmp15:
0x1d2: {  	v8 =	vadd.f32 v1, v8;
	v10 =	vadd.f32 v2, v10;
	v3 =	vld [tilespmem:s20+$0x10];
	(pc) =	sbr.rel @p0 .LBB2_33-.Ltmp15, $4  }
0x1d3: {  	v11 =	vadd.f32 v4, v11;
	v5 =	vld [tilespmem:s20+$0x20];
	v9 =	vadd.f32 v7, v6  }
0x1d4: {  	v6 =	vld [tilespmem:s20+$0x30];
	v1 =	vmov v12  }
0x1d5: {  	v4 =	vld [tilespmem:s20+$0x60];
	v2 =	vmov v13  }
0x1d6: {  	v7 =	vld [tilespmem:s20+$0x70];
	s20 =	sadd.s32 $0x80, s20  }
0x1d7: {  	v0 =	vadd.f32 v0, v8  }
0x1d8: {  	v3 =	vadd.f32 v3, v10  }
0x1d9: {  	v5 =	vadd.f32 v5, v11;
	v0 =	vadd.f32 v1, v0  }
0x1da: {  	v61 =	vadd.f32 v6, v9;
	v2 =	vadd.f32 v2, v3  }
0x1db: {  	s12 =	sadd.s32 $0x1, s12;
	v62 =	vadd.f32 v4, v5;
	v0 =	vmul.f32 $1.999999960e-02, v0  }
0x1dc: {  	p0 =	sne.s32 s12, $0x1F;
	v1 =	vadd.f32 v7, v61;
	v2 =	vmul.f32 $1.999999960e-02, v2  }
.Ltmp16:
0x1dd: {  	v63 =	vmul.f32 $1.999999960e-02, v62;
	[tilespmem:s14+$0x133C0] =	vst v0;
	(pc) =	sbr.rel @p0 .LBB2_2-.Ltmp16, $4  }
0x1de: {  	[tilespmem:s14+$0x133D0] =	vst v2;
	v1 =	vmul.f32 $1.999999960e-02, v1  }
0x1df: {  	[tilespmem:s14+$0x133E0] =	vst v63  }
0x1e0: {  	s20 =	sadd.s32 $0x618, s16;
	[tilespmem:s14+$0x133F0] =	vst v1  }
0x1e1: {  	[tilespmem:s23], [sflag:$0x8] =	stream.indirect.gather [hbm4b:s3+s8], $0x40, s20, s8, $0xb8;
	[tilespmem:$0x1B000] =	vst v63  }
0x1e2: {  	_ =	swait.ge [sflag:s24], $0x1900  }
0x1e3: {  	[sflag:s24] =	ssyncset.done $0x0  }
0x1e4: {  	s14 =	simm.s32 $0x6840;
	[sflag:s24] =	ssyncadd.s32 $0xFFFFE700  }
0x1e5: {  	v1 =	vld [tilespmem:s14+$0x0]  }
0x1e6: {  	v2 =	vld [tilespmem:s14+$0x10]  }
0x1e7: {  	v0 =	vld [tilespmem:s14+$0xFFFFFFC0]  }
0x1e8: {  	v3 =	vld [tilespmem:s14+$0xFFFFFFD0]  }
0x1e9: {  	v5 =	vld [tilespmem:s14+$0xFFFFFFE0]  }
0x1ea: {  	v6 =	vld [tilespmem:s14+$0xFFFFFFF0]  }
0x1eb: {  	v8 =	vimm.f32 $0.0e+00;
	v4 =	vld [tilespmem:s14+$0x20]  }
0x1ec: {  	s12 =	simm.s32 $0x0;
	v10 =	vimm.f32 $0.0e+00;
	v11 =	vimm.f32 $0.0e+00;
	v9 =	vimm.f32 $0.0e+00;
	v7 =	vld [tilespmem:s14+$0x30];
	s14 =	simm.s32 $0x68C0  }
.LBB2_36:
0x1ed: {  	v12 =	vld [tilespmem:s14+$0x0]  }
0x1ee: {  	v8 =	vadd.f32 v0, v8;
	v10 =	vadd.f32 v3, v10;
	s12 =	sadd.s32 $0x2, s12;
	v13 =	vld [tilespmem:s14+$0x10]  }
0x1ef: {  	v11 =	vadd.f32 v5, v11;
	p0 =	slt.u32 s12, $0x30;
	v0 =	vld [tilespmem:s14+$0xFFFFFFC0];
	v6 =	vadd.f32 v6, v9  }
.Ltmp17:
0x1f0: {  	v8 =	vadd.f32 v1, v8;
	v10 =	vadd.f32 v2, v10;
	v3 =	vld [tilespmem:s14+$0xFFFFFFD0];
	(pc) =	sbr.rel @p0 .LBB2_36-.Ltmp17, $4  }
0x1f1: {  	v11 =	vadd.f32 v4, v11;
	v5 =	vld [tilespmem:s14+$0xFFFFFFE0];
	v9 =	vadd.f32 v7, v6  }
0x1f2: {  	v6 =	vld [tilespmem:s14+$0xFFFFFFF0];
	v1 =	vmov v12  }
0x1f3: {  	v4 =	vld [tilespmem:s14+$0x20];
	v2 =	vmov v13  }
0x1f4: {  	v7 =	vld [tilespmem:s14+$0x30];
	s14 =	sadd.s32 $0x80, s14  }
0x1f5: {  	v0 =	vadd.f32 v0, v8  }
0x1f6: {  	v3 =	vadd.f32 v3, v10  }
0x1f7: {  	v5 =	vadd.f32 v5, v11;
	v0 =	vadd.f32 v1, v0  }
0x1f8: {  	v1 =	vadd.f32 v6, v9;
	v2 =	vadd.f32 v2, v3  }
0x1f9: {  	v3 =	vadd.f32 v4, v5;
	v0 =	vmul.f32 $1.999999960e-02, v0  }
0x1fa: {  	v1 =	vadd.f32 v7, v1;
	v2 =	vmul.f32 $1.999999960e-02, v2  }
0x1fb: {  	[tilespmem:$0x1AC00] =	vst v0;
	v0 =	vmul.f32 $1.999999960e-02, v3  }
0x1fc: {  	[tilespmem:$0x1AC10] =	vst v2;
	v1 =	vmul.f32 $1.999999960e-02, v1  }
0x1fd: {  	[tilespmem:$0x1AC20] =	vst v0  }
0x1fe: {  	s14 =	simm.s32 $0x74F0;
	[tilespmem:$0x1AC30] =	vst v1  }
0x1ff: {  	v1 =	vld [tilespmem:s14+$0xFFFFFFD0]  }
0x200: {  	v2 =	vld [tilespmem:s14+$0xFFFFFFE0]  }
0x201: {  	v0 =	vld [tilespmem:s14+$0xFFFFFF90]  }
0x202: {  	v3 =	vld [tilespmem:s14+$0xFFFFFFA0]  }
0x203: {  	v5 =	vld [tilespmem:s14+$0xFFFFFFB0]  }
0x204: {  	v6 =	vld [tilespmem:s14+$0xFFFFFFC0]  }
0x205: {  	v8 =	vimm.f32 $0.0e+00;
	v4 =	vld [tilespmem:s14+$0xFFFFFFF0]  }
0x206: {  	s12 =	simm.s32 $0x0;
	v10 =	vimm.f32 $0.0e+00;
	v11 =	vimm.f32 $0.0e+00;
	v9 =	vimm.f32 $0.0e+00;
	v7 =	vld [tilespmem:s14+$0x0];
	s14 =	simm.s32 $0x7570  }
.LBB2_38:
0x207: {  	v12 =	vld [tilespmem:s14+$0xFFFFFFD0]  }
0x208: {  	v8 =	vadd.f32 v0, v8;
	v10 =	vadd.f32 v3, v10;
	s12 =	sadd.s32 $0x2, s12;
	v13 =	vld [tilespmem:s14+$0xFFFFFFE0]  }
0x209: {  	v11 =	vadd.f32 v5, v11;
	p0 =	slt.u32 s12, $0x30;
	v0 =	vld [tilespmem:s14+$0xFFFFFF90];
	v6 =	vadd.f32 v6, v9  }
.Ltmp18:
0x20a: {  	v8 =	vadd.f32 v1, v8;
	v10 =	vadd.f32 v2, v10;
	v3 =	vld [tilespmem:s14+$0xFFFFFFA0];
	(pc) =	sbr.rel @p0 .LBB2_38-.Ltmp18, $4  }
0x20b: {  	v11 =	vadd.f32 v4, v11;
	v5 =	vld [tilespmem:s14+$0xFFFFFFB0];
	v9 =	vadd.f32 v7, v6  }
0x20c: {  	v6 =	vld [tilespmem:s14+$0xFFFFFFC0];
	v1 =	vmov v12  }
0x20d: {  	v4 =	vld [tilespmem:s14+$0xFFFFFFF0];
	v2 =	vmov v13  }
0x20e: {  	v7 =	vld [tilespmem:s14+$0x0];
	s14 =	sadd.s32 $0x80, s14  }
0x20f: {  	v0 =	vadd.f32 v0, v8  }
0x210: {  	v3 =	vadd.f32 v3, v10  }
0x211: {  	v5 =	vadd.f32 v5, v11;
	v0 =	vadd.f32 v1, v0  }
0x212: {  	v1 =	vadd.f32 v6, v9;
	v2 =	vadd.f32 v2, v3  }
0x213: {  	v3 =	vadd.f32 v4, v5;
	v0 =	vmul.f32 $1.999999960e-02, v0  }
0x214: {  	v1 =	vadd.f32 v7, v1;
	v2 =	vmul.f32 $1.999999960e-02, v2  }
0x215: {  	[tilespmem:$0x1AC40] =	vst v0;
	v0 =	vmul.f32 $1.999999960e-02, v3  }
0x216: {  	[tilespmem:$0x1AC50] =	vst v2;
	v1 =	vmul.f32 $1.999999960e-02, v1  }
0x217: {  	[tilespmem:$0x1AC60] =	vst v0  }
0x218: {  	[tilespmem:$0x1AC70] =	vst v1  }
0x219: {  	_ =	swait.ge [sflag:s25], $0x1900  }
0x21a: {  	[sflag:s25] =	ssyncset.done $0x0  }
0x21b: {  	s14 =	simm.s32 $0x8170;
	[sflag:s25] =	ssyncadd.s32 $0xFFFFE700  }
0x21c: {  	v1 =	vld [tilespmem:s14+$0xFFFFFFD0]  }
0x21d: {  	v2 =	vld [tilespmem:s14+$0xFFFFFFE0]  }
0x21e: {  	v0 =	vld [tilespmem:s14+$0xFFFFFF90]  }
0x21f: {  	v3 =	vld [tilespmem:s14+$0xFFFFFFA0]  }
0x220: {  	v5 =	vld [tilespmem:s14+$0xFFFFFFB0]  }
0x221: {  	v6 =	vld [tilespmem:s14+$0xFFFFFFC0]  }
0x222: {  	v8 =	vimm.f32 $0.0e+00;
	v4 =	vld [tilespmem:s14+$0xFFFFFFF0]  }
0x223: {  	s12 =	simm.s32 $0x0;
	v10 =	vimm.f32 $0.0e+00;
	v11 =	vimm.f32 $0.0e+00;
	v9 =	vimm.f32 $0.0e+00;
	v7 =	vld [tilespmem:s14+$0x0];
	s14 =	simm.s32 $0x81F0  }
.LBB2_40:
0x224: {  	v12 =	vld [tilespmem:s14+$0xFFFFFFD0]  }
0x225: {  	v8 =	vadd.f32 v0, v8;
	v10 =	vadd.f32 v3, v10;
	s12 =	sadd.s32 $0x2, s12;
	v13 =	vld [tilespmem:s14+$0xFFFFFFE0]  }
0x226: {  	v11 =	vadd.f32 v5, v11;
	p0 =	slt.u32 s12, $0x30;
	v0 =	vld [tilespmem:s14+$0xFFFFFF90];
	v6 =	vadd.f32 v6, v9  }
.Ltmp19:
0x227: {  	v8 =	vadd.f32 v1, v8;
	v10 =	vadd.f32 v2, v10;
	v3 =	vld [tilespmem:s14+$0xFFFFFFA0];
	(pc) =	sbr.rel @p0 .LBB2_40-.Ltmp19, $4  }
0x228: {  	v11 =	vadd.f32 v4, v11;
	v5 =	vld [tilespmem:s14+$0xFFFFFFB0];
	v9 =	vadd.f32 v7, v6  }
0x229: {  	v6 =	vld [tilespmem:s14+$0xFFFFFFC0];
	v1 =	vmov v12  }
0x22a: {  	v4 =	vld [tilespmem:s14+$0xFFFFFFF0];
	v2 =	vmov v13  }
0x22b: {  	v7 =	vld [tilespmem:s14+$0x0];
	s14 =	sadd.s32 $0x80, s14  }
0x22c: {  	v0 =	vadd.f32 v0, v8  }
0x22d: {  	v3 =	vadd.f32 v3, v10  }
0x22e: {  	v5 =	vadd.f32 v5, v11;
	v0 =	vadd.f32 v1, v0  }
0x22f: {  	v1 =	vadd.f32 v6, v9;
	v2 =	vadd.f32 v2, v3  }
0x230: {  	v3 =	vadd.f32 v4, v5;
	v0 =	vmul.f32 $1.999999960e-02, v0  }
0x231: {  	v1 =	vadd.f32 v7, v1;
	v2 =	vmul.f32 $1.999999960e-02, v2  }
0x232: {  	[tilespmem:$0x1AC80] =	vst v0;
	v0 =	vmul.f32 $1.999999960e-02, v3  }
0x233: {  	[tilespmem:$0x1AC90] =	vst v2;
	v1 =	vmul.f32 $1.999999960e-02, v1  }
0x234: {  	[tilespmem:$0x1ACA0] =	vst v0  }
0x235: {  	s14 =	simm.s32 $0x8DF0;
	[tilespmem:$0x1ACB0] =	vst v1  }
0x236: {  	v1 =	vld [tilespmem:s14+$0xFFFFFFD0]  }
0x237: {  	v2 =	vld [tilespmem:s14+$0xFFFFFFE0]  }
0x238: {  	v0 =	vld [tilespmem:s14+$0xFFFFFF90]  }
0x239: {  	v3 =	vld [tilespmem:s14+$0xFFFFFFA0]  }
0x23a: {  	v5 =	vld [tilespmem:s14+$0xFFFFFFB0]  }
0x23b: {  	v6 =	vld [tilespmem:s14+$0xFFFFFFC0]  }
0x23c: {  	v8 =	vimm.f32 $0.0e+00;
	v4 =	vld [tilespmem:s14+$0xFFFFFFF0]  }
0x23d: {  	s12 =	simm.s32 $0x0;
	v10 =	vimm.f32 $0.0e+00;
	v11 =	vimm.f32 $0.0e+00;
	v9 =	vimm.f32 $0.0e+00;
	v7 =	vld [tilespmem:s14+$0x0];
	s14 =	simm.s32 $0x8E70  }
.LBB2_42:
0x23e: {  	v12 =	vld [tilespmem:s14+$0xFFFFFFD0]  }
0x23f: {  	v8 =	vadd.f32 v0, v8;
	v10 =	vadd.f32 v3, v10;
	s12 =	sadd.s32 $0x2, s12;
	v13 =	vld [tilespmem:s14+$0xFFFFFFE0]  }
0x240: {  	v11 =	vadd.f32 v5, v11;
	p0 =	slt.u32 s12, $0x30;
	v0 =	vld [tilespmem:s14+$0xFFFFFF90];
	v6 =	vadd.f32 v6, v9  }
.Ltmp20:
0x241: {  	v8 =	vadd.f32 v1, v8;
	v10 =	vadd.f32 v2, v10;
	v3 =	vld [tilespmem:s14+$0xFFFFFFA0];
	(pc) =	sbr.rel @p0 .LBB2_42-.Ltmp20, $4  }
0x242: {  	v11 =	vadd.f32 v4, v11;
	v5 =	vld [tilespmem:s14+$0xFFFFFFB0];
	v9 =	vadd.f32 v7, v6  }
0x243: {  	v6 =	vld [tilespmem:s14+$0xFFFFFFC0];
	v1 =	vmov v12  }
0x244: {  	v4 =	vld [tilespmem:s14+$0xFFFFFFF0];
	v2 =	vmov v13  }
0x245: {  	v7 =	vld [tilespmem:s14+$0x0];
	s14 =	sadd.s32 $0x80, s14  }
0x246: {  	v0 =	vadd.f32 v0, v8  }
0x247: {  	v3 =	vadd.f32 v3, v10  }
0x248: {  	v5 =	vadd.f32 v5, v11;
	v0 =	vadd.f32 v1, v0  }
0x249: {  	v1 =	vadd.f32 v6, v9;
	v2 =	vadd.f32 v2, v3  }
0x24a: {  	v3 =	vadd.f32 v4, v5;
	v0 =	vmul.f32 $1.999999960e-02, v0  }
0x24b: {  	v1 =	vadd.f32 v7, v1;
	v2 =	vmul.f32 $1.999999960e-02, v2  }
0x24c: {  	[tilespmem:$0x1ACC0] =	vst v0;
	v0 =	vmul.f32 $1.999999960e-02, v3  }
0x24d: {  	[tilespmem:$0x1ACD0] =	vst v2;
	v1 =	vmul.f32 $1.999999960e-02, v1  }
0x24e: {  	[tilespmem:$0x1ACE0] =	vst v0  }
0x24f: {  	[tilespmem:$0x1ACF0] =	vst v1  }
0x250: {  	_ =	swait.ge [sflag:s26], $0x1900  }
0x251: {  	[sflag:s26] =	ssyncset.done $0x0  }
0x252: {  	s14 =	simm.s32 $0x9A70;
	[sflag:s26] =	ssyncadd.s32 $0xFFFFE700  }
0x253: {  	v1 =	vld [tilespmem:s14+$0xFFFFFFD0]  }
0x254: {  	v2 =	vld [tilespmem:s14+$0xFFFFFFE0]  }
0x255: {  	v0 =	vld [tilespmem:s14+$0xFFFFFF90]  }
0x256: {  	v3 =	vld [tilespmem:s14+$0xFFFFFFA0]  }
0x257: {  	v5 =	vld [tilespmem:s14+$0xFFFFFFB0]  }
0x258: {  	v6 =	vld [tilespmem:s14+$0xFFFFFFC0]  }
0x259: {  	v8 =	vimm.f32 $0.0e+00;
	v4 =	vld [tilespmem:s14+$0xFFFFFFF0]  }
0x25a: {  	s12 =	simm.s32 $0x0;
	v10 =	vimm.f32 $0.0e+00;
	v11 =	vimm.f32 $0.0e+00;
	v9 =	vimm.f32 $0.0e+00;
	v7 =	vld [tilespmem:s14+$0x0];
	s14 =	simm.s32 $0x9AF0  }
.LBB2_44:
0x25b: {  	v12 =	vld [tilespmem:s14+$0xFFFFFFD0]  }
0x25c: {  	v8 =	vadd.f32 v0, v8;
	v10 =	vadd.f32 v3, v10;
	s12 =	sadd.s32 $0x2, s12;
	v13 =	vld [tilespmem:s14+$0xFFFFFFE0]  }
0x25d: {  	v11 =	vadd.f32 v5, v11;
	p0 =	slt.u32 s12, $0x30;
	v0 =	vld [tilespmem:s14+$0xFFFFFF90];
	v6 =	vadd.f32 v6, v9  }
.Ltmp21:
0x25e: {  	v8 =	vadd.f32 v1, v8;
	v10 =	vadd.f32 v2, v10;
	v3 =	vld [tilespmem:s14+$0xFFFFFFA0];
	(pc) =	sbr.rel @p0 .LBB2_44-.Ltmp21, $4  }
0x25f: {  	v11 =	vadd.f32 v4, v11;
	v5 =	vld [tilespmem:s14+$0xFFFFFFB0];
	v9 =	vadd.f32 v7, v6  }
0x260: {  	v6 =	vld [tilespmem:s14+$0xFFFFFFC0];
	v1 =	vmov v12  }
0x261: {  	v4 =	vld [tilespmem:s14+$0xFFFFFFF0];
	v2 =	vmov v13  }
0x262: {  	v7 =	vld [tilespmem:s14+$0x0];
	s14 =	sadd.s32 $0x80, s14  }
0x263: {  	v0 =	vadd.f32 v0, v8  }
0x264: {  	v3 =	vadd.f32 v3, v10  }
0x265: {  	v5 =	vadd.f32 v5, v11;
	v0 =	vadd.f32 v1, v0  }
0x266: {  	v1 =	vadd.f32 v6, v9;
	v2 =	vadd.f32 v2, v3  }
0x267: {  	v3 =	vadd.f32 v4, v5;
	v0 =	vmul.f32 $1.999999960e-02, v0  }
0x268: {  	v1 =	vadd.f32 v7, v1;
	v2 =	vmul.f32 $1.999999960e-02, v2  }
0x269: {  	[tilespmem:$0x1AD00] =	vst v0;
	v0 =	vmul.f32 $1.999999960e-02, v3  }
0x26a: {  	[tilespmem:$0x1AD10] =	vst v2;
	v1 =	vmul.f32 $1.999999960e-02, v1  }
0x26b: {  	[tilespmem:$0x1AD20] =	vst v0  }
0x26c: {  	s14 =	simm.s32 $0xA6F0;
	[tilespmem:$0x1AD30] =	vst v1  }
0x26d: {  	v1 =	vld [tilespmem:s14+$0xFFFFFFD0]  }
0x26e: {  	v2 =	vld [tilespmem:s14+$0xFFFFFFE0]  }
0x26f: {  	v0 =	vld [tilespmem:s14+$0xFFFFFF90]  }
0x270: {  	v3 =	vld [tilespmem:s14+$0xFFFFFFA0]  }
0x271: {  	v5 =	vld [tilespmem:s14+$0xFFFFFFB0]  }
0x272: {  	v6 =	vld [tilespmem:s14+$0xFFFFFFC0]  }
0x273: {  	v8 =	vimm.f32 $0.0e+00;
	v4 =	vld [tilespmem:s14+$0xFFFFFFF0]  }
0x274: {  	s12 =	simm.s32 $0x0;
	v10 =	vimm.f32 $0.0e+00;
	v11 =	vimm.f32 $0.0e+00;
	v9 =	vimm.f32 $0.0e+00;
	v7 =	vld [tilespmem:s14+$0x0];
	s14 =	simm.s32 $0xA770  }
.LBB2_46:
0x275: {  	v12 =	vld [tilespmem:s14+$0xFFFFFFD0]  }
0x276: {  	v8 =	vadd.f32 v0, v8;
	v10 =	vadd.f32 v3, v10;
	s12 =	sadd.s32 $0x2, s12;
	v13 =	vld [tilespmem:s14+$0xFFFFFFE0]  }
0x277: {  	v11 =	vadd.f32 v5, v11;
	p0 =	slt.u32 s12, $0x30;
	v0 =	vld [tilespmem:s14+$0xFFFFFF90];
	v6 =	vadd.f32 v6, v9  }
.Ltmp22:
0x278: {  	v8 =	vadd.f32 v1, v8;
	v10 =	vadd.f32 v2, v10;
	v3 =	vld [tilespmem:s14+$0xFFFFFFA0];
	(pc) =	sbr.rel @p0 .LBB2_46-.Ltmp22, $4  }
0x279: {  	v11 =	vadd.f32 v4, v11;
	v5 =	vld [tilespmem:s14+$0xFFFFFFB0];
	v9 =	vadd.f32 v7, v6  }
0x27a: {  	v6 =	vld [tilespmem:s14+$0xFFFFFFC0];
	v1 =	vmov v12  }
0x27b: {  	v4 =	vld [tilespmem:s14+$0xFFFFFFF0];
	v2 =	vmov v13  }
0x27c: {  	v7 =	vld [tilespmem:s14+$0x0];
	s14 =	sadd.s32 $0x80, s14  }
0x27d: {  	v0 =	vadd.f32 v0, v8  }
0x27e: {  	v3 =	vadd.f32 v3, v10  }
0x27f: {  	v5 =	vadd.f32 v5, v11;
	v0 =	vadd.f32 v1, v0  }
0x280: {  	v1 =	vadd.f32 v6, v9;
	v2 =	vadd.f32 v2, v3  }
0x281: {  	v3 =	vadd.f32 v4, v5;
	v0 =	vmul.f32 $1.999999960e-02, v0  }
0x282: {  	v1 =	vadd.f32 v7, v1;
	v2 =	vmul.f32 $1.999999960e-02, v2  }
0x283: {  	[tilespmem:$0x1AD40] =	vst v0;
	v0 =	vmul.f32 $1.999999960e-02, v3  }
0x284: {  	[tilespmem:$0x1AD50] =	vst v2;
	v1 =	vmul.f32 $1.999999960e-02, v1  }
0x285: {  	[tilespmem:$0x1AD60] =	vst v0  }
0x286: {  	[tilespmem:$0x1AD70] =	vst v1  }
0x287: {  	_ =	swait.ge [sflag:s28], $0x1900  }
0x288: {  	[sflag:s28] =	ssyncset.done $0x0  }
0x289: {  	s14 =	simm.s32 $0xB300;
	[sflag:s28] =	ssyncadd.s32 $0xFFFFE700  }
0x28a: {  	v1 =	vld [tilespmem:s14+$0x40]  }
0x28b: {  	v2 =	vld [tilespmem:s14+$0x50]  }
0x28c: {  	v0 =	vld [tilespmem:s14+$0x0]  }
0x28d: {  	v3 =	vld [tilespmem:s14+$0x10]  }
0x28e: {  	v5 =	vld [tilespmem:s14+$0x20]  }
0x28f: {  	v6 =	vld [tilespmem:s14+$0x30]  }
0x290: {  	v8 =	vimm.f32 $0.0e+00;
	v4 =	vld [tilespmem:s14+$0x60]  }
0x291: {  	s12 =	simm.s32 $0x0;
	v10 =	vimm.f32 $0.0e+00;
	v11 =	vimm.f32 $0.0e+00;
	v9 =	vimm.f32 $0.0e+00;
	v7 =	vld [tilespmem:s14+$0x70];
	s14 =	simm.s32 $0xB380  }
.LBB2_48:
0x292: {  	v12 =	vld [tilespmem:s14+$0x40]  }
0x293: {  	v8 =	vadd.f32 v0, v8;
	v10 =	vadd.f32 v3, v10;
	s12 =	sadd.s32 $0x2, s12;
	v13 =	vld [tilespmem:s14+$0x50]  }
0x294: {  	v11 =	vadd.f32 v5, v11;
	p0 =	slt.u32 s12, $0x30;
	v0 =	vld [tilespmem:s14+$0x0];
	v6 =	vadd.f32 v6, v9  }
.Ltmp23:
0x295: {  	v8 =	vadd.f32 v1, v8;
	v10 =	vadd.f32 v2, v10;
	v3 =	vld [tilespmem:s14+$0x10];
	(pc) =	sbr.rel @p0 .LBB2_48-.Ltmp23, $4  }
0x296: {  	v11 =	vadd.f32 v4, v11;
	v5 =	vld [tilespmem:s14+$0x20];
	v9 =	vadd.f32 v7, v6  }
0x297: {  	v6 =	vld [tilespmem:s14+$0x30];
	v1 =	vmov v12  }
0x298: {  	v4 =	vld [tilespmem:s14+$0x60];
	v2 =	vmov v13  }
0x299: {  	v7 =	vld [tilespmem:s14+$0x70];
	s14 =	sadd.s32 $0x80, s14  }
0x29a: {  	v0 =	vadd.f32 v0, v8  }
0x29b: {  	v3 =	vadd.f32 v3, v10  }
0x29c: {  	v5 =	vadd.f32 v5, v11;
	v0 =	vadd.f32 v1, v0  }
0x29d: {  	v1 =	vadd.f32 v6, v9;
	v2 =	vadd.f32 v2, v3  }
0x29e: {  	v3 =	vadd.f32 v4, v5;
	v0 =	vmul.f32 $1.999999960e-02, v0  }
0x29f: {  	v1 =	vadd.f32 v7, v1;
	v2 =	vmul.f32 $1.999999960e-02, v2  }
0x2a0: {  	[tilespmem:$0x1AD80] =	vst v0;
	v0 =	vmul.f32 $1.999999960e-02, v3  }
0x2a1: {  	[tilespmem:$0x1AD90] =	vst v2;
	v1 =	vmul.f32 $1.999999960e-02, v1  }
0x2a2: {  	[tilespmem:$0x1ADA0] =	vst v0  }
0x2a3: {  	s14 =	simm.s32 $0xBF80;
	[tilespmem:$0x1ADB0] =	vst v1  }
0x2a4: {  	v1 =	vld [tilespmem:s14+$0x40]  }
0x2a5: {  	v2 =	vld [tilespmem:s14+$0x50]  }
0x2a6: {  	v0 =	vld [tilespmem:s14+$0x0]  }
0x2a7: {  	v3 =	vld [tilespmem:s14+$0x10]  }
0x2a8: {  	v5 =	vld [tilespmem:s14+$0x20]  }
0x2a9: {  	v6 =	vld [tilespmem:s14+$0x30]  }
0x2aa: {  	v8 =	vimm.f32 $0.0e+00;
	v4 =	vld [tilespmem:s14+$0x60]  }
0x2ab: {  	s12 =	simm.s32 $0x0;
	v10 =	vimm.f32 $0.0e+00;
	v11 =	vimm.f32 $0.0e+00;
	v9 =	vimm.f32 $0.0e+00;
	v7 =	vld [tilespmem:s14+$0x70];
	s14 =	simm.s32 $0xC000  }
.LBB2_50:
0x2ac: {  	v12 =	vld [tilespmem:s14+$0x40]  }
0x2ad: {  	v8 =	vadd.f32 v0, v8;
	v10 =	vadd.f32 v3, v10;
	s12 =	sadd.s32 $0x2, s12;
	v13 =	vld [tilespmem:s14+$0x50]  }
0x2ae: {  	v11 =	vadd.f32 v5, v11;
	p0 =	slt.u32 s12, $0x30;
	v0 =	vld [tilespmem:s14+$0x0];
	v6 =	vadd.f32 v6, v9  }
.Ltmp24:
0x2af: {  	v8 =	vadd.f32 v1, v8;
	v10 =	vadd.f32 v2, v10;
	v3 =	vld [tilespmem:s14+$0x10];
	(pc) =	sbr.rel @p0 .LBB2_50-.Ltmp24, $4  }
0x2b0: {  	v11 =	vadd.f32 v4, v11;
	v5 =	vld [tilespmem:s14+$0x20];
	v9 =	vadd.f32 v7, v6  }
0x2b1: {  	v6 =	vld [tilespmem:s14+$0x30];
	v1 =	vmov v12  }
0x2b2: {  	v4 =	vld [tilespmem:s14+$0x60];
	v2 =	vmov v13  }
0x2b3: {  	v7 =	vld [tilespmem:s14+$0x70];
	s14 =	sadd.s32 $0x80, s14  }
0x2b4: {  	v0 =	vadd.f32 v0, v8  }
0x2b5: {  	v3 =	vadd.f32 v3, v10  }
0x2b6: {  	v5 =	vadd.f32 v5, v11;
	v0 =	vadd.f32 v1, v0  }
0x2b7: {  	v1 =	vadd.f32 v6, v9;
	v2 =	vadd.f32 v2, v3  }
0x2b8: {  	v3 =	vadd.f32 v4, v5;
	v0 =	vmul.f32 $1.999999960e-02, v0  }
0x2b9: {  	v1 =	vadd.f32 v7, v1;
	v2 =	vmul.f32 $1.999999960e-02, v2  }
0x2ba: {  	[tilespmem:$0x1ADC0] =	vst v0;
	v0 =	vmul.f32 $1.999999960e-02, v3  }
0x2bb: {  	[tilespmem:$0x1ADD0] =	vst v2;
	v1 =	vmul.f32 $1.999999960e-02, v1  }
0x2bc: {  	[tilespmem:$0x1ADE0] =	vst v0  }
0x2bd: {  	[tilespmem:$0x1ADF0] =	vst v1  }
0x2be: {  	_ =	swait.ge [sflag:s29], $0x1900  }
0x2bf: {  	[sflag:s29] =	ssyncset.done $0x0  }
0x2c0: {  	s14 =	simm.s32 $0xCC00;
	[sflag:s29] =	ssyncadd.s32 $0xFFFFE700  }
0x2c1: {  	v1 =	vld [tilespmem:s14+$0x40]  }
0x2c2: {  	v2 =	vld [tilespmem:s14+$0x50]  }
0x2c3: {  	v0 =	vld [tilespmem:s14+$0x0]  }
0x2c4: {  	v3 =	vld [tilespmem:s14+$0x10]  }
0x2c5: {  	v5 =	vld [tilespmem:s14+$0x20]  }
0x2c6: {  	v6 =	vld [tilespmem:s14+$0x30]  }
0x2c7: {  	v8 =	vimm.f32 $0.0e+00;
	v4 =	vld [tilespmem:s14+$0x60]  }
0x2c8: {  	s12 =	simm.s32 $0x0;
	v10 =	vimm.f32 $0.0e+00;
	v11 =	vimm.f32 $0.0e+00;
	v9 =	vimm.f32 $0.0e+00;
	v7 =	vld [tilespmem:s14+$0x70];
	s14 =	simm.s32 $0xCC80  }
.LBB2_52:
0x2c9: {  	v12 =	vld [tilespmem:s14+$0x40]  }
0x2ca: {  	v8 =	vadd.f32 v0, v8;
	v10 =	vadd.f32 v3, v10;
	s12 =	sadd.s32 $0x2, s12;
	v13 =	vld [tilespmem:s14+$0x50]  }
0x2cb: {  	v11 =	vadd.f32 v5, v11;
	p0 =	slt.u32 s12, $0x30;
	v0 =	vld [tilespmem:s14+$0x0];
	v6 =	vadd.f32 v6, v9  }
.Ltmp25:
0x2cc: {  	v8 =	vadd.f32 v1, v8;
	v10 =	vadd.f32 v2, v10;
	v3 =	vld [tilespmem:s14+$0x10];
	(pc) =	sbr.rel @p0 .LBB2_52-.Ltmp25, $4  }
0x2cd: {  	v11 =	vadd.f32 v4, v11;
	v5 =	vld [tilespmem:s14+$0x20];
	v9 =	vadd.f32 v7, v6  }
0x2ce: {  	v6 =	vld [tilespmem:s14+$0x30];
	v1 =	vmov v12  }
0x2cf: {  	v4 =	vld [tilespmem:s14+$0x60];
	v2 =	vmov v13  }
0x2d0: {  	v7 =	vld [tilespmem:s14+$0x70];
	s14 =	sadd.s32 $0x80, s14  }
0x2d1: {  	v0 =	vadd.f32 v0, v8  }
0x2d2: {  	v3 =	vadd.f32 v3, v10  }
0x2d3: {  	v5 =	vadd.f32 v5, v11;
	v0 =	vadd.f32 v1, v0  }
0x2d4: {  	v1 =	vadd.f32 v6, v9;
	v2 =	vadd.f32 v2, v3  }
0x2d5: {  	v3 =	vadd.f32 v4, v5;
	v0 =	vmul.f32 $1.999999960e-02, v0  }
0x2d6: {  	v1 =	vadd.f32 v7, v1;
	v2 =	vmul.f32 $1.999999960e-02, v2  }
0x2d7: {  	[tilespmem:$0x1AE00] =	vst v0;
	v0 =	vmul.f32 $1.999999960e-02, v3  }
0x2d8: {  	[tilespmem:$0x1AE10] =	vst v2;
	v1 =	vmul.f32 $1.999999960e-02, v1  }
0x2d9: {  	[tilespmem:$0x1AE20] =	vst v0  }
0x2da: {  	s14 =	simm.s32 $0xD880;
	[tilespmem:$0x1AE30] =	vst v1  }
0x2db: {  	v1 =	vld [tilespmem:s14+$0x40]  }
0x2dc: {  	v2 =	vld [tilespmem:s14+$0x50]  }
0x2dd: {  	v0 =	vld [tilespmem:s14+$0x0]  }
0x2de: {  	v3 =	vld [tilespmem:s14+$0x10]  }
0x2df: {  	v5 =	vld [tilespmem:s14+$0x20]  }
0x2e0: {  	v6 =	vld [tilespmem:s14+$0x30]  }
0x2e1: {  	v8 =	vimm.f32 $0.0e+00;
	v4 =	vld [tilespmem:s14+$0x60]  }
0x2e2: {  	s12 =	simm.s32 $0x0;
	v10 =	vimm.f32 $0.0e+00;
	v11 =	vimm.f32 $0.0e+00;
	v9 =	vimm.f32 $0.0e+00;
	v7 =	vld [tilespmem:s14+$0x70];
	s14 =	simm.s32 $0xD900  }
.LBB2_54:
0x2e3: {  	v12 =	vld [tilespmem:s14+$0x40]  }
0x2e4: {  	v8 =	vadd.f32 v0, v8;
	v10 =	vadd.f32 v3, v10;
	s12 =	sadd.s32 $0x2, s12;
	v13 =	vld [tilespmem:s14+$0x50]  }
0x2e5: {  	v11 =	vadd.f32 v5, v11;
	p0 =	slt.u32 s12, $0x30;
	v0 =	vld [tilespmem:s14+$0x0];
	v6 =	vadd.f32 v6, v9  }
.Ltmp26:
0x2e6: {  	v8 =	vadd.f32 v1, v8;
	v10 =	vadd.f32 v2, v10;
	v3 =	vld [tilespmem:s14+$0x10];
	(pc) =	sbr.rel @p0 .LBB2_54-.Ltmp26, $4  }
0x2e7: {  	v11 =	vadd.f32 v4, v11;
	v5 =	vld [tilespmem:s14+$0x20];
	v9 =	vadd.f32 v7, v6  }
0x2e8: {  	v6 =	vld [tilespmem:s14+$0x30];
	v1 =	vmov v12  }
0x2e9: {  	v4 =	vld [tilespmem:s14+$0x60];
	v2 =	vmov v13  }
0x2ea: {  	v7 =	vld [tilespmem:s14+$0x70];
	s14 =	sadd.s32 $0x80, s14  }
0x2eb: {  	v0 =	vadd.f32 v0, v8  }
0x2ec: {  	v3 =	vadd.f32 v3, v10  }
0x2ed: {  	v5 =	vadd.f32 v5, v11;
	v0 =	vadd.f32 v1, v0  }
0x2ee: {  	v1 =	vadd.f32 v6, v9;
	v2 =	vadd.f32 v2, v3  }
0x2ef: {  	v3 =	vadd.f32 v4, v5;
	v0 =	vmul.f32 $1.999999960e-02, v0  }
0x2f0: {  	v1 =	vadd.f32 v7, v1;
	v2 =	vmul.f32 $1.999999960e-02, v2  }
0x2f1: {  	[tilespmem:$0x1AE40] =	vst v0;
	v0 =	vmul.f32 $1.999999960e-02, v3  }
0x2f2: {  	[tilespmem:$0x1AE50] =	vst v2;
	v1 =	vmul.f32 $1.999999960e-02, v1  }
0x2f3: {  	[tilespmem:$0x1AE60] =	vst v0  }
0x2f4: {  	[tilespmem:$0x1AE70] =	vst v1  }
0x2f5: {  	_ =	swait.ge [sflag:s30], $0x1900  }
0x2f6: {  	[sflag:s30] =	ssyncset.done $0x0  }
0x2f7: {  	s14 =	simm.s32 $0xE500;
	[sflag:s30] =	ssyncadd.s32 $0xFFFFE700  }
0x2f8: {  	v1 =	vld [tilespmem:s14+$0x40]  }
0x2f9: {  	v2 =	vld [tilespmem:s14+$0x50]  }
0x2fa: {  	v0 =	vld [tilespmem:s14+$0x0]  }
0x2fb: {  	v3 =	vld [tilespmem:s14+$0x10]  }
0x2fc: {  	v5 =	vld [tilespmem:s14+$0x20]  }
0x2fd: {  	v6 =	vld [tilespmem:s14+$0x30]  }
0x2fe: {  	v8 =	vimm.f32 $0.0e+00;
	v4 =	vld [tilespmem:s14+$0x60]  }
0x2ff: {  	s12 =	simm.s32 $0x0;
	v10 =	vimm.f32 $0.0e+00;
	v11 =	vimm.f32 $0.0e+00;
	v9 =	vimm.f32 $0.0e+00;
	v7 =	vld [tilespmem:s14+$0x70];
	s14 =	simm.s32 $0xE580  }
.LBB2_56:
0x300: {  	v12 =	vld [tilespmem:s14+$0x40]  }
0x301: {  	v8 =	vadd.f32 v0, v8;
	v10 =	vadd.f32 v3, v10;
	s12 =	sadd.s32 $0x2, s12;
	v13 =	vld [tilespmem:s14+$0x50]  }
0x302: {  	v11 =	vadd.f32 v5, v11;
	p0 =	slt.u32 s12, $0x30;
	v0 =	vld [tilespmem:s14+$0x0];
	v6 =	vadd.f32 v6, v9  }
.Ltmp27:
0x303: {  	v8 =	vadd.f32 v1, v8;
	v10 =	vadd.f32 v2, v10;
	v3 =	vld [tilespmem:s14+$0x10];
	(pc) =	sbr.rel @p0 .LBB2_56-.Ltmp27, $4  }
0x304: {  	v11 =	vadd.f32 v4, v11;
	v5 =	vld [tilespmem:s14+$0x20];
	v9 =	vadd.f32 v7, v6  }
0x305: {  	v6 =	vld [tilespmem:s14+$0x30];
	v1 =	vmov v12  }
0x306: {  	v4 =	vld [tilespmem:s14+$0x60];
	v2 =	vmov v13  }
0x307: {  	v7 =	vld [tilespmem:s14+$0x70];
	s14 =	sadd.s32 $0x80, s14  }
0x308: {  	v0 =	vadd.f32 v0, v8  }
0x309: {  	v3 =	vadd.f32 v3, v10  }
0x30a: {  	v5 =	vadd.f32 v5, v11;
	v0 =	vadd.f32 v1, v0  }
0x30b: {  	v1 =	vadd.f32 v6, v9;
	v2 =	vadd.f32 v2, v3  }
0x30c: {  	v3 =	vadd.f32 v4, v5;
	v0 =	vmul.f32 $1.999999960e-02, v0  }
0x30d: {  	v1 =	vadd.f32 v7, v1;
	v2 =	vmul.f32 $1.999999960e-02, v2  }
0x30e: {  	[tilespmem:$0x1AE80] =	vst v0;
	v0 =	vmul.f32 $1.999999960e-02, v3  }
0x30f: {  	[tilespmem:$0x1AE90] =	vst v2;
	v1 =	vmul.f32 $1.999999960e-02, v1  }
0x310: {  	[tilespmem:$0x1AEA0] =	vst v0  }
0x311: {  	s14 =	simm.s32 $0xF180;
	[tilespmem:$0x1AEB0] =	vst v1  }
0x312: {  	v1 =	vld [tilespmem:s14+$0x40]  }
0x313: {  	v2 =	vld [tilespmem:s14+$0x50]  }
0x314: {  	v0 =	vld [tilespmem:s14+$0x0]  }
0x315: {  	v3 =	vld [tilespmem:s14+$0x10]  }
0x316: {  	v5 =	vld [tilespmem:s14+$0x20]  }
0x317: {  	v6 =	vld [tilespmem:s14+$0x30]  }
0x318: {  	v8 =	vimm.f32 $0.0e+00;
	v4 =	vld [tilespmem:s14+$0x60]  }
0x319: {  	s12 =	simm.s32 $0x0;
	v10 =	vimm.f32 $0.0e+00;
	v11 =	vimm.f32 $0.0e+00;
	v9 =	vimm.f32 $0.0e+00;
	v7 =	vld [tilespmem:s14+$0x70];
	s14 =	simm.s32 $0xF200  }
.LBB2_58:
0x31a: {  	v12 =	vld [tilespmem:s14+$0x40]  }
0x31b: {  	v8 =	vadd.f32 v0, v8;
	v10 =	vadd.f32 v3, v10;
	s12 =	sadd.s32 $0x2, s12;
	v13 =	vld [tilespmem:s14+$0x50]  }
0x31c: {  	v11 =	vadd.f32 v5, v11;
	p0 =	slt.u32 s12, $0x30;
	v0 =	vld [tilespmem:s14+$0x0];
	v6 =	vadd.f32 v6, v9  }
.Ltmp28:
0x31d: {  	v8 =	vadd.f32 v1, v8;
	v10 =	vadd.f32 v2, v10;
	v3 =	vld [tilespmem:s14+$0x10];
	(pc) =	sbr.rel @p0 .LBB2_58-.Ltmp28, $4  }
0x31e: {  	v11 =	vadd.f32 v4, v11;
	v5 =	vld [tilespmem:s14+$0x20];
	v9 =	vadd.f32 v7, v6  }
0x31f: {  	v6 =	vld [tilespmem:s14+$0x30];
	v1 =	vmov v12  }
0x320: {  	v4 =	vld [tilespmem:s14+$0x60];
	v2 =	vmov v13  }
0x321: {  	v7 =	vld [tilespmem:s14+$0x70];
	s14 =	sadd.s32 $0x80, s14  }
0x322: {  	v0 =	vadd.f32 v0, v8  }
0x323: {  	v3 =	vadd.f32 v3, v10  }
0x324: {  	v5 =	vadd.f32 v5, v11;
	v0 =	vadd.f32 v1, v0  }
0x325: {  	v1 =	vadd.f32 v6, v9;
	v2 =	vadd.f32 v2, v3  }
0x326: {  	v3 =	vadd.f32 v4, v5;
	v0 =	vmul.f32 $1.999999960e-02, v0  }
0x327: {  	v1 =	vadd.f32 v7, v1;
	v2 =	vmul.f32 $1.999999960e-02, v2  }
0x328: {  	[tilespmem:$0x1AEC0] =	vst v0;
	v0 =	vmul.f32 $1.999999960e-02, v3  }
0x329: {  	[tilespmem:$0x1AED0] =	vst v2;
	v1 =	vmul.f32 $1.999999960e-02, v1  }
0x32a: {  	[tilespmem:$0x1AEE0] =	vst v0  }
0x32b: {  	[tilespmem:$0x1AEF0] =	vst v1  }
0x32c: {  	_ =	swait.ge [sflag:s31], $0x1900  }
0x32d: {  	[sflag:s31] =	ssyncset.done $0x0  }
0x32e: {  	s14 =	simm.s32 $0xFE00;
	[sflag:s31] =	ssyncadd.s32 $0xFFFFE700  }
0x32f: {  	v1 =	vld [tilespmem:s14+$0x40]  }
0x330: {  	v2 =	vld [tilespmem:s14+$0x50]  }
0x331: {  	v0 =	vld [tilespmem:s14+$0x0]  }
0x332: {  	v3 =	vld [tilespmem:s14+$0x10]  }
0x333: {  	v5 =	vld [tilespmem:s14+$0x20]  }
0x334: {  	v6 =	vld [tilespmem:s14+$0x30]  }
0x335: {  	v8 =	vimm.f32 $0.0e+00;
	v4 =	vld [tilespmem:s14+$0x60]  }
0x336: {  	s12 =	simm.s32 $0x0;
	v10 =	vimm.f32 $0.0e+00;
	v11 =	vimm.f32 $0.0e+00;
	v9 =	vimm.f32 $0.0e+00;
	v7 =	vld [tilespmem:s14+$0x70];
	s14 =	simm.s32 $0xFE80  }
.LBB2_60:
0x337: {  	v12 =	vld [tilespmem:s14+$0x40]  }
0x338: {  	v8 =	vadd.f32 v0, v8;
	v10 =	vadd.f32 v3, v10;
	s12 =	sadd.s32 $0x2, s12;
	v13 =	vld [tilespmem:s14+$0x50]  }
0x339: {  	v11 =	vadd.f32 v5, v11;
	p0 =	slt.u32 s12, $0x30;
	v0 =	vld [tilespmem:s14+$0x0];
	v6 =	vadd.f32 v6, v9  }
.Ltmp29:
0x33a: {  	v8 =	vadd.f32 v1, v8;
	v10 =	vadd.f32 v2, v10;
	v3 =	vld [tilespmem:s14+$0x10];
	(pc) =	sbr.rel @p0 .LBB2_60-.Ltmp29, $4  }
0x33b: {  	v11 =	vadd.f32 v4, v11;
	v5 =	vld [tilespmem:s14+$0x20];
	v9 =	vadd.f32 v7, v6  }
0x33c: {  	v6 =	vld [tilespmem:s14+$0x30];
	v1 =	vmov v12  }
0x33d: {  	v4 =	vld [tilespmem:s14+$0x60];
	v2 =	vmov v13  }
0x33e: {  	v7 =	vld [tilespmem:s14+$0x70];
	s14 =	sadd.s32 $0x80, s14  }
0x33f: {  	v0 =	vadd.f32 v0, v8  }
0x340: {  	v3 =	vadd.f32 v3, v10  }
0x341: {  	v5 =	vadd.f32 v5, v11;
	v0 =	vadd.f32 v1, v0  }
0x342: {  	v1 =	vadd.f32 v6, v9;
	v2 =	vadd.f32 v2, v3  }
0x343: {  	v3 =	vadd.f32 v4, v5;
	v0 =	vmul.f32 $1.999999960e-02, v0  }
0x344: {  	v1 =	vadd.f32 v7, v1;
	v2 =	vmul.f32 $1.999999960e-02, v2  }
0x345: {  	[tilespmem:$0x1AF00] =	vst v0;
	v0 =	vmul.f32 $1.999999960e-02, v3  }
0x346: {  	[tilespmem:$0x1AF10] =	vst v2;
	v1 =	vmul.f32 $1.999999960e-02, v1  }
0x347: {  	[tilespmem:$0x1AF20] =	vst v0  }
0x348: {  	s14 =	simm.s32 $0x10A80;
	[tilespmem:$0x1AF30] =	vst v1  }
0x349: {  	v1 =	vld [tilespmem:s14+$0x40]  }
0x34a: {  	v2 =	vld [tilespmem:s14+$0x50]  }
0x34b: {  	v0 =	vld [tilespmem:s14+$0x0]  }
0x34c: {  	v3 =	vld [tilespmem:s14+$0x10]  }
0x34d: {  	v5 =	vld [tilespmem:s14+$0x20]  }
0x34e: {  	v6 =	vld [tilespmem:s14+$0x30]  }
0x34f: {  	v8 =	vimm.f32 $0.0e+00;
	v4 =	vld [tilespmem:s14+$0x60]  }
0x350: {  	s12 =	simm.s32 $0x0;
	v10 =	vimm.f32 $0.0e+00;
	v11 =	vimm.f32 $0.0e+00;
	v9 =	vimm.f32 $0.0e+00;
	v7 =	vld [tilespmem:s14+$0x70];
	s14 =	simm.s32 $0x10B00  }
.LBB2_62:
0x351: {  	v12 =	vld [tilespmem:s14+$0x40]  }
0x352: {  	v8 =	vadd.f32 v0, v8;
	v10 =	vadd.f32 v3, v10;
	s12 =	sadd.s32 $0x2, s12;
	v13 =	vld [tilespmem:s14+$0x50]  }
0x353: {  	v11 =	vadd.f32 v5, v11;
	p0 =	slt.u32 s12, $0x30;
	v0 =	vld [tilespmem:s14+$0x0];
	v6 =	vadd.f32 v6, v9  }
.Ltmp30:
0x354: {  	v8 =	vadd.f32 v1, v8;
	v10 =	vadd.f32 v2, v10;
	v3 =	vld [tilespmem:s14+$0x10];
	(pc) =	sbr.rel @p0 .LBB2_62-.Ltmp30, $4  }
0x355: {  	v11 =	vadd.f32 v4, v11;
	v5 =	vld [tilespmem:s14+$0x20];
	v9 =	vadd.f32 v7, v6  }
0x356: {  	v6 =	vld [tilespmem:s14+$0x30];
	v1 =	vmov v12  }
0x357: {  	v4 =	vld [tilespmem:s14+$0x60];
	v2 =	vmov v13  }
0x358: {  	v7 =	vld [tilespmem:s14+$0x70];
	s14 =	sadd.s32 $0x80, s14  }
0x359: {  	v0 =	vadd.f32 v0, v8  }
0x35a: {  	v3 =	vadd.f32 v3, v10  }
0x35b: {  	v5 =	vadd.f32 v5, v11;
	v0 =	vadd.f32 v1, v0  }
0x35c: {  	v1 =	vadd.f32 v6, v9;
	v2 =	vadd.f32 v2, v3  }
0x35d: {  	v3 =	vadd.f32 v4, v5;
	v0 =	vmul.f32 $1.999999960e-02, v0  }
0x35e: {  	v1 =	vadd.f32 v7, v1;
	v2 =	vmul.f32 $1.999999960e-02, v2  }
0x35f: {  	[tilespmem:$0x1AF40] =	vst v0;
	v0 =	vmul.f32 $1.999999960e-02, v3  }
0x360: {  	[tilespmem:$0x1AF50] =	vst v2;
	v1 =	vmul.f32 $1.999999960e-02, v1  }
0x361: {  	[tilespmem:$0x1AF60] =	vst v0  }
0x362: {  	[tilespmem:$0x1AF70] =	vst v1  }
0x363: {  	_ =	swait.ge [sflag:s0], $0x1900  }
0x364: {  	[sflag:s0] =	ssyncset.done $0x0  }
0x365: {  	s14 =	simm.s32 $0x11700;
	[sflag:s0] =	ssyncadd.s32 $0xFFFFE700  }
0x366: {  	v1 =	vld [tilespmem:s14+$0x40]  }
0x367: {  	v2 =	vld [tilespmem:s14+$0x50]  }
0x368: {  	v0 =	vld [tilespmem:s14+$0x0]  }
0x369: {  	v3 =	vld [tilespmem:s14+$0x10]  }
0x36a: {  	v5 =	vld [tilespmem:s14+$0x20]  }
0x36b: {  	v6 =	vld [tilespmem:s14+$0x30]  }
0x36c: {  	v8 =	vimm.f32 $0.0e+00;
	v4 =	vld [tilespmem:s14+$0x60]  }
0x36d: {  	s12 =	simm.s32 $0x0;
	v10 =	vimm.f32 $0.0e+00;
	v11 =	vimm.f32 $0.0e+00;
	v9 =	vimm.f32 $0.0e+00;
	v7 =	vld [tilespmem:s14+$0x70];
	s14 =	simm.s32 $0x11780  }
.LBB2_64:
0x36e: {  	v12 =	vld [tilespmem:s14+$0x40]  }
0x36f: {  	v8 =	vadd.f32 v0, v8;
	v10 =	vadd.f32 v3, v10;
	s12 =	sadd.s32 $0x2, s12;
	v13 =	vld [tilespmem:s14+$0x50]  }
0x370: {  	v11 =	vadd.f32 v5, v11;
	p0 =	slt.u32 s12, $0x30;
	v0 =	vld [tilespmem:s14+$0x0];
	v6 =	vadd.f32 v6, v9  }
.Ltmp31:
0x371: {  	v8 =	vadd.f32 v1, v8;
	v10 =	vadd.f32 v2, v10;
	v3 =	vld [tilespmem:s14+$0x10];
	(pc) =	sbr.rel @p0 .LBB2_64-.Ltmp31, $4  }
0x372: {  	v11 =	vadd.f32 v4, v11;
	v5 =	vld [tilespmem:s14+$0x20];
	v9 =	vadd.f32 v7, v6  }
0x373: {  	v6 =	vld [tilespmem:s14+$0x30];
	v1 =	vmov v12  }
0x374: {  	v4 =	vld [tilespmem:s14+$0x60];
	v2 =	vmov v13  }
0x375: {  	v7 =	vld [tilespmem:s14+$0x70];
	s14 =	sadd.s32 $0x80, s14  }
0x376: {  	v0 =	vadd.f32 v0, v8  }
0x377: {  	v3 =	vadd.f32 v3, v10  }
0x378: {  	v5 =	vadd.f32 v5, v11;
	v0 =	vadd.f32 v1, v0  }
0x379: {  	v1 =	vadd.f32 v6, v9;
	v2 =	vadd.f32 v2, v3  }
0x37a: {  	v3 =	vadd.f32 v4, v5;
	v0 =	vmul.f32 $1.999999960e-02, v0  }
0x37b: {  	v1 =	vadd.f32 v7, v1;
	v2 =	vmul.f32 $1.999999960e-02, v2  }
0x37c: {  	[tilespmem:$0x1AF80] =	vst v0;
	v0 =	vmul.f32 $1.999999960e-02, v3  }
0x37d: {  	[tilespmem:$0x1AF90] =	vst v2;
	v1 =	vmul.f32 $1.999999960e-02, v1  }
0x37e: {  	[tilespmem:$0x1AFA0] =	vst v0  }
0x37f: {  	s14 =	simm.s32 $0x12380;
	[tilespmem:$0x1AFB0] =	vst v1  }
0x380: {  	v1 =	vld [tilespmem:s14+$0x40]  }
0x381: {  	v2 =	vld [tilespmem:s14+$0x50]  }
0x382: {  	v0 =	vld [tilespmem:s14+$0x0]  }
0x383: {  	v3 =	vld [tilespmem:s14+$0x10]  }
0x384: {  	v5 =	vld [tilespmem:s14+$0x20]  }
0x385: {  	v6 =	vld [tilespmem:s14+$0x30]  }
0x386: {  	v8 =	vimm.f32 $0.0e+00;
	v4 =	vld [tilespmem:s14+$0x60]  }
0x387: {  	s12 =	simm.s32 $0x0;
	v10 =	vimm.f32 $0.0e+00;
	v11 =	vimm.f32 $0.0e+00;
	v9 =	vimm.f32 $0.0e+00;
	v7 =	vld [tilespmem:s14+$0x70];
	s14 =	simm.s32 $0x12400  }
.LBB2_66:
0x388: {  	v12 =	vld [tilespmem:s14+$0x40]  }
0x389: {  	v8 =	vadd.f32 v0, v8;
	v10 =	vadd.f32 v3, v10;
	s12 =	sadd.s32 $0x2, s12;
	v13 =	vld [tilespmem:s14+$0x50]  }
0x38a: {  	v11 =	vadd.f32 v5, v11;
	p0 =	slt.u32 s12, $0x30;
	v0 =	vld [tilespmem:s14+$0x0];
	v6 =	vadd.f32 v6, v9  }
.Ltmp32:
0x38b: {  	v8 =	vadd.f32 v1, v8;
	v10 =	vadd.f32 v2, v10;
	v3 =	vld [tilespmem:s14+$0x10];
	(pc) =	sbr.rel @p0 .LBB2_66-.Ltmp32, $4  }
0x38c: {  	v11 =	vadd.f32 v4, v11;
	v5 =	vld [tilespmem:s14+$0x20];
	v9 =	vadd.f32 v7, v6  }
0x38d: {  	v6 =	vld [tilespmem:s14+$0x30];
	v1 =	vmov v12  }
0x38e: {  	v4 =	vld [tilespmem:s14+$0x60];
	v2 =	vmov v13  }
0x38f: {  	v7 =	vld [tilespmem:s14+$0x70];
	s14 =	sadd.s32 $0x80, s14  }
0x390: {  	v0 =	vadd.f32 v0, v8  }
0x391: {  	v3 =	vadd.f32 v3, v10  }
0x392: {  	v5 =	vadd.f32 v5, v11;
	v0 =	vadd.f32 v1, v0  }
0x393: {  	v61 =	vadd.f32 v6, v9;
	v2 =	vadd.f32 v2, v3  }
0x394: {  	v62 =	vadd.f32 v4, v5;
	v0 =	vmul.f32 $1.999999960e-02, v0  }
0x395: {  	v1 =	vadd.f32 v7, v61;
	v2 =	vmul.f32 $1.999999960e-02, v2  }
0x396: {  	v63 =	vmul.f32 $1.999999960e-02, v62;
	[tilespmem:$0x1AFC0] =	vst v0  }
0x397: {  	s10 =	sadd.s32 $0x1, s10;
	[tilespmem:$0x1AFD0] =	vst v2;
	v1 =	vmul.f32 $1.999999960e-02, v1  }
0x398: {  	p0 =	sne.s32 s10, s6;
	[tilespmem:$0x1AFE0] =	vst v63  }
.Ltmp33:
0x399: {  	[tilespmem:$0x1AFF0] =	vst v1;
	(pc) =	sbr.rel @p0 .LBB2_1-.Ltmp33, $4  }
0x39a: {  	[hbm4b:s5+s2] =	stream.linear.scatter [tilespmem:s1], [sflag:$0x9], $0x8000, $0x38;
	[tilespmem:$0x1B000] =	vst v63  }
0x39b: {  	_ =	swait.ge [sflag:s7], $0x8000  }
0x39c: {  	[sflag:s7] =	ssyncset.done $0x0  }
0x39d: {  	[sflag:s7] =	ssyncadd.s32 $0xFFFF8000  }
0x39e: {  	_ =	sfence.sel $0x180000  }
0x39f: {  	[bflag:$0x0] =	sbarrier.arrive $0xFFFF  }
0x3a0: {  	_ =	strace $0x90000047  }
0x3a1: {  	s0 =	stileid.u32;
	[bflag:$0x2] =	sbarrier.arrive $0xFFFF  }
0x3a2: {  	p0 =	sne.s32 s0, $0x0;
	s0 =	rddreg [dreg:$0x1]  }
0x3a3: {  	s0 =	sadd.s32 @!p0 $0x100000, s0  }
0x3a4: {  	[sflag:s0] =	ssyncadd.tile.s32 @!p0 $0x1;
	_ =	shalt  }
.Lfunc_end2:
_tile_overlayer_lowered:
.L_overlay_start_2:
0x3a5: {  	(tag) =	ssettag $0x2  }
0x3a6: {  	s0 =	rddreg [dreg:$0x0];
	s2 =	stileid.u32  }
0x3a7: {  	s1 =	rddreg [dreg:$0x1];
	p0 =	sne.s32 s2, $0x0  }
0x3a8: {  	s3 =	rddreg [dreg:$0x2];
	[bflag:$0x3] =	sbarrier.arrive $0xFFFF;
	s2 =	simm.s32 @!p0 $0x1C09  }
0x3a9: {  	[timem:s3], [sflag:s2] =	dma.local @!p0 [hbm:s0], s1  }
0x3aa: {  	s0 =	simm.s32 @!p0 $0x9  }
0x3ab: {  	_ =	swait.ge @!p0 [sflag:s0], s1  }
0x3ac: {  	s1 =	ssub.s32 @!p0 $0x0, s1;
	[sflag:s0] =	ssyncset.done @!p0 $0x0  }
0x3ad: {  	[sflag:s0] =	ssyncadd.s32 @!p0 s1  }
0x3ae: {  	[bflag:$0x3] =	sbarrier.arrive $0xFFFF  }
0x3af: {  	_ =	shalt  }

</sc_bundles>
